<compile_context>
chip_gen: v7x
topology: tpu7x:2x2x1
jax: 0.10.2.dev20260603
libtpu: 0.0.44.dev20260713+nightly
codegen_flags: <defaults>
</compile_context>

<pallas_src>
import functools

import jax
import jax.numpy as jnp
from jax import lax
from jax.experimental import pallas as pl
from jax.experimental.pallas import tpu as pltpu
from jax.experimental.pallas import tpu_sc as plsc

T, D, E, F, FS = 4096, 1024, 8, 768, 2816
BT = 512
BM = 128
NB = T * 2 // BM + E
XR = T * 2 + E * BM
NC, NS = 2, 16
NW = NC * NS
TPW = T // NW
CH = 32


def _sigmoid(x):
    return 1.0 / (1.0 + jnp.exp(-x))



def _router_body(x_ref, wg_ref, tri_ref, e0_ref, e1_ref, r0_ref, r1_ref,
                 w01_ref, tot_ref, run_ref):
    t = pl.program_id(0)

    @pl.when(t == 0)
    def _():
        run_ref[...] = jnp.zeros_like(run_ref)

    logits = jnp.dot(x_ref[...], wg_ref[...], preferred_element_type=jnp.float32)
    m = jnp.max(logits, axis=-1, keepdims=True)
    p = jnp.exp(logits - m)
    p = p / jnp.sum(p, axis=-1, keepdims=True)
    lane = jax.lax.broadcasted_iota(jnp.int32, p.shape, 1)
    is1 = p == jnp.max(p, axis=-1, keepdims=True)
    i1 = jnp.min(jnp.where(is1, lane, E), axis=-1, keepdims=True)
    oh1 = lane == i1
    pm = jnp.where(oh1, -1.0, p)
    is2 = pm == jnp.max(pm, axis=-1, keepdims=True)
    i2 = jnp.min(jnp.where(is2, lane, E), axis=-1, keepdims=True)
    oh2 = lane == i2

    p1 = jnp.sum(jnp.where(oh1, p, 0.0), axis=-1, keepdims=True)
    p2 = jnp.sum(jnp.where(oh2, p, 0.0), axis=-1, keepdims=True)
    denom = p1 + p2
    e0_ref[...] = i1
    e1_ref[...] = i2
    w01_ref[...] = jnp.concatenate([p1 / denom, p2 / denom], axis=-1)

    oh1f = oh1.astype(jnp.float32)
    oh2f = oh2.astype(jnp.float32)
    pairs = jnp.concatenate([oh1f, oh2f], axis=0)
    cum = jnp.dot(tri_ref[...], pairs,
                  preferred_element_type=jnp.float32) + run_ref[...]
    r0_ref[...] = jnp.sum(cum[:BT] * oh1f, axis=-1, keepdims=True).astype(jnp.int32)
    r1_ref[...] = jnp.sum(cum[BT:] * oh2f, axis=-1, keepdims=True).astype(jnp.int32)
    run_ref[...] += jnp.sum(pairs, axis=0, keepdims=True)
    tot_ref[...] = jnp.concatenate(
        [run_ref[...], jnp.zeros((1, 16 - E), jnp.float32)],
        axis=-1).astype(jnp.int32)



def _map_dst_body(tot_ref, e0_ref, e1_ref, r0_ref, r1_ref,
                  bexp_ref, brow_ref, bval_ref, d0_ref, d1_ref, poff_s):
    t = pl.program_id(0)

    @pl.when(t == 0)
    def _():
        toti = tot_ref[...][:E, :]
        nblk = (toti + BM - 1) // BM
        nf = nblk.astype(jnp.float32)
        ii = jax.lax.broadcasted_iota(jnp.int32, (E, E), 0)
        jj = jax.lax.broadcasted_iota(jnp.int32, (E, E), 1)
        mincl = (jj <= ii).astype(jnp.float32)
        cum_i = jnp.dot(mincl, nf, preferred_element_type=jnp.float32)
        cum_e = cum_i - nf
        poff_s[...] = BM * cum_e
        actual = cum_i[E - 1:E, :]
        b_row = jax.lax.broadcasted_iota(jnp.int32, (E, NB), 1).astype(jnp.float32)
        bclamp = jnp.minimum(b_row, actual - 1.0)
        cmp = (bclamp >= cum_i).astype(jnp.float32)
        bexp_ref[...] = jnp.sum(cmp, axis=0, keepdims=True).astype(jnp.int32)
        brow_ref[...] = bclamp[0:1, :].astype(jnp.int32)
        bval_ref[...] = (b_row[0:1, :] < actual).astype(jnp.int32)

    pofff = poff_s[...]
    for e_ref, r_ref, d_ref in ((e0_ref, r0_ref, d0_ref),
                                (e1_ref, r1_ref, d1_ref)):
        lane = jax.lax.broadcasted_iota(jnp.int32, (e_ref.shape[0], E), 1)
        oh = (lane == e_ref[...]).astype(jnp.float32)
        base = jnp.dot(oh, pofff, preferred_element_type=jnp.float32)
        d_ref[...] = base.astype(jnp.int32) + r_ref[...]



_sc_mesh = plsc.VectorSubcoreMesh(core_axis_name="c", subcore_axis_name="s")


@functools.partial(
    pl.kernel,
    out_type=jax.ShapeDtypeStruct((XR, D), jnp.float32),
    mesh=_sc_mesh,
    compiler_params=pltpu.CompilerParams(skip_device_barrier=True),
    scratch_types=[
        pltpu.VMEM((2, CH, D), jnp.float32),
        pltpu.VMEM((2, CH), jnp.int32),
        pltpu.VMEM((2, CH), jnp.int32),
        pltpu.SemaphoreType.DMA,
        pltpu.SemaphoreType.DMA,
    ],
)
def _disperse(x_hbm, d0_hbm, d1_hbm, xs_hbm, xbuf, d0b, d1b, semr, semw):
    wid = lax.axis_index("s") * NC + lax.axis_index("c")
    base = wid * TPW
    nchunk = TPW // CH

    def issue_read(g):
        s = g % 2
        row0 = base + g * CH
        return (
            pltpu.async_copy(x_hbm.at[pl.ds(row0, CH)], xbuf.at[s], semr),
            pltpu.async_copy(d0_hbm.at[pl.ds(row0, CH)], d0b.at[s], semr),
            pltpu.async_copy(d1_hbm.at[pl.ds(row0, CH)], d1b.at[s], semr),
        )

    reads = issue_read(0)
    writes = {}
    for g in range(nchunk):
        s = g % 2
        for h in reads:
            h.wait()
        writes[g] = (
            pltpu.async_copy(xbuf.at[s], xs_hbm.at[d0b.at[s]], semw),
            pltpu.async_copy(xbuf.at[s], xs_hbm.at[d1b.at[s]], semw),
        )
        if g + 1 < nchunk:
            if g >= 1:
                for h in writes[g - 1]:
                    h.wait()
            reads = issue_read(g + 1)
    for g in range(max(0, nchunk - 2), nchunk):
        for h in writes[g]:
            h.wait()



def _grouped_body(bexp_ref, brow_ref, bval_ref, xs_ref, wg_ref, wu_ref,
                  wd_ref, ys_ref):
    b = pl.program_id(0)

    @pl.when(bval_ref[b] == 1)
    def _():
        xb = xs_ref[...].astype(jnp.bfloat16)
        g = jnp.dot(xb, wg_ref[0].astype(jnp.bfloat16),
                    preferred_element_type=jnp.float32)
        u = jnp.dot(xb, wu_ref[0].astype(jnp.bfloat16),
                    preferred_element_type=jnp.float32)
        h = (g * _sigmoid(g) * u).astype(jnp.bfloat16)
        ys_ref[...] = jnp.dot(h, wd_ref[0].astype(jnp.bfloat16),
                              preferred_element_type=jnp.float32)



CH2 = 16


@functools.partial(
    pl.kernel,
    out_type=(
        jax.ShapeDtypeStruct((T, D), jnp.float32),
        jax.ShapeDtypeStruct((T, D), jnp.float32),
    ),
    mesh=_sc_mesh,
    compiler_params=pltpu.CompilerParams(skip_device_barrier=True),
    scratch_types=[
        pltpu.VMEM((2, CH2, D), jnp.float32),
        pltpu.VMEM((2, CH2, D), jnp.float32),
        pltpu.VMEM((2, CH2), jnp.int32),
        pltpu.VMEM((2, CH2), jnp.int32),
        pltpu.SemaphoreType.DMA,
        pltpu.SemaphoreType.DMA,
        pltpu.SemaphoreType.DMA,
    ],
)
def _combine(ys_hbm, d0_hbm, d1_hbm, y0_hbm, y1_hbm,
             yb0, yb1, d0b, d1b, semr, semg, semw):
    wid = lax.axis_index("s") * NC + lax.axis_index("c")
    base = wid * TPW
    nchunk = TPW // CH2

    def read_idx(g):
        s = g % 2
        row0 = base + g * CH2
        return (
            pltpu.async_copy(d0_hbm.at[pl.ds(row0, CH2)], d0b.at[s], semr),
            pltpu.async_copy(d1_hbm.at[pl.ds(row0, CH2)], d1b.at[s], semr),
        )

    ridx = read_idx(0)
    gathers = {}
    writes = {}
    for g in range(nchunk):
        s = g % 2
        for h in ridx:
            h.wait()
        if g >= 2:
            for h in writes[g - 2]:
                h.wait()
        gathers[g] = (
            pltpu.async_copy(ys_hbm.at[d0b.at[s]], yb0.at[s], semg),
            pltpu.async_copy(ys_hbm.at[d1b.at[s]], yb1.at[s], semg),
        )
        if g >= 1:
            for h in gathers[g - 1]:
                h.wait()
            sp = (g - 1) % 2
            row0p = base + (g - 1) * CH2
            writes[g - 1] = (
                pltpu.async_copy(yb0.at[sp], y0_hbm.at[pl.ds(row0p, CH2)], semw),
                pltpu.async_copy(yb1.at[sp], y1_hbm.at[pl.ds(row0p, CH2)], semw),
            )
        if g + 1 < nchunk:
            ridx = read_idx(g + 1)
    gl = nchunk - 1
    for h in gathers[gl]:
        h.wait()
    row0p = base + gl * CH2
    writes[gl] = (
        pltpu.async_copy(yb0.at[gl % 2], y0_hbm.at[pl.ds(row0p, CH2)], semw),
        pltpu.async_copy(yb1.at[gl % 2], y1_hbm.at[pl.ds(row0p, CH2)], semw),
    )
    for g in range(max(0, nchunk - 2), nchunk):
        for h in writes[g]:
            h.wait()



def _shared_body(x_ref, y0_ref, y1_ref, w01_ref, wsg_ref, wga_ref, wua_ref,
                 wda_ref, out_ref):
    xb = x_ref[...].astype(jnp.bfloat16)
    g = jnp.dot(xb, wga_ref[...].astype(jnp.bfloat16),
                preferred_element_type=jnp.float32)
    u = jnp.dot(xb, wua_ref[...].astype(jnp.bfloat16),
                preferred_element_type=jnp.float32)
    h = (g * _sigmoid(g) * u).astype(jnp.bfloat16)
    o = jnp.dot(h, wda_ref[...].astype(jnp.bfloat16),
                preferred_element_type=jnp.float32)
    sg = _sigmoid(jnp.dot(xb, wsg_ref[...].astype(jnp.bfloat16),
                          preferred_element_type=jnp.float32))
    w01 = w01_ref[...]
    out_ref[...] = (w01[:, 0:1] * y0_ref[...] + w01[:, 1:2] * y1_ref[...]
                    + o * sg)


def kernel(hidden_states, Wg, We_gate, We_up, We_down, Ws_gate, Ws_up,
           Ws_down, Wsg):
    x = hidden_states
    tri = jnp.tril(jnp.ones((2 * BT, 2 * BT), jnp.float32), -1)

    e0, e1, r0, r1, w01, totals = pl.pallas_call(
        _router_body,
        grid=(T // BT,),
        in_specs=[
            pl.BlockSpec((BT, D), lambda t: (t, 0)),
            pl.BlockSpec((D, E), lambda t: (0, 0)),
            pl.BlockSpec((2 * BT, 2 * BT), lambda t: (0, 0)),
        ],
        out_specs=[
            pl.BlockSpec((BT, 1), lambda t: (t, 0)),
            pl.BlockSpec((BT, 1), lambda t: (t, 0)),
            pl.BlockSpec((BT, 1), lambda t: (t, 0)),
            pl.BlockSpec((BT, 1), lambda t: (t, 0)),
            pl.BlockSpec((BT, 2), lambda t: (t, 0)),
            pl.BlockSpec((1, 16), lambda t: (0, 0)),
        ],
        out_shape=[
            jax.ShapeDtypeStruct((T, 1), jnp.int32),
            jax.ShapeDtypeStruct((T, 1), jnp.int32),
            jax.ShapeDtypeStruct((T, 1), jnp.int32),
            jax.ShapeDtypeStruct((T, 1), jnp.int32),
            jax.ShapeDtypeStruct((T, 2), jnp.float32),
            jax.ShapeDtypeStruct((1, 16), jnp.int32),
        ],
        scratch_shapes=[pltpu.VMEM((1, E), jnp.float32)],
        compiler_params=pltpu.CompilerParams(
            dimension_semantics=("arbitrary",)),
    )(x, Wg, tri)

    bexp, brow, bval, d0, d1 = pl.pallas_call(
        _map_dst_body,
        grid=(T // BT,),
        in_specs=[
            pl.BlockSpec((16, 1), lambda t: (0, 0)),
            pl.BlockSpec((BT, 1), lambda t: (t, 0)),
            pl.BlockSpec((BT, 1), lambda t: (t, 0)),
            pl.BlockSpec((BT, 1), lambda t: (t, 0)),
            pl.BlockSpec((BT, 1), lambda t: (t, 0)),
        ],
        out_specs=[
            pl.BlockSpec((1, NB), lambda t: (0, 0)),
            pl.BlockSpec((1, NB), lambda t: (0, 0)),
            pl.BlockSpec((1, NB), lambda t: (0, 0)),
            pl.BlockSpec((BT, 1), lambda t: (t, 0)),
            pl.BlockSpec((BT, 1), lambda t: (t, 0)),
        ],
        out_shape=[
            jax.ShapeDtypeStruct((1, NB), jnp.int32),
            jax.ShapeDtypeStruct((1, NB), jnp.int32),
            jax.ShapeDtypeStruct((1, NB), jnp.int32),
            jax.ShapeDtypeStruct((T, 1), jnp.int32),
            jax.ShapeDtypeStruct((T, 1), jnp.int32),
        ],
        scratch_shapes=[pltpu.VMEM((E, 1), jnp.float32)],
        compiler_params=pltpu.CompilerParams(
            dimension_semantics=("arbitrary",)),
    )(totals.reshape(16, 1), e0, e1, r0, r1)
    dst0 = d0.reshape(T)
    dst1 = d1.reshape(T)

    xs = _disperse(x, dst0, dst1)

    grid_spec = pltpu.PrefetchScalarGridSpec(
        num_scalar_prefetch=3,
        grid=(NB,),
        in_specs=[
            pl.BlockSpec((BM, D), lambda b, be, br, bv: (br[b], 0)),
            pl.BlockSpec((1, D, F), lambda b, be, br, bv: (be[b], 0, 0)),
            pl.BlockSpec((1, D, F), lambda b, be, br, bv: (be[b], 0, 0)),
            pl.BlockSpec((1, F, D), lambda b, be, br, bv: (be[b], 0, 0)),
        ],
        out_specs=pl.BlockSpec((BM, D), lambda b, be, br, bv: (br[b], 0)),
    )
    ys = pl.pallas_call(
        _grouped_body,
        grid_spec=grid_spec,
        out_shape=jax.ShapeDtypeStruct((XR, D), jnp.float32),
        compiler_params=pltpu.CompilerParams(
            dimension_semantics=("arbitrary",)),
    )(bexp.reshape(NB), brow.reshape(NB), bval.reshape(NB), xs,
      We_gate, We_up, We_down)

    y0g, y1g = _combine(ys, dst0, dst1)

    BTS = 512
    out = pl.pallas_call(
        _shared_body,
        grid=(T // BTS,),
        in_specs=[
            pl.BlockSpec((BTS, D), lambda t: (t, 0)),
            pl.BlockSpec((BTS, D), lambda t: (t, 0)),
            pl.BlockSpec((BTS, D), lambda t: (t, 0)),
            pl.BlockSpec((BTS, 2), lambda t: (t, 0)),
            pl.BlockSpec((D, 1), lambda t: (0, 0)),
            pl.BlockSpec((D, FS), lambda t: (0, 0)),
            pl.BlockSpec((D, FS), lambda t: (0, 0)),
            pl.BlockSpec((FS, D), lambda t: (0, 0)),
        ],
        out_specs=pl.BlockSpec((BTS, D), lambda t: (t, 0)),
        out_shape=jax.ShapeDtypeStruct((T, D), jnp.float32),
        compiler_params=pltpu.CompilerParams(
            dimension_semantics=("parallel",),
            vmem_limit_bytes=100 * 1024 * 1024),
    )(x, y0g, y1g, w01, Wsg, Ws_gate, Ws_up, Ws_down)
    return out

# --- scband reference (transcript-rebuilt; emitter-appended) ---
"""Pipeline reference for scband-qwen35-mo-eblock-22797686407845 (READ-ONLY COPY).

The authoritative reference and input builder live on the scoring server;
editing this copy changes nothing except your own understanding.
"""

import jax, jax.numpy as jnp
import numpy as np

T = 4096
D = 1024
E = 8
K = 2
F = 768
FS = 2816


def _mlp(x, w_gate, w_up, w_down):
    # SwiGLU MLP: down( silu(gate(x)) * up(x) )
    return (jax.nn.silu(x @ w_gate) * (x @ w_up)) @ w_down


def setup_inputs(seed: int = 0) -> dict:
    key = jax.random.key(seed)
    ks = jax.random.split(key, 9)
    s = 0.02
    return {
        "hidden_states": jax.random.normal(ks[0], (T, D), dtype=jnp.float32),
        "Wg": jax.random.normal(ks[1], (D, E), dtype=jnp.float32) * s,
        "We_gate": jax.random.normal(ks[2], (E, D, F), dtype=jnp.float32) * s,
        "We_up": jax.random.normal(ks[3], (E, D, F), dtype=jnp.float32) * s,
        "We_down": jax.random.normal(ks[4], (E, F, D), dtype=jnp.float32) * s,
        "Ws_gate": jax.random.normal(ks[5], (D, FS), dtype=jnp.float32) * s,
        "Ws_up": jax.random.normal(ks[6], (D, FS), dtype=jnp.float32) * s,
        "Ws_down": jax.random.normal(ks[7], (FS, D), dtype=jnp.float32) * s,
        "Wsg": jax.random.normal(ks[8], (D, 1), dtype=jnp.float32) * s,
    }


def reference(hidden_states, Wg, We_gate, We_up, We_down, Ws_gate, Ws_up, Ws_down, Wsg):
    # TopKGate: softmax over router logits, top-k selection, renormalized weights
    logits = hidden_states @ Wg                                  # [T, E]
    probs = jax.nn.softmax(logits, axis=-1)
    routing_weights, selected_experts = jax.lax.top_k(probs, K)  # [T, K]
    routing_weights = routing_weights / jnp.sum(routing_weights, axis=-1, keepdims=True)

    # Dense expert loop exactly as in the reference: every expert runs on all tokens,
    # then contributions are masked/weighted by the router selection.
    result = jnp.zeros_like(hidden_states)
    for expert_idx in range(E):
        expert_output = _mlp(hidden_states, We_gate[expert_idx], We_up[expert_idx], We_down[expert_idx])
        match_float = (selected_experts == expert_idx).astype(hidden_states.dtype)  # [T, K]
        weight = jnp.sum(routing_weights * match_float, axis=-1, keepdims=True)     # [T, 1]
        result = result + expert_output * weight

    # Shared expert with sigmoid gate
    shared_output = _mlp(hidden_states, Ws_gate, Ws_up, Ws_down)
    shared_gate = jax.nn.sigmoid(hidden_states @ Wsg)            # [T, 1]
    result = result + shared_output * shared_gate
    return result

if __name__ == "__main__":
    import jax
    _d = setup_inputs()
    print(jax.jit(kernel)(*tuple(_d.values())))

</pallas_src>

<mosaic_0001>
#map = affine_map<(d0, d1) -> (0, 0)>
#map1 = affine_map<(d0, d1) -> (0)>
module attributes {stable_mosaic.version = 14 : i64} {
  func.func @_combine(%arg0: i32, %arg1: i32, %arg2: memref<9216x1024xf32, #tpu.memory_space<hbm>>, %arg3: memref<4096xi32, #tpu.memory_space<hbm>>, %arg4: memref<4096xi32, #tpu.memory_space<hbm>>, %arg5: memref<4096x1024xf32, #tpu.memory_space<hbm>>, %arg6: memref<4096x1024xf32, #tpu.memory_space<hbm>>, %arg7: memref<2x16x1024xf32, #tpu.memory_space<vmem>>, %arg8: memref<2x16x1024xf32, #tpu.memory_space<vmem>>, %arg9: memref<2x16xi32, #tpu.memory_space<vmem>>, %arg10: memref<2x16xi32, #tpu.memory_space<vmem>>, %arg11: memref<!tpu.dma_semaphore, #tpu.memory_space<semaphore_mem>>, %arg12: memref<!tpu.dma_semaphore, #tpu.memory_space<semaphore_mem>>, %arg13: memref<!tpu.dma_semaphore, #tpu.memory_space<semaphore_mem>>) attributes {dimension_semantics = [#tpu.dimension_semantics<core_parallel>, #tpu.dimension_semantics<subcore_parallel>], iteration_bounds = array<i64: 2, 16>, scalar_prefetch = 0 : i64, scratch_operands = 7 : i64, tpu.core_type = #tpu.core_type<sc_vector_subcore>, window_params = [{transform_indices = #map}, {transform_indices = #map1}, {transform_indices = #map1}, {transform_indices = #map}, {transform_indices = #map}]} {
    %mul3A = arith.constant 2 : i32
    %mul3A_0 = arith.muli %arg1, %mul3A : i32
    %add3A = arith.addi %mul3A_0, %arg0 : i32
    %mul3A_1 = arith.constant 128 : i32
    %mul3A_2 = arith.muli %add3A, %mul3A_1 : i32
    %add3A_3 = arith.constant 0 : i32
    %add3A_4 = arith.addi %mul3A_2, %add3A_3 : i32
    %dma_start3A = arith.constant 0 : i32
    %dma_start3A_5 = arith.constant 0 : i32
    %dma_start3A_6 = tpu.memref_slice %arg9[%dma_start3A, %dma_start3A_5] : memref<2x16xi32, #tpu.memory_space<vmem>> -> memref<1x16xi32, #tpu.memory_space<vmem>>
    %dma_start3A_7 = tpu.memref_squeeze %dma_start3A_6 : memref<1x16xi32, #tpu.memory_space<vmem>> -> memref<16xi32, #tpu.memory_space<vmem>>
    %dma_start3A_8 = tpu.memref_slice %arg3[%add3A_4] : memref<4096xi32, #tpu.memory_space<hbm>> -> memref<16xi32, #tpu.memory_space<hbm>>
    %dma_start3A_9 = arith.constant 0 : i32
    %dma_start3A_10 = tpu.memref_slice %arg9[%dma_start3A, %dma_start3A_9] : memref<2x16xi32, #tpu.memory_space<vmem>> -> memref<1x16xi32, #tpu.memory_space<vmem>>
    %dma_start3A_11 = tpu.memref_squeeze %dma_start3A_10 : memref<1x16xi32, #tpu.memory_space<vmem>> -> memref<16xi32, #tpu.memory_space<vmem>>
    %dma_start3A_12 = tpu.memref_slice %arg3[%add3A_4] : memref<4096xi32, #tpu.memory_space<hbm>> -> memref<16xi32, #tpu.memory_space<hbm>>
    tpu.enqueue_dma source(%dma_start3A_12 : memref<16xi32, #tpu.memory_space<hbm>>) target(%dma_start3A_11 : memref<16xi32, #tpu.memory_space<vmem>>) target_semaphore(%arg11 : memref<!tpu.dma_semaphore, #tpu.memory_space<semaphore_mem>>)
    %dma_start3A_13 = arith.constant 0 : i32
    %dma_start3A_14 = arith.constant 0 : i32
    %dma_start3A_15 = tpu.memref_slice %arg10[%dma_start3A_13, %dma_start3A_14] : memref<2x16xi32, #tpu.memory_space<vmem>> -> memref<1x16xi32, #tpu.memory_space<vmem>>
    %dma_start3A_16 = tpu.memref_squeeze %dma_start3A_15 : memref<1x16xi32, #tpu.memory_space<vmem>> -> memref<16xi32, #tpu.memory_space<vmem>>
    %dma_start3A_17 = tpu.memref_slice %arg4[%add3A_4] : memref<4096xi32, #tpu.memory_space<hbm>> -> memref<16xi32, #tpu.memory_space<hbm>>
    %dma_start3A_18 = arith.constant 0 : i32
    %dma_start3A_19 = tpu.memref_slice %arg10[%dma_start3A_13, %dma_start3A_18] : memref<2x16xi32, #tpu.memory_space<vmem>> -> memref<1x16xi32, #tpu.memory_space<vmem>>
    %dma_start3A_20 = tpu.memref_squeeze %dma_start3A_19 : memref<1x16xi32, #tpu.memory_space<vmem>> -> memref<16xi32, #tpu.memory_space<vmem>>
    %dma_start3A_21 = tpu.memref_slice %arg4[%add3A_4] : memref<4096xi32, #tpu.memory_space<hbm>> -> memref<16xi32, #tpu.memory_space<hbm>>
    tpu.enqueue_dma source(%dma_start3A_21 : memref<16xi32, #tpu.memory_space<hbm>>) target(%dma_start3A_20 : memref<16xi32, #tpu.memory_space<vmem>>) target_semaphore(%arg11 : memref<!tpu.dma_semaphore, #tpu.memory_space<semaphore_mem>>)
    %dma_wait3A = arith.constant 0 : i32
    %dma_wait3A_22 = arith.constant 0 : i32
    %dma_wait3A_23 = tpu.memref_slice %arg9[%dma_wait3A, %dma_wait3A_22] : memref<2x16xi32, #tpu.memory_space<vmem>> -> memref<1x16xi32, #tpu.memory_space<vmem>>
    %dma_wait3A_24 = tpu.memref_squeeze %dma_wait3A_23 : memref<1x16xi32, #tpu.memory_space<vmem>> -> memref<16xi32, #tpu.memory_space<vmem>>
    %dma_wait3A_25 = tpu.memref_slice %arg3[%add3A_4] : memref<4096xi32, #tpu.memory_space<hbm>> -> memref<16xi32, #tpu.memory_space<hbm>>
    %dma_wait3A_26 = arith.constant 0 : i32
    %dma_wait3A_27 = tpu.memref_slice %arg9[%dma_wait3A, %dma_wait3A_26] : memref<2x16xi32, #tpu.memory_space<vmem>> -> memref<1x16xi32, #tpu.memory_space<vmem>>
    %dma_wait3A_28 = tpu.memref_squeeze %dma_wait3A_27 : memref<1x16xi32, #tpu.memory_space<vmem>> -> memref<16xi32, #tpu.memory_space<vmem>>
    %dma_wait3A_29 = tpu.memref_slice %arg3[%add3A_4] : memref<4096xi32, #tpu.memory_space<hbm>> -> memref<16xi32, #tpu.memory_space<hbm>>
    tpu.wait_dma2 semaphore(%arg11 : memref<!tpu.dma_semaphore, #tpu.memory_space<semaphore_mem>>) src(%dma_wait3A_29 : memref<16xi32, #tpu.memory_space<hbm>>) dst(%dma_wait3A_28 : memref<16xi32, #tpu.memory_space<vmem>>)
    %dma_wait3A_30 = arith.constant 0 : i32
    %dma_wait3A_31 = arith.constant 0 : i32
    %dma_wait3A_32 = tpu.memref_slice %arg10[%dma_wait3A_30, %dma_wait3A_31] : memref<2x16xi32, #tpu.memory_space<vmem>> -> memref<1x16xi32, #tpu.memory_space<vmem>>
    %dma_wait3A_33 = tpu.memref_squeeze %dma_wait3A_32 : memref<1x16xi32, #tpu.memory_space<vmem>> -> memref<16xi32, #tpu.memory_space<vmem>>
    %dma_wait3A_34 = tpu.memref_slice %arg4[%add3A_4] : memref<4096xi32, #tpu.memory_space<hbm>> -> memref<16xi32, #tpu.memory_space<hbm>>
    %dma_wait3A_35 = arith.constant 0 : i32
    %dma_wait3A_36 = tpu.memref_slice %arg10[%dma_wait3A_30, %dma_wait3A_35] : memref<2x16xi32, #tpu.memory_space<vmem>> -> memref<1x16xi32, #tpu.memory_space<vmem>>
    %dma_wait3A_37 = tpu.memref_squeeze %dma_wait3A_36 : memref<1x16xi32, #tpu.memory_space<vmem>> -> memref<16xi32, #tpu.memory_space<vmem>>
    %dma_wait3A_38 = tpu.memref_slice %arg4[%add3A_4] : memref<4096xi32, #tpu.memory_space<hbm>> -> memref<16xi32, #tpu.memory_space<hbm>>
    tpu.wait_dma2 semaphore(%arg11 : memref<!tpu.dma_semaphore, #tpu.memory_space<semaphore_mem>>) src(%dma_wait3A_38 : memref<16xi32, #tpu.memory_space<hbm>>) dst(%dma_wait3A_37 : memref<16xi32, #tpu.memory_space<vmem>>)
    %dma_start3A_39 = arith.constant 0 : i32
    %dma_start3A_40 = arith.constant 0 : i32
    %dma_start3A_41 = arith.constant 0 : i32
    %dma_start3A_42 = arith.constant 0 : i32
    %dma_start3A_43 = tpu.memref_slice %arg7[%dma_start3A_40, %dma_start3A_41, %dma_start3A_42] : memref<2x16x1024xf32, #tpu.memory_space<vmem>> -> memref<1x16x1024xf32, #tpu.memory_space<vmem>>
    %dma_start3A_44 = tpu.memref_squeeze %dma_start3A_43 : memref<1x16x1024xf32, #tpu.memory_space<vmem>> -> memref<16x1024xf32, #tpu.memory_space<vmem>>
    %dma_start3A_45 = arith.constant 0 : i32
    %dma_start3A_46 = tpu.memref_slice %arg9[%dma_start3A_39, %dma_start3A_45] : memref<2x16xi32, #tpu.memory_space<vmem>> -> memref<1x16xi32, #tpu.memory_space<vmem>>
    %dma_start3A_47 = tpu.memref_squeeze %dma_start3A_46 : memref<1x16xi32, #tpu.memory_space<vmem>> -> memref<16xi32, #tpu.memory_space<vmem>>
    %dma_start3A_48 = arith.constant 0 : i32
    %dma_start3A_49 = arith.constant 0 : i32
    %dma_start3A_50 = tpu.memref_slice %arg2[%dma_start3A_48, %dma_start3A_49] : memref<9216x1024xf32, #tpu.memory_space<hbm>> -> memref<9216x1024xf32, #tpu.memory_space<hbm>>
    tpu.enqueue_indirect_dma source(%dma_start3A_50 : memref<9216x1024xf32, #tpu.memory_space<hbm>>) target(%dma_start3A_44 : memref<16x1024xf32, #tpu.memory_space<vmem>>) offsets(%dma_start3A_47 : memref<16xi32, #tpu.memory_space<vmem>>) semaphore(%arg12 : memref<!tpu.dma_semaphore, #tpu.memory_space<semaphore_mem>>)
    %dma_start3A_51 = arith.constant 0 : i32
    %dma_start3A_52 = arith.constant 0 : i32
    %dma_start3A_53 = arith.constant 0 : i32
    %dma_start3A_54 = arith.constant 0 : i32
    %dma_start3A_55 = tpu.memref_slice %arg8[%dma_start3A_52, %dma_start3A_53, %dma_start3A_54] : memref<2x16x1024xf32, #tpu.memory_space<vmem>> -> memref<1x16x1024xf32, #tpu.memory_space<vmem>>
    %dma_start3A_56 = tpu.memref_squeeze %dma_start3A_55 : memref<1x16x1024xf32, #tpu.memory_space<vmem>> -> memref<16x1024xf32, #tpu.memory_space<vmem>>
    %dma_start3A_57 = arith.constant 0 : i32
    %dma_start3A_58 = tpu.memref_slice %arg10[%dma_start3A_51, %dma_start3A_57] : memref<2x16xi32, #tpu.memory_space<vmem>> -> memref<1x16xi32, #tpu.memory_space<vmem>>
    %dma_start3A_59 = tpu.memref_squeeze %dma_start3A_58 : memref<1x16xi32, #tpu.memory_space<vmem>> -> memref<16xi32, #tpu.memory_space<vmem>>
    %dma_start3A_60 = arith.constant 0 : i32
    %dma_start3A_61 = arith.constant 0 : i32
    %dma_start3A_62 = tpu.memref_slice %arg2[%dma_start3A_60, %dma_start3A_61] : memref<9216x1024xf32, #tpu.memory_space<hbm>> -> memref<9216x1024xf32, #tpu.memory_space<hbm>>
    tpu.enqueue_indirect_dma source(%dma_start3A_62 : memref<9216x1024xf32, #tpu.memory_space<hbm>>) target(%dma_start3A_56 : memref<16x1024xf32, #tpu.memory_space<vmem>>) offsets(%dma_start3A_59 : memref<16xi32, #tpu.memory_space<vmem>>) semaphore(%arg12 : memref<!tpu.dma_semaphore, #tpu.memory_space<semaphore_mem>>)
    %add3A_63 = arith.constant 16 : i32
    %add3A_64 = arith.addi %mul3A_2, %add3A_63 : i32
    %dma_start3A_65 = arith.constant 1 : i32
    %dma_start3A_66 = arith.constant 0 : i32
    %dma_start3A_67 = tpu.memref_slice %arg9[%dma_start3A_65, %dma_start3A_66] : memref<2x16xi32, #tpu.memory_space<vmem>> -> memref<1x16xi32, #tpu.memory_space<vmem>>
    %dma_start3A_68 = tpu.memref_squeeze %dma_start3A_67 : memref<1x16xi32, #tpu.memory_space<vmem>> -> memref<16xi32, #tpu.memory_space<vmem>>
    %dma_start3A_69 = tpu.memref_slice %arg3[%add3A_64] : memref<4096xi32, #tpu.memory_space<hbm>> -> memref<16xi32, #tpu.memory_space<hbm>>
    %dma_start3A_70 = arith.constant 0 : i32
    %dma_start3A_71 = tpu.memref_slice %arg9[%dma_start3A_65, %dma_start3A_70] : memref<2x16xi32, #tpu.memory_space<vmem>> -> memref<1x16xi32, #tpu.memory_space<vmem>>
    %dma_start3A_72 = tpu.memref_squeeze %dma_start3A_71 : memref<1x16xi32, #tpu.memory_space<vmem>> -> memref<16xi32, #tpu.memory_space<vmem>>
    %dma_start3A_73 = tpu.memref_slice %arg3[%add3A_64] : memref<4096xi32, #tpu.memory_space<hbm>> -> memref<16xi32, #tpu.memory_space<hbm>>
    tpu.enqueue_dma source(%dma_start3A_73 : memref<16xi32, #tpu.memory_space<hbm>>) target(%dma_start3A_72 : memref<16xi32, #tpu.memory_space<vmem>>) target_semaphore(%arg11 : memref<!tpu.dma_semaphore, #tpu.memory_space<semaphore_mem>>)
    %dma_start3A_74 = arith.constant 1 : i32
    %dma_start3A_75 = arith.constant 0 : i32
    %dma_start3A_76 = tpu.memref_slice %arg10[%dma_start3A_74, %dma_start3A_75] : memref<2x16xi32, #tpu.memory_space<vmem>> -> memref<1x16xi32, #tpu.memory_space<vmem>>
    %dma_start3A_77 = tpu.memref_squeeze %dma_start3A_76 : memref<1x16xi32, #tpu.memory_space<vmem>> -> memref<16xi32, #tpu.memory_space<vmem>>
    %dma_start3A_78 = tpu.memref_slice %arg4[%add3A_64] : memref<4096xi32, #tpu.memory_space<hbm>> -> memref<16xi32, #tpu.memory_space<hbm>>
    %dma_start3A_79 = arith.constant 0 : i32
    %dma_start3A_80 = tpu.memref_slice %arg10[%dma_start3A_74, %dma_start3A_79] : memref<2x16xi32, #tpu.memory_space<vmem>> -> memref<1x16xi32, #tpu.memory_space<vmem>>
    %dma_start3A_81 = tpu.memref_squeeze %dma_start3A_80 : memref<1x16xi32, #tpu.memory_space<vmem>> -> memref<16xi32, #tpu.memory_space<vmem>>
    %dma_start3A_82 = tpu.memref_slice %arg4[%add3A_64] : memref<4096xi32, #tpu.memory_space<hbm>> -> memref<16xi32, #tpu.memory_space<hbm>>
    tpu.enqueue_dma source(%dma_start3A_82 : memref<16xi32, #tpu.memory_space<hbm>>) target(%dma_start3A_81 : memref<16xi32, #tpu.memory_space<vmem>>) target_semaphore(%arg11 : memref<!tpu.dma_semaphore, #tpu.memory_space<semaphore_mem>>)
    %dma_wait3A_83 = arith.constant 1 : i32
    %dma_wait3A_84 = arith.constant 0 : i32
    %dma_wait3A_85 = tpu.memref_slice %arg9[%dma_wait3A_83, %dma_wait3A_84] : memref<2x16xi32, #tpu.memory_space<vmem>> -> memref<1x16xi32, #tpu.memory_space<vmem>>
    %dma_wait3A_86 = tpu.memref_squeeze %dma_wait3A_85 : memref<1x16xi32, #tpu.memory_space<vmem>> -> memref<16xi32, #tpu.memory_space<vmem>>
    %dma_wait3A_87 = tpu.memref_slice %arg3[%add3A_64] : memref<4096xi32, #tpu.memory_space<hbm>> -> memref<16xi32, #tpu.memory_space<hbm>>
    %dma_wait3A_88 = arith.constant 0 : i32
    %dma_wait3A_89 = tpu.memref_slice %arg9[%dma_wait3A_83, %dma_wait3A_88] : memref<2x16xi32, #tpu.memory_space<vmem>> -> memref<1x16xi32, #tpu.memory_space<vmem>>
    %dma_wait3A_90 = tpu.memref_squeeze %dma_wait3A_89 : memref<1x16xi32, #tpu.memory_space<vmem>> -> memref<16xi32, #tpu.memory_space<vmem>>
    %dma_wait3A_91 = tpu.memref_slice %arg3[%add3A_64] : memref<4096xi32, #tpu.memory_space<hbm>> -> memref<16xi32, #tpu.memory_space<hbm>>
    tpu.wait_dma2 semaphore(%arg11 : memref<!tpu.dma_semaphore, #tpu.memory_space<semaphore_mem>>) src(%dma_wait3A_91 : memref<16xi32, #tpu.memory_space<hbm>>) dst(%dma_wait3A_90 : memref<16xi32, #tpu.memory_space<vmem>>)
    %dma_wait3A_92 = arith.constant 1 : i32
    %dma_wait3A_93 = arith.constant 0 : i32
    %dma_wait3A_94 = tpu.memref_slice %arg10[%dma_wait3A_92, %dma_wait3A_93] : memref<2x16xi32, #tpu.memory_space<vmem>> -> memref<1x16xi32, #tpu.memory_space<vmem>>
    %dma_wait3A_95 = tpu.memref_squeeze %dma_wait3A_94 : memref<1x16xi32, #tpu.memory_space<vmem>> -> memref<16xi32, #tpu.memory_space<vmem>>
    %dma_wait3A_96 = tpu.memref_slice %arg4[%add3A_64] : memref<4096xi32, #tpu.memory_space<hbm>> -> memref<16xi32, #tpu.memory_space<hbm>>
    %dma_wait3A_97 = arith.constant 0 : i32
    %dma_wait3A_98 = tpu.memref_slice %arg10[%dma_wait3A_92, %dma_wait3A_97] : memref<2x16xi32, #tpu.memory_space<vmem>> -> memref<1x16xi32, #tpu.memory_space<vmem>>
    %dma_wait3A_99 = tpu.memref_squeeze %dma_wait3A_98 : memref<1x16xi32, #tpu.memory_space<vmem>> -> memref<16xi32, #tpu.memory_space<vmem>>
    %dma_wait3A_100 = tpu.memref_slice %arg4[%add3A_64] : memref<4096xi32, #tpu.memory_space<hbm>> -> memref<16xi32, #tpu.memory_space<hbm>>
    tpu.wait_dma2 semaphore(%arg11 : memref<!tpu.dma_semaphore, #tpu.memory_space<semaphore_mem>>) src(%dma_wait3A_100 : memref<16xi32, #tpu.memory_space<hbm>>) dst(%dma_wait3A_99 : memref<16xi32, #tpu.memory_space<vmem>>)
    %dma_start3A_101 = arith.constant 1 : i32
    %dma_start3A_102 = arith.constant 1 : i32
    %dma_start3A_103 = arith.constant 0 : i32
    %dma_start3A_104 = arith.constant 0 : i32
    %dma_start3A_105 = tpu.memref_slice %arg7[%dma_start3A_102, %dma_start3A_103, %dma_start3A_104] : memref<2x16x1024xf32, #tpu.memory_space<vmem>> -> memref<1x16x1024xf32, #tpu.memory_space<vmem>>
    %dma_start3A_106 = tpu.memref_squeeze %dma_start3A_105 : memref<1x16x1024xf32, #tpu.memory_space<vmem>> -> memref<16x1024xf32, #tpu.memory_space<vmem>>
    %dma_start3A_107 = arith.constant 0 : i32
    %dma_start3A_108 = tpu.memref_slice %arg9[%dma_start3A_101, %dma_start3A_107] : memref<2x16xi32, #tpu.memory_space<vmem>> -> memref<1x16xi32, #tpu.memory_space<vmem>>
    %dma_start3A_109 = tpu.memref_squeeze %dma_start3A_108 : memref<1x16xi32, #tpu.memory_space<vmem>> -> memref<16xi32, #tpu.memory_space<vmem>>
    %dma_start3A_110 = arith.constant 0 : i32
    %dma_start3A_111 = arith.constant 0 : i32
    %dma_start3A_112 = tpu.memref_slice %arg2[%dma_start3A_110, %dma_start3A_111] : memref<9216x1024xf32, #tpu.memory_space<hbm>> -> memref<9216x1024xf32, #tpu.memory_space<hbm>>
    tpu.enqueue_indirect_dma source(%dma_start3A_112 : memref<9216x1024xf32, #tpu.memory_space<hbm>>) target(%dma_start3A_106 : memref<16x1024xf32, #tpu.memory_space<vmem>>) offsets(%dma_start3A_109 : memref<16xi32, #tpu.memory_space<vmem>>) semaphore(%arg12 : memref<!tpu.dma_semaphore, #tpu.memory_space<semaphore_mem>>)
    %dma_start3A_113 = arith.constant 1 : i32
    %dma_start3A_114 = arith.constant 1 : i32
    %dma_start3A_115 = arith.constant 0 : i32
    %dma_start3A_116 = arith.constant 0 : i32
    %dma_start3A_117 = tpu.memref_slice %arg8[%dma_start3A_114, %dma_start3A_115, %dma_start3A_116] : memref<2x16x1024xf32, #tpu.memory_space<vmem>> -> memref<1x16x1024xf32, #tpu.memory_space<vmem>>
    %dma_start3A_118 = tpu.memref_squeeze %dma_start3A_117 : memref<1x16x1024xf32, #tpu.memory_space<vmem>> -> memref<16x1024xf32, #tpu.memory_space<vmem>>
    %dma_start3A_119 = arith.constant 0 : i32
    %dma_start3A_120 = tpu.memref_slice %arg10[%dma_start3A_113, %dma_start3A_119] : memref<2x16xi32, #tpu.memory_space<vmem>> -> memref<1x16xi32, #tpu.memory_space<vmem>>
    %dma_start3A_121 = tpu.memref_squeeze %dma_start3A_120 : memref<1x16xi32, #tpu.memory_space<vmem>> -> memref<16xi32, #tpu.memory_space<vmem>>
    %dma_start3A_122 = arith.constant 0 : i32
    %dma_start3A_123 = arith.constant 0 : i32
    %dma_start3A_124 = tpu.memref_slice %arg2[%dma_start3A_122, %dma_start3A_123] : memref<9216x1024xf32, #tpu.memory_space<hbm>> -> memref<9216x1024xf32, #tpu.memory_space<hbm>>
    tpu.enqueue_indirect_dma source(%dma_start3A_124 : memref<9216x1024xf32, #tpu.memory_space<hbm>>) target(%dma_start3A_118 : memref<16x1024xf32, #tpu.memory_space<vmem>>) offsets(%dma_start3A_121 : memref<16xi32, #tpu.memory_space<vmem>>) semaphore(%arg12 : memref<!tpu.dma_semaphore, #tpu.memory_space<semaphore_mem>>)
    %dma_wait3A_125 = arith.constant 0 : i32
    %dma_wait3A_126 = arith.constant 0 : i32
    %dma_wait3A_127 = arith.constant 0 : i32
    %dma_wait3A_128 = arith.constant 0 : i32
    %dma_wait3A_129 = tpu.memref_slice %arg7[%dma_wait3A_126, %dma_wait3A_127, %dma_wait3A_128] : memref<2x16x1024xf32, #tpu.memory_space<vmem>> -> memref<1x16x1024xf32, #tpu.memory_space<vmem>>
    %dma_wait3A_130 = tpu.memref_squeeze %dma_wait3A_129 : memref<1x16x1024xf32, #tpu.memory_space<vmem>> -> memref<16x1024xf32, #tpu.memory_space<vmem>>
    %dma_wait3A_131 = arith.constant 0 : i32
    %dma_wait3A_132 = tpu.memref_slice %arg9[%dma_wait3A_125, %dma_wait3A_131] : memref<2x16xi32, #tpu.memory_space<vmem>> -> memref<1x16xi32, #tpu.memory_space<vmem>>
    %dma_wait3A_133 = tpu.memref_squeeze %dma_wait3A_132 : memref<1x16xi32, #tpu.memory_space<vmem>> -> memref<16xi32, #tpu.memory_space<vmem>>
    %dma_wait3A_134 = arith.constant 0 : i32
    %dma_wait3A_135 = arith.constant 0 : i32
    %dma_wait3A_136 = tpu.memref_slice %arg2[%dma_wait3A_134, %dma_wait3A_135] : memref<9216x1024xf32, #tpu.memory_space<hbm>> -> memref<9216x1024xf32, #tpu.memory_space<hbm>>
    tpu.wait_indirect_dma semaphore(%arg12 : memref<!tpu.dma_semaphore, #tpu.memory_space<semaphore_mem>>) src(%dma_wait3A_136 : memref<9216x1024xf32, #tpu.memory_space<hbm>>) dst(%dma_wait3A_130 : memref<16x1024xf32, #tpu.memory_space<vmem>>)
    %dma_wait3A_137 = arith.constant 0 : i32
    %dma_wait3A_138 = arith.constant 0 : i32
    %dma_wait3A_139 = arith.constant 0 : i32
    %dma_wait3A_140 = arith.constant 0 : i32
    %dma_wait3A_141 = tpu.memref_slice %arg8[%dma_wait3A_138, %dma_wait3A_139, %dma_wait3A_140] : memref<2x16x1024xf32, #tpu.memory_space<vmem>> -> memref<1x16x1024xf32, #tpu.memory_space<vmem>>
    %dma_wait3A_142 = tpu.memref_squeeze %dma_wait3A_141 : memref<1x16x1024xf32, #tpu.memory_space<vmem>> -> memref<16x1024xf32, #tpu.memory_space<vmem>>
    %dma_wait3A_143 = arith.constant 0 : i32
    %dma_wait3A_144 = tpu.memref_slice %arg10[%dma_wait3A_137, %dma_wait3A_143] : memref<2x16xi32, #tpu.memory_space<vmem>> -> memref<1x16xi32, #tpu.memory_space<vmem>>
    %dma_wait3A_145 = tpu.memref_squeeze %dma_wait3A_144 : memref<1x16xi32, #tpu.memory_space<vmem>> -> memref<16xi32, #tpu.memory_space<vmem>>
    %dma_wait3A_146 = arith.constant 0 : i32
    %dma_wait3A_147 = arith.constant 0 : i32
    %dma_wait3A_148 = tpu.memref_slice %arg2[%dma_wait3A_146, %dma_wait3A_147] : memref<9216x1024xf32, #tpu.memory_space<hbm>> -> memref<9216x1024xf32, #tpu.memory_space<hbm>>
    tpu.wait_indirect_dma semaphore(%arg12 : memref<!tpu.dma_semaphore, #tpu.memory_space<semaphore_mem>>) src(%dma_wait3A_148 : memref<9216x1024xf32, #tpu.memory_space<hbm>>) dst(%dma_wait3A_142 : memref<16x1024xf32, #tpu.memory_space<vmem>>)
    %add3A_149 = arith.constant 0 : i32
    %add3A_150 = arith.addi %mul3A_2, %add3A_149 : i32
    %dma_start3A_151 = arith.constant 0 : i32
    %dma_start3A_152 = arith.constant 0 : i32
    %dma_start3A_153 = arith.constant 0 : i32
    %dma_start3A_154 = tpu.memref_slice %arg7[%dma_start3A_151, %dma_start3A_152, %dma_start3A_153] : memref<2x16x1024xf32, #tpu.memory_space<vmem>> -> memref<1x16x1024xf32, #tpu.memory_space<vmem>>
    %dma_start3A_155 = tpu.memref_squeeze %dma_start3A_154 : memref<1x16x1024xf32, #tpu.memory_space<vmem>> -> memref<16x1024xf32, #tpu.memory_space<vmem>>
    %dma_start3A_156 = arith.constant 0 : i32
    %dma_start3A_157 = tpu.memref_slice %arg5[%add3A_150, %dma_start3A_156] : memref<4096x1024xf32, #tpu.memory_space<hbm>> -> memref<16x1024xf32, #tpu.memory_space<hbm>>
    %dma_start3A_158 = arith.constant 0 : i32
    %dma_start3A_159 = tpu.memref_slice %arg5[%add3A_150, %dma_start3A_158] : memref<4096x1024xf32, #tpu.memory_space<hbm>> -> memref<16x1024xf32, #tpu.memory_space<hbm>>
    %dma_start3A_160 = arith.constant 0 : i32
    %dma_start3A_161 = arith.constant 0 : i32
    %dma_start3A_162 = tpu.memref_slice %arg7[%dma_start3A_151, %dma_start3A_160, %dma_start3A_161] : memref<2x16x1024xf32, #tpu.memory_space<vmem>> -> memref<1x16x1024xf32, #tpu.memory_space<vmem>>
    %dma_start3A_163 = tpu.memref_squeeze %dma_start3A_162 : memref<1x16x1024xf32, #tpu.memory_space<vmem>> -> memref<16x1024xf32, #tpu.memory_space<vmem>>
    tpu.enqueue_dma source(%dma_start3A_163 : memref<16x1024xf32, #tpu.memory_space<vmem>>) target(%dma_start3A_159 : memref<16x1024xf32, #tpu.memory_space<hbm>>) target_semaphore(%arg13 : memref<!tpu.dma_semaphore, #tpu.memory_space<semaphore_mem>>)
    %dma_start3A_164 = arith.constant 0 : i32
    %dma_start3A_165 = arith.constant 0 : i32
    %dma_start3A_166 = arith.constant 0 : i32
    %dma_start3A_167 = tpu.memref_slice %arg8[%dma_start3A_164, %dma_start3A_165, %dma_start3A_166] : memref<2x16x1024xf32, #tpu.memory_space<vmem>> -> memref<1x16x1024xf32, #tpu.memory_space<vmem>>
    %dma_start3A_168 = tpu.memref_squeeze %dma_start3A_167 : memref<1x16x1024xf32, #tpu.memory_space<vmem>> -> memref<16x1024xf32, #tpu.memory_space<vmem>>
    %dma_start3A_169 = arith.constant 0 : i32
    %dma_start3A_170 = tpu.memref_slice %arg6[%add3A_150, %dma_start3A_169] : memref<4096x1024xf32, #tpu.memory_space<hbm>> -> memref<16x1024xf32, #tpu.memory_space<hbm>>
    %dma_start3A_171 = arith.constant 0 : i32
    %dma_start3A_172 = tpu.memref_slice %arg6[%add3A_150, %dma_start3A_171] : memref<4096x1024xf32, #tpu.memory_space<hbm>> -> memref<16x1024xf32, #tpu.memory_space<hbm>>
    %dma_start3A_173 = arith.constant 0 : i32
    %dma_start3A_174 = arith.constant 0 : i32
    %dma_start3A_175 = tpu.memref_slice %arg8[%dma_start3A_164, %dma_start3A_173, %dma_start3A_174] : memref<2x16x1024xf32, #tpu.memory_space<vmem>> -> memref<1x16x1024xf32, #tpu.memory_space<vmem>>
    %dma_start3A_176 = tpu.memref_squeeze %dma_start3A_175 : memref<1x16x1024xf32, #tpu.memory_space<vmem>> -> memref<16x1024xf32, #tpu.memory_space<vmem>>
    tpu.enqueue_dma source(%dma_start3A_176 : memref<16x1024xf32, #tpu.memory_space<vmem>>) target(%dma_start3A_172 : memref<16x1024xf32, #tpu.memory_space<hbm>>) target_semaphore(%arg13 : memref<!tpu.dma_semaphore, #tpu.memory_space<semaphore_mem>>)
    %add3A_177 = arith.constant 32 : i32
    %add3A_178 = arith.addi %mul3A_2, %add3A_177 : i32
    %dma_start3A_179 = arith.constant 0 : i32
    %dma_start3A_180 = arith.constant 0 : i32
    %dma_start3A_181 = tpu.memref_slice %arg9[%dma_start3A_179, %dma_start3A_180] : memref<2x16xi32, #tpu.memory_space<vmem>> -> memref<1x16xi32, #tpu.memory_space<vmem>>
    %dma_start3A_182 = tpu.memref_squeeze %dma_start3A_181 : memref<1x16xi32, #tpu.memory_space<vmem>> -> memref<16xi32, #tpu.memory_space<vmem>>
    %dma_start3A_183 = tpu.memref_slice %arg3[%add3A_178] : memref<4096xi32, #tpu.memory_space<hbm>> -> memref<16xi32, #tpu.memory_space<hbm>>
    %dma_start3A_184 = arith.constant 0 : i32
    %dma_start3A_185 = tpu.memref_slice %arg9[%dma_start3A_179, %dma_start3A_184] : memref<2x16xi32, #tpu.memory_space<vmem>> -> memref<1x16xi32, #tpu.memory_space<vmem>>
    %dma_start3A_186 = tpu.memref_squeeze %dma_start3A_185 : memref<1x16xi32, #tpu.memory_space<vmem>> -> memref<16xi32, #tpu.memory_space<vmem>>
    %dma_start3A_187 = tpu.memref_slice %arg3[%add3A_178] : memref<4096xi32, #tpu.memory_space<hbm>> -> memref<16xi32, #tpu.memory_space<hbm>>
    tpu.enqueue_dma source(%dma_start3A_187 : memref<16xi32, #tpu.memory_space<hbm>>) target(%dma_start3A_186 : memref<16xi32, #tpu.memory_space<vmem>>) target_semaphore(%arg11 : memref<!tpu.dma_semaphore, #tpu.memory_space<semaphore_mem>>)
    %dma_start3A_188 = arith.constant 0 : i32
    %dma_start3A_189 = arith.constant 0 : i32
    %dma_start3A_190 = tpu.memref_slice %arg10[%dma_start3A_188, %dma_start3A_189] : memref<2x16xi32, #tpu.memory_space<vmem>> -> memref<1x16xi32, #tpu.memory_space<vmem>>
    %dma_start3A_191 = tpu.memref_squeeze %dma_start3A_190 : memref<1x16xi32, #tpu.memory_space<vmem>> -> memref<16xi32, #tpu.memory_space<vmem>>
    %dma_start3A_192 = tpu.memref_slice %arg4[%add3A_178] : memref<4096xi32, #tpu.memory_space<hbm>> -> memref<16xi32, #tpu.memory_space<hbm>>
    %dma_start3A_193 = arith.constant 0 : i32
    %dma_start3A_194 = tpu.memref_slice %arg10[%dma_start3A_188, %dma_start3A_193] : memref<2x16xi32, #tpu.memory_space<vmem>> -> memref<1x16xi32, #tpu.memory_space<vmem>>
    %dma_start3A_195 = tpu.memref_squeeze %dma_start3A_194 : memref<1x16xi32, #tpu.memory_space<vmem>> -> memref<16xi32, #tpu.memory_space<vmem>>
    %dma_start3A_196 = tpu.memref_slice %arg4[%add3A_178] : memref<4096xi32, #tpu.memory_space<hbm>> -> memref<16xi32, #tpu.memory_space<hbm>>
    tpu.enqueue_dma source(%dma_start3A_196 : memref<16xi32, #tpu.memory_space<hbm>>) target(%dma_start3A_195 : memref<16xi32, #tpu.memory_space<vmem>>) target_semaphore(%arg11 : memref<!tpu.dma_semaphore, #tpu.memory_space<semaphore_mem>>)
    %dma_wait3A_197 = arith.constant 0 : i32
    %dma_wait3A_198 = arith.constant 0 : i32
    %dma_wait3A_199 = tpu.memref_slice %arg9[%dma_wait3A_197, %dma_wait3A_198] : memref<2x16xi32, #tpu.memory_space<vmem>> -> memref<1x16xi32, #tpu.memory_space<vmem>>
    %dma_wait3A_200 = tpu.memref_squeeze %dma_wait3A_199 : memref<1x16xi32, #tpu.memory_space<vmem>> -> memref<16xi32, #tpu.memory_space<vmem>>
    %dma_wait3A_201 = tpu.memref_slice %arg3[%add3A_178] : memref<4096xi32, #tpu.memory_space<hbm>> -> memref<16xi32, #tpu.memory_space<hbm>>
    %dma_wait3A_202 = arith.constant 0 : i32
    %dma_wait3A_203 = tpu.memref_slice %arg9[%dma_wait3A_197, %dma_wait3A_202] : memref<2x16xi32, #tpu.memory_space<vmem>> -> memref<1x16xi32, #tpu.memory_space<vmem>>
    %dma_wait3A_204 = tpu.memref_squeeze %dma_wait3A_203 : memref<1x16xi32, #tpu.memory_space<vmem>> -> memref<16xi32, #tpu.memory_space<vmem>>
    %dma_wait3A_205 = tpu.memref_slice %arg3[%add3A_178] : memref<4096xi32, #tpu.memory_space<hbm>> -> memref<16xi32, #tpu.memory_space<hbm>>
    tpu.wait_dma2 semaphore(%arg11 : memref<!tpu.dma_semaphore, #tpu.memory_space<semaphore_mem>>) src(%dma_wait3A_205 : memref<16xi32, #tpu.memory_space<hbm>>) dst(%dma_wait3A_204 : memref<16xi32, #tpu.memory_space<vmem>>)
    %dma_wait3A_206 = arith.constant 0 : i32
    %dma_wait3A_207 = arith.constant 0 : i32
    %dma_wait3A_208 = tpu.memref_slice %arg10[%dma_wait3A_206, %dma_wait3A_207] : memref<2x16xi32, #tpu.memory_space<vmem>> -> memref<1x16xi32, #tpu.memory_space<vmem>>
    %dma_wait3A_209 = tpu.memref_squeeze %dma_wait3A_208 : memref<1x16xi32, #tpu.memory_space<vmem>> -> memref<16xi32, #tpu.memory_space<vmem>>
    %dma_wait3A_210 = tpu.memref_slice %arg4[%add3A_178] : memref<4096xi32, #tpu.memory_space<hbm>> -> memref<16xi32, #tpu.memory_space<hbm>>
    %dma_wait3A_211 = arith.constant 0 : i32
    %dma_wait3A_212 = tpu.memref_slice %arg10[%dma_wait3A_206, %dma_wait3A_211] : memref<2x16xi32, #tpu.memory_space<vmem>> -> memref<1x16xi32, #tpu.memory_space<vmem>>
    %dma_wait3A_213 = tpu.memref_squeeze %dma_wait3A_212 : memref<1x16xi32, #tpu.memory_space<vmem>> -> memref<16xi32, #tpu.memory_space<vmem>>
    %dma_wait3A_214 = tpu.memref_slice %arg4[%add3A_178] : memref<4096xi32, #tpu.memory_space<hbm>> -> memref<16xi32, #tpu.memory_space<hbm>>
    tpu.wait_dma2 semaphore(%arg11 : memref<!tpu.dma_semaphore, #tpu.memory_space<semaphore_mem>>) src(%dma_wait3A_214 : memref<16xi32, #tpu.memory_space<hbm>>) dst(%dma_wait3A_213 : memref<16xi32, #tpu.memory_space<vmem>>)
    %dma_wait3A_215 = arith.constant 0 : i32
    %dma_wait3A_216 = arith.constant 0 : i32
    %dma_wait3A_217 = arith.constant 0 : i32
    %dma_wait3A_218 = tpu.memref_slice %arg7[%dma_wait3A_215, %dma_wait3A_216, %dma_wait3A_217] : memref<2x16x1024xf32, #tpu.memory_space<vmem>> -> memref<1x16x1024xf32, #tpu.memory_space<vmem>>
    %dma_wait3A_219 = tpu.memref_squeeze %dma_wait3A_218 : memref<1x16x1024xf32, #tpu.memory_space<vmem>> -> memref<16x1024xf32, #tpu.memory_space<vmem>>
    %dma_wait3A_220 = arith.constant 0 : i32
    %dma_wait3A_221 = tpu.memref_slice %arg5[%add3A_150, %dma_wait3A_220] : memref<4096x1024xf32, #tpu.memory_space<hbm>> -> memref<16x1024xf32, #tpu.memory_space<hbm>>
    %dma_wait3A_222 = arith.constant 0 : i32
    %dma_wait3A_223 = tpu.memref_slice %arg5[%add3A_150, %dma_wait3A_222] : memref<4096x1024xf32, #tpu.memory_space<hbm>> -> memref<16x1024xf32, #tpu.memory_space<hbm>>
    %dma_wait3A_224 = arith.constant 0 : i32
    %dma_wait3A_225 = arith.constant 0 : i32
    %dma_wait3A_226 = tpu.memref_slice %arg7[%dma_wait3A_215, %dma_wait3A_224, %dma_wait3A_225] : memref<2x16x1024xf32, #tpu.memory_space<vmem>> -> memref<1x16x1024xf32, #tpu.memory_space<vmem>>
    %dma_wait3A_227 = tpu.memref_squeeze %dma_wait3A_226 : memref<1x16x1024xf32, #tpu.memory_space<vmem>> -> memref<16x1024xf32, #tpu.memory_space<vmem>>
    tpu.wait_dma2 semaphore(%arg13 : memref<!tpu.dma_semaphore, #tpu.memory_space<semaphore_mem>>) src(%dma_wait3A_227 : memref<16x1024xf32, #tpu.memory_space<vmem>>) dst(%dma_wait3A_223 : memref<16x1024xf32, #tpu.memory_space<hbm>>)
    %dma_wait3A_228 = arith.constant 0 : i32
    %dma_wait3A_229 = arith.constant 0 : i32
    %dma_wait3A_230 = arith.constant 0 : i32
    %dma_wait3A_231 = tpu.memref_slice %arg8[%dma_wait3A_228, %dma_wait3A_229, %dma_wait3A_230] : memref<2x16x1024xf32, #tpu.memory_space<vmem>> -> memref<1x16x1024xf32, #tpu.memory_space<vmem>>
    %dma_wait3A_232 = tpu.memref_squeeze %dma_wait3A_231 : memref<1x16x1024xf32, #tpu.memory_space<vmem>> -> memref<16x1024xf32, #tpu.memory_space<vmem>>
    %dma_wait3A_233 = arith.constant 0 : i32
    %dma_wait3A_234 = tpu.memref_slice %arg6[%add3A_150, %dma_wait3A_233] : memref<4096x1024xf32, #tpu.memory_space<hbm>> -> memref<16x1024xf32, #tpu.memory_space<hbm>>
    %dma_wait3A_235 = arith.constant 0 : i32
    %dma_wait3A_236 = tpu.memref_slice %arg6[%add3A_150, %dma_wait3A_235] : memref<4096x1024xf32, #tpu.memory_space<hbm>> -> memref<16x1024xf32, #tpu.memory_space<hbm>>
    %dma_wait3A_237 = arith.constant 0 : i32
    %dma_wait3A_238 = arith.constant 0 : i32
    %dma_wait3A_239 = tpu.memref_slice %arg8[%dma_wait3A_228, %dma_wait3A_237, %dma_wait3A_238] : memref<2x16x1024xf32, #tpu.memory_space<vmem>> -> memref<1x16x1024xf32, #tpu.memory_space<vmem>>
    %dma_wait3A_240 = tpu.memref_squeeze %dma_wait3A_239 : memref<1x16x1024xf32, #tpu.memory_space<vmem>> -> memref<16x1024xf32, #tpu.memory_space<vmem>>
    tpu.wait_dma2 semaphore(%arg13 : memref<!tpu.dma_semaphore, #tpu.memory_space<semaphore_mem>>) src(%dma_wait3A_240 : memref<16x1024xf32, #tpu.memory_space<vmem>>) dst(%dma_wait3A_236 : memref<16x1024xf32, #tpu.memory_space<hbm>>)
    %dma_start3A_241 = arith.constant 0 : i32
    %dma_start3A_242 = arith.constant 0 : i32
    %dma_start3A_243 = arith.constant 0 : i32
    %dma_start3A_244 = arith.constant 0 : i32
    %dma_start3A_245 = tpu.memref_slice %arg7[%dma_start3A_242, %dma_start3A_243, %dma_start3A_244] : memref<2x16x1024xf32, #tpu.memory_space<vmem>> -> memref<1x16x1024xf32, #tpu.memory_space<vmem>>
    %dma_start3A_246 = tpu.memref_squeeze %dma_start3A_245 : memref<1x16x1024xf32, #tpu.memory_space<vmem>> -> memref<16x1024xf32, #tpu.memory_space<vmem>>
    %dma_start3A_247 = arith.constant 0 : i32
    %dma_start3A_248 = tpu.memref_slice %arg9[%dma_start3A_241, %dma_start3A_247] : memref<2x16xi32, #tpu.memory_space<vmem>> -> memref<1x16xi32, #tpu.memory_space<vmem>>
    %dma_start3A_249 = tpu.memref_squeeze %dma_start3A_248 : memref<1x16xi32, #tpu.memory_space<vmem>> -> memref<16xi32, #tpu.memory_space<vmem>>
    %dma_start3A_250 = arith.constant 0 : i32
    %dma_start3A_251 = arith.constant 0 : i32
    %dma_start3A_252 = tpu.memref_slice %arg2[%dma_start3A_250, %dma_start3A_251] : memref<9216x1024xf32, #tpu.memory_space<hbm>> -> memref<9216x1024xf32, #tpu.memory_space<hbm>>
    tpu.enqueue_indirect_dma source(%dma_start3A_252 : memref<9216x1024xf32, #tpu.memory_space<hbm>>) target(%dma_start3A_246 : memref<16x1024xf32, #tpu.memory_space<vmem>>) offsets(%dma_start3A_249 : memref<16xi32, #tpu.memory_space<vmem>>) semaphore(%arg12 : memref<!tpu.dma_semaphore, #tpu.memory_space<semaphore_mem>>)
    %dma_start3A_253 = arith.constant 0 : i32
    %dma_start3A_254 = arith.constant 0 : i32
    %dma_start3A_255 = arith.constant 0 : i32
    %dma_start3A_256 = arith.constant 0 : i32
    %dma_start3A_257 = tpu.memref_slice %arg8[%dma_start3A_254, %dma_start3A_255, %dma_start3A_256] : memref<2x16x1024xf32, #tpu.memory_space<vmem>> -> memref<1x16x1024xf32, #tpu.memory_space<vmem>>
    %dma_start3A_258 = tpu.memref_squeeze %dma_start3A_257 : memref<1x16x1024xf32, #tpu.memory_space<vmem>> -> memref<16x1024xf32, #tpu.memory_space<vmem>>
    %dma_start3A_259 = arith.constant 0 : i32
    %dma_start3A_260 = tpu.memref_slice %arg10[%dma_start3A_253, %dma_start3A_259] : memref<2x16xi32, #tpu.memory_space<vmem>> -> memref<1x16xi32, #tpu.memory_space<vmem>>
    %dma_start3A_261 = tpu.memref_squeeze %dma_start3A_260 : memref<1x16xi32, #tpu.memory_space<vmem>> -> memref<16xi32, #tpu.memory_space<vmem>>
    %dma_start3A_262 = arith.constant 0 : i32
    %dma_start3A_263 = arith.constant 0 : i32
    %dma_start3A_264 = tpu.memref_slice %arg2[%dma_start3A_262, %dma_start3A_263] : memref<9216x1024xf32, #tpu.memory_space<hbm>> -> memref<9216x1024xf32, #tpu.memory_space<hbm>>
    tpu.enqueue_indirect_dma source(%dma_start3A_264 : memref<9216x1024xf32, #tpu.memory_space<hbm>>) target(%dma_start3A_258 : memref<16x1024xf32, #tpu.memory_space<vmem>>) offsets(%dma_start3A_261 : memref<16xi32, #tpu.memory_space<vmem>>) semaphore(%arg12 : memref<!tpu.dma_semaphore, #tpu.memory_space<semaphore_mem>>)
    %dma_wait3A_265 = arith.constant 1 : i32
    %dma_wait3A_266 = arith.constant 1 : i32
    %dma_wait3A_267 = arith.constant 0 : i32
    %dma_wait3A_268 = arith.constant 0 : i32
    %dma_wait3A_269 = tpu.memref_slice %arg7[%dma_wait3A_266, %dma_wait3A_267, %dma_wait3A_268] : memref<2x16x1024xf32, #tpu.memory_space<vmem>> -> memref<1x16x1024xf32, #tpu.memory_space<vmem>>
    %dma_wait3A_270 = tpu.memref_squeeze %dma_wait3A_269 : memref<1x16x1024xf32, #tpu.memory_space<vmem>> -> memref<16x1024xf32, #tpu.memory_space<vmem>>
    %dma_wait3A_271 = arith.constant 0 : i32
    %dma_wait3A_272 = tpu.memref_slice %arg9[%dma_wait3A_265, %dma_wait3A_271] : memref<2x16xi32, #tpu.memory_space<vmem>> -> memref<1x16xi32, #tpu.memory_space<vmem>>
    %dma_wait3A_273 = tpu.memref_squeeze %dma_wait3A_272 : memref<1x16xi32, #tpu.memory_space<vmem>> -> memref<16xi32, #tpu.memory_space<vmem>>
    %dma_wait3A_274 = arith.constant 0 : i32
    %dma_wait3A_275 = arith.constant 0 : i32
    %dma_wait3A_276 = tpu.memref_slice %arg2[%dma_wait3A_274, %dma_wait3A_275] : memref<9216x1024xf32, #tpu.memory_space<hbm>> -> memref<9216x1024xf32, #tpu.memory_space<hbm>>
    tpu.wait_indirect_dma semaphore(%arg12 : memref<!tpu.dma_semaphore, #tpu.memory_space<semaphore_mem>>) src(%dma_wait3A_276 : memref<9216x1024xf32, #tpu.memory_space<hbm>>) dst(%dma_wait3A_270 : memref<16x1024xf32, #tpu.memory_space<vmem>>)
    %dma_wait3A_277 = arith.constant 1 : i32
    %dma_wait3A_278 = arith.constant 1 : i32
    %dma_wait3A_279 = arith.constant 0 : i32
    %dma_wait3A_280 = arith.constant 0 : i32
    %dma_wait3A_281 = tpu.memref_slice %arg8[%dma_wait3A_278, %dma_wait3A_279, %dma_wait3A_280] : memref<2x16x1024xf32, #tpu.memory_space<vmem>> -> memref<1x16x1024xf32, #tpu.memory_space<vmem>>
    %dma_wait3A_282 = tpu.memref_squeeze %dma_wait3A_281 : memref<1x16x1024xf32, #tpu.memory_space<vmem>> -> memref<16x1024xf32, #tpu.memory_space<vmem>>
    %dma_wait3A_283 = arith.constant 0 : i32
    %dma_wait3A_284 = tpu.memref_slice %arg10[%dma_wait3A_277, %dma_wait3A_283] : memref<2x16xi32, #tpu.memory_space<vmem>> -> memref<1x16xi32, #tpu.memory_space<vmem>>
    %dma_wait3A_285 = tpu.memref_squeeze %dma_wait3A_284 : memref<1x16xi32, #tpu.memory_space<vmem>> -> memref<16xi32, #tpu.memory_space<vmem>>
    %dma_wait3A_286 = arith.constant 0 : i32
    %dma_wait3A_287 = arith.constant 0 : i32
    %dma_wait3A_288 = tpu.memref_slice %arg2[%dma_wait3A_286, %dma_wait3A_287] : memref<9216x1024xf32, #tpu.memory_space<hbm>> -> memref<9216x1024xf32, #tpu.memory_space<hbm>>
    tpu.wait_indirect_dma semaphore(%arg12 : memref<!tpu.dma_semaphore, #tpu.memory_space<semaphore_mem>>) src(%dma_wait3A_288 : memref<9216x1024xf32, #tpu.memory_space<hbm>>) dst(%dma_wait3A_282 : memref<16x1024xf32, #tpu.memory_space<vmem>>)
    %add3A_289 = arith.constant 16 : i32
    %add3A_290 = arith.addi %mul3A_2, %add3A_289 : i32
    %dma_start3A_291 = arith.constant 1 : i32
    %dma_start3A_292 = arith.constant 0 : i32
    %dma_start3A_293 = arith.constant 0 : i32
    %dma_start3A_294 = tpu.memref_slice %arg7[%dma_start3A_291, %dma_start3A_292, %dma_start3A_293] : memref<2x16x1024xf32, #tpu.memory_space<vmem>> -> memref<1x16x1024xf32, #tpu.memory_space<vmem>>
    %dma_start3A_295 = tpu.memref_squeeze %dma_start3A_294 : memref<1x16x1024xf32, #tpu.memory_space<vmem>> -> memref<16x1024xf32, #tpu.memory_space<vmem>>
    %dma_start3A_296 = arith.constant 0 : i32
    %dma_start3A_297 = tpu.memref_slice %arg5[%add3A_290, %dma_start3A_296] : memref<4096x1024xf32, #tpu.memory_space<hbm>> -> memref<16x1024xf32, #tpu.memory_space<hbm>>
    %dma_start3A_298 = arith.constant 0 : i32
    %dma_start3A_299 = tpu.memref_slice %arg5[%add3A_290, %dma_start3A_298] : memref<4096x1024xf32, #tpu.memory_space<hbm>> -> memref<16x1024xf32, #tpu.memory_space<hbm>>
    %dma_start3A_300 = arith.constant 0 : i32
    %dma_start3A_301 = arith.constant 0 : i32
    %dma_start3A_302 = tpu.memref_slice %arg7[%dma_start3A_291, %dma_start3A_300, %dma_start3A_301] : memref<2x16x1024xf32, #tpu.memory_space<vmem>> -> memref<1x16x1024xf32, #tpu.memory_space<vmem>>
    %dma_start3A_303 = tpu.memref_squeeze %dma_start3A_302 : memref<1x16x1024xf32, #tpu.memory_space<vmem>> -> memref<16x1024xf32, #tpu.memory_space<vmem>>
    tpu.enqueue_dma source(%dma_start3A_303 : memref<16x1024xf32, #tpu.memory_space<vmem>>) target(%dma_start3A_299 : memref<16x1024xf32, #tpu.memory_space<hbm>>) target_semaphore(%arg13 : memref<!tpu.dma_semaphore, #tpu.memory_space<semaphore_mem>>)
    %dma_start3A_304 = arith.constant 1 : i32
    %dma_start3A_305 = arith.constant 0 : i32
    %dma_start3A_306 = arith.constant 0 : i32
    %dma_start3A_307 = tpu.memref_slice %arg8[%dma_start3A_304, %dma_start3A_305, %dma_start3A_306] : memref<2x16x1024xf32, #tpu.memory_space<vmem>> -> memref<1x16x1024xf32, #tpu.memory_space<vmem>>
    %dma_start3A_308 = tpu.memref_squeeze %dma_start3A_307 : memref<1x16x1024xf32, #tpu.memory_space<vmem>> -> memref<16x1024xf32, #tpu.memory_space<vmem>>
    %dma_start3A_309 = arith.constant 0 : i32
    %dma_start3A_310 = tpu.memref_slice %arg6[%add3A_290, %dma_start3A_309] : memref<4096x1024xf32, #tpu.memory_space<hbm>> -> memref<16x1024xf32, #tpu.memory_space<hbm>>
    %dma_start3A_311 = arith.constant 0 : i32
    %dma_start3A_312 = tpu.memref_slice %arg6[%add3A_290, %dma_start3A_311] : memref<4096x1024xf32, #tpu.memory_space<hbm>> -> memref<16x1024xf32, #tpu.memory_space<hbm>>
    %dma_start3A_313 = arith.constant 0 : i32
    %dma_start3A_314 = arith.constant 0 : i32
    %dma_start3A_315 = tpu.memref_slice %arg8[%dma_start3A_304, %dma_start3A_313, %dma_start3A_314] : memref<2x16x1024xf32, #tpu.memory_space<vmem>> -> memref<1x16x1024xf32, #tpu.memory_space<vmem>>
    %dma_start3A_316 = tpu.memref_squeeze %dma_start3A_315 : memref<1x16x1024xf32, #tpu.memory_space<vmem>> -> memref<16x1024xf32, #tpu.memory_space<vmem>>
    tpu.enqueue_dma source(%dma_start3A_316 : memref<16x1024xf32, #tpu.memory_space<vmem>>) target(%dma_start3A_312 : memref<16x1024xf32, #tpu.memory_space<hbm>>) target_semaphore(%arg13 : memref<!tpu.dma_semaphore, #tpu.memory_space<semaphore_mem>>)
    %add3A_317 = arith.constant 48 : i32
    %add3A_318 = arith.addi %mul3A_2, %add3A_317 : i32
    %dma_start3A_319 = arith.constant 1 : i32
    %dma_start3A_320 = arith.constant 0 : i32
    %dma_start3A_321 = tpu.memref_slice %arg9[%dma_start3A_319, %dma_start3A_320] : memref<2x16xi32, #tpu.memory_space<vmem>> -> memref<1x16xi32, #tpu.memory_space<vmem>>
    %dma_start3A_322 = tpu.memref_squeeze %dma_start3A_321 : memref<1x16xi32, #tpu.memory_space<vmem>> -> memref<16xi32, #tpu.memory_space<vmem>>
    %dma_start3A_323 = tpu.memref_slice %arg3[%add3A_318] : memref<4096xi32, #tpu.memory_space<hbm>> -> memref<16xi32, #tpu.memory_space<hbm>>
    %dma_start3A_324 = arith.constant 0 : i32
    %dma_start3A_325 = tpu.memref_slice %arg9[%dma_start3A_319, %dma_start3A_324] : memref<2x16xi32, #tpu.memory_space<vmem>> -> memref<1x16xi32, #tpu.memory_space<vmem>>
    %dma_start3A_326 = tpu.memref_squeeze %dma_start3A_325 : memref<1x16xi32, #tpu.memory_space<vmem>> -> memref<16xi32, #tpu.memory_space<vmem>>
    %dma_start3A_327 = tpu.memref_slice %arg3[%add3A_318] : memref<4096xi32, #tpu.memory_space<hbm>> -> memref<16xi32, #tpu.memory_space<hbm>>
    tpu.enqueue_dma source(%dma_start3A_327 : memref<16xi32, #tpu.memory_space<hbm>>) target(%dma_start3A_326 : memref<16xi32, #tpu.memory_space<vmem>>) target_semaphore(%arg11 : memref<!tpu.dma_semaphore, #tpu.memory_space<semaphore_mem>>)
    %dma_start3A_328 = arith.constant 1 : i32
    %dma_start3A_329 = arith.constant 0 : i32
    %dma_start3A_330 = tpu.memref_slice %arg10[%dma_start3A_328, %dma_start3A_329] : memref<2x16xi32, #tpu.memory_space<vmem>> -> memref<1x16xi32, #tpu.memory_space<vmem>>
    %dma_start3A_331 = tpu.memref_squeeze %dma_start3A_330 : memref<1x16xi32, #tpu.memory_space<vmem>> -> memref<16xi32, #tpu.memory_space<vmem>>
    %dma_start3A_332 = tpu.memref_slice %arg4[%add3A_318] : memref<4096xi32, #tpu.memory_space<hbm>> -> memref<16xi32, #tpu.memory_space<hbm>>
    %dma_start3A_333 = arith.constant 0 : i32
    %dma_start3A_334 = tpu.memref_slice %arg10[%dma_start3A_328, %dma_start3A_333] : memref<2x16xi32, #tpu.memory_space<vmem>> -> memref<1x16xi32, #tpu.memory_space<vmem>>
    %dma_start3A_335 = tpu.memref_squeeze %dma_start3A_334 : memref<1x16xi32, #tpu.memory_space<vmem>> -> memref<16xi32, #tpu.memory_space<vmem>>
    %dma_start3A_336 = tpu.memref_slice %arg4[%add3A_318] : memref<4096xi32, #tpu.memory_space<hbm>> -> memref<16xi32, #tpu.memory_space<hbm>>
    tpu.enqueue_dma source(%dma_start3A_336 : memref<16xi32, #tpu.memory_space<hbm>>) target(%dma_start3A_335 : memref<16xi32, #tpu.memory_space<vmem>>) target_semaphore(%arg11 : memref<!tpu.dma_semaphore, #tpu.memory_space<semaphore_mem>>)
    %dma_wait3A_337 = arith.constant 1 : i32
    %dma_wait3A_338 = arith.constant 0 : i32
    %dma_wait3A_339 = tpu.memref_slice %arg9[%dma_wait3A_337, %dma_wait3A_338] : memref<2x16xi32, #tpu.memory_space<vmem>> -> memref<1x16xi32, #tpu.memory_space<vmem>>
    %dma_wait3A_340 = tpu.memref_squeeze %dma_wait3A_339 : memref<1x16xi32, #tpu.memory_space<vmem>> -> memref<16xi32, #tpu.memory_space<vmem>>
    %dma_wait3A_341 = tpu.memref_slice %arg3[%add3A_318] : memref<4096xi32, #tpu.memory_space<hbm>> -> memref<16xi32, #tpu.memory_space<hbm>>
    %dma_wait3A_342 = arith.constant 0 : i32
    %dma_wait3A_343 = tpu.memref_slice %arg9[%dma_wait3A_337, %dma_wait3A_342] : memref<2x16xi32, #tpu.memory_space<vmem>> -> memref<1x16xi32, #tpu.memory_space<vmem>>
    %dma_wait3A_344 = tpu.memref_squeeze %dma_wait3A_343 : memref<1x16xi32, #tpu.memory_space<vmem>> -> memref<16xi32, #tpu.memory_space<vmem>>
    %dma_wait3A_345 = tpu.memref_slice %arg3[%add3A_318] : memref<4096xi32, #tpu.memory_space<hbm>> -> memref<16xi32, #tpu.memory_space<hbm>>
    tpu.wait_dma2 semaphore(%arg11 : memref<!tpu.dma_semaphore, #tpu.memory_space<semaphore_mem>>) src(%dma_wait3A_345 : memref<16xi32, #tpu.memory_space<hbm>>) dst(%dma_wait3A_344 : memref<16xi32, #tpu.memory_space<vmem>>)
    %dma_wait3A_346 = arith.constant 1 : i32
    %dma_wait3A_347 = arith.constant 0 : i32
    %dma_wait3A_348 = tpu.memref_slice %arg10[%dma_wait3A_346, %dma_wait3A_347] : memref<2x16xi32, #tpu.memory_space<vmem>> -> memref<1x16xi32, #tpu.memory_space<vmem>>
    %dma_wait3A_349 = tpu.memref_squeeze %dma_wait3A_348 : memref<1x16xi32, #tpu.memory_space<vmem>> -> memref<16xi32, #tpu.memory_space<vmem>>
    %dma_wait3A_350 = tpu.memref_slice %arg4[%add3A_318] : memref<4096xi32, #tpu.memory_space<hbm>> -> memref<16xi32, #tpu.memory_space<hbm>>
    %dma_wait3A_351 = arith.constant 0 : i32
    %dma_wait3A_352 = tpu.memref_slice %arg10[%dma_wait3A_346, %dma_wait3A_351] : memref<2x16xi32, #tpu.memory_space<vmem>> -> memref<1x16xi32, #tpu.memory_space<vmem>>
    %dma_wait3A_353 = tpu.memref_squeeze %dma_wait3A_352 : memref<1x16xi32, #tpu.memory_space<vmem>> -> memref<16xi32, #tpu.memory_space<vmem>>
    %dma_wait3A_354 = tpu.memref_slice %arg4[%add3A_318] : memref<4096xi32, #tpu.memory_space<hbm>> -> memref<16xi32, #tpu.memory_space<hbm>>
    tpu.wait_dma2 semaphore(%arg11 : memref<!tpu.dma_semaphore, #tpu.memory_space<semaphore_mem>>) src(%dma_wait3A_354 : memref<16xi32, #tpu.memory_space<hbm>>) dst(%dma_wait3A_353 : memref<16xi32, #tpu.memory_space<vmem>>)
    %dma_wait3A_355 = arith.constant 1 : i32
    %dma_wait3A_356 = arith.constant 0 : i32
    %dma_wait3A_357 = arith.constant 0 : i32
    %dma_wait3A_358 = tpu.memref_slice %arg7[%dma_wait3A_355, %dma_wait3A_356, %dma_wait3A_357] : memref<2x16x1024xf32, #tpu.memory_space<vmem>> -> memref<1x16x1024xf32, #tpu.memory_space<vmem>>
    %dma_wait3A_359 = tpu.memref_squeeze %dma_wait3A_358 : memref<1x16x1024xf32, #tpu.memory_space<vmem>> -> memref<16x1024xf32, #tpu.memory_space<vmem>>
    %dma_wait3A_360 = arith.constant 0 : i32
    %dma_wait3A_361 = tpu.memref_slice %arg5[%add3A_290, %dma_wait3A_360] : memref<4096x1024xf32, #tpu.memory_space<hbm>> -> memref<16x1024xf32, #tpu.memory_space<hbm>>
    %dma_wait3A_362 = arith.constant 0 : i32
    %dma_wait3A_363 = tpu.memref_slice %arg5[%add3A_290, %dma_wait3A_362] : memref<4096x1024xf32, #tpu.memory_space<hbm>> -> memref<16x1024xf32, #tpu.memory_space<hbm>>
    %dma_wait3A_364 = arith.constant 0 : i32
    %dma_wait3A_365 = arith.constant 0 : i32
    %dma_wait3A_366 = tpu.memref_slice %arg7[%dma_wait3A_355, %dma_wait3A_364, %dma_wait3A_365] : memref<2x16x1024xf32, #tpu.memory_space<vmem>> -> memref<1x16x1024xf32, #tpu.memory_space<vmem>>
    %dma_wait3A_367 = tpu.memref_squeeze %dma_wait3A_366 : memref<1x16x1024xf32, #tpu.memory_space<vmem>> -> memref<16x1024xf32, #tpu.memory_space<vmem>>
    tpu.wait_dma2 semaphore(%arg13 : memref<!tpu.dma_semaphore, #tpu.memory_space<semaphore_mem>>) src(%dma_wait3A_367 : memref<16x1024xf32, #tpu.memory_space<vmem>>) dst(%dma_wait3A_363 : memref<16x1024xf32, #tpu.memory_space<hbm>>)
    %dma_wait3A_368 = arith.constant 1 : i32
    %dma_wait3A_369 = arith.constant 0 : i32
    %dma_wait3A_370 = arith.constant 0 : i32
    %dma_wait3A_371 = tpu.memref_slice %arg8[%dma_wait3A_368, %dma_wait3A_369, %dma_wait3A_370] : memref<2x16x1024xf32, #tpu.memory_space<vmem>> -> memref<1x16x1024xf32, #tpu.memory_space<vmem>>
    %dma_wait3A_372 = tpu.memref_squeeze %dma_wait3A_371 : memref<1x16x1024xf32, #tpu.memory_space<vmem>> -> memref<16x1024xf32, #tpu.memory_space<vmem>>
    %dma_wait3A_373 = arith.constant 0 : i32
    %dma_wait3A_374 = tpu.memref_slice %arg6[%add3A_290, %dma_wait3A_373] : memref<4096x1024xf32, #tpu.memory_space<hbm>> -> memref<16x1024xf32, #tpu.memory_space<hbm>>
    %dma_wait3A_375 = arith.constant 0 : i32
    %dma_wait3A_376 = tpu.memref_slice %arg6[%add3A_290, %dma_wait3A_375] : memref<4096x1024xf32, #tpu.memory_space<hbm>> -> memref<16x1024xf32, #tpu.memory_space<hbm>>
    %dma_wait3A_377 = arith.constant 0 : i32
    %dma_wait3A_378 = arith.constant 0 : i32
    %dma_wait3A_379 = tpu.memref_slice %arg8[%dma_wait3A_368, %dma_wait3A_377, %dma_wait3A_378] : memref<2x16x1024xf32, #tpu.memory_space<vmem>> -> memref<1x16x1024xf32, #tpu.memory_space<vmem>>
    %dma_wait3A_380 = tpu.memref_squeeze %dma_wait3A_379 : memref<1x16x1024xf32, #tpu.memory_space<vmem>> -> memref<16x1024xf32, #tpu.memory_space<vmem>>
    tpu.wait_dma2 semaphore(%arg13 : memref<!tpu.dma_semaphore, #tpu.memory_space<semaphore_mem>>) src(%dma_wait3A_380 : memref<16x1024xf32, #tpu.memory_space<vmem>>) dst(%dma_wait3A_376 : memref<16x1024xf32, #tpu.memory_space<hbm>>)
    %dma_start3A_381 = arith.constant 1 : i32
    %dma_start3A_382 = arith.constant 1 : i32
    %dma_start3A_383 = arith.constant 0 : i32
    %dma_start3A_384 = arith.constant 0 : i32
    %dma_start3A_385 = tpu.memref_slice %arg7[%dma_start3A_382, %dma_start3A_383, %dma_start3A_384] : memref<2x16x1024xf32, #tpu.memory_space<vmem>> -> memref<1x16x1024xf32, #tpu.memory_space<vmem>>
    %dma_start3A_386 = tpu.memref_squeeze %dma_start3A_385 : memref<1x16x1024xf32, #tpu.memory_space<vmem>> -> memref<16x1024xf32, #tpu.memory_space<vmem>>
    %dma_start3A_387 = arith.constant 0 : i32
    %dma_start3A_388 = tpu.memref_slice %arg9[%dma_start3A_381, %dma_start3A_387] : memref<2x16xi32, #tpu.memory_space<vmem>> -> memref<1x16xi32, #tpu.memory_space<vmem>>
    %dma_start3A_389 = tpu.memref_squeeze %dma_start3A_388 : memref<1x16xi32, #tpu.memory_space<vmem>> -> memref<16xi32, #tpu.memory_space<vmem>>
    %dma_start3A_390 = arith.constant 0 : i32
    %dma_start3A_391 = arith.constant 0 : i32
    %dma_start3A_392 = tpu.memref_slice %arg2[%dma_start3A_390, %dma_start3A_391] : memref<9216x1024xf32, #tpu.memory_space<hbm>> -> memref<9216x1024xf32, #tpu.memory_space<hbm>>
    tpu.enqueue_indirect_dma source(%dma_start3A_392 : memref<9216x1024xf32, #tpu.memory_space<hbm>>) target(%dma_start3A_386 : memref<16x1024xf32, #tpu.memory_space<vmem>>) offsets(%dma_start3A_389 : memref<16xi32, #tpu.memory_space<vmem>>) semaphore(%arg12 : memref<!tpu.dma_semaphore, #tpu.memory_space<semaphore_mem>>)
    %dma_start3A_393 = arith.constant 1 : i32
    %dma_start3A_394 = arith.constant 1 : i32
    %dma_start3A_395 = arith.constant 0 : i32
    %dma_start3A_396 = arith.constant 0 : i32
    %dma_start3A_397 = tpu.memref_slice %arg8[%dma_start3A_394, %dma_start3A_395, %dma_start3A_396] : memref<2x16x1024xf32, #tpu.memory_space<vmem>> -> memref<1x16x1024xf32, #tpu.memory_space<vmem>>
    %dma_start3A_398 = tpu.memref_squeeze %dma_start3A_397 : memref<1x16x1024xf32, #tpu.memory_space<vmem>> -> memref<16x1024xf32, #tpu.memory_space<vmem>>
    %dma_start3A_399 = arith.constant 0 : i32
    %dma_start3A_400 = tpu.memref_slice %arg10[%dma_start3A_393, %dma_start3A_399] : memref<2x16xi32, #tpu.memory_space<vmem>> -> memref<1x16xi32, #tpu.memory_space<vmem>>
    %dma_start3A_401 = tpu.memref_squeeze %dma_start3A_400 : memref<1x16xi32, #tpu.memory_space<vmem>> -> memref<16xi32, #tpu.memory_space<vmem>>
    %dma_start3A_402 = arith.constant 0 : i32
    %dma_start3A_403 = arith.constant 0 : i32
    %dma_start3A_404 = tpu.memref_slice %arg2[%dma_start3A_402, %dma_start3A_403] : memref<9216x1024xf32, #tpu.memory_space<hbm>> -> memref<9216x1024xf32, #tpu.memory_space<hbm>>
    tpu.enqueue_indirect_dma source(%dma_start3A_404 : memref<9216x1024xf32, #tpu.memory_space<hbm>>) target(%dma_start3A_398 : memref<16x1024xf32, #tpu.memory_space<vmem>>) offsets(%dma_start3A_401 : memref<16xi32, #tpu.memory_space<vmem>>) semaphore(%arg12 : memref<!tpu.dma_semaphore, #tpu.memory_space<semaphore_mem>>)
    %dma_wait3A_405 = arith.constant 0 : i32
    %dma_wait3A_406 = arith.constant 0 : i32
    %dma_wait3A_407 = arith.constant 0 : i32
    %dma_wait3A_408 = arith.constant 0 : i32
    %dma_wait3A_409 = tpu.memref_slice %arg7[%dma_wait3A_406, %dma_wait3A_407, %dma_wait3A_408] : memref<2x16x1024xf32, #tpu.memory_space<vmem>> -> memref<1x16x1024xf32, #tpu.memory_space<vmem>>
    %dma_wait3A_410 = tpu.memref_squeeze %dma_wait3A_409 : memref<1x16x1024xf32, #tpu.memory_space<vmem>> -> memref<16x1024xf32, #tpu.memory_space<vmem>>
    %dma_wait3A_411 = arith.constant 0 : i32
    %dma_wait3A_412 = tpu.memref_slice %arg9[%dma_wait3A_405, %dma_wait3A_411] : memref<2x16xi32, #tpu.memory_space<vmem>> -> memref<1x16xi32, #tpu.memory_space<vmem>>
    %dma_wait3A_413 = tpu.memref_squeeze %dma_wait3A_412 : memref<1x16xi32, #tpu.memory_space<vmem>> -> memref<16xi32, #tpu.memory_space<vmem>>
    %dma_wait3A_414 = arith.constant 0 : i32
    %dma_wait3A_415 = arith.constant 0 : i32
    %dma_wait3A_416 = tpu.memref_slice %arg2[%dma_wait3A_414, %dma_wait3A_415] : memref<9216x1024xf32, #tpu.memory_space<hbm>> -> memref<9216x1024xf32, #tpu.memory_space<hbm>>
    tpu.wait_indirect_dma semaphore(%arg12 : memref<!tpu.dma_semaphore, #tpu.memory_space<semaphore_mem>>) src(%dma_wait3A_416 : memref<9216x1024xf32, #tpu.memory_space<hbm>>) dst(%dma_wait3A_410 : memref<16x1024xf32, #tpu.memory_space<vmem>>)
    %dma_wait3A_417 = arith.constant 0 : i32
    %dma_wait3A_418 = arith.constant 0 : i32
    %dma_wait3A_419 = arith.constant 0 : i32
    %dma_wait3A_420 = arith.constant 0 : i32
    %dma_wait3A_421 = tpu.memref_slice %arg8[%dma_wait3A_418, %dma_wait3A_419, %dma_wait3A_420] : memref<2x16x1024xf32, #tpu.memory_space<vmem>> -> memref<1x16x1024xf32, #tpu.memory_space<vmem>>
    %dma_wait3A_422 = tpu.memref_squeeze %dma_wait3A_421 : memref<1x16x1024xf32, #tpu.memory_space<vmem>> -> memref<16x1024xf32, #tpu.memory_space<vmem>>
    %dma_wait3A_423 = arith.constant 0 : i32
    %dma_wait3A_424 = tpu.memref_slice %arg10[%dma_wait3A_417, %dma_wait3A_423] : memref<2x16xi32, #tpu.memory_space<vmem>> -> memref<1x16xi32, #tpu.memory_space<vmem>>
    %dma_wait3A_425 = tpu.memref_squeeze %dma_wait3A_424 : memref<1x16xi32, #tpu.memory_space<vmem>> -> memref<16xi32, #tpu.memory_space<vmem>>
    %dma_wait3A_426 = arith.constant 0 : i32
    %dma_wait3A_427 = arith.constant 0 : i32
    %dma_wait3A_428 = tpu.memref_slice %arg2[%dma_wait3A_426, %dma_wait3A_427] : memref<9216x1024xf32, #tpu.memory_space<hbm>> -> memref<9216x1024xf32, #tpu.memory_space<hbm>>
    tpu.wait_indirect_dma semaphore(%arg12 : memref<!tpu.dma_semaphore, #tpu.memory_space<semaphore_mem>>) src(%dma_wait3A_428 : memref<9216x1024xf32, #tpu.memory_space<hbm>>) dst(%dma_wait3A_422 : memref<16x1024xf32, #tpu.memory_space<vmem>>)
    %add3A_429 = arith.constant 32 : i32
    %add3A_430 = arith.addi %mul3A_2, %add3A_429 : i32
    %dma_start3A_431 = arith.constant 0 : i32
    %dma_start3A_432 = arith.constant 0 : i32
    %dma_start3A_433 = arith.constant 0 : i32
    %dma_start3A_434 = tpu.memref_slice %arg7[%dma_start3A_431, %dma_start3A_432, %dma_start3A_433] : memref<2x16x1024xf32, #tpu.memory_space<vmem>> -> memref<1x16x1024xf32, #tpu.memory_space<vmem>>
    %dma_start3A_435 = tpu.memref_squeeze %dma_start3A_434 : memref<1x16x1024xf32, #tpu.memory_space<vmem>> -> memref<16x1024xf32, #tpu.memory_space<vmem>>
    %dma_start3A_436 = arith.constant 0 : i32
    %dma_start3A_437 = tpu.memref_slice %arg5[%add3A_430, %dma_start3A_436] : memref<4096x1024xf32, #tpu.memory_space<hbm>> -> memref<16x1024xf32, #tpu.memory_space<hbm>>
    %dma_start3A_438 = arith.constant 0 : i32
    %dma_start3A_439 = tpu.memref_slice %arg5[%add3A_430, %dma_start3A_438] : memref<4096x1024xf32, #tpu.memory_space<hbm>> -> memref<16x1024xf32, #tpu.memory_space<hbm>>
    %dma_start3A_440 = arith.constant 0 : i32
    %dma_start3A_441 = arith.constant 0 : i32
    %dma_start3A_442 = tpu.memref_slice %arg7[%dma_start3A_431, %dma_start3A_440, %dma_start3A_441] : memref<2x16x1024xf32, #tpu.memory_space<vmem>> -> memref<1x16x1024xf32, #tpu.memory_space<vmem>>
    %dma_start3A_443 = tpu.memref_squeeze %dma_start3A_442 : memref<1x16x1024xf32, #tpu.memory_space<vmem>> -> memref<16x1024xf32, #tpu.memory_space<vmem>>
    tpu.enqueue_dma source(%dma_start3A_443 : memref<16x1024xf32, #tpu.memory_space<vmem>>) target(%dma_start3A_439 : memref<16x1024xf32, #tpu.memory_space<hbm>>) target_semaphore(%arg13 : memref<!tpu.dma_semaphore, #tpu.memory_space<semaphore_mem>>)
    %dma_start3A_444 = arith.constant 0 : i32
    %dma_start3A_445 = arith.constant 0 : i32
    %dma_start3A_446 = arith.constant 0 : i32
    %dma_start3A_447 = tpu.memref_slice %arg8[%dma_start3A_444, %dma_start3A_445, %dma_start3A_446] : memref<2x16x1024xf32, #tpu.memory_space<vmem>> -> memref<1x16x1024xf32, #tpu.memory_space<vmem>>
    %dma_start3A_448 = tpu.memref_squeeze %dma_start3A_447 : memref<1x16x1024xf32, #tpu.memory_space<vmem>> -> memref<16x1024xf32, #tpu.memory_space<vmem>>
    %dma_start3A_449 = arith.constant 0 : i32
    %dma_start3A_450 = tpu.memref_slice %arg6[%add3A_430, %dma_start3A_449] : memref<4096x1024xf32, #tpu.memory_space<hbm>> -> memref<16x1024xf32, #tpu.memory_space<hbm>>
    %dma_start3A_451 = arith.constant 0 : i32
    %dma_start3A_452 = tpu.memref_slice %arg6[%add3A_430, %dma_start3A_451] : memref<4096x1024xf32, #tpu.memory_space<hbm>> -> memref<16x1024xf32, #tpu.memory_space<hbm>>
    %dma_start3A_453 = arith.constant 0 : i32
    %dma_start3A_454 = arith.constant 0 : i32
    %dma_start3A_455 = tpu.memref_slice %arg8[%dma_start3A_444, %dma_start3A_453, %dma_start3A_454] : memref<2x16x1024xf32, #tpu.memory_space<vmem>> -> memref<1x16x1024xf32, #tpu.memory_space<vmem>>
    %dma_start3A_456 = tpu.memref_squeeze %dma_start3A_455 : memref<1x16x1024xf32, #tpu.memory_space<vmem>> -> memref<16x1024xf32, #tpu.memory_space<vmem>>
    tpu.enqueue_dma source(%dma_start3A_456 : memref<16x1024xf32, #tpu.memory_space<vmem>>) target(%dma_start3A_452 : memref<16x1024xf32, #tpu.memory_space<hbm>>) target_semaphore(%arg13 : memref<!tpu.dma_semaphore, #tpu.memory_space<semaphore_mem>>)
    %add3A_457 = arith.constant 64 : i32
    %add3A_458 = arith.addi %mul3A_2, %add3A_457 : i32
    %dma_start3A_459 = arith.constant 0 : i32
    %dma_start3A_460 = arith.constant 0 : i32
    %dma_start3A_461 = tpu.memref_slice %arg9[%dma_start3A_459, %dma_start3A_460] : memref<2x16xi32, #tpu.memory_space<vmem>> -> memref<1x16xi32, #tpu.memory_space<vmem>>
    %dma_start3A_462 = tpu.memref_squeeze %dma_start3A_461 : memref<1x16xi32, #tpu.memory_space<vmem>> -> memref<16xi32, #tpu.memory_space<vmem>>
    %dma_start3A_463 = tpu.memref_slice %arg3[%add3A_458] : memref<4096xi32, #tpu.memory_space<hbm>> -> memref<16xi32, #tpu.memory_space<hbm>>
    %dma_start3A_464 = arith.constant 0 : i32
    %dma_start3A_465 = tpu.memref_slice %arg9[%dma_start3A_459, %dma_start3A_464] : memref<2x16xi32, #tpu.memory_space<vmem>> -> memref<1x16xi32, #tpu.memory_space<vmem>>
    %dma_start3A_466 = tpu.memref_squeeze %dma_start3A_465 : memref<1x16xi32, #tpu.memory_space<vmem>> -> memref<16xi32, #tpu.memory_space<vmem>>
    %dma_start3A_467 = tpu.memref_slice %arg3[%add3A_458] : memref<4096xi32, #tpu.memory_space<hbm>> -> memref<16xi32, #tpu.memory_space<hbm>>
    tpu.enqueue_dma source(%dma_start3A_467 : memref<16xi32, #tpu.memory_space<hbm>>) target(%dma_start3A_466 : memref<16xi32, #tpu.memory_space<vmem>>) target_semaphore(%arg11 : memref<!tpu.dma_semaphore, #tpu.memory_space<semaphore_mem>>)
    %dma_start3A_468 = arith.constant 0 : i32
    %dma_start3A_469 = arith.constant 0 : i32
    %dma_start3A_470 = tpu.memref_slice %arg10[%dma_start3A_468, %dma_start3A_469] : memref<2x16xi32, #tpu.memory_space<vmem>> -> memref<1x16xi32, #tpu.memory_space<vmem>>
    %dma_start3A_471 = tpu.memref_squeeze %dma_start3A_470 : memref<1x16xi32, #tpu.memory_space<vmem>> -> memref<16xi32, #tpu.memory_space<vmem>>
    %dma_start3A_472 = tpu.memref_slice %arg4[%add3A_458] : memref<4096xi32, #tpu.memory_space<hbm>> -> memref<16xi32, #tpu.memory_space<hbm>>
    %dma_start3A_473 = arith.constant 0 : i32
    %dma_start3A_474 = tpu.memref_slice %arg10[%dma_start3A_468, %dma_start3A_473] : memref<2x16xi32, #tpu.memory_space<vmem>> -> memref<1x16xi32, #tpu.memory_space<vmem>>
    %dma_start3A_475 = tpu.memref_squeeze %dma_start3A_474 : memref<1x16xi32, #tpu.memory_space<vmem>> -> memref<16xi32, #tpu.memory_space<vmem>>
    %dma_start3A_476 = tpu.memref_slice %arg4[%add3A_458] : memref<4096xi32, #tpu.memory_space<hbm>> -> memref<16xi32, #tpu.memory_space<hbm>>
    tpu.enqueue_dma source(%dma_start3A_476 : memref<16xi32, #tpu.memory_space<hbm>>) target(%dma_start3A_475 : memref<16xi32, #tpu.memory_space<vmem>>) target_semaphore(%arg11 : memref<!tpu.dma_semaphore, #tpu.memory_space<semaphore_mem>>)
    %dma_wait3A_477 = arith.constant 0 : i32
    %dma_wait3A_478 = arith.constant 0 : i32
    %dma_wait3A_479 = tpu.memref_slice %arg9[%dma_wait3A_477, %dma_wait3A_478] : memref<2x16xi32, #tpu.memory_space<vmem>> -> memref<1x16xi32, #tpu.memory_space<vmem>>
    %dma_wait3A_480 = tpu.memref_squeeze %dma_wait3A_479 : memref<1x16xi32, #tpu.memory_space<vmem>> -> memref<16xi32, #tpu.memory_space<vmem>>
    %dma_wait3A_481 = tpu.memref_slice %arg3[%add3A_458] : memref<4096xi32, #tpu.memory_space<hbm>> -> memref<16xi32, #tpu.memory_space<hbm>>
    %dma_wait3A_482 = arith.constant 0 : i32
    %dma_wait3A_483 = tpu.memref_slice %arg9[%dma_wait3A_477, %dma_wait3A_482] : memref<2x16xi32, #tpu.memory_space<vmem>> -> memref<1x16xi32, #tpu.memory_space<vmem>>
    %dma_wait3A_484 = tpu.memref_squeeze %dma_wait3A_483 : memref<1x16xi32, #tpu.memory_space<vmem>> -> memref<16xi32, #tpu.memory_space<vmem>>
    %dma_wait3A_485 = tpu.memref_slice %arg3[%add3A_458] : memref<4096xi32, #tpu.memory_space<hbm>> -> memref<16xi32, #tpu.memory_space<hbm>>
    tpu.wait_dma2 semaphore(%arg11 : memref<!tpu.dma_semaphore, #tpu.memory_space<semaphore_mem>>) src(%dma_wait3A_485 : memref<16xi32, #tpu.memory_space<hbm>>) dst(%dma_wait3A_484 : memref<16xi32, #tpu.memory_space<vmem>>)
    %dma_wait3A_486 = arith.constant 0 : i32
    %dma_wait3A_487 = arith.constant 0 : i32
    %dma_wait3A_488 = tpu.memref_slice %arg10[%dma_wait3A_486, %dma_wait3A_487] : memref<2x16xi32, #tpu.memory_space<vmem>> -> memref<1x16xi32, #tpu.memory_space<vmem>>
    %dma_wait3A_489 = tpu.memref_squeeze %dma_wait3A_488 : memref<1x16xi32, #tpu.memory_space<vmem>> -> memref<16xi32, #tpu.memory_space<vmem>>
    %dma_wait3A_490 = tpu.memref_slice %arg4[%add3A_458] : memref<4096xi32, #tpu.memory_space<hbm>> -> memref<16xi32, #tpu.memory_space<hbm>>
    %dma_wait3A_491 = arith.constant 0 : i32
    %dma_wait3A_492 = tpu.memref_slice %arg10[%dma_wait3A_486, %dma_wait3A_491] : memref<2x16xi32, #tpu.memory_space<vmem>> -> memref<1x16xi32, #tpu.memory_space<vmem>>
    %dma_wait3A_493 = tpu.memref_squeeze %dma_wait3A_492 : memref<1x16xi32, #tpu.memory_space<vmem>> -> memref<16xi32, #tpu.memory_space<vmem>>
    %dma_wait3A_494 = tpu.memref_slice %arg4[%add3A_458] : memref<4096xi32, #tpu.memory_space<hbm>> -> memref<16xi32, #tpu.memory_space<hbm>>
    tpu.wait_dma2 semaphore(%arg11 : memref<!tpu.dma_semaphore, #tpu.memory_space<semaphore_mem>>) src(%dma_wait3A_494 : memref<16xi32, #tpu.memory_space<hbm>>) dst(%dma_wait3A_493 : memref<16xi32, #tpu.memory_space<vmem>>)
    %dma_wait3A_495 = arith.constant 0 : i32
    %dma_wait3A_496 = arith.constant 0 : i32
    %dma_wait3A_497 = arith.constant 0 : i32
    %dma_wait3A_498 = tpu.memref_slice %arg7[%dma_wait3A_495, %dma_wait3A_496, %dma_wait3A_497] : memref<2x16x1024xf32, #tpu.memory_space<vmem>> -> memref<1x16x1024xf32, #tpu.memory_space<vmem>>
    %dma_wait3A_499 = tpu.memref_squeeze %dma_wait3A_498 : memref<1x16x1024xf32, #tpu.memory_space<vmem>> -> memref<16x1024xf32, #tpu.memory_space<vmem>>
    %dma_wait3A_500 = arith.constant 0 : i32
    %dma_wait3A_501 = tpu.memref_slice %arg5[%add3A_430, %dma_wait3A_500] : memref<4096x1024xf32, #tpu.memory_space<hbm>> -> memref<16x1024xf32, #tpu.memory_space<hbm>>
    %dma_wait3A_502 = arith.constant 0 : i32
    %dma_wait3A_503 = tpu.memref_slice %arg5[%add3A_430, %dma_wait3A_502] : memref<4096x1024xf32, #tpu.memory_space<hbm>> -> memref<16x1024xf32, #tpu.memory_space<hbm>>
    %dma_wait3A_504 = arith.constant 0 : i32
    %dma_wait3A_505 = arith.constant 0 : i32
    %dma_wait3A_506 = tpu.memref_slice %arg7[%dma_wait3A_495, %dma_wait3A_504, %dma_wait3A_505] : memref<2x16x1024xf32, #tpu.memory_space<vmem>> -> memref<1x16x1024xf32, #tpu.memory_space<vmem>>
    %dma_wait3A_507 = tpu.memref_squeeze %dma_wait3A_506 : memref<1x16x1024xf32, #tpu.memory_space<vmem>> -> memref<16x1024xf32, #tpu.memory_space<vmem>>
    tpu.wait_dma2 semaphore(%arg13 : memref<!tpu.dma_semaphore, #tpu.memory_space<semaphore_mem>>) src(%dma_wait3A_507 : memref<16x1024xf32, #tpu.memory_space<vmem>>) dst(%dma_wait3A_503 : memref<16x1024xf32, #tpu.memory_space<hbm>>)
    %dma_wait3A_508 = arith.constant 0 : i32
    %dma_wait3A_509 = arith.constant 0 : i32
    %dma_wait3A_510 = arith.constant 0 : i32
    %dma_wait3A_511 = tpu.memref_slice %arg8[%dma_wait3A_508, %dma_wait3A_509, %dma_wait3A_510] : memref<2x16x1024xf32, #tpu.memory_space<vmem>> -> memref<1x16x1024xf32, #tpu.memory_space<vmem>>
    %dma_wait3A_512 = tpu.memref_squeeze %dma_wait3A_511 : memref<1x16x1024xf32, #tpu.memory_space<vmem>> -> memref<16x1024xf32, #tpu.memory_space<vmem>>
    %dma_wait3A_513 = arith.constant 0 : i32
    %dma_wait3A_514 = tpu.memref_slice %arg6[%add3A_430, %dma_wait3A_513] : memref<4096x1024xf32, #tpu.memory_space<hbm>> -> memref<16x1024xf32, #tpu.memory_space<hbm>>
    %dma_wait3A_515 = arith.constant 0 : i32
    %dma_wait3A_516 = tpu.memref_slice %arg6[%add3A_430, %dma_wait3A_515] : memref<4096x1024xf32, #tpu.memory_space<hbm>> -> memref<16x1024xf32, #tpu.memory_space<hbm>>
    %dma_wait3A_517 = arith.constant 0 : i32
    %dma_wait3A_518 = arith.constant 0 : i32
    %dma_wait3A_519 = tpu.memref_slice %arg8[%dma_wait3A_508, %dma_wait3A_517, %dma_wait3A_518] : memref<2x16x1024xf32, #tpu.memory_space<vmem>> -> memref<1x16x1024xf32, #tpu.memory_space<vmem>>
    %dma_wait3A_520 = tpu.memref_squeeze %dma_wait3A_519 : memref<1x16x1024xf32, #tpu.memory_space<vmem>> -> memref<16x1024xf32, #tpu.memory_space<vmem>>
    tpu.wait_dma2 semaphore(%arg13 : memref<!tpu.dma_semaphore, #tpu.memory_space<semaphore_mem>>) src(%dma_wait3A_520 : memref<16x1024xf32, #tpu.memory_space<vmem>>) dst(%dma_wait3A_516 : memref<16x1024xf32, #tpu.memory_space<hbm>>)
    %dma_start3A_521 = arith.constant 0 : i32
    %dma_start3A_522 = arith.constant 0 : i32
    %dma_start3A_523 = arith.constant 0 : i32
    %dma_start3A_524 = arith.constant 0 : i32
    %dma_start3A_525 = tpu.memref_slice %arg7[%dma_start3A_522, %dma_start3A_523, %dma_start3A_524] : memref<2x16x1024xf32, #tpu.memory_space<vmem>> -> memref<1x16x1024xf32, #tpu.memory_space<vmem>>
    %dma_start3A_526 = tpu.memref_squeeze %dma_start3A_525 : memref<1x16x1024xf32, #tpu.memory_space<vmem>> -> memref<16x1024xf32, #tpu.memory_space<vmem>>
    %dma_start3A_527 = arith.constant 0 : i32
    %dma_start3A_528 = tpu.memref_slice %arg9[%dma_start3A_521, %dma_start3A_527] : memref<2x16xi32, #tpu.memory_space<vmem>> -> memref<1x16xi32, #tpu.memory_space<vmem>>
    %dma_start3A_529 = tpu.memref_squeeze %dma_start3A_528 : memref<1x16xi32, #tpu.memory_space<vmem>> -> memref<16xi32, #tpu.memory_space<vmem>>
    %dma_start3A_530 = arith.constant 0 : i32
    %dma_start3A_531 = arith.constant 0 : i32
    %dma_start3A_532 = tpu.memref_slice %arg2[%dma_start3A_530, %dma_start3A_531] : memref<9216x1024xf32, #tpu.memory_space<hbm>> -> memref<9216x1024xf32, #tpu.memory_space<hbm>>
    tpu.enqueue_indirect_dma source(%dma_start3A_532 : memref<9216x1024xf32, #tpu.memory_space<hbm>>) target(%dma_start3A_526 : memref<16x1024xf32, #tpu.memory_space<vmem>>) offsets(%dma_start3A_529 : memref<16xi32, #tpu.memory_space<vmem>>) semaphore(%arg12 : memref<!tpu.dma_semaphore, #tpu.memory_space<semaphore_mem>>)
    %dma_start3A_533 = arith.constant 0 : i32
    %dma_start3A_534 = arith.constant 0 : i32
    %dma_start3A_535 = arith.constant 0 : i32
    %dma_start3A_536 = arith.constant 0 : i32
    %dma_start3A_537 = tpu.memref_slice %arg8[%dma_start3A_534, %dma_start3A_535, %dma_start3A_536] : memref<2x16x1024xf32, #tpu.memory_space<vmem>> -> memref<1x16x1024xf32, #tpu.memory_space<vmem>>
    %dma_start3A_538 = tpu.memref_squeeze %dma_start3A_537 : memref<1x16x1024xf32, #tpu.memory_space<vmem>> -> memref<16x1024xf32, #tpu.memory_space<vmem>>
    %dma_start3A_539 = arith.constant 0 : i32
    %dma_start3A_540 = tpu.memref_slice %arg10[%dma_start3A_533, %dma_start3A_539] : memref<2x16xi32, #tpu.memory_space<vmem>> -> memref<1x16xi32, #tpu.memory_space<vmem>>
    %dma_start3A_541 = tpu.memref_squeeze %dma_start3A_540 : memref<1x16xi32, #tpu.memory_space<vmem>> -> memref<16xi32, #tpu.memory_space<vmem>>
    %dma_start3A_542 = arith.constant 0 : i32
    %dma_start3A_543 = arith.constant 0 : i32
    %dma_start3A_544 = tpu.memref_slice %arg2[%dma_start3A_542, %dma_start3A_543] : memref<9216x1024xf32, #tpu.memory_space<hbm>> -> memref<9216x1024xf32, #tpu.memory_space<hbm>>
    tpu.enqueue_indirect_dma source(%dma_start3A_544 : memref<9216x1024xf32, #tpu.memory_space<hbm>>) target(%dma_start3A_538 : memref<16x1024xf32, #tpu.memory_space<vmem>>) offsets(%dma_start3A_541 : memref<16xi32, #tpu.memory_space<vmem>>) semaphore(%arg12 : memref<!tpu.dma_semaphore, #tpu.memory_space<semaphore_mem>>)
    %dma_wait3A_545 = arith.constant 1 : i32
    %dma_wait3A_546 = arith.constant 1 : i32
    %dma_wait3A_547 = arith.constant 0 : i32
    %dma_wait3A_548 = arith.constant 0 : i32
    %dma_wait3A_549 = tpu.memref_slice %arg7[%dma_wait3A_546, %dma_wait3A_547, %dma_wait3A_548] : memref<2x16x1024xf32, #tpu.memory_space<vmem>> -> memref<1x16x1024xf32, #tpu.memory_space<vmem>>
    %dma_wait3A_550 = tpu.memref_squeeze %dma_wait3A_549 : memref<1x16x1024xf32, #tpu.memory_space<vmem>> -> memref<16x1024xf32, #tpu.memory_space<vmem>>
    %dma_wait3A_551 = arith.constant 0 : i32
    %dma_wait3A_552 = tpu.memref_slice %arg9[%dma_wait3A_545, %dma_wait3A_551] : memref<2x16xi32, #tpu.memory_space<vmem>> -> memref<1x16xi32, #tpu.memory_space<vmem>>
    %dma_wait3A_553 = tpu.memref_squeeze %dma_wait3A_552 : memref<1x16xi32, #tpu.memory_space<vmem>> -> memref<16xi32, #tpu.memory_space<vmem>>
    %dma_wait3A_554 = arith.constant 0 : i32
    %dma_wait3A_555 = arith.constant 0 : i32
    %dma_wait3A_556 = tpu.memref_slice %arg2[%dma_wait3A_554, %dma_wait3A_555] : memref<9216x1024xf32, #tpu.memory_space<hbm>> -> memref<9216x1024xf32, #tpu.memory_space<hbm>>
    tpu.wait_indirect_dma semaphore(%arg12 : memref<!tpu.dma_semaphore, #tpu.memory_space<semaphore_mem>>) src(%dma_wait3A_556 : memref<9216x1024xf32, #tpu.memory_space<hbm>>) dst(%dma_wait3A_550 : memref<16x1024xf32, #tpu.memory_space<vmem>>)
    %dma_wait3A_557 = arith.constant 1 : i32
    %dma_wait3A_558 = arith.constant 1 : i32
    %dma_wait3A_559 = arith.constant 0 : i32
    %dma_wait3A_560 = arith.constant 0 : i32
    %dma_wait3A_561 = tpu.memref_slice %arg8[%dma_wait3A_558, %dma_wait3A_559, %dma_wait3A_560] : memref<2x16x1024xf32, #tpu.memory_space<vmem>> -> memref<1x16x1024xf32, #tpu.memory_space<vmem>>
    %dma_wait3A_562 = tpu.memref_squeeze %dma_wait3A_561 : memref<1x16x1024xf32, #tpu.memory_space<vmem>> -> memref<16x1024xf32, #tpu.memory_space<vmem>>
    %dma_wait3A_563 = arith.constant 0 : i32
    %dma_wait3A_564 = tpu.memref_slice %arg10[%dma_wait3A_557, %dma_wait3A_563] : memref<2x16xi32, #tpu.memory_space<vmem>> -> memref<1x16xi32, #tpu.memory_space<vmem>>
    %dma_wait3A_565 = tpu.memref_squeeze %dma_wait3A_564 : memref<1x16xi32, #tpu.memory_space<vmem>> -> memref<16xi32, #tpu.memory_space<vmem>>
    %dma_wait3A_566 = arith.constant 0 : i32
    %dma_wait3A_567 = arith.constant 0 : i32
    %dma_wait3A_568 = tpu.memref_slice %arg2[%dma_wait3A_566, %dma_wait3A_567] : memref<9216x1024xf32, #tpu.memory_space<hbm>> -> memref<9216x1024xf32, #tpu.memory_space<hbm>>
    tpu.wait_indirect_dma semaphore(%arg12 : memref<!tpu.dma_semaphore, #tpu.memory_space<semaphore_mem>>) src(%dma_wait3A_568 : memref<9216x1024xf32, #tpu.memory_space<hbm>>) dst(%dma_wait3A_562 : memref<16x1024xf32, #tpu.memory_space<vmem>>)
    %add3A_569 = arith.constant 48 : i32
    %add3A_570 = arith.addi %mul3A_2, %add3A_569 : i32
    %dma_start3A_571 = arith.constant 1 : i32
    %dma_start3A_572 = arith.constant 0 : i32
    %dma_start3A_573 = arith.constant 0 : i32
    %dma_start3A_574 = tpu.memref_slice %arg7[%dma_start3A_571, %dma_start3A_572, %dma_start3A_573] : memref<2x16x1024xf32, #tpu.memory_space<vmem>> -> memref<1x16x1024xf32, #tpu.memory_space<vmem>>
    %dma_start3A_575 = tpu.memref_squeeze %dma_start3A_574 : memref<1x16x1024xf32, #tpu.memory_space<vmem>> -> memref<16x1024xf32, #tpu.memory_space<vmem>>
    %dma_start3A_576 = arith.constant 0 : i32
    %dma_start3A_577 = tpu.memref_slice %arg5[%add3A_570, %dma_start3A_576] : memref<4096x1024xf32, #tpu.memory_space<hbm>> -> memref<16x1024xf32, #tpu.memory_space<hbm>>
    %dma_start3A_578 = arith.constant 0 : i32
    %dma_start3A_579 = tpu.memref_slice %arg5[%add3A_570, %dma_start3A_578] : memref<4096x1024xf32, #tpu.memory_space<hbm>> -> memref<16x1024xf32, #tpu.memory_space<hbm>>
    %dma_start3A_580 = arith.constant 0 : i32
    %dma_start3A_581 = arith.constant 0 : i32
    %dma_start3A_582 = tpu.memref_slice %arg7[%dma_start3A_571, %dma_start3A_580, %dma_start3A_581] : memref<2x16x1024xf32, #tpu.memory_space<vmem>> -> memref<1x16x1024xf32, #tpu.memory_space<vmem>>
    %dma_start3A_583 = tpu.memref_squeeze %dma_start3A_582 : memref<1x16x1024xf32, #tpu.memory_space<vmem>> -> memref<16x1024xf32, #tpu.memory_space<vmem>>
    tpu.enqueue_dma source(%dma_start3A_583 : memref<16x1024xf32, #tpu.memory_space<vmem>>) target(%dma_start3A_579 : memref<16x1024xf32, #tpu.memory_space<hbm>>) target_semaphore(%arg13 : memref<!tpu.dma_semaphore, #tpu.memory_space<semaphore_mem>>)
    %dma_start3A_584 = arith.constant 1 : i32
    %dma_start3A_585 = arith.constant 0 : i32
    %dma_start3A_586 = arith.constant 0 : i32
    %dma_start3A_587 = tpu.memref_slice %arg8[%dma_start3A_584, %dma_start3A_585, %dma_start3A_586] : memref<2x16x1024xf32, #tpu.memory_space<vmem>> -> memref<1x16x1024xf32, #tpu.memory_space<vmem>>
    %dma_start3A_588 = tpu.memref_squeeze %dma_start3A_587 : memref<1x16x1024xf32, #tpu.memory_space<vmem>> -> memref<16x1024xf32, #tpu.memory_space<vmem>>
    %dma_start3A_589 = arith.constant 0 : i32
    %dma_start3A_590 = tpu.memref_slice %arg6[%add3A_570, %dma_start3A_589] : memref<4096x1024xf32, #tpu.memory_space<hbm>> -> memref<16x1024xf32, #tpu.memory_space<hbm>>
    %dma_start3A_591 = arith.constant 0 : i32
    %dma_start3A_592 = tpu.memref_slice %arg6[%add3A_570, %dma_start3A_591] : memref<4096x1024xf32, #tpu.memory_space<hbm>> -> memref<16x1024xf32, #tpu.memory_space<hbm>>
    %dma_start3A_593 = arith.constant 0 : i32
    %dma_start3A_594 = arith.constant 0 : i32
    %dma_start3A_595 = tpu.memref_slice %arg8[%dma_start3A_584, %dma_start3A_593, %dma_start3A_594] : memref<2x16x1024xf32, #tpu.memory_space<vmem>> -> memref<1x16x1024xf32, #tpu.memory_space<vmem>>
    %dma_start3A_596 = tpu.memref_squeeze %dma_start3A_595 : memref<1x16x1024xf32, #tpu.memory_space<vmem>> -> memref<16x1024xf32, #tpu.memory_space<vmem>>
    tpu.enqueue_dma source(%dma_start3A_596 : memref<16x1024xf32, #tpu.memory_space<vmem>>) target(%dma_start3A_592 : memref<16x1024xf32, #tpu.memory_space<hbm>>) target_semaphore(%arg13 : memref<!tpu.dma_semaphore, #tpu.memory_space<semaphore_mem>>)
    %add3A_597 = arith.constant 80 : i32
    %add3A_598 = arith.addi %mul3A_2, %add3A_597 : i32
    %dma_start3A_599 = arith.constant 1 : i32
    %dma_start3A_600 = arith.constant 0 : i32
    %dma_start3A_601 = tpu.memref_slice %arg9[%dma_start3A_599, %dma_start3A_600] : memref<2x16xi32, #tpu.memory_space<vmem>> -> memref<1x16xi32, #tpu.memory_space<vmem>>
    %dma_start3A_602 = tpu.memref_squeeze %dma_start3A_601 : memref<1x16xi32, #tpu.memory_space<vmem>> -> memref<16xi32, #tpu.memory_space<vmem>>
    %dma_start3A_603 = tpu.memref_slice %arg3[%add3A_598] : memref<4096xi32, #tpu.memory_space<hbm>> -> memref<16xi32, #tpu.memory_space<hbm>>
    %dma_start3A_604 = arith.constant 0 : i32
    %dma_start3A_605 = tpu.memref_slice %arg9[%dma_start3A_599, %dma_start3A_604] : memref<2x16xi32, #tpu.memory_space<vmem>> -> memref<1x16xi32, #tpu.memory_space<vmem>>
    %dma_start3A_606 = tpu.memref_squeeze %dma_start3A_605 : memref<1x16xi32, #tpu.memory_space<vmem>> -> memref<16xi32, #tpu.memory_space<vmem>>
    %dma_start3A_607 = tpu.memref_slice %arg3[%add3A_598] : memref<4096xi32, #tpu.memory_space<hbm>> -> memref<16xi32, #tpu.memory_space<hbm>>
    tpu.enqueue_dma source(%dma_start3A_607 : memref<16xi32, #tpu.memory_space<hbm>>) target(%dma_start3A_606 : memref<16xi32, #tpu.memory_space<vmem>>) target_semaphore(%arg11 : memref<!tpu.dma_semaphore, #tpu.memory_space<semaphore_mem>>)
    %dma_start3A_608 = arith.constant 1 : i32
    %dma_start3A_609 = arith.constant 0 : i32
    %dma_start3A_610 = tpu.memref_slice %arg10[%dma_start3A_608, %dma_start3A_609] : memref<2x16xi32, #tpu.memory_space<vmem>> -> memref<1x16xi32, #tpu.memory_space<vmem>>
    %dma_start3A_611 = tpu.memref_squeeze %dma_start3A_610 : memref<1x16xi32, #tpu.memory_space<vmem>> -> memref<16xi32, #tpu.memory_space<vmem>>
    %dma_start3A_612 = tpu.memref_slice %arg4[%add3A_598] : memref<4096xi32, #tpu.memory_space<hbm>> -> memref<16xi32, #tpu.memory_space<hbm>>
    %dma_start3A_613 = arith.constant 0 : i32
    %dma_start3A_614 = tpu.memref_slice %arg10[%dma_start3A_608, %dma_start3A_613] : memref<2x16xi32, #tpu.memory_space<vmem>> -> memref<1x16xi32, #tpu.memory_space<vmem>>
    %dma_start3A_615 = tpu.memref_squeeze %dma_start3A_614 : memref<1x16xi32, #tpu.memory_space<vmem>> -> memref<16xi32, #tpu.memory_space<vmem>>
    %dma_start3A_616 = tpu.memref_slice %arg4[%add3A_598] : memref<4096xi32, #tpu.memory_space<hbm>> -> memref<16xi32, #tpu.memory_space<hbm>>
    tpu.enqueue_dma source(%dma_start3A_616 : memref<16xi32, #tpu.memory_space<hbm>>) target(%dma_start3A_615 : memref<16xi32, #tpu.memory_space<vmem>>) target_semaphore(%arg11 : memref<!tpu.dma_semaphore, #tpu.memory_space<semaphore_mem>>)
    %dma_wait3A_617 = arith.constant 1 : i32
    %dma_wait3A_618 = arith.constant 0 : i32
    %dma_wait3A_619 = tpu.memref_slice %arg9[%dma_wait3A_617, %dma_wait3A_618] : memref<2x16xi32, #tpu.memory_space<vmem>> -> memref<1x16xi32, #tpu.memory_space<vmem>>
    %dma_wait3A_620 = tpu.memref_squeeze %dma_wait3A_619 : memref<1x16xi32, #tpu.memory_space<vmem>> -> memref<16xi32, #tpu.memory_space<vmem>>
    %dma_wait3A_621 = tpu.memref_slice %arg3[%add3A_598] : memref<4096xi32, #tpu.memory_space<hbm>> -> memref<16xi32, #tpu.memory_space<hbm>>
    %dma_wait3A_622 = arith.constant 0 : i32
    %dma_wait3A_623 = tpu.memref_slice %arg9[%dma_wait3A_617, %dma_wait3A_622] : memref<2x16xi32, #tpu.memory_space<vmem>> -> memref<1x16xi32, #tpu.memory_space<vmem>>
    %dma_wait3A_624 = tpu.memref_squeeze %dma_wait3A_623 : memref<1x16xi32, #tpu.memory_space<vmem>> -> memref<16xi32, #tpu.memory_space<vmem>>
    %dma_wait3A_625 = tpu.memref_slice %arg3[%add3A_598] : memref<4096xi32, #tpu.memory_space<hbm>> -> memref<16xi32, #tpu.memory_space<hbm>>
    tpu.wait_dma2 semaphore(%arg11 : memref<!tpu.dma_semaphore, #tpu.memory_space<semaphore_mem>>) src(%dma_wait3A_625 : memref<16xi32, #tpu.memory_space<hbm>>) dst(%dma_wait3A_624 : memref<16xi32, #tpu.memory_space<vmem>>)
    %dma_wait3A_626 = arith.constant 1 : i32
    %dma_wait3A_627 = arith.constant 0 : i32
    %dma_wait3A_628 = tpu.memref_slice %arg10[%dma_wait3A_626, %dma_wait3A_627] : memref<2x16xi32, #tpu.memory_space<vmem>> -> memref<1x16xi32, #tpu.memory_space<vmem>>
    %dma_wait3A_629 = tpu.memref_squeeze %dma_wait3A_628 : memref<1x16xi32, #tpu.memory_space<vmem>> -> memref<16xi32, #tpu.memory_space<vmem>>
    %dma_wait3A_630 = tpu.memref_slice %arg4[%add3A_598] : memref<4096xi32, #tpu.memory_space<hbm>> -> memref<16xi32, #tpu.memory_space<hbm>>
    %dma_wait3A_631 = arith.constant 0 : i32
    %dma_wait3A_632 = tpu.memref_slice %arg10[%dma_wait3A_626, %dma_wait3A_631] : memref<2x16xi32, #tpu.memory_space<vmem>> -> memref<1x16xi32, #tpu.memory_space<vmem>>
    %dma_wait3A_633 = tpu.memref_squeeze %dma_wait3A_632 : memref<1x16xi32, #tpu.memory_space<vmem>> -> memref<16xi32, #tpu.memory_space<vmem>>
    %dma_wait3A_634 = tpu.memref_slice %arg4[%add3A_598] : memref<4096xi32, #tpu.memory_space<hbm>> -> memref<16xi32, #tpu.memory_space<hbm>>
    tpu.wait_dma2 semaphore(%arg11 : memref<!tpu.dma_semaphore, #tpu.memory_space<semaphore_mem>>) src(%dma_wait3A_634 : memref<16xi32, #tpu.memory_space<hbm>>) dst(%dma_wait3A_633 : memref<16xi32, #tpu.memory_space<vmem>>)
    %dma_wait3A_635 = arith.constant 1 : i32
    %dma_wait3A_636 = arith.constant 0 : i32
    %dma_wait3A_637 = arith.constant 0 : i32
    %dma_wait3A_638 = tpu.memref_slice %arg7[%dma_wait3A_635, %dma_wait3A_636, %dma_wait3A_637] : memref<2x16x1024xf32, #tpu.memory_space<vmem>> -> memref<1x16x1024xf32, #tpu.memory_space<vmem>>
    %dma_wait3A_639 = tpu.memref_squeeze %dma_wait3A_638 : memref<1x16x1024xf32, #tpu.memory_space<vmem>> -> memref<16x1024xf32, #tpu.memory_space<vmem>>
    %dma_wait3A_640 = arith.constant 0 : i32
    %dma_wait3A_641 = tpu.memref_slice %arg5[%add3A_570, %dma_wait3A_640] : memref<4096x1024xf32, #tpu.memory_space<hbm>> -> memref<16x1024xf32, #tpu.memory_space<hbm>>
    %dma_wait3A_642 = arith.constant 0 : i32
    %dma_wait3A_643 = tpu.memref_slice %arg5[%add3A_570, %dma_wait3A_642] : memref<4096x1024xf32, #tpu.memory_space<hbm>> -> memref<16x1024xf32, #tpu.memory_space<hbm>>
    %dma_wait3A_644 = arith.constant 0 : i32
    %dma_wait3A_645 = arith.constant 0 : i32
    %dma_wait3A_646 = tpu.memref_slice %arg7[%dma_wait3A_635, %dma_wait3A_644, %dma_wait3A_645] : memref<2x16x1024xf32, #tpu.memory_space<vmem>> -> memref<1x16x1024xf32, #tpu.memory_space<vmem>>
    %dma_wait3A_647 = tpu.memref_squeeze %dma_wait3A_646 : memref<1x16x1024xf32, #tpu.memory_space<vmem>> -> memref<16x1024xf32, #tpu.memory_space<vmem>>
    tpu.wait_dma2 semaphore(%arg13 : memref<!tpu.dma_semaphore, #tpu.memory_space<semaphore_mem>>) src(%dma_wait3A_647 : memref<16x1024xf32, #tpu.memory_space<vmem>>) dst(%dma_wait3A_643 : memref<16x1024xf32, #tpu.memory_space<hbm>>)
    %dma_wait3A_648 = arith.constant 1 : i32
    %dma_wait3A_649 = arith.constant 0 : i32
    %dma_wait3A_650 = arith.constant 0 : i32
    %dma_wait3A_651 = tpu.memref_slice %arg8[%dma_wait3A_648, %dma_wait3A_649, %dma_wait3A_650] : memref<2x16x1024xf32, #tpu.memory_space<vmem>> -> memref<1x16x1024xf32, #tpu.memory_space<vmem>>
    %dma_wait3A_652 = tpu.memref_squeeze %dma_wait3A_651 : memref<1x16x1024xf32, #tpu.memory_space<vmem>> -> memref<16x1024xf32, #tpu.memory_space<vmem>>
    %dma_wait3A_653 = arith.constant 0 : i32
    %dma_wait3A_654 = tpu.memref_slice %arg6[%add3A_570, %dma_wait3A_653] : memref<4096x1024xf32, #tpu.memory_space<hbm>> -> memref<16x1024xf32, #tpu.memory_space<hbm>>
    %dma_wait3A_655 = arith.constant 0 : i32
    %dma_wait3A_656 = tpu.memref_slice %arg6[%add3A_570, %dma_wait3A_655] : memref<4096x1024xf32, #tpu.memory_space<hbm>> -> memref<16x1024xf32, #tpu.memory_space<hbm>>
    %dma_wait3A_657 = arith.constant 0 : i32
    %dma_wait3A_658 = arith.constant 0 : i32
    %dma_wait3A_659 = tpu.memref_slice %arg8[%dma_wait3A_648, %dma_wait3A_657, %dma_wait3A_658] : memref<2x16x1024xf32, #tpu.memory_space<vmem>> -> memref<1x16x1024xf32, #tpu.memory_space<vmem>>
    %dma_wait3A_660 = tpu.memref_squeeze %dma_wait3A_659 : memref<1x16x1024xf32, #tpu.memory_space<vmem>> -> memref<16x1024xf32, #tpu.memory_space<vmem>>
    tpu.wait_dma2 semaphore(%arg13 : memref<!tpu.dma_semaphore, #tpu.memory_space<semaphore_mem>>) src(%dma_wait3A_660 : memref<16x1024xf32, #tpu.memory_space<vmem>>) dst(%dma_wait3A_656 : memref<16x1024xf32, #tpu.memory_space<hbm>>)
    %dma_start3A_661 = arith.constant 1 : i32
    %dma_start3A_662 = arith.constant 1 : i32
    %dma_start3A_663 = arith.constant 0 : i32
    %dma_start3A_664 = arith.constant 0 : i32
    %dma_start3A_665 = tpu.memref_slice %arg7[%dma_start3A_662, %dma_start3A_663, %dma_start3A_664] : memref<2x16x1024xf32, #tpu.memory_space<vmem>> -> memref<1x16x1024xf32, #tpu.memory_space<vmem>>
    %dma_start3A_666 = tpu.memref_squeeze %dma_start3A_665 : memref<1x16x1024xf32, #tpu.memory_space<vmem>> -> memref<16x1024xf32, #tpu.memory_space<vmem>>
    %dma_start3A_667 = arith.constant 0 : i32
    %dma_start3A_668 = tpu.memref_slice %arg9[%dma_start3A_661, %dma_start3A_667] : memref<2x16xi32, #tpu.memory_space<vmem>> -> memref<1x16xi32, #tpu.memory_space<vmem>>
    %dma_start3A_669 = tpu.memref_squeeze %dma_start3A_668 : memref<1x16xi32, #tpu.memory_space<vmem>> -> memref<16xi32, #tpu.memory_space<vmem>>
    %dma_start3A_670 = arith.constant 0 : i32
    %dma_start3A_671 = arith.constant 0 : i32
    %dma_start3A_672 = tpu.memref_slice %arg2[%dma_start3A_670, %dma_start3A_671] : memref<9216x1024xf32, #tpu.memory_space<hbm>> -> memref<9216x1024xf32, #tpu.memory_space<hbm>>
    tpu.enqueue_indirect_dma source(%dma_start3A_672 : memref<9216x1024xf32, #tpu.memory_space<hbm>>) target(%dma_start3A_666 : memref<16x1024xf32, #tpu.memory_space<vmem>>) offsets(%dma_start3A_669 : memref<16xi32, #tpu.memory_space<vmem>>) semaphore(%arg12 : memref<!tpu.dma_semaphore, #tpu.memory_space<semaphore_mem>>)
    %dma_start3A_673 = arith.constant 1 : i32
    %dma_start3A_674 = arith.constant 1 : i32
    %dma_start3A_675 = arith.constant 0 : i32
    %dma_start3A_676 = arith.constant 0 : i32
    %dma_start3A_677 = tpu.memref_slice %arg8[%dma_start3A_674, %dma_start3A_675, %dma_start3A_676] : memref<2x16x1024xf32, #tpu.memory_space<vmem>> -> memref<1x16x1024xf32, #tpu.memory_space<vmem>>
    %dma_start3A_678 = tpu.memref_squeeze %dma_start3A_677 : memref<1x16x1024xf32, #tpu.memory_space<vmem>> -> memref<16x1024xf32, #tpu.memory_space<vmem>>
    %dma_start3A_679 = arith.constant 0 : i32
    %dma_start3A_680 = tpu.memref_slice %arg10[%dma_start3A_673, %dma_start3A_679] : memref<2x16xi32, #tpu.memory_space<vmem>> -> memref<1x16xi32, #tpu.memory_space<vmem>>
    %dma_start3A_681 = tpu.memref_squeeze %dma_start3A_680 : memref<1x16xi32, #tpu.memory_space<vmem>> -> memref<16xi32, #tpu.memory_space<vmem>>
    %dma_start3A_682 = arith.constant 0 : i32
    %dma_start3A_683 = arith.constant 0 : i32
    %dma_start3A_684 = tpu.memref_slice %arg2[%dma_start3A_682, %dma_start3A_683] : memref<9216x1024xf32, #tpu.memory_space<hbm>> -> memref<9216x1024xf32, #tpu.memory_space<hbm>>
    tpu.enqueue_indirect_dma source(%dma_start3A_684 : memref<9216x1024xf32, #tpu.memory_space<hbm>>) target(%dma_start3A_678 : memref<16x1024xf32, #tpu.memory_space<vmem>>) offsets(%dma_start3A_681 : memref<16xi32, #tpu.memory_space<vmem>>) semaphore(%arg12 : memref<!tpu.dma_semaphore, #tpu.memory_space<semaphore_mem>>)
    %dma_wait3A_685 = arith.constant 0 : i32
    %dma_wait3A_686 = arith.constant 0 : i32
    %dma_wait3A_687 = arith.constant 0 : i32
    %dma_wait3A_688 = arith.constant 0 : i32
    %dma_wait3A_689 = tpu.memref_slice %arg7[%dma_wait3A_686, %dma_wait3A_687, %dma_wait3A_688] : memref<2x16x1024xf32, #tpu.memory_space<vmem>> -> memref<1x16x1024xf32, #tpu.memory_space<vmem>>
    %dma_wait3A_690 = tpu.memref_squeeze %dma_wait3A_689 : memref<1x16x1024xf32, #tpu.memory_space<vmem>> -> memref<16x1024xf32, #tpu.memory_space<vmem>>
    %dma_wait3A_691 = arith.constant 0 : i32
    %dma_wait3A_692 = tpu.memref_slice %arg9[%dma_wait3A_685, %dma_wait3A_691] : memref<2x16xi32, #tpu.memory_space<vmem>> -> memref<1x16xi32, #tpu.memory_space<vmem>>
    %dma_wait3A_693 = tpu.memref_squeeze %dma_wait3A_692 : memref<1x16xi32, #tpu.memory_space<vmem>> -> memref<16xi32, #tpu.memory_space<vmem>>
    %dma_wait3A_694 = arith.constant 0 : i32
    %dma_wait3A_695 = arith.constant 0 : i32
    %dma_wait3A_696 = tpu.memref_slice %arg2[%dma_wait3A_694, %dma_wait3A_695] : memref<9216x1024xf32, #tpu.memory_space<hbm>> -> memref<9216x1024xf32, #tpu.memory_space<hbm>>
    tpu.wait_indirect_dma semaphore(%arg12 : memref<!tpu.dma_semaphore, #tpu.memory_space<semaphore_mem>>) src(%dma_wait3A_696 : memref<9216x1024xf32, #tpu.memory_space<hbm>>) dst(%dma_wait3A_690 : memref<16x1024xf32, #tpu.memory_space<vmem>>)
    %dma_wait3A_697 = arith.constant 0 : i32
    %dma_wait3A_698 = arith.constant 0 : i32
    %dma_wait3A_699 = arith.constant 0 : i32
    %dma_wait3A_700 = arith.constant 0 : i32
    %dma_wait3A_701 = tpu.memref_slice %arg8[%dma_wait3A_698, %dma_wait3A_699, %dma_wait3A_700] : memref<2x16x1024xf32, #tpu.memory_space<vmem>> -> memref<1x16x1024xf32, #tpu.memory_space<vmem>>
    %dma_wait3A_702 = tpu.memref_squeeze %dma_wait3A_701 : memref<1x16x1024xf32, #tpu.memory_space<vmem>> -> memref<16x1024xf32, #tpu.memory_space<vmem>>
    %dma_wait3A_703 = arith.constant 0 : i32
    %dma_wait3A_704 = tpu.memref_slice %arg10[%dma_wait3A_697, %dma_wait3A_703] : memref<2x16xi32, #tpu.memory_space<vmem>> -> memref<1x16xi32, #tpu.memory_space<vmem>>
    %dma_wait3A_705 = tpu.memref_squeeze %dma_wait3A_704 : memref<1x16xi32, #tpu.memory_space<vmem>> -> memref<16xi32, #tpu.memory_space<vmem>>
    %dma_wait3A_706 = arith.constant 0 : i32
    %dma_wait3A_707 = arith.constant 0 : i32
    %dma_wait3A_708 = tpu.memref_slice %arg2[%dma_wait3A_706, %dma_wait3A_707] : memref<9216x1024xf32, #tpu.memory_space<hbm>> -> memref<9216x1024xf32, #tpu.memory_space<hbm>>
    tpu.wait_indirect_dma semaphore(%arg12 : memref<!tpu.dma_semaphore, #tpu.memory_space<semaphore_mem>>) src(%dma_wait3A_708 : memref<9216x1024xf32, #tpu.memory_space<hbm>>) dst(%dma_wait3A_702 : memref<16x1024xf32, #tpu.memory_space<vmem>>)
    %add3A_709 = arith.constant 64 : i32
    %add3A_710 = arith.addi %mul3A_2, %add3A_709 : i32
    %dma_start3A_711 = arith.constant 0 : i32
    %dma_start3A_712 = arith.constant 0 : i32
    %dma_start3A_713 = arith.constant 0 : i32
    %dma_start3A_714 = tpu.memref_slice %arg7[%dma_start3A_711, %dma_start3A_712, %dma_start3A_713] : memref<2x16x1024xf32, #tpu.memory_space<vmem>> -> memref<1x16x1024xf32, #tpu.memory_space<vmem>>
    %dma_start3A_715 = tpu.memref_squeeze %dma_start3A_714 : memref<1x16x1024xf32, #tpu.memory_space<vmem>> -> memref<16x1024xf32, #tpu.memory_space<vmem>>
    %dma_start3A_716 = arith.constant 0 : i32
    %dma_start3A_717 = tpu.memref_slice %arg5[%add3A_710, %dma_start3A_716] : memref<4096x1024xf32, #tpu.memory_space<hbm>> -> memref<16x1024xf32, #tpu.memory_space<hbm>>
    %dma_start3A_718 = arith.constant 0 : i32
    %dma_start3A_719 = tpu.memref_slice %arg5[%add3A_710, %dma_start3A_718] : memref<4096x1024xf32, #tpu.memory_space<hbm>> -> memref<16x1024xf32, #tpu.memory_space<hbm>>
    %dma_start3A_720 = arith.constant 0 : i32
    %dma_start3A_721 = arith.constant 0 : i32
    %dma_start3A_722 = tpu.memref_slice %arg7[%dma_start3A_711, %dma_start3A_720, %dma_start3A_721] : memref<2x16x1024xf32, #tpu.memory_space<vmem>> -> memref<1x16x1024xf32, #tpu.memory_space<vmem>>
    %dma_start3A_723 = tpu.memref_squeeze %dma_start3A_722 : memref<1x16x1024xf32, #tpu.memory_space<vmem>> -> memref<16x1024xf32, #tpu.memory_space<vmem>>
    tpu.enqueue_dma source(%dma_start3A_723 : memref<16x1024xf32, #tpu.memory_space<vmem>>) target(%dma_start3A_719 : memref<16x1024xf32, #tpu.memory_space<hbm>>) target_semaphore(%arg13 : memref<!tpu.dma_semaphore, #tpu.memory_space<semaphore_mem>>)
    %dma_start3A_724 = arith.constant 0 : i32
    %dma_start3A_725 = arith.constant 0 : i32
    %dma_start3A_726 = arith.constant 0 : i32
    %dma_start3A_727 = tpu.memref_slice %arg8[%dma_start3A_724, %dma_start3A_725, %dma_start3A_726] : memref<2x16x1024xf32, #tpu.memory_space<vmem>> -> memref<1x16x1024xf32, #tpu.memory_space<vmem>>
    %dma_start3A_728 = tpu.memref_squeeze %dma_start3A_727 : memref<1x16x1024xf32, #tpu.memory_space<vmem>> -> memref<16x1024xf32, #tpu.memory_space<vmem>>
    %dma_start3A_729 = arith.constant 0 : i32
    %dma_start3A_730 = tpu.memref_slice %arg6[%add3A_710, %dma_start3A_729] : memref<4096x1024xf32, #tpu.memory_space<hbm>> -> memref<16x1024xf32, #tpu.memory_space<hbm>>
    %dma_start3A_731 = arith.constant 0 : i32
    %dma_start3A_732 = tpu.memref_slice %arg6[%add3A_710, %dma_start3A_731] : memref<4096x1024xf32, #tpu.memory_space<hbm>> -> memref<16x1024xf32, #tpu.memory_space<hbm>>
    %dma_start3A_733 = arith.constant 0 : i32
    %dma_start3A_734 = arith.constant 0 : i32
    %dma_start3A_735 = tpu.memref_slice %arg8[%dma_start3A_724, %dma_start3A_733, %dma_start3A_734] : memref<2x16x1024xf32, #tpu.memory_space<vmem>> -> memref<1x16x1024xf32, #tpu.memory_space<vmem>>
    %dma_start3A_736 = tpu.memref_squeeze %dma_start3A_735 : memref<1x16x1024xf32, #tpu.memory_space<vmem>> -> memref<16x1024xf32, #tpu.memory_space<vmem>>
    tpu.enqueue_dma source(%dma_start3A_736 : memref<16x1024xf32, #tpu.memory_space<vmem>>) target(%dma_start3A_732 : memref<16x1024xf32, #tpu.memory_space<hbm>>) target_semaphore(%arg13 : memref<!tpu.dma_semaphore, #tpu.memory_space<semaphore_mem>>)
    %add3A_737 = arith.constant 96 : i32
    %add3A_738 = arith.addi %mul3A_2, %add3A_737 : i32
    %dma_start3A_739 = arith.constant 0 : i32
    %dma_start3A_740 = arith.constant 0 : i32
    %dma_start3A_741 = tpu.memref_slice %arg9[%dma_start3A_739, %dma_start3A_740] : memref<2x16xi32, #tpu.memory_space<vmem>> -> memref<1x16xi32, #tpu.memory_space<vmem>>
    %dma_start3A_742 = tpu.memref_squeeze %dma_start3A_741 : memref<1x16xi32, #tpu.memory_space<vmem>> -> memref<16xi32, #tpu.memory_space<vmem>>
    %dma_start3A_743 = tpu.memref_slice %arg3[%add3A_738] : memref<4096xi32, #tpu.memory_space<hbm>> -> memref<16xi32, #tpu.memory_space<hbm>>
    %dma_start3A_744 = arith.constant 0 : i32
    %dma_start3A_745 = tpu.memref_slice %arg9[%dma_start3A_739, %dma_start3A_744] : memref<2x16xi32, #tpu.memory_space<vmem>> -> memref<1x16xi32, #tpu.memory_space<vmem>>
    %dma_start3A_746 = tpu.memref_squeeze %dma_start3A_745 : memref<1x16xi32, #tpu.memory_space<vmem>> -> memref<16xi32, #tpu.memory_space<vmem>>
    %dma_start3A_747 = tpu.memref_slice %arg3[%add3A_738] : memref<4096xi32, #tpu.memory_space<hbm>> -> memref<16xi32, #tpu.memory_space<hbm>>
    tpu.enqueue_dma source(%dma_start3A_747 : memref<16xi32, #tpu.memory_space<hbm>>) target(%dma_start3A_746 : memref<16xi32, #tpu.memory_space<vmem>>) target_semaphore(%arg11 : memref<!tpu.dma_semaphore, #tpu.memory_space<semaphore_mem>>)
    %dma_start3A_748 = arith.constant 0 : i32
    %dma_start3A_749 = arith.constant 0 : i32
    %dma_start3A_750 = tpu.memref_slice %arg10[%dma_start3A_748, %dma_start3A_749] : memref<2x16xi32, #tpu.memory_space<vmem>> -> memref<1x16xi32, #tpu.memory_space<vmem>>
    %dma_start3A_751 = tpu.memref_squeeze %dma_start3A_750 : memref<1x16xi32, #tpu.memory_space<vmem>> -> memref<16xi32, #tpu.memory_space<vmem>>
    %dma_start3A_752 = tpu.memref_slice %arg4[%add3A_738] : memref<4096xi32, #tpu.memory_space<hbm>> -> memref<16xi32, #tpu.memory_space<hbm>>
    %dma_start3A_753 = arith.constant 0 : i32
    %dma_start3A_754 = tpu.memref_slice %arg10[%dma_start3A_748, %dma_start3A_753] : memref<2x16xi32, #tpu.memory_space<vmem>> -> memref<1x16xi32, #tpu.memory_space<vmem>>
    %dma_start3A_755 = tpu.memref_squeeze %dma_start3A_754 : memref<1x16xi32, #tpu.memory_space<vmem>> -> memref<16xi32, #tpu.memory_space<vmem>>
    %dma_start3A_756 = tpu.memref_slice %arg4[%add3A_738] : memref<4096xi32, #tpu.memory_space<hbm>> -> memref<16xi32, #tpu.memory_space<hbm>>
    tpu.enqueue_dma source(%dma_start3A_756 : memref<16xi32, #tpu.memory_space<hbm>>) target(%dma_start3A_755 : memref<16xi32, #tpu.memory_space<vmem>>) target_semaphore(%arg11 : memref<!tpu.dma_semaphore, #tpu.memory_space<semaphore_mem>>)
    %dma_wait3A_757 = arith.constant 0 : i32
    %dma_wait3A_758 = arith.constant 0 : i32
    %dma_wait3A_759 = tpu.memref_slice %arg9[%dma_wait3A_757, %dma_wait3A_758] : memref<2x16xi32, #tpu.memory_space<vmem>> -> memref<1x16xi32, #tpu.memory_space<vmem>>
    %dma_wait3A_760 = tpu.memref_squeeze %dma_wait3A_759 : memref<1x16xi32, #tpu.memory_space<vmem>> -> memref<16xi32, #tpu.memory_space<vmem>>
    %dma_wait3A_761 = tpu.memref_slice %arg3[%add3A_738] : memref<4096xi32, #tpu.memory_space<hbm>> -> memref<16xi32, #tpu.memory_space<hbm>>
    %dma_wait3A_762 = arith.constant 0 : i32
    %dma_wait3A_763 = tpu.memref_slice %arg9[%dma_wait3A_757, %dma_wait3A_762] : memref<2x16xi32, #tpu.memory_space<vmem>> -> memref<1x16xi32, #tpu.memory_space<vmem>>
    %dma_wait3A_764 = tpu.memref_squeeze %dma_wait3A_763 : memref<1x16xi32, #tpu.memory_space<vmem>> -> memref<16xi32, #tpu.memory_space<vmem>>
    %dma_wait3A_765 = tpu.memref_slice %arg3[%add3A_738] : memref<4096xi32, #tpu.memory_space<hbm>> -> memref<16xi32, #tpu.memory_space<hbm>>
    tpu.wait_dma2 semaphore(%arg11 : memref<!tpu.dma_semaphore, #tpu.memory_space<semaphore_mem>>) src(%dma_wait3A_765 : memref<16xi32, #tpu.memory_space<hbm>>) dst(%dma_wait3A_764 : memref<16xi32, #tpu.memory_space<vmem>>)
    %dma_wait3A_766 = arith.constant 0 : i32
    %dma_wait3A_767 = arith.constant 0 : i32
    %dma_wait3A_768 = tpu.memref_slice %arg10[%dma_wait3A_766, %dma_wait3A_767] : memref<2x16xi32, #tpu.memory_space<vmem>> -> memref<1x16xi32, #tpu.memory_space<vmem>>
    %dma_wait3A_769 = tpu.memref_squeeze %dma_wait3A_768 : memref<1x16xi32, #tpu.memory_space<vmem>> -> memref<16xi32, #tpu.memory_space<vmem>>
    %dma_wait3A_770 = tpu.memref_slice %arg4[%add3A_738] : memref<4096xi32, #tpu.memory_space<hbm>> -> memref<16xi32, #tpu.memory_space<hbm>>
    %dma_wait3A_771 = arith.constant 0 : i32
    %dma_wait3A_772 = tpu.memref_slice %arg10[%dma_wait3A_766, %dma_wait3A_771] : memref<2x16xi32, #tpu.memory_space<vmem>> -> memref<1x16xi32, #tpu.memory_space<vmem>>
    %dma_wait3A_773 = tpu.memref_squeeze %dma_wait3A_772 : memref<1x16xi32, #tpu.memory_space<vmem>> -> memref<16xi32, #tpu.memory_space<vmem>>
    %dma_wait3A_774 = tpu.memref_slice %arg4[%add3A_738] : memref<4096xi32, #tpu.memory_space<hbm>> -> memref<16xi32, #tpu.memory_space<hbm>>
    tpu.wait_dma2 semaphore(%arg11 : memref<!tpu.dma_semaphore, #tpu.memory_space<semaphore_mem>>) src(%dma_wait3A_774 : memref<16xi32, #tpu.memory_space<hbm>>) dst(%dma_wait3A_773 : memref<16xi32, #tpu.memory_space<vmem>>)
    %dma_wait3A_775 = arith.constant 0 : i32
    %dma_wait3A_776 = arith.constant 0 : i32
    %dma_wait3A_777 = arith.constant 0 : i32
    %dma_wait3A_778 = tpu.memref_slice %arg7[%dma_wait3A_775, %dma_wait3A_776, %dma_wait3A_777] : memref<2x16x1024xf32, #tpu.memory_space<vmem>> -> memref<1x16x1024xf32, #tpu.memory_space<vmem>>
    %dma_wait3A_779 = tpu.memref_squeeze %dma_wait3A_778 : memref<1x16x1024xf32, #tpu.memory_space<vmem>> -> memref<16x1024xf32, #tpu.memory_space<vmem>>
    %dma_wait3A_780 = arith.constant 0 : i32
    %dma_wait3A_781 = tpu.memref_slice %arg5[%add3A_710, %dma_wait3A_780] : memref<4096x1024xf32, #tpu.memory_space<hbm>> -> memref<16x1024xf32, #tpu.memory_space<hbm>>
    %dma_wait3A_782 = arith.constant 0 : i32
    %dma_wait3A_783 = tpu.memref_slice %arg5[%add3A_710, %dma_wait3A_782] : memref<4096x1024xf32, #tpu.memory_space<hbm>> -> memref<16x1024xf32, #tpu.memory_space<hbm>>
    %dma_wait3A_784 = arith.constant 0 : i32
    %dma_wait3A_785 = arith.constant 0 : i32
    %dma_wait3A_786 = tpu.memref_slice %arg7[%dma_wait3A_775, %dma_wait3A_784, %dma_wait3A_785] : memref<2x16x1024xf32, #tpu.memory_space<vmem>> -> memref<1x16x1024xf32, #tpu.memory_space<vmem>>
    %dma_wait3A_787 = tpu.memref_squeeze %dma_wait3A_786 : memref<1x16x1024xf32, #tpu.memory_space<vmem>> -> memref<16x1024xf32, #tpu.memory_space<vmem>>
    tpu.wait_dma2 semaphore(%arg13 : memref<!tpu.dma_semaphore, #tpu.memory_space<semaphore_mem>>) src(%dma_wait3A_787 : memref<16x1024xf32, #tpu.memory_space<vmem>>) dst(%dma_wait3A_783 : memref<16x1024xf32, #tpu.memory_space<hbm>>)
    %dma_wait3A_788 = arith.constant 0 : i32
    %dma_wait3A_789 = arith.constant 0 : i32
    %dma_wait3A_790 = arith.constant 0 : i32
    %dma_wait3A_791 = tpu.memref_slice %arg8[%dma_wait3A_788, %dma_wait3A_789, %dma_wait3A_790] : memref<2x16x1024xf32, #tpu.memory_space<vmem>> -> memref<1x16x1024xf32, #tpu.memory_space<vmem>>
    %dma_wait3A_792 = tpu.memref_squeeze %dma_wait3A_791 : memref<1x16x1024xf32, #tpu.memory_space<vmem>> -> memref<16x1024xf32, #tpu.memory_space<vmem>>
    %dma_wait3A_793 = arith.constant 0 : i32
    %dma_wait3A_794 = tpu.memref_slice %arg6[%add3A_710, %dma_wait3A_793] : memref<4096x1024xf32, #tpu.memory_space<hbm>> -> memref<16x1024xf32, #tpu.memory_space<hbm>>
    %dma_wait3A_795 = arith.constant 0 : i32
    %dma_wait3A_796 = tpu.memref_slice %arg6[%add3A_710, %dma_wait3A_795] : memref<4096x1024xf32, #tpu.memory_space<hbm>> -> memref<16x1024xf32, #tpu.memory_space<hbm>>
    %dma_wait3A_797 = arith.constant 0 : i32
    %dma_wait3A_798 = arith.constant 0 : i32
    %dma_wait3A_799 = tpu.memref_slice %arg8[%dma_wait3A_788, %dma_wait3A_797, %dma_wait3A_798] : memref<2x16x1024xf32, #tpu.memory_space<vmem>> -> memref<1x16x1024xf32, #tpu.memory_space<vmem>>
    %dma_wait3A_800 = tpu.memref_squeeze %dma_wait3A_799 : memref<1x16x1024xf32, #tpu.memory_space<vmem>> -> memref<16x1024xf32, #tpu.memory_space<vmem>>
    tpu.wait_dma2 semaphore(%arg13 : memref<!tpu.dma_semaphore, #tpu.memory_space<semaphore_mem>>) src(%dma_wait3A_800 : memref<16x1024xf32, #tpu.memory_space<vmem>>) dst(%dma_wait3A_796 : memref<16x1024xf32, #tpu.memory_space<hbm>>)
    %dma_start3A_801 = arith.constant 0 : i32
    %dma_start3A_802 = arith.constant 0 : i32
    %dma_start3A_803 = arith.constant 0 : i32
    %dma_start3A_804 = arith.constant 0 : i32
    %dma_start3A_805 = tpu.memref_slice %arg7[%dma_start3A_802, %dma_start3A_803, %dma_start3A_804] : memref<2x16x1024xf32, #tpu.memory_space<vmem>> -> memref<1x16x1024xf32, #tpu.memory_space<vmem>>
    %dma_start3A_806 = tpu.memref_squeeze %dma_start3A_805 : memref<1x16x1024xf32, #tpu.memory_space<vmem>> -> memref<16x1024xf32, #tpu.memory_space<vmem>>
    %dma_start3A_807 = arith.constant 0 : i32
    %dma_start3A_808 = tpu.memref_slice %arg9[%dma_start3A_801, %dma_start3A_807] : memref<2x16xi32, #tpu.memory_space<vmem>> -> memref<1x16xi32, #tpu.memory_space<vmem>>
    %dma_start3A_809 = tpu.memref_squeeze %dma_start3A_808 : memref<1x16xi32, #tpu.memory_space<vmem>> -> memref<16xi32, #tpu.memory_space<vmem>>
    %dma_start3A_810 = arith.constant 0 : i32
    %dma_start3A_811 = arith.constant 0 : i32
    %dma_start3A_812 = tpu.memref_slice %arg2[%dma_start3A_810, %dma_start3A_811] : memref<9216x1024xf32, #tpu.memory_space<hbm>> -> memref<9216x1024xf32, #tpu.memory_space<hbm>>
    tpu.enqueue_indirect_dma source(%dma_start3A_812 : memref<9216x1024xf32, #tpu.memory_space<hbm>>) target(%dma_start3A_806 : memref<16x1024xf32, #tpu.memory_space<vmem>>) offsets(%dma_start3A_809 : memref<16xi32, #tpu.memory_space<vmem>>) semaphore(%arg12 : memref<!tpu.dma_semaphore, #tpu.memory_space<semaphore_mem>>)
    %dma_start3A_813 = arith.constant 0 : i32
    %dma_start3A_814 = arith.constant 0 : i32
    %dma_start3A_815 = arith.constant 0 : i32
    %dma_start3A_816 = arith.constant 0 : i32
    %dma_start3A_817 = tpu.memref_slice %arg8[%dma_start3A_814, %dma_start3A_815, %dma_start3A_816] : memref<2x16x1024xf32, #tpu.memory_space<vmem>> -> memref<1x16x1024xf32, #tpu.memory_space<vmem>>
    %dma_start3A_818 = tpu.memref_squeeze %dma_start3A_817 : memref<1x16x1024xf32, #tpu.memory_space<vmem>> -> memref<16x1024xf32, #tpu.memory_space<vmem>>
    %dma_start3A_819 = arith.constant 0 : i32
    %dma_start3A_820 = tpu.memref_slice %arg10[%dma_start3A_813, %dma_start3A_819] : memref<2x16xi32, #tpu.memory_space<vmem>> -> memref<1x16xi32, #tpu.memory_space<vmem>>
    %dma_start3A_821 = tpu.memref_squeeze %dma_start3A_820 : memref<1x16xi32, #tpu.memory_space<vmem>> -> memref<16xi32, #tpu.memory_space<vmem>>
    %dma_start3A_822 = arith.constant 0 : i32
    %dma_start3A_823 = arith.constant 0 : i32
    %dma_start3A_824 = tpu.memref_slice %arg2[%dma_start3A_822, %dma_start3A_823] : memref<9216x1024xf32, #tpu.memory_space<hbm>> -> memref<9216x1024xf32, #tpu.memory_space<hbm>>
    tpu.enqueue_indirect_dma source(%dma_start3A_824 : memref<9216x1024xf32, #tpu.memory_space<hbm>>) target(%dma_start3A_818 : memref<16x1024xf32, #tpu.memory_space<vmem>>) offsets(%dma_start3A_821 : memref<16xi32, #tpu.memory_space<vmem>>) semaphore(%arg12 : memref<!tpu.dma_semaphore, #tpu.memory_space<semaphore_mem>>)
    %dma_wait3A_825 = arith.constant 1 : i32
    %dma_wait3A_826 = arith.constant 1 : i32
    %dma_wait3A_827 = arith.constant 0 : i32
    %dma_wait3A_828 = arith.constant 0 : i32
    %dma_wait3A_829 = tpu.memref_slice %arg7[%dma_wait3A_826, %dma_wait3A_827, %dma_wait3A_828] : memref<2x16x1024xf32, #tpu.memory_space<vmem>> -> memref<1x16x1024xf32, #tpu.memory_space<vmem>>
    %dma_wait3A_830 = tpu.memref_squeeze %dma_wait3A_829 : memref<1x16x1024xf32, #tpu.memory_space<vmem>> -> memref<16x1024xf32, #tpu.memory_space<vmem>>
    %dma_wait3A_831 = arith.constant 0 : i32
    %dma_wait3A_832 = tpu.memref_slice %arg9[%dma_wait3A_825, %dma_wait3A_831] : memref<2x16xi32, #tpu.memory_space<vmem>> -> memref<1x16xi32, #tpu.memory_space<vmem>>
    %dma_wait3A_833 = tpu.memref_squeeze %dma_wait3A_832 : memref<1x16xi32, #tpu.memory_space<vmem>> -> memref<16xi32, #tpu.memory_space<vmem>>
    %dma_wait3A_834 = arith.constant 0 : i32
    %dma_wait3A_835 = arith.constant 0 : i32
    %dma_wait3A_836 = tpu.memref_slice %arg2[%dma_wait3A_834, %dma_wait3A_835] : memref<9216x1024xf32, #tpu.memory_space<hbm>> -> memref<9216x1024xf32, #tpu.memory_space<hbm>>
    tpu.wait_indirect_dma semaphore(%arg12 : memref<!tpu.dma_semaphore, #tpu.memory_space<semaphore_mem>>) src(%dma_wait3A_836 : memref<9216x1024xf32, #tpu.memory_space<hbm>>) dst(%dma_wait3A_830 : memref<16x1024xf32, #tpu.memory_space<vmem>>)
    %dma_wait3A_837 = arith.constant 1 : i32
    %dma_wait3A_838 = arith.constant 1 : i32
    %dma_wait3A_839 = arith.constant 0 : i32
    %dma_wait3A_840 = arith.constant 0 : i32
    %dma_wait3A_841 = tpu.memref_slice %arg8[%dma_wait3A_838, %dma_wait3A_839, %dma_wait3A_840] : memref<2x16x1024xf32, #tpu.memory_space<vmem>> -> memref<1x16x1024xf32, #tpu.memory_space<vmem>>
    %dma_wait3A_842 = tpu.memref_squeeze %dma_wait3A_841 : memref<1x16x1024xf32, #tpu.memory_space<vmem>> -> memref<16x1024xf32, #tpu.memory_space<vmem>>
    %dma_wait3A_843 = arith.constant 0 : i32
    %dma_wait3A_844 = tpu.memref_slice %arg10[%dma_wait3A_837, %dma_wait3A_843] : memref<2x16xi32, #tpu.memory_space<vmem>> -> memref<1x16xi32, #tpu.memory_space<vmem>>
    %dma_wait3A_845 = tpu.memref_squeeze %dma_wait3A_844 : memref<1x16xi32, #tpu.memory_space<vmem>> -> memref<16xi32, #tpu.memory_space<vmem>>
    %dma_wait3A_846 = arith.constant 0 : i32
    %dma_wait3A_847 = arith.constant 0 : i32
    %dma_wait3A_848 = tpu.memref_slice %arg2[%dma_wait3A_846, %dma_wait3A_847] : memref<9216x1024xf32, #tpu.memory_space<hbm>> -> memref<9216x1024xf32, #tpu.memory_space<hbm>>
    tpu.wait_indirect_dma semaphore(%arg12 : memref<!tpu.dma_semaphore, #tpu.memory_space<semaphore_mem>>) src(%dma_wait3A_848 : memref<9216x1024xf32, #tpu.memory_space<hbm>>) dst(%dma_wait3A_842 : memref<16x1024xf32, #tpu.memory_space<vmem>>)
    %add3A_849 = arith.constant 80 : i32
    %add3A_850 = arith.addi %mul3A_2, %add3A_849 : i32
    %dma_start3A_851 = arith.constant 1 : i32
    %dma_start3A_852 = arith.constant 0 : i32
    %dma_start3A_853 = arith.constant 0 : i32
    %dma_start3A_854 = tpu.memref_slice %arg7[%dma_start3A_851, %dma_start3A_852, %dma_start3A_853] : memref<2x16x1024xf32, #tpu.memory_space<vmem>> -> memref<1x16x1024xf32, #tpu.memory_space<vmem>>
    %dma_start3A_855 = tpu.memref_squeeze %dma_start3A_854 : memref<1x16x1024xf32, #tpu.memory_space<vmem>> -> memref<16x1024xf32, #tpu.memory_space<vmem>>
    %dma_start3A_856 = arith.constant 0 : i32
    %dma_start3A_857 = tpu.memref_slice %arg5[%add3A_850, %dma_start3A_856] : memref<4096x1024xf32, #tpu.memory_space<hbm>> -> memref<16x1024xf32, #tpu.memory_space<hbm>>
    %dma_start3A_858 = arith.constant 0 : i32
    %dma_start3A_859 = tpu.memref_slice %arg5[%add3A_850, %dma_start3A_858] : memref<4096x1024xf32, #tpu.memory_space<hbm>> -> memref<16x1024xf32, #tpu.memory_space<hbm>>
    %dma_start3A_860 = arith.constant 0 : i32
    %dma_start3A_861 = arith.constant 0 : i32
    %dma_start3A_862 = tpu.memref_slice %arg7[%dma_start3A_851, %dma_start3A_860, %dma_start3A_861] : memref<2x16x1024xf32, #tpu.memory_space<vmem>> -> memref<1x16x1024xf32, #tpu.memory_space<vmem>>
    %dma_start3A_863 = tpu.memref_squeeze %dma_start3A_862 : memref<1x16x1024xf32, #tpu.memory_space<vmem>> -> memref<16x1024xf32, #tpu.memory_space<vmem>>
    tpu.enqueue_dma source(%dma_start3A_863 : memref<16x1024xf32, #tpu.memory_space<vmem>>) target(%dma_start3A_859 : memref<16x1024xf32, #tpu.memory_space<hbm>>) target_semaphore(%arg13 : memref<!tpu.dma_semaphore, #tpu.memory_space<semaphore_mem>>)
    %dma_start3A_864 = arith.constant 1 : i32
    %dma_start3A_865 = arith.constant 0 : i32
    %dma_start3A_866 = arith.constant 0 : i32
    %dma_start3A_867 = tpu.memref_slice %arg8[%dma_start3A_864, %dma_start3A_865, %dma_start3A_866] : memref<2x16x1024xf32, #tpu.memory_space<vmem>> -> memref<1x16x1024xf32, #tpu.memory_space<vmem>>
    %dma_start3A_868 = tpu.memref_squeeze %dma_start3A_867 : memref<1x16x1024xf32, #tpu.memory_space<vmem>> -> memref<16x1024xf32, #tpu.memory_space<vmem>>
    %dma_start3A_869 = arith.constant 0 : i32
    %dma_start3A_870 = tpu.memref_slice %arg6[%add3A_850, %dma_start3A_869] : memref<4096x1024xf32, #tpu.memory_space<hbm>> -> memref<16x1024xf32, #tpu.memory_space<hbm>>
    %dma_start3A_871 = arith.constant 0 : i32
    %dma_start3A_872 = tpu.memref_slice %arg6[%add3A_850, %dma_start3A_871] : memref<4096x1024xf32, #tpu.memory_space<hbm>> -> memref<16x1024xf32, #tpu.memory_space<hbm>>
    %dma_start3A_873 = arith.constant 0 : i32
    %dma_start3A_874 = arith.constant 0 : i32
    %dma_start3A_875 = tpu.memref_slice %arg8[%dma_start3A_864, %dma_start3A_873, %dma_start3A_874] : memref<2x16x1024xf32, #tpu.memory_space<vmem>> -> memref<1x16x1024xf32, #tpu.memory_space<vmem>>
    %dma_start3A_876 = tpu.memref_squeeze %dma_start3A_875 : memref<1x16x1024xf32, #tpu.memory_space<vmem>> -> memref<16x1024xf32, #tpu.memory_space<vmem>>
    tpu.enqueue_dma source(%dma_start3A_876 : memref<16x1024xf32, #tpu.memory_space<vmem>>) target(%dma_start3A_872 : memref<16x1024xf32, #tpu.memory_space<hbm>>) target_semaphore(%arg13 : memref<!tpu.dma_semaphore, #tpu.memory_space<semaphore_mem>>)
    %add3A_877 = arith.constant 112 : i32
    %add3A_878 = arith.addi %mul3A_2, %add3A_877 : i32
    %dma_start3A_879 = arith.constant 1 : i32
    %dma_start3A_880 = arith.constant 0 : i32
    %dma_start3A_881 = tpu.memref_slice %arg9[%dma_start3A_879, %dma_start3A_880] : memref<2x16xi32, #tpu.memory_space<vmem>> -> memref<1x16xi32, #tpu.memory_space<vmem>>
    %dma_start3A_882 = tpu.memref_squeeze %dma_start3A_881 : memref<1x16xi32, #tpu.memory_space<vmem>> -> memref<16xi32, #tpu.memory_space<vmem>>
    %dma_start3A_883 = tpu.memref_slice %arg3[%add3A_878] : memref<4096xi32, #tpu.memory_space<hbm>> -> memref<16xi32, #tpu.memory_space<hbm>>
    %dma_start3A_884 = arith.constant 0 : i32
    %dma_start3A_885 = tpu.memref_slice %arg9[%dma_start3A_879, %dma_start3A_884] : memref<2x16xi32, #tpu.memory_space<vmem>> -> memref<1x16xi32, #tpu.memory_space<vmem>>
    %dma_start3A_886 = tpu.memref_squeeze %dma_start3A_885 : memref<1x16xi32, #tpu.memory_space<vmem>> -> memref<16xi32, #tpu.memory_space<vmem>>
    %dma_start3A_887 = tpu.memref_slice %arg3[%add3A_878] : memref<4096xi32, #tpu.memory_space<hbm>> -> memref<16xi32, #tpu.memory_space<hbm>>
    tpu.enqueue_dma source(%dma_start3A_887 : memref<16xi32, #tpu.memory_space<hbm>>) target(%dma_start3A_886 : memref<16xi32, #tpu.memory_space<vmem>>) target_semaphore(%arg11 : memref<!tpu.dma_semaphore, #tpu.memory_space<semaphore_mem>>)
    %dma_start3A_888 = arith.constant 1 : i32
    %dma_start3A_889 = arith.constant 0 : i32
    %dma_start3A_890 = tpu.memref_slice %arg10[%dma_start3A_888, %dma_start3A_889] : memref<2x16xi32, #tpu.memory_space<vmem>> -> memref<1x16xi32, #tpu.memory_space<vmem>>
    %dma_start3A_891 = tpu.memref_squeeze %dma_start3A_890 : memref<1x16xi32, #tpu.memory_space<vmem>> -> memref<16xi32, #tpu.memory_space<vmem>>
    %dma_start3A_892 = tpu.memref_slice %arg4[%add3A_878] : memref<4096xi32, #tpu.memory_space<hbm>> -> memref<16xi32, #tpu.memory_space<hbm>>
    %dma_start3A_893 = arith.constant 0 : i32
    %dma_start3A_894 = tpu.memref_slice %arg10[%dma_start3A_888, %dma_start3A_893] : memref<2x16xi32, #tpu.memory_space<vmem>> -> memref<1x16xi32, #tpu.memory_space<vmem>>
    %dma_start3A_895 = tpu.memref_squeeze %dma_start3A_894 : memref<1x16xi32, #tpu.memory_space<vmem>> -> memref<16xi32, #tpu.memory_space<vmem>>
    %dma_start3A_896 = tpu.memref_slice %arg4[%add3A_878] : memref<4096xi32, #tpu.memory_space<hbm>> -> memref<16xi32, #tpu.memory_space<hbm>>
    tpu.enqueue_dma source(%dma_start3A_896 : memref<16xi32, #tpu.memory_space<hbm>>) target(%dma_start3A_895 : memref<16xi32, #tpu.memory_space<vmem>>) target_semaphore(%arg11 : memref<!tpu.dma_semaphore, #tpu.memory_space<semaphore_mem>>)
    %dma_wait3A_897 = arith.constant 1 : i32
    %dma_wait3A_898 = arith.constant 0 : i32
    %dma_wait3A_899 = tpu.memref_slice %arg9[%dma_wait3A_897, %dma_wait3A_898] : memref<2x16xi32, #tpu.memory_space<vmem>> -> memref<1x16xi32, #tpu.memory_space<vmem>>
    %dma_wait3A_900 = tpu.memref_squeeze %dma_wait3A_899 : memref<1x16xi32, #tpu.memory_space<vmem>> -> memref<16xi32, #tpu.memory_space<vmem>>
    %dma_wait3A_901 = tpu.memref_slice %arg3[%add3A_878] : memref<4096xi32, #tpu.memory_space<hbm>> -> memref<16xi32, #tpu.memory_space<hbm>>
    %dma_wait3A_902 = arith.constant 0 : i32
    %dma_wait3A_903 = tpu.memref_slice %arg9[%dma_wait3A_897, %dma_wait3A_902] : memref<2x16xi32, #tpu.memory_space<vmem>> -> memref<1x16xi32, #tpu.memory_space<vmem>>
    %dma_wait3A_904 = tpu.memref_squeeze %dma_wait3A_903 : memref<1x16xi32, #tpu.memory_space<vmem>> -> memref<16xi32, #tpu.memory_space<vmem>>
    %dma_wait3A_905 = tpu.memref_slice %arg3[%add3A_878] : memref<4096xi32, #tpu.memory_space<hbm>> -> memref<16xi32, #tpu.memory_space<hbm>>
    tpu.wait_dma2 semaphore(%arg11 : memref<!tpu.dma_semaphore, #tpu.memory_space<semaphore_mem>>) src(%dma_wait3A_905 : memref<16xi32, #tpu.memory_space<hbm>>) dst(%dma_wait3A_904 : memref<16xi32, #tpu.memory_space<vmem>>)
    %dma_wait3A_906 = arith.constant 1 : i32
    %dma_wait3A_907 = arith.constant 0 : i32
    %dma_wait3A_908 = tpu.memref_slice %arg10[%dma_wait3A_906, %dma_wait3A_907] : memref<2x16xi32, #tpu.memory_space<vmem>> -> memref<1x16xi32, #tpu.memory_space<vmem>>
    %dma_wait3A_909 = tpu.memref_squeeze %dma_wait3A_908 : memref<1x16xi32, #tpu.memory_space<vmem>> -> memref<16xi32, #tpu.memory_space<vmem>>
    %dma_wait3A_910 = tpu.memref_slice %arg4[%add3A_878] : memref<4096xi32, #tpu.memory_space<hbm>> -> memref<16xi32, #tpu.memory_space<hbm>>
    %dma_wait3A_911 = arith.constant 0 : i32
    %dma_wait3A_912 = tpu.memref_slice %arg10[%dma_wait3A_906, %dma_wait3A_911] : memref<2x16xi32, #tpu.memory_space<vmem>> -> memref<1x16xi32, #tpu.memory_space<vmem>>
    %dma_wait3A_913 = tpu.memref_squeeze %dma_wait3A_912 : memref<1x16xi32, #tpu.memory_space<vmem>> -> memref<16xi32, #tpu.memory_space<vmem>>
    %dma_wait3A_914 = tpu.memref_slice %arg4[%add3A_878] : memref<4096xi32, #tpu.memory_space<hbm>> -> memref<16xi32, #tpu.memory_space<hbm>>
    tpu.wait_dma2 semaphore(%arg11 : memref<!tpu.dma_semaphore, #tpu.memory_space<semaphore_mem>>) src(%dma_wait3A_914 : memref<16xi32, #tpu.memory_space<hbm>>) dst(%dma_wait3A_913 : memref<16xi32, #tpu.memory_space<vmem>>)
    %dma_wait3A_915 = arith.constant 1 : i32
    %dma_wait3A_916 = arith.constant 0 : i32
    %dma_wait3A_917 = arith.constant 0 : i32
    %dma_wait3A_918 = tpu.memref_slice %arg7[%dma_wait3A_915, %dma_wait3A_916, %dma_wait3A_917] : memref<2x16x1024xf32, #tpu.memory_space<vmem>> -> memref<1x16x1024xf32, #tpu.memory_space<vmem>>
    %dma_wait3A_919 = tpu.memref_squeeze %dma_wait3A_918 : memref<1x16x1024xf32, #tpu.memory_space<vmem>> -> memref<16x1024xf32, #tpu.memory_space<vmem>>
    %dma_wait3A_920 = arith.constant 0 : i32
    %dma_wait3A_921 = tpu.memref_slice %arg5[%add3A_850, %dma_wait3A_920] : memref<4096x1024xf32, #tpu.memory_space<hbm>> -> memref<16x1024xf32, #tpu.memory_space<hbm>>
    %dma_wait3A_922 = arith.constant 0 : i32
    %dma_wait3A_923 = tpu.memref_slice %arg5[%add3A_850, %dma_wait3A_922] : memref<4096x1024xf32, #tpu.memory_space<hbm>> -> memref<16x1024xf32, #tpu.memory_space<hbm>>
    %dma_wait3A_924 = arith.constant 0 : i32
    %dma_wait3A_925 = arith.constant 0 : i32
    %dma_wait3A_926 = tpu.memref_slice %arg7[%dma_wait3A_915, %dma_wait3A_924, %dma_wait3A_925] : memref<2x16x1024xf32, #tpu.memory_space<vmem>> -> memref<1x16x1024xf32, #tpu.memory_space<vmem>>
    %dma_wait3A_927 = tpu.memref_squeeze %dma_wait3A_926 : memref<1x16x1024xf32, #tpu.memory_space<vmem>> -> memref<16x1024xf32, #tpu.memory_space<vmem>>
    tpu.wait_dma2 semaphore(%arg13 : memref<!tpu.dma_semaphore, #tpu.memory_space<semaphore_mem>>) src(%dma_wait3A_927 : memref<16x1024xf32, #tpu.memory_space<vmem>>) dst(%dma_wait3A_923 : memref<16x1024xf32, #tpu.memory_space<hbm>>)
    %dma_wait3A_928 = arith.constant 1 : i32
    %dma_wait3A_929 = arith.constant 0 : i32
    %dma_wait3A_930 = arith.constant 0 : i32
    %dma_wait3A_931 = tpu.memref_slice %arg8[%dma_wait3A_928, %dma_wait3A_929, %dma_wait3A_930] : memref<2x16x1024xf32, #tpu.memory_space<vmem>> -> memref<1x16x1024xf32, #tpu.memory_space<vmem>>
    %dma_wait3A_932 = tpu.memref_squeeze %dma_wait3A_931 : memref<1x16x1024xf32, #tpu.memory_space<vmem>> -> memref<16x1024xf32, #tpu.memory_space<vmem>>
    %dma_wait3A_933 = arith.constant 0 : i32
    %dma_wait3A_934 = tpu.memref_slice %arg6[%add3A_850, %dma_wait3A_933] : memref<4096x1024xf32, #tpu.memory_space<hbm>> -> memref<16x1024xf32, #tpu.memory_space<hbm>>
    %dma_wait3A_935 = arith.constant 0 : i32
    %dma_wait3A_936 = tpu.memref_slice %arg6[%add3A_850, %dma_wait3A_935] : memref<4096x1024xf32, #tpu.memory_space<hbm>> -> memref<16x1024xf32, #tpu.memory_space<hbm>>
    %dma_wait3A_937 = arith.constant 0 : i32
    %dma_wait3A_938 = arith.constant 0 : i32
    %dma_wait3A_939 = tpu.memref_slice %arg8[%dma_wait3A_928, %dma_wait3A_937, %dma_wait3A_938] : memref<2x16x1024xf32, #tpu.memory_space<vmem>> -> memref<1x16x1024xf32, #tpu.memory_space<vmem>>
    %dma_wait3A_940 = tpu.memref_squeeze %dma_wait3A_939 : memref<1x16x1024xf32, #tpu.memory_space<vmem>> -> memref<16x1024xf32, #tpu.memory_space<vmem>>
    tpu.wait_dma2 semaphore(%arg13 : memref<!tpu.dma_semaphore, #tpu.memory_space<semaphore_mem>>) src(%dma_wait3A_940 : memref<16x1024xf32, #tpu.memory_space<vmem>>) dst(%dma_wait3A_936 : memref<16x1024xf32, #tpu.memory_space<hbm>>)
    %dma_start3A_941 = arith.constant 1 : i32
    %dma_start3A_942 = arith.constant 1 : i32
    %dma_start3A_943 = arith.constant 0 : i32
    %dma_start3A_944 = arith.constant 0 : i32
    %dma_start3A_945 = tpu.memref_slice %arg7[%dma_start3A_942, %dma_start3A_943, %dma_start3A_944] : memref<2x16x1024xf32, #tpu.memory_space<vmem>> -> memref<1x16x1024xf32, #tpu.memory_space<vmem>>
    %dma_start3A_946 = tpu.memref_squeeze %dma_start3A_945 : memref<1x16x1024xf32, #tpu.memory_space<vmem>> -> memref<16x1024xf32, #tpu.memory_space<vmem>>
    %dma_start3A_947 = arith.constant 0 : i32
    %dma_start3A_948 = tpu.memref_slice %arg9[%dma_start3A_941, %dma_start3A_947] : memref<2x16xi32, #tpu.memory_space<vmem>> -> memref<1x16xi32, #tpu.memory_space<vmem>>
    %dma_start3A_949 = tpu.memref_squeeze %dma_start3A_948 : memref<1x16xi32, #tpu.memory_space<vmem>> -> memref<16xi32, #tpu.memory_space<vmem>>
    %dma_start3A_950 = arith.constant 0 : i32
    %dma_start3A_951 = arith.constant 0 : i32
    %dma_start3A_952 = tpu.memref_slice %arg2[%dma_start3A_950, %dma_start3A_951] : memref<9216x1024xf32, #tpu.memory_space<hbm>> -> memref<9216x1024xf32, #tpu.memory_space<hbm>>
    tpu.enqueue_indirect_dma source(%dma_start3A_952 : memref<9216x1024xf32, #tpu.memory_space<hbm>>) target(%dma_start3A_946 : memref<16x1024xf32, #tpu.memory_space<vmem>>) offsets(%dma_start3A_949 : memref<16xi32, #tpu.memory_space<vmem>>) semaphore(%arg12 : memref<!tpu.dma_semaphore, #tpu.memory_space<semaphore_mem>>)
    %dma_start3A_953 = arith.constant 1 : i32
    %dma_start3A_954 = arith.constant 1 : i32
    %dma_start3A_955 = arith.constant 0 : i32
    %dma_start3A_956 = arith.constant 0 : i32
    %dma_start3A_957 = tpu.memref_slice %arg8[%dma_start3A_954, %dma_start3A_955, %dma_start3A_956] : memref<2x16x1024xf32, #tpu.memory_space<vmem>> -> memref<1x16x1024xf32, #tpu.memory_space<vmem>>
    %dma_start3A_958 = tpu.memref_squeeze %dma_start3A_957 : memref<1x16x1024xf32, #tpu.memory_space<vmem>> -> memref<16x1024xf32, #tpu.memory_space<vmem>>
    %dma_start3A_959 = arith.constant 0 : i32
    %dma_start3A_960 = tpu.memref_slice %arg10[%dma_start3A_953, %dma_start3A_959] : memref<2x16xi32, #tpu.memory_space<vmem>> -> memref<1x16xi32, #tpu.memory_space<vmem>>
    %dma_start3A_961 = tpu.memref_squeeze %dma_start3A_960 : memref<1x16xi32, #tpu.memory_space<vmem>> -> memref<16xi32, #tpu.memory_space<vmem>>
    %dma_start3A_962 = arith.constant 0 : i32
    %dma_start3A_963 = arith.constant 0 : i32
    %dma_start3A_964 = tpu.memref_slice %arg2[%dma_start3A_962, %dma_start3A_963] : memref<9216x1024xf32, #tpu.memory_space<hbm>> -> memref<9216x1024xf32, #tpu.memory_space<hbm>>
    tpu.enqueue_indirect_dma source(%dma_start3A_964 : memref<9216x1024xf32, #tpu.memory_space<hbm>>) target(%dma_start3A_958 : memref<16x1024xf32, #tpu.memory_space<vmem>>) offsets(%dma_start3A_961 : memref<16xi32, #tpu.memory_space<vmem>>) semaphore(%arg12 : memref<!tpu.dma_semaphore, #tpu.memory_space<semaphore_mem>>)
    %dma_wait3A_965 = arith.constant 0 : i32
    %dma_wait3A_966 = arith.constant 0 : i32
    %dma_wait3A_967 = arith.constant 0 : i32
    %dma_wait3A_968 = arith.constant 0 : i32
    %dma_wait3A_969 = tpu.memref_slice %arg7[%dma_wait3A_966, %dma_wait3A_967, %dma_wait3A_968] : memref<2x16x1024xf32, #tpu.memory_space<vmem>> -> memref<1x16x1024xf32, #tpu.memory_space<vmem>>
    %dma_wait3A_970 = tpu.memref_squeeze %dma_wait3A_969 : memref<1x16x1024xf32, #tpu.memory_space<vmem>> -> memref<16x1024xf32, #tpu.memory_space<vmem>>
    %dma_wait3A_971 = arith.constant 0 : i32
    %dma_wait3A_972 = tpu.memref_slice %arg9[%dma_wait3A_965, %dma_wait3A_971] : memref<2x16xi32, #tpu.memory_space<vmem>> -> memref<1x16xi32, #tpu.memory_space<vmem>>
    %dma_wait3A_973 = tpu.memref_squeeze %dma_wait3A_972 : memref<1x16xi32, #tpu.memory_space<vmem>> -> memref<16xi32, #tpu.memory_space<vmem>>
    %dma_wait3A_974 = arith.constant 0 : i32
    %dma_wait3A_975 = arith.constant 0 : i32
    %dma_wait3A_976 = tpu.memref_slice %arg2[%dma_wait3A_974, %dma_wait3A_975] : memref<9216x1024xf32, #tpu.memory_space<hbm>> -> memref<9216x1024xf32, #tpu.memory_space<hbm>>
    tpu.wait_indirect_dma semaphore(%arg12 : memref<!tpu.dma_semaphore, #tpu.memory_space<semaphore_mem>>) src(%dma_wait3A_976 : memref<9216x1024xf32, #tpu.memory_space<hbm>>) dst(%dma_wait3A_970 : memref<16x1024xf32, #tpu.memory_space<vmem>>)
    %dma_wait3A_977 = arith.constant 0 : i32
    %dma_wait3A_978 = arith.constant 0 : i32
    %dma_wait3A_979 = arith.constant 0 : i32
    %dma_wait3A_980 = arith.constant 0 : i32
    %dma_wait3A_981 = tpu.memref_slice %arg8[%dma_wait3A_978, %dma_wait3A_979, %dma_wait3A_980] : memref<2x16x1024xf32, #tpu.memory_space<vmem>> -> memref<1x16x1024xf32, #tpu.memory_space<vmem>>
    %dma_wait3A_982 = tpu.memref_squeeze %dma_wait3A_981 : memref<1x16x1024xf32, #tpu.memory_space<vmem>> -> memref<16x1024xf32, #tpu.memory_space<vmem>>
    %dma_wait3A_983 = arith.constant 0 : i32
    %dma_wait3A_984 = tpu.memref_slice %arg10[%dma_wait3A_977, %dma_wait3A_983] : memref<2x16xi32, #tpu.memory_space<vmem>> -> memref<1x16xi32, #tpu.memory_space<vmem>>
    %dma_wait3A_985 = tpu.memref_squeeze %dma_wait3A_984 : memref<1x16xi32, #tpu.memory_space<vmem>> -> memref<16xi32, #tpu.memory_space<vmem>>
    %dma_wait3A_986 = arith.constant 0 : i32
    %dma_wait3A_987 = arith.constant 0 : i32
    %dma_wait3A_988 = tpu.memref_slice %arg2[%dma_wait3A_986, %dma_wait3A_987] : memref<9216x1024xf32, #tpu.memory_space<hbm>> -> memref<9216x1024xf32, #tpu.memory_space<hbm>>
    tpu.wait_indirect_dma semaphore(%arg12 : memref<!tpu.dma_semaphore, #tpu.memory_space<semaphore_mem>>) src(%dma_wait3A_988 : memref<9216x1024xf32, #tpu.memory_space<hbm>>) dst(%dma_wait3A_982 : memref<16x1024xf32, #tpu.memory_space<vmem>>)
    %add3A_989 = arith.constant 96 : i32
    %add3A_990 = arith.addi %mul3A_2, %add3A_989 : i32
    %dma_start3A_991 = arith.constant 0 : i32
    %dma_start3A_992 = arith.constant 0 : i32
    %dma_start3A_993 = arith.constant 0 : i32
    %dma_start3A_994 = tpu.memref_slice %arg7[%dma_start3A_991, %dma_start3A_992, %dma_start3A_993] : memref<2x16x1024xf32, #tpu.memory_space<vmem>> -> memref<1x16x1024xf32, #tpu.memory_space<vmem>>
    %dma_start3A_995 = tpu.memref_squeeze %dma_start3A_994 : memref<1x16x1024xf32, #tpu.memory_space<vmem>> -> memref<16x1024xf32, #tpu.memory_space<vmem>>
    %dma_start3A_996 = arith.constant 0 : i32
    %dma_start3A_997 = tpu.memref_slice %arg5[%add3A_990, %dma_start3A_996] : memref<4096x1024xf32, #tpu.memory_space<hbm>> -> memref<16x1024xf32, #tpu.memory_space<hbm>>
    %dma_start3A_998 = arith.constant 0 : i32
    %dma_start3A_999 = tpu.memref_slice %arg5[%add3A_990, %dma_start3A_998] : memref<4096x1024xf32, #tpu.memory_space<hbm>> -> memref<16x1024xf32, #tpu.memory_space<hbm>>
    %dma_start3A_1000 = arith.constant 0 : i32
    %dma_start3A_1001 = arith.constant 0 : i32
    %dma_start3A_1002 = tpu.memref_slice %arg7[%dma_start3A_991, %dma_start3A_1000, %dma_start3A_1001] : memref<2x16x1024xf32, #tpu.memory_space<vmem>> -> memref<1x16x1024xf32, #tpu.memory_space<vmem>>
    %dma_start3A_1003 = tpu.memref_squeeze %dma_start3A_1002 : memref<1x16x1024xf32, #tpu.memory_space<vmem>> -> memref<16x1024xf32, #tpu.memory_space<vmem>>
    tpu.enqueue_dma source(%dma_start3A_1003 : memref<16x1024xf32, #tpu.memory_space<vmem>>) target(%dma_start3A_999 : memref<16x1024xf32, #tpu.memory_space<hbm>>) target_semaphore(%arg13 : memref<!tpu.dma_semaphore, #tpu.memory_space<semaphore_mem>>)
    %dma_start3A_1004 = arith.constant 0 : i32
    %dma_start3A_1005 = arith.constant 0 : i32
    %dma_start3A_1006 = arith.constant 0 : i32
    %dma_start3A_1007 = tpu.memref_slice %arg8[%dma_start3A_1004, %dma_start3A_1005, %dma_start3A_1006] : memref<2x16x1024xf32, #tpu.memory_space<vmem>> -> memref<1x16x1024xf32, #tpu.memory_space<vmem>>
    %dma_start3A_1008 = tpu.memref_squeeze %dma_start3A_1007 : memref<1x16x1024xf32, #tpu.memory_space<vmem>> -> memref<16x1024xf32, #tpu.memory_space<vmem>>
    %dma_start3A_1009 = arith.constant 0 : i32
    %dma_start3A_1010 = tpu.memref_slice %arg6[%add3A_990, %dma_start3A_1009] : memref<4096x1024xf32, #tpu.memory_space<hbm>> -> memref<16x1024xf32, #tpu.memory_space<hbm>>
    %dma_start3A_1011 = arith.constant 0 : i32
    %dma_start3A_1012 = tpu.memref_slice %arg6[%add3A_990, %dma_start3A_1011] : memref<4096x1024xf32, #tpu.memory_space<hbm>> -> memref<16x1024xf32, #tpu.memory_space<hbm>>
    %dma_start3A_1013 = arith.constant 0 : i32
    %dma_start3A_1014 = arith.constant 0 : i32
    %dma_start3A_1015 = tpu.memref_slice %arg8[%dma_start3A_1004, %dma_start3A_1013, %dma_start3A_1014] : memref<2x16x1024xf32, #tpu.memory_space<vmem>> -> memref<1x16x1024xf32, #tpu.memory_space<vmem>>
    %dma_start3A_1016 = tpu.memref_squeeze %dma_start3A_1015 : memref<1x16x1024xf32, #tpu.memory_space<vmem>> -> memref<16x1024xf32, #tpu.memory_space<vmem>>
    tpu.enqueue_dma source(%dma_start3A_1016 : memref<16x1024xf32, #tpu.memory_space<vmem>>) target(%dma_start3A_1012 : memref<16x1024xf32, #tpu.memory_space<hbm>>) target_semaphore(%arg13 : memref<!tpu.dma_semaphore, #tpu.memory_space<semaphore_mem>>)
    %dma_wait3A_1017 = arith.constant 1 : i32
    %dma_wait3A_1018 = arith.constant 1 : i32
    %dma_wait3A_1019 = arith.constant 0 : i32
    %dma_wait3A_1020 = arith.constant 0 : i32
    %dma_wait3A_1021 = tpu.memref_slice %arg7[%dma_wait3A_1018, %dma_wait3A_1019, %dma_wait3A_1020] : memref<2x16x1024xf32, #tpu.memory_space<vmem>> -> memref<1x16x1024xf32, #tpu.memory_space<vmem>>
    %dma_wait3A_1022 = tpu.memref_squeeze %dma_wait3A_1021 : memref<1x16x1024xf32, #tpu.memory_space<vmem>> -> memref<16x1024xf32, #tpu.memory_space<vmem>>
    %dma_wait3A_1023 = arith.constant 0 : i32
    %dma_wait3A_1024 = tpu.memref_slice %arg9[%dma_wait3A_1017, %dma_wait3A_1023] : memref<2x16xi32, #tpu.memory_space<vmem>> -> memref<1x16xi32, #tpu.memory_space<vmem>>
    %dma_wait3A_1025 = tpu.memref_squeeze %dma_wait3A_1024 : memref<1x16xi32, #tpu.memory_space<vmem>> -> memref<16xi32, #tpu.memory_space<vmem>>
    %dma_wait3A_1026 = arith.constant 0 : i32
    %dma_wait3A_1027 = arith.constant 0 : i32
    %dma_wait3A_1028 = tpu.memref_slice %arg2[%dma_wait3A_1026, %dma_wait3A_1027] : memref<9216x1024xf32, #tpu.memory_space<hbm>> -> memref<9216x1024xf32, #tpu.memory_space<hbm>>
    tpu.wait_indirect_dma semaphore(%arg12 : memref<!tpu.dma_semaphore, #tpu.memory_space<semaphore_mem>>) src(%dma_wait3A_1028 : memref<9216x1024xf32, #tpu.memory_space<hbm>>) dst(%dma_wait3A_1022 : memref<16x1024xf32, #tpu.memory_space<vmem>>)
    %dma_wait3A_1029 = arith.constant 1 : i32
    %dma_wait3A_1030 = arith.constant 1 : i32
    %dma_wait3A_1031 = arith.constant 0 : i32
    %dma_wait3A_1032 = arith.constant 0 : i32
    %dma_wait3A_1033 = tpu.memref_slice %arg8[%dma_wait3A_1030, %dma_wait3A_1031, %dma_wait3A_1032] : memref<2x16x1024xf32, #tpu.memory_space<vmem>> -> memref<1x16x1024xf32, #tpu.memory_space<vmem>>
    %dma_wait3A_1034 = tpu.memref_squeeze %dma_wait3A_1033 : memref<1x16x1024xf32, #tpu.memory_space<vmem>> -> memref<16x1024xf32, #tpu.memory_space<vmem>>
    %dma_wait3A_1035 = arith.constant 0 : i32
    %dma_wait3A_1036 = tpu.memref_slice %arg10[%dma_wait3A_1029, %dma_wait3A_1035] : memref<2x16xi32, #tpu.memory_space<vmem>> -> memref<1x16xi32, #tpu.memory_space<vmem>>
    %dma_wait3A_1037 = tpu.memref_squeeze %dma_wait3A_1036 : memref<1x16xi32, #tpu.memory_space<vmem>> -> memref<16xi32, #tpu.memory_space<vmem>>
    %dma_wait3A_1038 = arith.constant 0 : i32
    %dma_wait3A_1039 = arith.constant 0 : i32
    %dma_wait3A_1040 = tpu.memref_slice %arg2[%dma_wait3A_1038, %dma_wait3A_1039] : memref<9216x1024xf32, #tpu.memory_space<hbm>> -> memref<9216x1024xf32, #tpu.memory_space<hbm>>
    tpu.wait_indirect_dma semaphore(%arg12 : memref<!tpu.dma_semaphore, #tpu.memory_space<semaphore_mem>>) src(%dma_wait3A_1040 : memref<9216x1024xf32, #tpu.memory_space<hbm>>) dst(%dma_wait3A_1034 : memref<16x1024xf32, #tpu.memory_space<vmem>>)
    %add3A_1041 = arith.constant 112 : i32
    %add3A_1042 = arith.addi %mul3A_2, %add3A_1041 : i32
    %dma_start3A_1043 = arith.constant 1 : i32
    %dma_start3A_1044 = arith.constant 0 : i32
    %dma_start3A_1045 = arith.constant 0 : i32
    %dma_start3A_1046 = tpu.memref_slice %arg7[%dma_start3A_1043, %dma_start3A_1044, %dma_start3A_1045] : memref<2x16x1024xf32, #tpu.memory_space<vmem>> -> memref<1x16x1024xf32, #tpu.memory_space<vmem>>
    %dma_start3A_1047 = tpu.memref_squeeze %dma_start3A_1046 : memref<1x16x1024xf32, #tpu.memory_space<vmem>> -> memref<16x1024xf32, #tpu.memory_space<vmem>>
    %dma_start3A_1048 = arith.constant 0 : i32
    %dma_start3A_1049 = tpu.memref_slice %arg5[%add3A_1042, %dma_start3A_1048] : memref<4096x1024xf32, #tpu.memory_space<hbm>> -> memref<16x1024xf32, #tpu.memory_space<hbm>>
    %dma_start3A_1050 = arith.constant 0 : i32
    %dma_start3A_1051 = tpu.memref_slice %arg5[%add3A_1042, %dma_start3A_1050] : memref<4096x1024xf32, #tpu.memory_space<hbm>> -> memref<16x1024xf32, #tpu.memory_space<hbm>>
    %dma_start3A_1052 = arith.constant 0 : i32
    %dma_start3A_1053 = arith.constant 0 : i32
    %dma_start3A_1054 = tpu.memref_slice %arg7[%dma_start3A_1043, %dma_start3A_1052, %dma_start3A_1053] : memref<2x16x1024xf32, #tpu.memory_space<vmem>> -> memref<1x16x1024xf32, #tpu.memory_space<vmem>>
    %dma_start3A_1055 = tpu.memref_squeeze %dma_start3A_1054 : memref<1x16x1024xf32, #tpu.memory_space<vmem>> -> memref<16x1024xf32, #tpu.memory_space<vmem>>
    tpu.enqueue_dma source(%dma_start3A_1055 : memref<16x1024xf32, #tpu.memory_space<vmem>>) target(%dma_start3A_1051 : memref<16x1024xf32, #tpu.memory_space<hbm>>) target_semaphore(%arg13 : memref<!tpu.dma_semaphore, #tpu.memory_space<semaphore_mem>>)
    %dma_start3A_1056 = arith.constant 1 : i32
    %dma_start3A_1057 = arith.constant 0 : i32
    %dma_start3A_1058 = arith.constant 0 : i32
    %dma_start3A_1059 = tpu.memref_slice %arg8[%dma_start3A_1056, %dma_start3A_1057, %dma_start3A_1058] : memref<2x16x1024xf32, #tpu.memory_space<vmem>> -> memref<1x16x1024xf32, #tpu.memory_space<vmem>>
    %dma_start3A_1060 = tpu.memref_squeeze %dma_start3A_1059 : memref<1x16x1024xf32, #tpu.memory_space<vmem>> -> memref<16x1024xf32, #tpu.memory_space<vmem>>
    %dma_start3A_1061 = arith.constant 0 : i32
    %dma_start3A_1062 = tpu.memref_slice %arg6[%add3A_1042, %dma_start3A_1061] : memref<4096x1024xf32, #tpu.memory_space<hbm>> -> memref<16x1024xf32, #tpu.memory_space<hbm>>
    %dma_start3A_1063 = arith.constant 0 : i32
    %dma_start3A_1064 = tpu.memref_slice %arg6[%add3A_1042, %dma_start3A_1063] : memref<4096x1024xf32, #tpu.memory_space<hbm>> -> memref<16x1024xf32, #tpu.memory_space<hbm>>
    %dma_start3A_1065 = arith.constant 0 : i32
    %dma_start3A_1066 = arith.constant 0 : i32
    %dma_start3A_1067 = tpu.memref_slice %arg8[%dma_start3A_1056, %dma_start3A_1065, %dma_start3A_1066] : memref<2x16x1024xf32, #tpu.memory_space<vmem>> -> memref<1x16x1024xf32, #tpu.memory_space<vmem>>
    %dma_start3A_1068 = tpu.memref_squeeze %dma_start3A_1067 : memref<1x16x1024xf32, #tpu.memory_space<vmem>> -> memref<16x1024xf32, #tpu.memory_space<vmem>>
    tpu.enqueue_dma source(%dma_start3A_1068 : memref<16x1024xf32, #tpu.memory_space<vmem>>) target(%dma_start3A_1064 : memref<16x1024xf32, #tpu.memory_space<hbm>>) target_semaphore(%arg13 : memref<!tpu.dma_semaphore, #tpu.memory_space<semaphore_mem>>)
    %dma_wait3A_1069 = arith.constant 0 : i32
    %dma_wait3A_1070 = arith.constant 0 : i32
    %dma_wait3A_1071 = arith.constant 0 : i32
    %dma_wait3A_1072 = tpu.memref_slice %arg7[%dma_wait3A_1069, %dma_wait3A_1070, %dma_wait3A_1071] : memref<2x16x1024xf32, #tpu.memory_space<vmem>> -> memref<1x16x1024xf32, #tpu.memory_space<vmem>>
    %dma_wait3A_1073 = tpu.memref_squeeze %dma_wait3A_1072 : memref<1x16x1024xf32, #tpu.memory_space<vmem>> -> memref<16x1024xf32, #tpu.memory_space<vmem>>
    %dma_wait3A_1074 = arith.constant 0 : i32
    %dma_wait3A_1075 = tpu.memref_slice %arg5[%add3A_990, %dma_wait3A_1074] : memref<4096x1024xf32, #tpu.memory_space<hbm>> -> memref<16x1024xf32, #tpu.memory_space<hbm>>
    %dma_wait3A_1076 = arith.constant 0 : i32
    %dma_wait3A_1077 = tpu.memref_slice %arg5[%add3A_990, %dma_wait3A_1076] : memref<4096x1024xf32, #tpu.memory_space<hbm>> -> memref<16x1024xf32, #tpu.memory_space<hbm>>
    %dma_wait3A_1078 = arith.constant 0 : i32
    %dma_wait3A_1079 = arith.constant 0 : i32
    %dma_wait3A_1080 = tpu.memref_slice %arg7[%dma_wait3A_1069, %dma_wait3A_1078, %dma_wait3A_1079] : memref<2x16x1024xf32, #tpu.memory_space<vmem>> -> memref<1x16x1024xf32, #tpu.memory_space<vmem>>
    %dma_wait3A_1081 = tpu.memref_squeeze %dma_wait3A_1080 : memref<1x16x1024xf32, #tpu.memory_space<vmem>> -> memref<16x1024xf32, #tpu.memory_space<vmem>>
    tpu.wait_dma2 semaphore(%arg13 : memref<!tpu.dma_semaphore, #tpu.memory_space<semaphore_mem>>) src(%dma_wait3A_1081 : memref<16x1024xf32, #tpu.memory_space<vmem>>) dst(%dma_wait3A_1077 : memref<16x1024xf32, #tpu.memory_space<hbm>>)
    %dma_wait3A_1082 = arith.constant 0 : i32
    %dma_wait3A_1083 = arith.constant 0 : i32
    %dma_wait3A_1084 = arith.constant 0 : i32
    %dma_wait3A_1085 = tpu.memref_slice %arg8[%dma_wait3A_1082, %dma_wait3A_1083, %dma_wait3A_1084] : memref<2x16x1024xf32, #tpu.memory_space<vmem>> -> memref<1x16x1024xf32, #tpu.memory_space<vmem>>
    %dma_wait3A_1086 = tpu.memref_squeeze %dma_wait3A_1085 : memref<1x16x1024xf32, #tpu.memory_space<vmem>> -> memref<16x1024xf32, #tpu.memory_space<vmem>>
    %dma_wait3A_1087 = arith.constant 0 : i32
    %dma_wait3A_1088 = tpu.memref_slice %arg6[%add3A_990, %dma_wait3A_1087] : memref<4096x1024xf32, #tpu.memory_space<hbm>> -> memref<16x1024xf32, #tpu.memory_space<hbm>>
    %dma_wait3A_1089 = arith.constant 0 : i32
    %dma_wait3A_1090 = tpu.memref_slice %arg6[%add3A_990, %dma_wait3A_1089] : memref<4096x1024xf32, #tpu.memory_space<hbm>> -> memref<16x1024xf32, #tpu.memory_space<hbm>>
    %dma_wait3A_1091 = arith.constant 0 : i32
    %dma_wait3A_1092 = arith.constant 0 : i32
    %dma_wait3A_1093 = tpu.memref_slice %arg8[%dma_wait3A_1082, %dma_wait3A_1091, %dma_wait3A_1092] : memref<2x16x1024xf32, #tpu.memory_space<vmem>> -> memref<1x16x1024xf32, #tpu.memory_space<vmem>>
    %dma_wait3A_1094 = tpu.memref_squeeze %dma_wait3A_1093 : memref<1x16x1024xf32, #tpu.memory_space<vmem>> -> memref<16x1024xf32, #tpu.memory_space<vmem>>
    tpu.wait_dma2 semaphore(%arg13 : memref<!tpu.dma_semaphore, #tpu.memory_space<semaphore_mem>>) src(%dma_wait3A_1094 : memref<16x1024xf32, #tpu.memory_space<vmem>>) dst(%dma_wait3A_1090 : memref<16x1024xf32, #tpu.memory_space<hbm>>)
    %dma_wait3A_1095 = arith.constant 1 : i32
    %dma_wait3A_1096 = arith.constant 0 : i32
    %dma_wait3A_1097 = arith.constant 0 : i32
    %dma_wait3A_1098 = tpu.memref_slice %arg7[%dma_wait3A_1095, %dma_wait3A_1096, %dma_wait3A_1097] : memref<2x16x1024xf32, #tpu.memory_space<vmem>> -> memref<1x16x1024xf32, #tpu.memory_space<vmem>>
    %dma_wait3A_1099 = tpu.memref_squeeze %dma_wait3A_1098 : memref<1x16x1024xf32, #tpu.memory_space<vmem>> -> memref<16x1024xf32, #tpu.memory_space<vmem>>
    %dma_wait3A_1100 = arith.constant 0 : i32
    %dma_wait3A_1101 = tpu.memref_slice %arg5[%add3A_1042, %dma_wait3A_1100] : memref<4096x1024xf32, #tpu.memory_space<hbm>> -> memref<16x1024xf32, #tpu.memory_space<hbm>>
    %dma_wait3A_1102 = arith.constant 0 : i32
    %dma_wait3A_1103 = tpu.memref_slice %arg5[%add3A_1042, %dma_wait3A_1102] : memref<4096x1024xf32, #tpu.memory_space<hbm>> -> memref<16x1024xf32, #tpu.memory_space<hbm>>
    %dma_wait3A_1104 = arith.constant 0 : i32
    %dma_wait3A_1105 = arith.constant 0 : i32
    %dma_wait3A_1106 = tpu.memref_slice %arg7[%dma_wait3A_1095, %dma_wait3A_1104, %dma_wait3A_1105] : memref<2x16x1024xf32, #tpu.memory_space<vmem>> -> memref<1x16x1024xf32, #tpu.memory_space<vmem>>
    %dma_wait3A_1107 = tpu.memref_squeeze %dma_wait3A_1106 : memref<1x16x1024xf32, #tpu.memory_space<vmem>> -> memref<16x1024xf32, #tpu.memory_space<vmem>>
    tpu.wait_dma2 semaphore(%arg13 : memref<!tpu.dma_semaphore, #tpu.memory_space<semaphore_mem>>) src(%dma_wait3A_1107 : memref<16x1024xf32, #tpu.memory_space<vmem>>) dst(%dma_wait3A_1103 : memref<16x1024xf32, #tpu.memory_space<hbm>>)
    %dma_wait3A_1108 = arith.constant 1 : i32
    %dma_wait3A_1109 = arith.constant 0 : i32
    %dma_wait3A_1110 = arith.constant 0 : i32
    %dma_wait3A_1111 = tpu.memref_slice %arg8[%dma_wait3A_1108, %dma_wait3A_1109, %dma_wait3A_1110] : memref<2x16x1024xf32, #tpu.memory_space<vmem>> -> memref<1x16x1024xf32, #tpu.memory_space<vmem>>
    %dma_wait3A_1112 = tpu.memref_squeeze %dma_wait3A_1111 : memref<1x16x1024xf32, #tpu.memory_space<vmem>> -> memref<16x1024xf32, #tpu.memory_space<vmem>>
    %dma_wait3A_1113 = arith.constant 0 : i32
    %dma_wait3A_1114 = tpu.memref_slice %arg6[%add3A_1042, %dma_wait3A_1113] : memref<4096x1024xf32, #tpu.memory_space<hbm>> -> memref<16x1024xf32, #tpu.memory_space<hbm>>
    %dma_wait3A_1115 = arith.constant 0 : i32
    %dma_wait3A_1116 = tpu.memref_slice %arg6[%add3A_1042, %dma_wait3A_1115] : memref<4096x1024xf32, #tpu.memory_space<hbm>> -> memref<16x1024xf32, #tpu.memory_space<hbm>>
    %dma_wait3A_1117 = arith.constant 0 : i32
    %dma_wait3A_1118 = arith.constant 0 : i32
    %dma_wait3A_1119 = tpu.memref_slice %arg8[%dma_wait3A_1108, %dma_wait3A_1117, %dma_wait3A_1118] : memref<2x16x1024xf32, #tpu.memory_space<vmem>> -> memref<1x16x1024xf32, #tpu.memory_space<vmem>>
    %dma_wait3A_1120 = tpu.memref_squeeze %dma_wait3A_1119 : memref<1x16x1024xf32, #tpu.memory_space<vmem>> -> memref<16x1024xf32, #tpu.memory_space<vmem>>
    tpu.wait_dma2 semaphore(%arg13 : memref<!tpu.dma_semaphore, #tpu.memory_space<semaphore_mem>>) src(%dma_wait3A_1120 : memref<16x1024xf32, #tpu.memory_space<vmem>>) dst(%dma_wait3A_1116 : memref<16x1024xf32, #tpu.memory_space<hbm>>)
    return
  }
}

#map = affine_map<(d0, d1) -> (0, 0)>
#map1 = affine_map<(d0, d1) -> (0)>
module attributes {stable_mosaic.version = 14 : i64} {
  func.func @_disperse(%arg0: i32, %arg1: i32, %arg2: memref<4096x1024xf32, #tpu.memory_space<hbm>>, %arg3: memref<4096xi32, #tpu.memory_space<hbm>>, %arg4: memref<4096xi32, #tpu.memory_space<hbm>>, %arg5: memref<9216x1024xf32, #tpu.memory_space<hbm>>, %arg6: memref<2x32x1024xf32, #tpu.memory_space<vmem>>, %arg7: memref<2x32xi32, #tpu.memory_space<vmem>>, %arg8: memref<2x32xi32, #tpu.memory_space<vmem>>, %arg9: memref<!tpu.dma_semaphore, #tpu.memory_space<semaphore_mem>>, %arg10: memref<!tpu.dma_semaphore, #tpu.memory_space<semaphore_mem>>) attributes {dimension_semantics = [#tpu.dimension_semantics<core_parallel>, #tpu.dimension_semantics<subcore_parallel>], iteration_bounds = array<i64: 2, 16>, scalar_prefetch = 0 : i64, scratch_operands = 5 : i64, tpu.core_type = #tpu.core_type<sc_vector_subcore>, window_params = [{transform_indices = #map}, {transform_indices = #map1}, {transform_indices = #map1}, {transform_indices = #map}]} {
    %mul3A = arith.constant 2 : i32
    %mul3A_0 = arith.muli %arg1, %mul3A : i32
    %add3A = arith.addi %mul3A_0, %arg0 : i32
    %mul3A_1 = arith.constant 128 : i32
    %mul3A_2 = arith.muli %add3A, %mul3A_1 : i32
    %add3A_3 = arith.constant 0 : i32
    %add3A_4 = arith.addi %mul3A_2, %add3A_3 : i32
    %dma_start3A = arith.constant 0 : i32
    %dma_start3A_5 = arith.constant 0 : i32
    %dma_start3A_6 = arith.constant 0 : i32
    %dma_start3A_7 = tpu.memref_slice %arg6[%dma_start3A, %dma_start3A_5, %dma_start3A_6] : memref<2x32x1024xf32, #tpu.memory_space<vmem>> -> memref<1x32x1024xf32, #tpu.memory_space<vmem>>
    %dma_start3A_8 = tpu.memref_squeeze %dma_start3A_7 : memref<1x32x1024xf32, #tpu.memory_space<vmem>> -> memref<32x1024xf32, #tpu.memory_space<vmem>>
    %dma_start3A_9 = arith.constant 0 : i32
    %dma_start3A_10 = tpu.memref_slice %arg2[%add3A_4, %dma_start3A_9] : memref<4096x1024xf32, #tpu.memory_space<hbm>> -> memref<32x1024xf32, #tpu.memory_space<hbm>>
    %dma_start3A_11 = arith.constant 0 : i32
    %dma_start3A_12 = arith.constant 0 : i32
    %dma_start3A_13 = tpu.memref_slice %arg6[%dma_start3A, %dma_start3A_11, %dma_start3A_12] : memref<2x32x1024xf32, #tpu.memory_space<vmem>> -> memref<1x32x1024xf32, #tpu.memory_space<vmem>>
    %dma_start3A_14 = tpu.memref_squeeze %dma_start3A_13 : memref<1x32x1024xf32, #tpu.memory_space<vmem>> -> memref<32x1024xf32, #tpu.memory_space<vmem>>
    %dma_start3A_15 = arith.constant 0 : i32
    %dma_start3A_16 = tpu.memref_slice %arg2[%add3A_4, %dma_start3A_15] : memref<4096x1024xf32, #tpu.memory_space<hbm>> -> memref<32x1024xf32, #tpu.memory_space<hbm>>
    tpu.enqueue_dma source(%dma_start3A_16 : memref<32x1024xf32, #tpu.memory_space<hbm>>) target(%dma_start3A_14 : memref<32x1024xf32, #tpu.memory_space<vmem>>) target_semaphore(%arg9 : memref<!tpu.dma_semaphore, #tpu.memory_space<semaphore_mem>>)
    %dma_start3A_17 = arith.constant 0 : i32
    %dma_start3A_18 = arith.constant 0 : i32
    %dma_start3A_19 = tpu.memref_slice %arg7[%dma_start3A_17, %dma_start3A_18] : memref<2x32xi32, #tpu.memory_space<vmem>> -> memref<1x32xi32, #tpu.memory_space<vmem>>
    %dma_start3A_20 = tpu.memref_squeeze %dma_start3A_19 : memref<1x32xi32, #tpu.memory_space<vmem>> -> memref<32xi32, #tpu.memory_space<vmem>>
    %dma_start3A_21 = tpu.memref_slice %arg3[%add3A_4] : memref<4096xi32, #tpu.memory_space<hbm>> -> memref<32xi32, #tpu.memory_space<hbm>>
    %dma_start3A_22 = arith.constant 0 : i32
    %dma_start3A_23 = tpu.memref_slice %arg7[%dma_start3A_17, %dma_start3A_22] : memref<2x32xi32, #tpu.memory_space<vmem>> -> memref<1x32xi32, #tpu.memory_space<vmem>>
    %dma_start3A_24 = tpu.memref_squeeze %dma_start3A_23 : memref<1x32xi32, #tpu.memory_space<vmem>> -> memref<32xi32, #tpu.memory_space<vmem>>
    %dma_start3A_25 = tpu.memref_slice %arg3[%add3A_4] : memref<4096xi32, #tpu.memory_space<hbm>> -> memref<32xi32, #tpu.memory_space<hbm>>
    tpu.enqueue_dma source(%dma_start3A_25 : memref<32xi32, #tpu.memory_space<hbm>>) target(%dma_start3A_24 : memref<32xi32, #tpu.memory_space<vmem>>) target_semaphore(%arg9 : memref<!tpu.dma_semaphore, #tpu.memory_space<semaphore_mem>>)
    %dma_start3A_26 = arith.constant 0 : i32
    %dma_start3A_27 = arith.constant 0 : i32
    %dma_start3A_28 = tpu.memref_slice %arg8[%dma_start3A_26, %dma_start3A_27] : memref<2x32xi32, #tpu.memory_space<vmem>> -> memref<1x32xi32, #tpu.memory_space<vmem>>
    %dma_start3A_29 = tpu.memref_squeeze %dma_start3A_28 : memref<1x32xi32, #tpu.memory_space<vmem>> -> memref<32xi32, #tpu.memory_space<vmem>>
    %dma_start3A_30 = tpu.memref_slice %arg4[%add3A_4] : memref<4096xi32, #tpu.memory_space<hbm>> -> memref<32xi32, #tpu.memory_space<hbm>>
    %dma_start3A_31 = arith.constant 0 : i32
    %dma_start3A_32 = tpu.memref_slice %arg8[%dma_start3A_26, %dma_start3A_31] : memref<2x32xi32, #tpu.memory_space<vmem>> -> memref<1x32xi32, #tpu.memory_space<vmem>>
    %dma_start3A_33 = tpu.memref_squeeze %dma_start3A_32 : memref<1x32xi32, #tpu.memory_space<vmem>> -> memref<32xi32, #tpu.memory_space<vmem>>
    %dma_start3A_34 = tpu.memref_slice %arg4[%add3A_4] : memref<4096xi32, #tpu.memory_space<hbm>> -> memref<32xi32, #tpu.memory_space<hbm>>
    tpu.enqueue_dma source(%dma_start3A_34 : memref<32xi32, #tpu.memory_space<hbm>>) target(%dma_start3A_33 : memref<32xi32, #tpu.memory_space<vmem>>) target_semaphore(%arg9 : memref<!tpu.dma_semaphore, #tpu.memory_space<semaphore_mem>>)
    %dma_wait3A = arith.constant 0 : i32
    %dma_wait3A_35 = arith.constant 0 : i32
    %dma_wait3A_36 = arith.constant 0 : i32
    %dma_wait3A_37 = tpu.memref_slice %arg6[%dma_wait3A, %dma_wait3A_35, %dma_wait3A_36] : memref<2x32x1024xf32, #tpu.memory_space<vmem>> -> memref<1x32x1024xf32, #tpu.memory_space<vmem>>
    %dma_wait3A_38 = tpu.memref_squeeze %dma_wait3A_37 : memref<1x32x1024xf32, #tpu.memory_space<vmem>> -> memref<32x1024xf32, #tpu.memory_space<vmem>>
    %dma_wait3A_39 = arith.constant 0 : i32
    %dma_wait3A_40 = tpu.memref_slice %arg2[%add3A_4, %dma_wait3A_39] : memref<4096x1024xf32, #tpu.memory_space<hbm>> -> memref<32x1024xf32, #tpu.memory_space<hbm>>
    %dma_wait3A_41 = arith.constant 0 : i32
    %dma_wait3A_42 = arith.constant 0 : i32
    %dma_wait3A_43 = tpu.memref_slice %arg6[%dma_wait3A, %dma_wait3A_41, %dma_wait3A_42] : memref<2x32x1024xf32, #tpu.memory_space<vmem>> -> memref<1x32x1024xf32, #tpu.memory_space<vmem>>
    %dma_wait3A_44 = tpu.memref_squeeze %dma_wait3A_43 : memref<1x32x1024xf32, #tpu.memory_space<vmem>> -> memref<32x1024xf32, #tpu.memory_space<vmem>>
    %dma_wait3A_45 = arith.constant 0 : i32
    %dma_wait3A_46 = tpu.memref_slice %arg2[%add3A_4, %dma_wait3A_45] : memref<4096x1024xf32, #tpu.memory_space<hbm>> -> memref<32x1024xf32, #tpu.memory_space<hbm>>
    tpu.wait_dma2 semaphore(%arg9 : memref<!tpu.dma_semaphore, #tpu.memory_space<semaphore_mem>>) src(%dma_wait3A_46 : memref<32x1024xf32, #tpu.memory_space<hbm>>) dst(%dma_wait3A_44 : memref<32x1024xf32, #tpu.memory_space<vmem>>)
    %dma_wait3A_47 = arith.constant 0 : i32
    %dma_wait3A_48 = arith.constant 0 : i32
    %dma_wait3A_49 = tpu.memref_slice %arg7[%dma_wait3A_47, %dma_wait3A_48] : memref<2x32xi32, #tpu.memory_space<vmem>> -> memref<1x32xi32, #tpu.memory_space<vmem>>
    %dma_wait3A_50 = tpu.memref_squeeze %dma_wait3A_49 : memref<1x32xi32, #tpu.memory_space<vmem>> -> memref<32xi32, #tpu.memory_space<vmem>>
    %dma_wait3A_51 = tpu.memref_slice %arg3[%add3A_4] : memref<4096xi32, #tpu.memory_space<hbm>> -> memref<32xi32, #tpu.memory_space<hbm>>
    %dma_wait3A_52 = arith.constant 0 : i32
    %dma_wait3A_53 = tpu.memref_slice %arg7[%dma_wait3A_47, %dma_wait3A_52] : memref<2x32xi32, #tpu.memory_space<vmem>> -> memref<1x32xi32, #tpu.memory_space<vmem>>
    %dma_wait3A_54 = tpu.memref_squeeze %dma_wait3A_53 : memref<1x32xi32, #tpu.memory_space<vmem>> -> memref<32xi32, #tpu.memory_space<vmem>>
    %dma_wait3A_55 = tpu.memref_slice %arg3[%add3A_4] : memref<4096xi32, #tpu.memory_space<hbm>> -> memref<32xi32, #tpu.memory_space<hbm>>
    tpu.wait_dma2 semaphore(%arg9 : memref<!tpu.dma_semaphore, #tpu.memory_space<semaphore_mem>>) src(%dma_wait3A_55 : memref<32xi32, #tpu.memory_space<hbm>>) dst(%dma_wait3A_54 : memref<32xi32, #tpu.memory_space<vmem>>)
    %dma_wait3A_56 = arith.constant 0 : i32
    %dma_wait3A_57 = arith.constant 0 : i32
    %dma_wait3A_58 = tpu.memref_slice %arg8[%dma_wait3A_56, %dma_wait3A_57] : memref<2x32xi32, #tpu.memory_space<vmem>> -> memref<1x32xi32, #tpu.memory_space<vmem>>
    %dma_wait3A_59 = tpu.memref_squeeze %dma_wait3A_58 : memref<1x32xi32, #tpu.memory_space<vmem>> -> memref<32xi32, #tpu.memory_space<vmem>>
    %dma_wait3A_60 = tpu.memref_slice %arg4[%add3A_4] : memref<4096xi32, #tpu.memory_space<hbm>> -> memref<32xi32, #tpu.memory_space<hbm>>
    %dma_wait3A_61 = arith.constant 0 : i32
    %dma_wait3A_62 = tpu.memref_slice %arg8[%dma_wait3A_56, %dma_wait3A_61] : memref<2x32xi32, #tpu.memory_space<vmem>> -> memref<1x32xi32, #tpu.memory_space<vmem>>
    %dma_wait3A_63 = tpu.memref_squeeze %dma_wait3A_62 : memref<1x32xi32, #tpu.memory_space<vmem>> -> memref<32xi32, #tpu.memory_space<vmem>>
    %dma_wait3A_64 = tpu.memref_slice %arg4[%add3A_4] : memref<4096xi32, #tpu.memory_space<hbm>> -> memref<32xi32, #tpu.memory_space<hbm>>
    tpu.wait_dma2 semaphore(%arg9 : memref<!tpu.dma_semaphore, #tpu.memory_space<semaphore_mem>>) src(%dma_wait3A_64 : memref<32xi32, #tpu.memory_space<hbm>>) dst(%dma_wait3A_63 : memref<32xi32, #tpu.memory_space<vmem>>)
    %dma_start3A_65 = arith.constant 0 : i32
    %dma_start3A_66 = arith.constant 0 : i32
    %dma_start3A_67 = arith.constant 0 : i32
    %dma_start3A_68 = arith.constant 0 : i32
    %dma_start3A_69 = tpu.memref_slice %arg6[%dma_start3A_65, %dma_start3A_67, %dma_start3A_68] : memref<2x32x1024xf32, #tpu.memory_space<vmem>> -> memref<1x32x1024xf32, #tpu.memory_space<vmem>>
    %dma_start3A_70 = tpu.memref_squeeze %dma_start3A_69 : memref<1x32x1024xf32, #tpu.memory_space<vmem>> -> memref<32x1024xf32, #tpu.memory_space<vmem>>
    %dma_start3A_71 = arith.constant 0 : i32
    %dma_start3A_72 = tpu.memref_slice %arg7[%dma_start3A_66, %dma_start3A_71] : memref<2x32xi32, #tpu.memory_space<vmem>> -> memref<1x32xi32, #tpu.memory_space<vmem>>
    %dma_start3A_73 = tpu.memref_squeeze %dma_start3A_72 : memref<1x32xi32, #tpu.memory_space<vmem>> -> memref<32xi32, #tpu.memory_space<vmem>>
    %dma_start3A_74 = arith.constant 0 : i32
    %dma_start3A_75 = arith.constant 0 : i32
    %dma_start3A_76 = tpu.memref_slice %arg5[%dma_start3A_74, %dma_start3A_75] : memref<9216x1024xf32, #tpu.memory_space<hbm>> -> memref<9216x1024xf32, #tpu.memory_space<hbm>>
    tpu.enqueue_indirect_dma source(%dma_start3A_70 : memref<32x1024xf32, #tpu.memory_space<vmem>>) target(%dma_start3A_76 : memref<9216x1024xf32, #tpu.memory_space<hbm>>) offsets(%dma_start3A_73 : memref<32xi32, #tpu.memory_space<vmem>>) semaphore(%arg10 : memref<!tpu.dma_semaphore, #tpu.memory_space<semaphore_mem>>)
    %dma_start3A_77 = arith.constant 0 : i32
    %dma_start3A_78 = arith.constant 0 : i32
    %dma_start3A_79 = arith.constant 0 : i32
    %dma_start3A_80 = arith.constant 0 : i32
    %dma_start3A_81 = tpu.memref_slice %arg6[%dma_start3A_77, %dma_start3A_79, %dma_start3A_80] : memref<2x32x1024xf32, #tpu.memory_space<vmem>> -> memref<1x32x1024xf32, #tpu.memory_space<vmem>>
    %dma_start3A_82 = tpu.memref_squeeze %dma_start3A_81 : memref<1x32x1024xf32, #tpu.memory_space<vmem>> -> memref<32x1024xf32, #tpu.memory_space<vmem>>
    %dma_start3A_83 = arith.constant 0 : i32
    %dma_start3A_84 = tpu.memref_slice %arg8[%dma_start3A_78, %dma_start3A_83] : memref<2x32xi32, #tpu.memory_space<vmem>> -> memref<1x32xi32, #tpu.memory_space<vmem>>
    %dma_start3A_85 = tpu.memref_squeeze %dma_start3A_84 : memref<1x32xi32, #tpu.memory_space<vmem>> -> memref<32xi32, #tpu.memory_space<vmem>>
    %dma_start3A_86 = arith.constant 0 : i32
    %dma_start3A_87 = arith.constant 0 : i32
    %dma_start3A_88 = tpu.memref_slice %arg5[%dma_start3A_86, %dma_start3A_87] : memref<9216x1024xf32, #tpu.memory_space<hbm>> -> memref<9216x1024xf32, #tpu.memory_space<hbm>>
    tpu.enqueue_indirect_dma source(%dma_start3A_82 : memref<32x1024xf32, #tpu.memory_space<vmem>>) target(%dma_start3A_88 : memref<9216x1024xf32, #tpu.memory_space<hbm>>) offsets(%dma_start3A_85 : memref<32xi32, #tpu.memory_space<vmem>>) semaphore(%arg10 : memref<!tpu.dma_semaphore, #tpu.memory_space<semaphore_mem>>)
    %add3A_89 = arith.constant 32 : i32
    %add3A_90 = arith.addi %mul3A_2, %add3A_89 : i32
    %dma_start3A_91 = arith.constant 1 : i32
    %dma_start3A_92 = arith.constant 0 : i32
    %dma_start3A_93 = arith.constant 0 : i32
    %dma_start3A_94 = tpu.memref_slice %arg6[%dma_start3A_91, %dma_start3A_92, %dma_start3A_93] : memref<2x32x1024xf32, #tpu.memory_space<vmem>> -> memref<1x32x1024xf32, #tpu.memory_space<vmem>>
    %dma_start3A_95 = tpu.memref_squeeze %dma_start3A_94 : memref<1x32x1024xf32, #tpu.memory_space<vmem>> -> memref<32x1024xf32, #tpu.memory_space<vmem>>
    %dma_start3A_96 = arith.constant 0 : i32
    %dma_start3A_97 = tpu.memref_slice %arg2[%add3A_90, %dma_start3A_96] : memref<4096x1024xf32, #tpu.memory_space<hbm>> -> memref<32x1024xf32, #tpu.memory_space<hbm>>
    %dma_start3A_98 = arith.constant 0 : i32
    %dma_start3A_99 = arith.constant 0 : i32
    %dma_start3A_100 = tpu.memref_slice %arg6[%dma_start3A_91, %dma_start3A_98, %dma_start3A_99] : memref<2x32x1024xf32, #tpu.memory_space<vmem>> -> memref<1x32x1024xf32, #tpu.memory_space<vmem>>
    %dma_start3A_101 = tpu.memref_squeeze %dma_start3A_100 : memref<1x32x1024xf32, #tpu.memory_space<vmem>> -> memref<32x1024xf32, #tpu.memory_space<vmem>>
    %dma_start3A_102 = arith.constant 0 : i32
    %dma_start3A_103 = tpu.memref_slice %arg2[%add3A_90, %dma_start3A_102] : memref<4096x1024xf32, #tpu.memory_space<hbm>> -> memref<32x1024xf32, #tpu.memory_space<hbm>>
    tpu.enqueue_dma source(%dma_start3A_103 : memref<32x1024xf32, #tpu.memory_space<hbm>>) target(%dma_start3A_101 : memref<32x1024xf32, #tpu.memory_space<vmem>>) target_semaphore(%arg9 : memref<!tpu.dma_semaphore, #tpu.memory_space<semaphore_mem>>)
    %dma_start3A_104 = arith.constant 1 : i32
    %dma_start3A_105 = arith.constant 0 : i32
    %dma_start3A_106 = tpu.memref_slice %arg7[%dma_start3A_104, %dma_start3A_105] : memref<2x32xi32, #tpu.memory_space<vmem>> -> memref<1x32xi32, #tpu.memory_space<vmem>>
    %dma_start3A_107 = tpu.memref_squeeze %dma_start3A_106 : memref<1x32xi32, #tpu.memory_space<vmem>> -> memref<32xi32, #tpu.memory_space<vmem>>
    %dma_start3A_108 = tpu.memref_slice %arg3[%add3A_90] : memref<4096xi32, #tpu.memory_space<hbm>> -> memref<32xi32, #tpu.memory_space<hbm>>
    %dma_start3A_109 = arith.constant 0 : i32
    %dma_start3A_110 = tpu.memref_slice %arg7[%dma_start3A_104, %dma_start3A_109] : memref<2x32xi32, #tpu.memory_space<vmem>> -> memref<1x32xi32, #tpu.memory_space<vmem>>
    %dma_start3A_111 = tpu.memref_squeeze %dma_start3A_110 : memref<1x32xi32, #tpu.memory_space<vmem>> -> memref<32xi32, #tpu.memory_space<vmem>>
    %dma_start3A_112 = tpu.memref_slice %arg3[%add3A_90] : memref<4096xi32, #tpu.memory_space<hbm>> -> memref<32xi32, #tpu.memory_space<hbm>>
    tpu.enqueue_dma source(%dma_start3A_112 : memref<32xi32, #tpu.memory_space<hbm>>) target(%dma_start3A_111 : memref<32xi32, #tpu.memory_space<vmem>>) target_semaphore(%arg9 : memref<!tpu.dma_semaphore, #tpu.memory_space<semaphore_mem>>)
    %dma_start3A_113 = arith.constant 1 : i32
    %dma_start3A_114 = arith.constant 0 : i32
    %dma_start3A_115 = tpu.memref_slice %arg8[%dma_start3A_113, %dma_start3A_114] : memref<2x32xi32, #tpu.memory_space<vmem>> -> memref<1x32xi32, #tpu.memory_space<vmem>>
    %dma_start3A_116 = tpu.memref_squeeze %dma_start3A_115 : memref<1x32xi32, #tpu.memory_space<vmem>> -> memref<32xi32, #tpu.memory_space<vmem>>
    %dma_start3A_117 = tpu.memref_slice %arg4[%add3A_90] : memref<4096xi32, #tpu.memory_space<hbm>> -> memref<32xi32, #tpu.memory_space<hbm>>
    %dma_start3A_118 = arith.constant 0 : i32
    %dma_start3A_119 = tpu.memref_slice %arg8[%dma_start3A_113, %dma_start3A_118] : memref<2x32xi32, #tpu.memory_space<vmem>> -> memref<1x32xi32, #tpu.memory_space<vmem>>
    %dma_start3A_120 = tpu.memref_squeeze %dma_start3A_119 : memref<1x32xi32, #tpu.memory_space<vmem>> -> memref<32xi32, #tpu.memory_space<vmem>>
    %dma_start3A_121 = tpu.memref_slice %arg4[%add3A_90] : memref<4096xi32, #tpu.memory_space<hbm>> -> memref<32xi32, #tpu.memory_space<hbm>>
    tpu.enqueue_dma source(%dma_start3A_121 : memref<32xi32, #tpu.memory_space<hbm>>) target(%dma_start3A_120 : memref<32xi32, #tpu.memory_space<vmem>>) target_semaphore(%arg9 : memref<!tpu.dma_semaphore, #tpu.memory_space<semaphore_mem>>)
    %dma_wait3A_122 = arith.constant 1 : i32
    %dma_wait3A_123 = arith.constant 0 : i32
    %dma_wait3A_124 = arith.constant 0 : i32
    %dma_wait3A_125 = tpu.memref_slice %arg6[%dma_wait3A_122, %dma_wait3A_123, %dma_wait3A_124] : memref<2x32x1024xf32, #tpu.memory_space<vmem>> -> memref<1x32x1024xf32, #tpu.memory_space<vmem>>
    %dma_wait3A_126 = tpu.memref_squeeze %dma_wait3A_125 : memref<1x32x1024xf32, #tpu.memory_space<vmem>> -> memref<32x1024xf32, #tpu.memory_space<vmem>>
    %dma_wait3A_127 = arith.constant 0 : i32
    %dma_wait3A_128 = tpu.memref_slice %arg2[%add3A_90, %dma_wait3A_127] : memref<4096x1024xf32, #tpu.memory_space<hbm>> -> memref<32x1024xf32, #tpu.memory_space<hbm>>
    %dma_wait3A_129 = arith.constant 0 : i32
    %dma_wait3A_130 = arith.constant 0 : i32
    %dma_wait3A_131 = tpu.memref_slice %arg6[%dma_wait3A_122, %dma_wait3A_129, %dma_wait3A_130] : memref<2x32x1024xf32, #tpu.memory_space<vmem>> -> memref<1x32x1024xf32, #tpu.memory_space<vmem>>
    %dma_wait3A_132 = tpu.memref_squeeze %dma_wait3A_131 : memref<1x32x1024xf32, #tpu.memory_space<vmem>> -> memref<32x1024xf32, #tpu.memory_space<vmem>>
    %dma_wait3A_133 = arith.constant 0 : i32
    %dma_wait3A_134 = tpu.memref_slice %arg2[%add3A_90, %dma_wait3A_133] : memref<4096x1024xf32, #tpu.memory_space<hbm>> -> memref<32x1024xf32, #tpu.memory_space<hbm>>
    tpu.wait_dma2 semaphore(%arg9 : memref<!tpu.dma_semaphore, #tpu.memory_space<semaphore_mem>>) src(%dma_wait3A_134 : memref<32x1024xf32, #tpu.memory_space<hbm>>) dst(%dma_wait3A_132 : memref<32x1024xf32, #tpu.memory_space<vmem>>)
    %dma_wait3A_135 = arith.constant 1 : i32
    %dma_wait3A_136 = arith.constant 0 : i32
    %dma_wait3A_137 = tpu.memref_slice %arg7[%dma_wait3A_135, %dma_wait3A_136] : memref<2x32xi32, #tpu.memory_space<vmem>> -> memref<1x32xi32, #tpu.memory_space<vmem>>
    %dma_wait3A_138 = tpu.memref_squeeze %dma_wait3A_137 : memref<1x32xi32, #tpu.memory_space<vmem>> -> memref<32xi32, #tpu.memory_space<vmem>>
    %dma_wait3A_139 = tpu.memref_slice %arg3[%add3A_90] : memref<4096xi32, #tpu.memory_space<hbm>> -> memref<32xi32, #tpu.memory_space<hbm>>
    %dma_wait3A_140 = arith.constant 0 : i32
    %dma_wait3A_141 = tpu.memref_slice %arg7[%dma_wait3A_135, %dma_wait3A_140] : memref<2x32xi32, #tpu.memory_space<vmem>> -> memref<1x32xi32, #tpu.memory_space<vmem>>
    %dma_wait3A_142 = tpu.memref_squeeze %dma_wait3A_141 : memref<1x32xi32, #tpu.memory_space<vmem>> -> memref<32xi32, #tpu.memory_space<vmem>>
    %dma_wait3A_143 = tpu.memref_slice %arg3[%add3A_90] : memref<4096xi32, #tpu.memory_space<hbm>> -> memref<32xi32, #tpu.memory_space<hbm>>
    tpu.wait_dma2 semaphore(%arg9 : memref<!tpu.dma_semaphore, #tpu.memory_space<semaphore_mem>>) src(%dma_wait3A_143 : memref<32xi32, #tpu.memory_space<hbm>>) dst(%dma_wait3A_142 : memref<32xi32, #tpu.memory_space<vmem>>)
    %dma_wait3A_144 = arith.constant 1 : i32
    %dma_wait3A_145 = arith.constant 0 : i32
    %dma_wait3A_146 = tpu.memref_slice %arg8[%dma_wait3A_144, %dma_wait3A_145] : memref<2x32xi32, #tpu.memory_space<vmem>> -> memref<1x32xi32, #tpu.memory_space<vmem>>
    %dma_wait3A_147 = tpu.memref_squeeze %dma_wait3A_146 : memref<1x32xi32, #tpu.memory_space<vmem>> -> memref<32xi32, #tpu.memory_space<vmem>>
    %dma_wait3A_148 = tpu.memref_slice %arg4[%add3A_90] : memref<4096xi32, #tpu.memory_space<hbm>> -> memref<32xi32, #tpu.memory_space<hbm>>
    %dma_wait3A_149 = arith.constant 0 : i32
    %dma_wait3A_150 = tpu.memref_slice %arg8[%dma_wait3A_144, %dma_wait3A_149] : memref<2x32xi32, #tpu.memory_space<vmem>> -> memref<1x32xi32, #tpu.memory_space<vmem>>
    %dma_wait3A_151 = tpu.memref_squeeze %dma_wait3A_150 : memref<1x32xi32, #tpu.memory_space<vmem>> -> memref<32xi32, #tpu.memory_space<vmem>>
    %dma_wait3A_152 = tpu.memref_slice %arg4[%add3A_90] : memref<4096xi32, #tpu.memory_space<hbm>> -> memref<32xi32, #tpu.memory_space<hbm>>
    tpu.wait_dma2 semaphore(%arg9 : memref<!tpu.dma_semaphore, #tpu.memory_space<semaphore_mem>>) src(%dma_wait3A_152 : memref<32xi32, #tpu.memory_space<hbm>>) dst(%dma_wait3A_151 : memref<32xi32, #tpu.memory_space<vmem>>)
    %dma_start3A_153 = arith.constant 1 : i32
    %dma_start3A_154 = arith.constant 1 : i32
    %dma_start3A_155 = arith.constant 0 : i32
    %dma_start3A_156 = arith.constant 0 : i32
    %dma_start3A_157 = tpu.memref_slice %arg6[%dma_start3A_153, %dma_start3A_155, %dma_start3A_156] : memref<2x32x1024xf32, #tpu.memory_space<vmem>> -> memref<1x32x1024xf32, #tpu.memory_space<vmem>>
    %dma_start3A_158 = tpu.memref_squeeze %dma_start3A_157 : memref<1x32x1024xf32, #tpu.memory_space<vmem>> -> memref<32x1024xf32, #tpu.memory_space<vmem>>
    %dma_start3A_159 = arith.constant 0 : i32
    %dma_start3A_160 = tpu.memref_slice %arg7[%dma_start3A_154, %dma_start3A_159] : memref<2x32xi32, #tpu.memory_space<vmem>> -> memref<1x32xi32, #tpu.memory_space<vmem>>
    %dma_start3A_161 = tpu.memref_squeeze %dma_start3A_160 : memref<1x32xi32, #tpu.memory_space<vmem>> -> memref<32xi32, #tpu.memory_space<vmem>>
    %dma_start3A_162 = arith.constant 0 : i32
    %dma_start3A_163 = arith.constant 0 : i32
    %dma_start3A_164 = tpu.memref_slice %arg5[%dma_start3A_162, %dma_start3A_163] : memref<9216x1024xf32, #tpu.memory_space<hbm>> -> memref<9216x1024xf32, #tpu.memory_space<hbm>>
    tpu.enqueue_indirect_dma source(%dma_start3A_158 : memref<32x1024xf32, #tpu.memory_space<vmem>>) target(%dma_start3A_164 : memref<9216x1024xf32, #tpu.memory_space<hbm>>) offsets(%dma_start3A_161 : memref<32xi32, #tpu.memory_space<vmem>>) semaphore(%arg10 : memref<!tpu.dma_semaphore, #tpu.memory_space<semaphore_mem>>)
    %dma_start3A_165 = arith.constant 1 : i32
    %dma_start3A_166 = arith.constant 1 : i32
    %dma_start3A_167 = arith.constant 0 : i32
    %dma_start3A_168 = arith.constant 0 : i32
    %dma_start3A_169 = tpu.memref_slice %arg6[%dma_start3A_165, %dma_start3A_167, %dma_start3A_168] : memref<2x32x1024xf32, #tpu.memory_space<vmem>> -> memref<1x32x1024xf32, #tpu.memory_space<vmem>>
    %dma_start3A_170 = tpu.memref_squeeze %dma_start3A_169 : memref<1x32x1024xf32, #tpu.memory_space<vmem>> -> memref<32x1024xf32, #tpu.memory_space<vmem>>
    %dma_start3A_171 = arith.constant 0 : i32
    %dma_start3A_172 = tpu.memref_slice %arg8[%dma_start3A_166, %dma_start3A_171] : memref<2x32xi32, #tpu.memory_space<vmem>> -> memref<1x32xi32, #tpu.memory_space<vmem>>
    %dma_start3A_173 = tpu.memref_squeeze %dma_start3A_172 : memref<1x32xi32, #tpu.memory_space<vmem>> -> memref<32xi32, #tpu.memory_space<vmem>>
    %dma_start3A_174 = arith.constant 0 : i32
    %dma_start3A_175 = arith.constant 0 : i32
    %dma_start3A_176 = tpu.memref_slice %arg5[%dma_start3A_174, %dma_start3A_175] : memref<9216x1024xf32, #tpu.memory_space<hbm>> -> memref<9216x1024xf32, #tpu.memory_space<hbm>>
    tpu.enqueue_indirect_dma source(%dma_start3A_170 : memref<32x1024xf32, #tpu.memory_space<vmem>>) target(%dma_start3A_176 : memref<9216x1024xf32, #tpu.memory_space<hbm>>) offsets(%dma_start3A_173 : memref<32xi32, #tpu.memory_space<vmem>>) semaphore(%arg10 : memref<!tpu.dma_semaphore, #tpu.memory_space<semaphore_mem>>)
    %dma_wait3A_177 = arith.constant 0 : i32
    %dma_wait3A_178 = arith.constant 0 : i32
    %dma_wait3A_179 = arith.constant 0 : i32
    %dma_wait3A_180 = arith.constant 0 : i32
    %dma_wait3A_181 = tpu.memref_slice %arg6[%dma_wait3A_177, %dma_wait3A_179, %dma_wait3A_180] : memref<2x32x1024xf32, #tpu.memory_space<vmem>> -> memref<1x32x1024xf32, #tpu.memory_space<vmem>>
    %dma_wait3A_182 = tpu.memref_squeeze %dma_wait3A_181 : memref<1x32x1024xf32, #tpu.memory_space<vmem>> -> memref<32x1024xf32, #tpu.memory_space<vmem>>
    %dma_wait3A_183 = arith.constant 0 : i32
    %dma_wait3A_184 = tpu.memref_slice %arg7[%dma_wait3A_178, %dma_wait3A_183] : memref<2x32xi32, #tpu.memory_space<vmem>> -> memref<1x32xi32, #tpu.memory_space<vmem>>
    %dma_wait3A_185 = tpu.memref_squeeze %dma_wait3A_184 : memref<1x32xi32, #tpu.memory_space<vmem>> -> memref<32xi32, #tpu.memory_space<vmem>>
    %dma_wait3A_186 = arith.constant 0 : i32
    %dma_wait3A_187 = arith.constant 0 : i32
    %dma_wait3A_188 = tpu.memref_slice %arg5[%dma_wait3A_186, %dma_wait3A_187] : memref<9216x1024xf32, #tpu.memory_space<hbm>> -> memref<9216x1024xf32, #tpu.memory_space<hbm>>
    tpu.wait_indirect_dma semaphore(%arg10 : memref<!tpu.dma_semaphore, #tpu.memory_space<semaphore_mem>>) src(%dma_wait3A_182 : memref<32x1024xf32, #tpu.memory_space<vmem>>) dst(%dma_wait3A_188 : memref<9216x1024xf32, #tpu.memory_space<hbm>>)
    %dma_wait3A_189 = arith.constant 0 : i32
    %dma_wait3A_190 = arith.constant 0 : i32
    %dma_wait3A_191 = arith.constant 0 : i32
    %dma_wait3A_192 = arith.constant 0 : i32
    %dma_wait3A_193 = tpu.memref_slice %arg6[%dma_wait3A_189, %dma_wait3A_191, %dma_wait3A_192] : memref<2x32x1024xf32, #tpu.memory_space<vmem>> -> memref<1x32x1024xf32, #tpu.memory_space<vmem>>
    %dma_wait3A_194 = tpu.memref_squeeze %dma_wait3A_193 : memref<1x32x1024xf32, #tpu.memory_space<vmem>> -> memref<32x1024xf32, #tpu.memory_space<vmem>>
    %dma_wait3A_195 = arith.constant 0 : i32
    %dma_wait3A_196 = tpu.memref_slice %arg8[%dma_wait3A_190, %dma_wait3A_195] : memref<2x32xi32, #tpu.memory_space<vmem>> -> memref<1x32xi32, #tpu.memory_space<vmem>>
    %dma_wait3A_197 = tpu.memref_squeeze %dma_wait3A_196 : memref<1x32xi32, #tpu.memory_space<vmem>> -> memref<32xi32, #tpu.memory_space<vmem>>
    %dma_wait3A_198 = arith.constant 0 : i32
    %dma_wait3A_199 = arith.constant 0 : i32
    %dma_wait3A_200 = tpu.memref_slice %arg5[%dma_wait3A_198, %dma_wait3A_199] : memref<9216x1024xf32, #tpu.memory_space<hbm>> -> memref<9216x1024xf32, #tpu.memory_space<hbm>>
    tpu.wait_indirect_dma semaphore(%arg10 : memref<!tpu.dma_semaphore, #tpu.memory_space<semaphore_mem>>) src(%dma_wait3A_194 : memref<32x1024xf32, #tpu.memory_space<vmem>>) dst(%dma_wait3A_200 : memref<9216x1024xf32, #tpu.memory_space<hbm>>)
    %add3A_201 = arith.constant 64 : i32
    %add3A_202 = arith.addi %mul3A_2, %add3A_201 : i32
    %dma_start3A_203 = arith.constant 0 : i32
    %dma_start3A_204 = arith.constant 0 : i32
    %dma_start3A_205 = arith.constant 0 : i32
    %dma_start3A_206 = tpu.memref_slice %arg6[%dma_start3A_203, %dma_start3A_204, %dma_start3A_205] : memref<2x32x1024xf32, #tpu.memory_space<vmem>> -> memref<1x32x1024xf32, #tpu.memory_space<vmem>>
    %dma_start3A_207 = tpu.memref_squeeze %dma_start3A_206 : memref<1x32x1024xf32, #tpu.memory_space<vmem>> -> memref<32x1024xf32, #tpu.memory_space<vmem>>
    %dma_start3A_208 = arith.constant 0 : i32
    %dma_start3A_209 = tpu.memref_slice %arg2[%add3A_202, %dma_start3A_208] : memref<4096x1024xf32, #tpu.memory_space<hbm>> -> memref<32x1024xf32, #tpu.memory_space<hbm>>
    %dma_start3A_210 = arith.constant 0 : i32
    %dma_start3A_211 = arith.constant 0 : i32
    %dma_start3A_212 = tpu.memref_slice %arg6[%dma_start3A_203, %dma_start3A_210, %dma_start3A_211] : memref<2x32x1024xf32, #tpu.memory_space<vmem>> -> memref<1x32x1024xf32, #tpu.memory_space<vmem>>
    %dma_start3A_213 = tpu.memref_squeeze %dma_start3A_212 : memref<1x32x1024xf32, #tpu.memory_space<vmem>> -> memref<32x1024xf32, #tpu.memory_space<vmem>>
    %dma_start3A_214 = arith.constant 0 : i32
    %dma_start3A_215 = tpu.memref_slice %arg2[%add3A_202, %dma_start3A_214] : memref<4096x1024xf32, #tpu.memory_space<hbm>> -> memref<32x1024xf32, #tpu.memory_space<hbm>>
    tpu.enqueue_dma source(%dma_start3A_215 : memref<32x1024xf32, #tpu.memory_space<hbm>>) target(%dma_start3A_213 : memref<32x1024xf32, #tpu.memory_space<vmem>>) target_semaphore(%arg9 : memref<!tpu.dma_semaphore, #tpu.memory_space<semaphore_mem>>)
    %dma_start3A_216 = arith.constant 0 : i32
    %dma_start3A_217 = arith.constant 0 : i32
    %dma_start3A_218 = tpu.memref_slice %arg7[%dma_start3A_216, %dma_start3A_217] : memref<2x32xi32, #tpu.memory_space<vmem>> -> memref<1x32xi32, #tpu.memory_space<vmem>>
    %dma_start3A_219 = tpu.memref_squeeze %dma_start3A_218 : memref<1x32xi32, #tpu.memory_space<vmem>> -> memref<32xi32, #tpu.memory_space<vmem>>
    %dma_start3A_220 = tpu.memref_slice %arg3[%add3A_202] : memref<4096xi32, #tpu.memory_space<hbm>> -> memref<32xi32, #tpu.memory_space<hbm>>
    %dma_start3A_221 = arith.constant 0 : i32
    %dma_start3A_222 = tpu.memref_slice %arg7[%dma_start3A_216, %dma_start3A_221] : memref<2x32xi32, #tpu.memory_space<vmem>> -> memref<1x32xi32, #tpu.memory_space<vmem>>
    %dma_start3A_223 = tpu.memref_squeeze %dma_start3A_222 : memref<1x32xi32, #tpu.memory_space<vmem>> -> memref<32xi32, #tpu.memory_space<vmem>>
    %dma_start3A_224 = tpu.memref_slice %arg3[%add3A_202] : memref<4096xi32, #tpu.memory_space<hbm>> -> memref<32xi32, #tpu.memory_space<hbm>>
    tpu.enqueue_dma source(%dma_start3A_224 : memref<32xi32, #tpu.memory_space<hbm>>) target(%dma_start3A_223 : memref<32xi32, #tpu.memory_space<vmem>>) target_semaphore(%arg9 : memref<!tpu.dma_semaphore, #tpu.memory_space<semaphore_mem>>)
    %dma_start3A_225 = arith.constant 0 : i32
    %dma_start3A_226 = arith.constant 0 : i32
    %dma_start3A_227 = tpu.memref_slice %arg8[%dma_start3A_225, %dma_start3A_226] : memref<2x32xi32, #tpu.memory_space<vmem>> -> memref<1x32xi32, #tpu.memory_space<vmem>>
    %dma_start3A_228 = tpu.memref_squeeze %dma_start3A_227 : memref<1x32xi32, #tpu.memory_space<vmem>> -> memref<32xi32, #tpu.memory_space<vmem>>
    %dma_start3A_229 = tpu.memref_slice %arg4[%add3A_202] : memref<4096xi32, #tpu.memory_space<hbm>> -> memref<32xi32, #tpu.memory_space<hbm>>
    %dma_start3A_230 = arith.constant 0 : i32
    %dma_start3A_231 = tpu.memref_slice %arg8[%dma_start3A_225, %dma_start3A_230] : memref<2x32xi32, #tpu.memory_space<vmem>> -> memref<1x32xi32, #tpu.memory_space<vmem>>
    %dma_start3A_232 = tpu.memref_squeeze %dma_start3A_231 : memref<1x32xi32, #tpu.memory_space<vmem>> -> memref<32xi32, #tpu.memory_space<vmem>>
    %dma_start3A_233 = tpu.memref_slice %arg4[%add3A_202] : memref<4096xi32, #tpu.memory_space<hbm>> -> memref<32xi32, #tpu.memory_space<hbm>>
    tpu.enqueue_dma source(%dma_start3A_233 : memref<32xi32, #tpu.memory_space<hbm>>) target(%dma_start3A_232 : memref<32xi32, #tpu.memory_space<vmem>>) target_semaphore(%arg9 : memref<!tpu.dma_semaphore, #tpu.memory_space<semaphore_mem>>)
    %dma_wait3A_234 = arith.constant 0 : i32
    %dma_wait3A_235 = arith.constant 0 : i32
    %dma_wait3A_236 = arith.constant 0 : i32
    %dma_wait3A_237 = tpu.memref_slice %arg6[%dma_wait3A_234, %dma_wait3A_235, %dma_wait3A_236] : memref<2x32x1024xf32, #tpu.memory_space<vmem>> -> memref<1x32x1024xf32, #tpu.memory_space<vmem>>
    %dma_wait3A_238 = tpu.memref_squeeze %dma_wait3A_237 : memref<1x32x1024xf32, #tpu.memory_space<vmem>> -> memref<32x1024xf32, #tpu.memory_space<vmem>>
    %dma_wait3A_239 = arith.constant 0 : i32
    %dma_wait3A_240 = tpu.memref_slice %arg2[%add3A_202, %dma_wait3A_239] : memref<4096x1024xf32, #tpu.memory_space<hbm>> -> memref<32x1024xf32, #tpu.memory_space<hbm>>
    %dma_wait3A_241 = arith.constant 0 : i32
    %dma_wait3A_242 = arith.constant 0 : i32
    %dma_wait3A_243 = tpu.memref_slice %arg6[%dma_wait3A_234, %dma_wait3A_241, %dma_wait3A_242] : memref<2x32x1024xf32, #tpu.memory_space<vmem>> -> memref<1x32x1024xf32, #tpu.memory_space<vmem>>
    %dma_wait3A_244 = tpu.memref_squeeze %dma_wait3A_243 : memref<1x32x1024xf32, #tpu.memory_space<vmem>> -> memref<32x1024xf32, #tpu.memory_space<vmem>>
    %dma_wait3A_245 = arith.constant 0 : i32
    %dma_wait3A_246 = tpu.memref_slice %arg2[%add3A_202, %dma_wait3A_245] : memref<4096x1024xf32, #tpu.memory_space<hbm>> -> memref<32x1024xf32, #tpu.memory_space<hbm>>
    tpu.wait_dma2 semaphore(%arg9 : memref<!tpu.dma_semaphore, #tpu.memory_space<semaphore_mem>>) src(%dma_wait3A_246 : memref<32x1024xf32, #tpu.memory_space<hbm>>) dst(%dma_wait3A_244 : memref<32x1024xf32, #tpu.memory_space<vmem>>)
    %dma_wait3A_247 = arith.constant 0 : i32
    %dma_wait3A_248 = arith.constant 0 : i32
    %dma_wait3A_249 = tpu.memref_slice %arg7[%dma_wait3A_247, %dma_wait3A_248] : memref<2x32xi32, #tpu.memory_space<vmem>> -> memref<1x32xi32, #tpu.memory_space<vmem>>
    %dma_wait3A_250 = tpu.memref_squeeze %dma_wait3A_249 : memref<1x32xi32, #tpu.memory_space<vmem>> -> memref<32xi32, #tpu.memory_space<vmem>>
    %dma_wait3A_251 = tpu.memref_slice %arg3[%add3A_202] : memref<4096xi32, #tpu.memory_space<hbm>> -> memref<32xi32, #tpu.memory_space<hbm>>
    %dma_wait3A_252 = arith.constant 0 : i32
    %dma_wait3A_253 = tpu.memref_slice %arg7[%dma_wait3A_247, %dma_wait3A_252] : memref<2x32xi32, #tpu.memory_space<vmem>> -> memref<1x32xi32, #tpu.memory_space<vmem>>
    %dma_wait3A_254 = tpu.memref_squeeze %dma_wait3A_253 : memref<1x32xi32, #tpu.memory_space<vmem>> -> memref<32xi32, #tpu.memory_space<vmem>>
    %dma_wait3A_255 = tpu.memref_slice %arg3[%add3A_202] : memref<4096xi32, #tpu.memory_space<hbm>> -> memref<32xi32, #tpu.memory_space<hbm>>
    tpu.wait_dma2 semaphore(%arg9 : memref<!tpu.dma_semaphore, #tpu.memory_space<semaphore_mem>>) src(%dma_wait3A_255 : memref<32xi32, #tpu.memory_space<hbm>>) dst(%dma_wait3A_254 : memref<32xi32, #tpu.memory_space<vmem>>)
    %dma_wait3A_256 = arith.constant 0 : i32
    %dma_wait3A_257 = arith.constant 0 : i32
    %dma_wait3A_258 = tpu.memref_slice %arg8[%dma_wait3A_256, %dma_wait3A_257] : memref<2x32xi32, #tpu.memory_space<vmem>> -> memref<1x32xi32, #tpu.memory_space<vmem>>
    %dma_wait3A_259 = tpu.memref_squeeze %dma_wait3A_258 : memref<1x32xi32, #tpu.memory_space<vmem>> -> memref<32xi32, #tpu.memory_space<vmem>>
    %dma_wait3A_260 = tpu.memref_slice %arg4[%add3A_202] : memref<4096xi32, #tpu.memory_space<hbm>> -> memref<32xi32, #tpu.memory_space<hbm>>
    %dma_wait3A_261 = arith.constant 0 : i32
    %dma_wait3A_262 = tpu.memref_slice %arg8[%dma_wait3A_256, %dma_wait3A_261] : memref<2x32xi32, #tpu.memory_space<vmem>> -> memref<1x32xi32, #tpu.memory_space<vmem>>
    %dma_wait3A_263 = tpu.memref_squeeze %dma_wait3A_262 : memref<1x32xi32, #tpu.memory_space<vmem>> -> memref<32xi32, #tpu.memory_space<vmem>>
    %dma_wait3A_264 = tpu.memref_slice %arg4[%add3A_202] : memref<4096xi32, #tpu.memory_space<hbm>> -> memref<32xi32, #tpu.memory_space<hbm>>
    tpu.wait_dma2 semaphore(%arg9 : memref<!tpu.dma_semaphore, #tpu.memory_space<semaphore_mem>>) src(%dma_wait3A_264 : memref<32xi32, #tpu.memory_space<hbm>>) dst(%dma_wait3A_263 : memref<32xi32, #tpu.memory_space<vmem>>)
    %dma_start3A_265 = arith.constant 0 : i32
    %dma_start3A_266 = arith.constant 0 : i32
    %dma_start3A_267 = arith.constant 0 : i32
    %dma_start3A_268 = arith.constant 0 : i32
    %dma_start3A_269 = tpu.memref_slice %arg6[%dma_start3A_265, %dma_start3A_267, %dma_start3A_268] : memref<2x32x1024xf32, #tpu.memory_space<vmem>> -> memref<1x32x1024xf32, #tpu.memory_space<vmem>>
    %dma_start3A_270 = tpu.memref_squeeze %dma_start3A_269 : memref<1x32x1024xf32, #tpu.memory_space<vmem>> -> memref<32x1024xf32, #tpu.memory_space<vmem>>
    %dma_start3A_271 = arith.constant 0 : i32
    %dma_start3A_272 = tpu.memref_slice %arg7[%dma_start3A_266, %dma_start3A_271] : memref<2x32xi32, #tpu.memory_space<vmem>> -> memref<1x32xi32, #tpu.memory_space<vmem>>
    %dma_start3A_273 = tpu.memref_squeeze %dma_start3A_272 : memref<1x32xi32, #tpu.memory_space<vmem>> -> memref<32xi32, #tpu.memory_space<vmem>>
    %dma_start3A_274 = arith.constant 0 : i32
    %dma_start3A_275 = arith.constant 0 : i32
    %dma_start3A_276 = tpu.memref_slice %arg5[%dma_start3A_274, %dma_start3A_275] : memref<9216x1024xf32, #tpu.memory_space<hbm>> -> memref<9216x1024xf32, #tpu.memory_space<hbm>>
    tpu.enqueue_indirect_dma source(%dma_start3A_270 : memref<32x1024xf32, #tpu.memory_space<vmem>>) target(%dma_start3A_276 : memref<9216x1024xf32, #tpu.memory_space<hbm>>) offsets(%dma_start3A_273 : memref<32xi32, #tpu.memory_space<vmem>>) semaphore(%arg10 : memref<!tpu.dma_semaphore, #tpu.memory_space<semaphore_mem>>)
    %dma_start3A_277 = arith.constant 0 : i32
    %dma_start3A_278 = arith.constant 0 : i32
    %dma_start3A_279 = arith.constant 0 : i32
    %dma_start3A_280 = arith.constant 0 : i32
    %dma_start3A_281 = tpu.memref_slice %arg6[%dma_start3A_277, %dma_start3A_279, %dma_start3A_280] : memref<2x32x1024xf32, #tpu.memory_space<vmem>> -> memref<1x32x1024xf32, #tpu.memory_space<vmem>>
    %dma_start3A_282 = tpu.memref_squeeze %dma_start3A_281 : memref<1x32x1024xf32, #tpu.memory_space<vmem>> -> memref<32x1024xf32, #tpu.memory_space<vmem>>
    %dma_start3A_283 = arith.constant 0 : i32
    %dma_start3A_284 = tpu.memref_slice %arg8[%dma_start3A_278, %dma_start3A_283] : memref<2x32xi32, #tpu.memory_space<vmem>> -> memref<1x32xi32, #tpu.memory_space<vmem>>
    %dma_start3A_285 = tpu.memref_squeeze %dma_start3A_284 : memref<1x32xi32, #tpu.memory_space<vmem>> -> memref<32xi32, #tpu.memory_space<vmem>>
    %dma_start3A_286 = arith.constant 0 : i32
    %dma_start3A_287 = arith.constant 0 : i32
    %dma_start3A_288 = tpu.memref_slice %arg5[%dma_start3A_286, %dma_start3A_287] : memref<9216x1024xf32, #tpu.memory_space<hbm>> -> memref<9216x1024xf32, #tpu.memory_space<hbm>>
    tpu.enqueue_indirect_dma source(%dma_start3A_282 : memref<32x1024xf32, #tpu.memory_space<vmem>>) target(%dma_start3A_288 : memref<9216x1024xf32, #tpu.memory_space<hbm>>) offsets(%dma_start3A_285 : memref<32xi32, #tpu.memory_space<vmem>>) semaphore(%arg10 : memref<!tpu.dma_semaphore, #tpu.memory_space<semaphore_mem>>)
    %dma_wait3A_289 = arith.constant 1 : i32
    %dma_wait3A_290 = arith.constant 1 : i32
    %dma_wait3A_291 = arith.constant 0 : i32
    %dma_wait3A_292 = arith.constant 0 : i32
    %dma_wait3A_293 = tpu.memref_slice %arg6[%dma_wait3A_289, %dma_wait3A_291, %dma_wait3A_292] : memref<2x32x1024xf32, #tpu.memory_space<vmem>> -> memref<1x32x1024xf32, #tpu.memory_space<vmem>>
    %dma_wait3A_294 = tpu.memref_squeeze %dma_wait3A_293 : memref<1x32x1024xf32, #tpu.memory_space<vmem>> -> memref<32x1024xf32, #tpu.memory_space<vmem>>
    %dma_wait3A_295 = arith.constant 0 : i32
    %dma_wait3A_296 = tpu.memref_slice %arg7[%dma_wait3A_290, %dma_wait3A_295] : memref<2x32xi32, #tpu.memory_space<vmem>> -> memref<1x32xi32, #tpu.memory_space<vmem>>
    %dma_wait3A_297 = tpu.memref_squeeze %dma_wait3A_296 : memref<1x32xi32, #tpu.memory_space<vmem>> -> memref<32xi32, #tpu.memory_space<vmem>>
    %dma_wait3A_298 = arith.constant 0 : i32
    %dma_wait3A_299 = arith.constant 0 : i32
    %dma_wait3A_300 = tpu.memref_slice %arg5[%dma_wait3A_298, %dma_wait3A_299] : memref<9216x1024xf32, #tpu.memory_space<hbm>> -> memref<9216x1024xf32, #tpu.memory_space<hbm>>
    tpu.wait_indirect_dma semaphore(%arg10 : memref<!tpu.dma_semaphore, #tpu.memory_space<semaphore_mem>>) src(%dma_wait3A_294 : memref<32x1024xf32, #tpu.memory_space<vmem>>) dst(%dma_wait3A_300 : memref<9216x1024xf32, #tpu.memory_space<hbm>>)
    %dma_wait3A_301 = arith.constant 1 : i32
    %dma_wait3A_302 = arith.constant 1 : i32
    %dma_wait3A_303 = arith.constant 0 : i32
    %dma_wait3A_304 = arith.constant 0 : i32
    %dma_wait3A_305 = tpu.memref_slice %arg6[%dma_wait3A_301, %dma_wait3A_303, %dma_wait3A_304] : memref<2x32x1024xf32, #tpu.memory_space<vmem>> -> memref<1x32x1024xf32, #tpu.memory_space<vmem>>
    %dma_wait3A_306 = tpu.memref_squeeze %dma_wait3A_305 : memref<1x32x1024xf32, #tpu.memory_space<vmem>> -> memref<32x1024xf32, #tpu.memory_space<vmem>>
    %dma_wait3A_307 = arith.constant 0 : i32
    %dma_wait3A_308 = tpu.memref_slice %arg8[%dma_wait3A_302, %dma_wait3A_307] : memref<2x32xi32, #tpu.memory_space<vmem>> -> memref<1x32xi32, #tpu.memory_space<vmem>>
    %dma_wait3A_309 = tpu.memref_squeeze %dma_wait3A_308 : memref<1x32xi32, #tpu.memory_space<vmem>> -> memref<32xi32, #tpu.memory_space<vmem>>
    %dma_wait3A_310 = arith.constant 0 : i32
    %dma_wait3A_311 = arith.constant 0 : i32
    %dma_wait3A_312 = tpu.memref_slice %arg5[%dma_wait3A_310, %dma_wait3A_311] : memref<9216x1024xf32, #tpu.memory_space<hbm>> -> memref<9216x1024xf32, #tpu.memory_space<hbm>>
    tpu.wait_indirect_dma semaphore(%arg10 : memref<!tpu.dma_semaphore, #tpu.memory_space<semaphore_mem>>) src(%dma_wait3A_306 : memref<32x1024xf32, #tpu.memory_space<vmem>>) dst(%dma_wait3A_312 : memref<9216x1024xf32, #tpu.memory_space<hbm>>)
    %add3A_313 = arith.constant 96 : i32
    %add3A_314 = arith.addi %mul3A_2, %add3A_313 : i32
    %dma_start3A_315 = arith.constant 1 : i32
    %dma_start3A_316 = arith.constant 0 : i32
    %dma_start3A_317 = arith.constant 0 : i32
    %dma_start3A_318 = tpu.memref_slice %arg6[%dma_start3A_315, %dma_start3A_316, %dma_start3A_317] : memref<2x32x1024xf32, #tpu.memory_space<vmem>> -> memref<1x32x1024xf32, #tpu.memory_space<vmem>>
    %dma_start3A_319 = tpu.memref_squeeze %dma_start3A_318 : memref<1x32x1024xf32, #tpu.memory_space<vmem>> -> memref<32x1024xf32, #tpu.memory_space<vmem>>
    %dma_start3A_320 = arith.constant 0 : i32
    %dma_start3A_321 = tpu.memref_slice %arg2[%add3A_314, %dma_start3A_320] : memref<4096x1024xf32, #tpu.memory_space<hbm>> -> memref<32x1024xf32, #tpu.memory_space<hbm>>
    %dma_start3A_322 = arith.constant 0 : i32
    %dma_start3A_323 = arith.constant 0 : i32
    %dma_start3A_324 = tpu.memref_slice %arg6[%dma_start3A_315, %dma_start3A_322, %dma_start3A_323] : memref<2x32x1024xf32, #tpu.memory_space<vmem>> -> memref<1x32x1024xf32, #tpu.memory_space<vmem>>
    %dma_start3A_325 = tpu.memref_squeeze %dma_start3A_324 : memref<1x32x1024xf32, #tpu.memory_space<vmem>> -> memref<32x1024xf32, #tpu.memory_space<vmem>>
    %dma_start3A_326 = arith.constant 0 : i32
    %dma_start3A_327 = tpu.memref_slice %arg2[%add3A_314, %dma_start3A_326] : memref<4096x1024xf32, #tpu.memory_space<hbm>> -> memref<32x1024xf32, #tpu.memory_space<hbm>>
    tpu.enqueue_dma source(%dma_start3A_327 : memref<32x1024xf32, #tpu.memory_space<hbm>>) target(%dma_start3A_325 : memref<32x1024xf32, #tpu.memory_space<vmem>>) target_semaphore(%arg9 : memref<!tpu.dma_semaphore, #tpu.memory_space<semaphore_mem>>)
    %dma_start3A_328 = arith.constant 1 : i32
    %dma_start3A_329 = arith.constant 0 : i32
    %dma_start3A_330 = tpu.memref_slice %arg7[%dma_start3A_328, %dma_start3A_329] : memref<2x32xi32, #tpu.memory_space<vmem>> -> memref<1x32xi32, #tpu.memory_space<vmem>>
    %dma_start3A_331 = tpu.memref_squeeze %dma_start3A_330 : memref<1x32xi32, #tpu.memory_space<vmem>> -> memref<32xi32, #tpu.memory_space<vmem>>
    %dma_start3A_332 = tpu.memref_slice %arg3[%add3A_314] : memref<4096xi32, #tpu.memory_space<hbm>> -> memref<32xi32, #tpu.memory_space<hbm>>
    %dma_start3A_333 = arith.constant 0 : i32
    %dma_start3A_334 = tpu.memref_slice %arg7[%dma_start3A_328, %dma_start3A_333] : memref<2x32xi32, #tpu.memory_space<vmem>> -> memref<1x32xi32, #tpu.memory_space<vmem>>
    %dma_start3A_335 = tpu.memref_squeeze %dma_start3A_334 : memref<1x32xi32, #tpu.memory_space<vmem>> -> memref<32xi32, #tpu.memory_space<vmem>>
    %dma_start3A_336 = tpu.memref_slice %arg3[%add3A_314] : memref<4096xi32, #tpu.memory_space<hbm>> -> memref<32xi32, #tpu.memory_space<hbm>>
    tpu.enqueue_dma source(%dma_start3A_336 : memref<32xi32, #tpu.memory_space<hbm>>) target(%dma_start3A_335 : memref<32xi32, #tpu.memory_space<vmem>>) target_semaphore(%arg9 : memref<!tpu.dma_semaphore, #tpu.memory_space<semaphore_mem>>)
    %dma_start3A_337 = arith.constant 1 : i32
    %dma_start3A_338 = arith.constant 0 : i32
    %dma_start3A_339 = tpu.memref_slice %arg8[%dma_start3A_337, %dma_start3A_338] : memref<2x32xi32, #tpu.memory_space<vmem>> -> memref<1x32xi32, #tpu.memory_space<vmem>>
    %dma_start3A_340 = tpu.memref_squeeze %dma_start3A_339 : memref<1x32xi32, #tpu.memory_space<vmem>> -> memref<32xi32, #tpu.memory_space<vmem>>
    %dma_start3A_341 = tpu.memref_slice %arg4[%add3A_314] : memref<4096xi32, #tpu.memory_space<hbm>> -> memref<32xi32, #tpu.memory_space<hbm>>
    %dma_start3A_342 = arith.constant 0 : i32
    %dma_start3A_343 = tpu.memref_slice %arg8[%dma_start3A_337, %dma_start3A_342] : memref<2x32xi32, #tpu.memory_space<vmem>> -> memref<1x32xi32, #tpu.memory_space<vmem>>
    %dma_start3A_344 = tpu.memref_squeeze %dma_start3A_343 : memref<1x32xi32, #tpu.memory_space<vmem>> -> memref<32xi32, #tpu.memory_space<vmem>>
    %dma_start3A_345 = tpu.memref_slice %arg4[%add3A_314] : memref<4096xi32, #tpu.memory_space<hbm>> -> memref<32xi32, #tpu.memory_space<hbm>>
    tpu.enqueue_dma source(%dma_start3A_345 : memref<32xi32, #tpu.memory_space<hbm>>) target(%dma_start3A_344 : memref<32xi32, #tpu.memory_space<vmem>>) target_semaphore(%arg9 : memref<!tpu.dma_semaphore, #tpu.memory_space<semaphore_mem>>)
    %dma_wait3A_346 = arith.constant 1 : i32
    %dma_wait3A_347 = arith.constant 0 : i32
    %dma_wait3A_348 = arith.constant 0 : i32
    %dma_wait3A_349 = tpu.memref_slice %arg6[%dma_wait3A_346, %dma_wait3A_347, %dma_wait3A_348] : memref<2x32x1024xf32, #tpu.memory_space<vmem>> -> memref<1x32x1024xf32, #tpu.memory_space<vmem>>
    %dma_wait3A_350 = tpu.memref_squeeze %dma_wait3A_349 : memref<1x32x1024xf32, #tpu.memory_space<vmem>> -> memref<32x1024xf32, #tpu.memory_space<vmem>>
    %dma_wait3A_351 = arith.constant 0 : i32
    %dma_wait3A_352 = tpu.memref_slice %arg2[%add3A_314, %dma_wait3A_351] : memref<4096x1024xf32, #tpu.memory_space<hbm>> -> memref<32x1024xf32, #tpu.memory_space<hbm>>
    %dma_wait3A_353 = arith.constant 0 : i32
    %dma_wait3A_354 = arith.constant 0 : i32
    %dma_wait3A_355 = tpu.memref_slice %arg6[%dma_wait3A_346, %dma_wait3A_353, %dma_wait3A_354] : memref<2x32x1024xf32, #tpu.memory_space<vmem>> -> memref<1x32x1024xf32, #tpu.memory_space<vmem>>
    %dma_wait3A_356 = tpu.memref_squeeze %dma_wait3A_355 : memref<1x32x1024xf32, #tpu.memory_space<vmem>> -> memref<32x1024xf32, #tpu.memory_space<vmem>>
    %dma_wait3A_357 = arith.constant 0 : i32
    %dma_wait3A_358 = tpu.memref_slice %arg2[%add3A_314, %dma_wait3A_357] : memref<4096x1024xf32, #tpu.memory_space<hbm>> -> memref<32x1024xf32, #tpu.memory_space<hbm>>
    tpu.wait_dma2 semaphore(%arg9 : memref<!tpu.dma_semaphore, #tpu.memory_space<semaphore_mem>>) src(%dma_wait3A_358 : memref<32x1024xf32, #tpu.memory_space<hbm>>) dst(%dma_wait3A_356 : memref<32x1024xf32, #tpu.memory_space<vmem>>)
    %dma_wait3A_359 = arith.constant 1 : i32
    %dma_wait3A_360 = arith.constant 0 : i32
    %dma_wait3A_361 = tpu.memref_slice %arg7[%dma_wait3A_359, %dma_wait3A_360] : memref<2x32xi32, #tpu.memory_space<vmem>> -> memref<1x32xi32, #tpu.memory_space<vmem>>
    %dma_wait3A_362 = tpu.memref_squeeze %dma_wait3A_361 : memref<1x32xi32, #tpu.memory_space<vmem>> -> memref<32xi32, #tpu.memory_space<vmem>>
    %dma_wait3A_363 = tpu.memref_slice %arg3[%add3A_314] : memref<4096xi32, #tpu.memory_space<hbm>> -> memref<32xi32, #tpu.memory_space<hbm>>
    %dma_wait3A_364 = arith.constant 0 : i32
    %dma_wait3A_365 = tpu.memref_slice %arg7[%dma_wait3A_359, %dma_wait3A_364] : memref<2x32xi32, #tpu.memory_space<vmem>> -> memref<1x32xi32, #tpu.memory_space<vmem>>
    %dma_wait3A_366 = tpu.memref_squeeze %dma_wait3A_365 : memref<1x32xi32, #tpu.memory_space<vmem>> -> memref<32xi32, #tpu.memory_space<vmem>>
    %dma_wait3A_367 = tpu.memref_slice %arg3[%add3A_314] : memref<4096xi32, #tpu.memory_space<hbm>> -> memref<32xi32, #tpu.memory_space<hbm>>
    tpu.wait_dma2 semaphore(%arg9 : memref<!tpu.dma_semaphore, #tpu.memory_space<semaphore_mem>>) src(%dma_wait3A_367 : memref<32xi32, #tpu.memory_space<hbm>>) dst(%dma_wait3A_366 : memref<32xi32, #tpu.memory_space<vmem>>)
    %dma_wait3A_368 = arith.constant 1 : i32
    %dma_wait3A_369 = arith.constant 0 : i32
    %dma_wait3A_370 = tpu.memref_slice %arg8[%dma_wait3A_368, %dma_wait3A_369] : memref<2x32xi32, #tpu.memory_space<vmem>> -> memref<1x32xi32, #tpu.memory_space<vmem>>
    %dma_wait3A_371 = tpu.memref_squeeze %dma_wait3A_370 : memref<1x32xi32, #tpu.memory_space<vmem>> -> memref<32xi32, #tpu.memory_space<vmem>>
    %dma_wait3A_372 = tpu.memref_slice %arg4[%add3A_314] : memref<4096xi32, #tpu.memory_space<hbm>> -> memref<32xi32, #tpu.memory_space<hbm>>
    %dma_wait3A_373 = arith.constant 0 : i32
    %dma_wait3A_374 = tpu.memref_slice %arg8[%dma_wait3A_368, %dma_wait3A_373] : memref<2x32xi32, #tpu.memory_space<vmem>> -> memref<1x32xi32, #tpu.memory_space<vmem>>
    %dma_wait3A_375 = tpu.memref_squeeze %dma_wait3A_374 : memref<1x32xi32, #tpu.memory_space<vmem>> -> memref<32xi32, #tpu.memory_space<vmem>>
    %dma_wait3A_376 = tpu.memref_slice %arg4[%add3A_314] : memref<4096xi32, #tpu.memory_space<hbm>> -> memref<32xi32, #tpu.memory_space<hbm>>
    tpu.wait_dma2 semaphore(%arg9 : memref<!tpu.dma_semaphore, #tpu.memory_space<semaphore_mem>>) src(%dma_wait3A_376 : memref<32xi32, #tpu.memory_space<hbm>>) dst(%dma_wait3A_375 : memref<32xi32, #tpu.memory_space<vmem>>)
    %dma_start3A_377 = arith.constant 1 : i32
    %dma_start3A_378 = arith.constant 1 : i32
    %dma_start3A_379 = arith.constant 0 : i32
    %dma_start3A_380 = arith.constant 0 : i32
    %dma_start3A_381 = tpu.memref_slice %arg6[%dma_start3A_377, %dma_start3A_379, %dma_start3A_380] : memref<2x32x1024xf32, #tpu.memory_space<vmem>> -> memref<1x32x1024xf32, #tpu.memory_space<vmem>>
    %dma_start3A_382 = tpu.memref_squeeze %dma_start3A_381 : memref<1x32x1024xf32, #tpu.memory_space<vmem>> -> memref<32x1024xf32, #tpu.memory_space<vmem>>
    %dma_start3A_383 = arith.constant 0 : i32
    %dma_start3A_384 = tpu.memref_slice %arg7[%dma_start3A_378, %dma_start3A_383] : memref<2x32xi32, #tpu.memory_space<vmem>> -> memref<1x32xi32, #tpu.memory_space<vmem>>
    %dma_start3A_385 = tpu.memref_squeeze %dma_start3A_384 : memref<1x32xi32, #tpu.memory_space<vmem>> -> memref<32xi32, #tpu.memory_space<vmem>>
    %dma_start3A_386 = arith.constant 0 : i32
    %dma_start3A_387 = arith.constant 0 : i32
    %dma_start3A_388 = tpu.memref_slice %arg5[%dma_start3A_386, %dma_start3A_387] : memref<9216x1024xf32, #tpu.memory_space<hbm>> -> memref<9216x1024xf32, #tpu.memory_space<hbm>>
    tpu.enqueue_indirect_dma source(%dma_start3A_382 : memref<32x1024xf32, #tpu.memory_space<vmem>>) target(%dma_start3A_388 : memref<9216x1024xf32, #tpu.memory_space<hbm>>) offsets(%dma_start3A_385 : memref<32xi32, #tpu.memory_space<vmem>>) semaphore(%arg10 : memref<!tpu.dma_semaphore, #tpu.memory_space<semaphore_mem>>)
    %dma_start3A_389 = arith.constant 1 : i32
    %dma_start3A_390 = arith.constant 1 : i32
    %dma_start3A_391 = arith.constant 0 : i32
    %dma_start3A_392 = arith.constant 0 : i32
    %dma_start3A_393 = tpu.memref_slice %arg6[%dma_start3A_389, %dma_start3A_391, %dma_start3A_392] : memref<2x32x1024xf32, #tpu.memory_space<vmem>> -> memref<1x32x1024xf32, #tpu.memory_space<vmem>>
    %dma_start3A_394 = tpu.memref_squeeze %dma_start3A_393 : memref<1x32x1024xf32, #tpu.memory_space<vmem>> -> memref<32x1024xf32, #tpu.memory_space<vmem>>
    %dma_start3A_395 = arith.constant 0 : i32
    %dma_start3A_396 = tpu.memref_slice %arg8[%dma_start3A_390, %dma_start3A_395] : memref<2x32xi32, #tpu.memory_space<vmem>> -> memref<1x32xi32, #tpu.memory_space<vmem>>
    %dma_start3A_397 = tpu.memref_squeeze %dma_start3A_396 : memref<1x32xi32, #tpu.memory_space<vmem>> -> memref<32xi32, #tpu.memory_space<vmem>>
    %dma_start3A_398 = arith.constant 0 : i32
    %dma_start3A_399 = arith.constant 0 : i32
    %dma_start3A_400 = tpu.memref_slice %arg5[%dma_start3A_398, %dma_start3A_399] : memref<9216x1024xf32, #tpu.memory_space<hbm>> -> memref<9216x1024xf32, #tpu.memory_space<hbm>>
    tpu.enqueue_indirect_dma source(%dma_start3A_394 : memref<32x1024xf32, #tpu.memory_space<vmem>>) target(%dma_start3A_400 : memref<9216x1024xf32, #tpu.memory_space<hbm>>) offsets(%dma_start3A_397 : memref<32xi32, #tpu.memory_space<vmem>>) semaphore(%arg10 : memref<!tpu.dma_semaphore, #tpu.memory_space<semaphore_mem>>)
    %dma_wait3A_401 = arith.constant 0 : i32
    %dma_wait3A_402 = arith.constant 0 : i32
    %dma_wait3A_403 = arith.constant 0 : i32
    %dma_wait3A_404 = arith.constant 0 : i32
    %dma_wait3A_405 = tpu.memref_slice %arg6[%dma_wait3A_401, %dma_wait3A_403, %dma_wait3A_404] : memref<2x32x1024xf32, #tpu.memory_space<vmem>> -> memref<1x32x1024xf32, #tpu.memory_space<vmem>>
    %dma_wait3A_406 = tpu.memref_squeeze %dma_wait3A_405 : memref<1x32x1024xf32, #tpu.memory_space<vmem>> -> memref<32x1024xf32, #tpu.memory_space<vmem>>
    %dma_wait3A_407 = arith.constant 0 : i32
    %dma_wait3A_408 = tpu.memref_slice %arg7[%dma_wait3A_402, %dma_wait3A_407] : memref<2x32xi32, #tpu.memory_space<vmem>> -> memref<1x32xi32, #tpu.memory_space<vmem>>
    %dma_wait3A_409 = tpu.memref_squeeze %dma_wait3A_408 : memref<1x32xi32, #tpu.memory_space<vmem>> -> memref<32xi32, #tpu.memory_space<vmem>>
    %dma_wait3A_410 = arith.constant 0 : i32
    %dma_wait3A_411 = arith.constant 0 : i32
    %dma_wait3A_412 = tpu.memref_slice %arg5[%dma_wait3A_410, %dma_wait3A_411] : memref<9216x1024xf32, #tpu.memory_space<hbm>> -> memref<9216x1024xf32, #tpu.memory_space<hbm>>
    tpu.wait_indirect_dma semaphore(%arg10 : memref<!tpu.dma_semaphore, #tpu.memory_space<semaphore_mem>>) src(%dma_wait3A_406 : memref<32x1024xf32, #tpu.memory_space<vmem>>) dst(%dma_wait3A_412 : memref<9216x1024xf32, #tpu.memory_space<hbm>>)
    %dma_wait3A_413 = arith.constant 0 : i32
    %dma_wait3A_414 = arith.constant 0 : i32
    %dma_wait3A_415 = arith.constant 0 : i32
    %dma_wait3A_416 = arith.constant 0 : i32
    %dma_wait3A_417 = tpu.memref_slice %arg6[%dma_wait3A_413, %dma_wait3A_415, %dma_wait3A_416] : memref<2x32x1024xf32, #tpu.memory_space<vmem>> -> memref<1x32x1024xf32, #tpu.memory_space<vmem>>
    %dma_wait3A_418 = tpu.memref_squeeze %dma_wait3A_417 : memref<1x32x1024xf32, #tpu.memory_space<vmem>> -> memref<32x1024xf32, #tpu.memory_space<vmem>>
    %dma_wait3A_419 = arith.constant 0 : i32
    %dma_wait3A_420 = tpu.memref_slice %arg8[%dma_wait3A_414, %dma_wait3A_419] : memref<2x32xi32, #tpu.memory_space<vmem>> -> memref<1x32xi32, #tpu.memory_space<vmem>>
    %dma_wait3A_421 = tpu.memref_squeeze %dma_wait3A_420 : memref<1x32xi32, #tpu.memory_space<vmem>> -> memref<32xi32, #tpu.memory_space<vmem>>
    %dma_wait3A_422 = arith.constant 0 : i32
    %dma_wait3A_423 = arith.constant 0 : i32
    %dma_wait3A_424 = tpu.memref_slice %arg5[%dma_wait3A_422, %dma_wait3A_423] : memref<9216x1024xf32, #tpu.memory_space<hbm>> -> memref<9216x1024xf32, #tpu.memory_space<hbm>>
    tpu.wait_indirect_dma semaphore(%arg10 : memref<!tpu.dma_semaphore, #tpu.memory_space<semaphore_mem>>) src(%dma_wait3A_418 : memref<32x1024xf32, #tpu.memory_space<vmem>>) dst(%dma_wait3A_424 : memref<9216x1024xf32, #tpu.memory_space<hbm>>)
    %dma_wait3A_425 = arith.constant 1 : i32
    %dma_wait3A_426 = arith.constant 1 : i32
    %dma_wait3A_427 = arith.constant 0 : i32
    %dma_wait3A_428 = arith.constant 0 : i32
    %dma_wait3A_429 = tpu.memref_slice %arg6[%dma_wait3A_425, %dma_wait3A_427, %dma_wait3A_428] : memref<2x32x1024xf32, #tpu.memory_space<vmem>> -> memref<1x32x1024xf32, #tpu.memory_space<vmem>>
    %dma_wait3A_430 = tpu.memref_squeeze %dma_wait3A_429 : memref<1x32x1024xf32, #tpu.memory_space<vmem>> -> memref<32x1024xf32, #tpu.memory_space<vmem>>
    %dma_wait3A_431 = arith.constant 0 : i32
    %dma_wait3A_432 = tpu.memref_slice %arg7[%dma_wait3A_426, %dma_wait3A_431] : memref<2x32xi32, #tpu.memory_space<vmem>> -> memref<1x32xi32, #tpu.memory_space<vmem>>
    %dma_wait3A_433 = tpu.memref_squeeze %dma_wait3A_432 : memref<1x32xi32, #tpu.memory_space<vmem>> -> memref<32xi32, #tpu.memory_space<vmem>>
    %dma_wait3A_434 = arith.constant 0 : i32
    %dma_wait3A_435 = arith.constant 0 : i32
    %dma_wait3A_436 = tpu.memref_slice %arg5[%dma_wait3A_434, %dma_wait3A_435] : memref<9216x1024xf32, #tpu.memory_space<hbm>> -> memref<9216x1024xf32, #tpu.memory_space<hbm>>
    tpu.wait_indirect_dma semaphore(%arg10 : memref<!tpu.dma_semaphore, #tpu.memory_space<semaphore_mem>>) src(%dma_wait3A_430 : memref<32x1024xf32, #tpu.memory_space<vmem>>) dst(%dma_wait3A_436 : memref<9216x1024xf32, #tpu.memory_space<hbm>>)
    %dma_wait3A_437 = arith.constant 1 : i32
    %dma_wait3A_438 = arith.constant 1 : i32
    %dma_wait3A_439 = arith.constant 0 : i32
    %dma_wait3A_440 = arith.constant 0 : i32
    %dma_wait3A_441 = tpu.memref_slice %arg6[%dma_wait3A_437, %dma_wait3A_439, %dma_wait3A_440] : memref<2x32x1024xf32, #tpu.memory_space<vmem>> -> memref<1x32x1024xf32, #tpu.memory_space<vmem>>
    %dma_wait3A_442 = tpu.memref_squeeze %dma_wait3A_441 : memref<1x32x1024xf32, #tpu.memory_space<vmem>> -> memref<32x1024xf32, #tpu.memory_space<vmem>>
    %dma_wait3A_443 = arith.constant 0 : i32
    %dma_wait3A_444 = tpu.memref_slice %arg8[%dma_wait3A_438, %dma_wait3A_443] : memref<2x32xi32, #tpu.memory_space<vmem>> -> memref<1x32xi32, #tpu.memory_space<vmem>>
    %dma_wait3A_445 = tpu.memref_squeeze %dma_wait3A_444 : memref<1x32xi32, #tpu.memory_space<vmem>> -> memref<32xi32, #tpu.memory_space<vmem>>
    %dma_wait3A_446 = arith.constant 0 : i32
    %dma_wait3A_447 = arith.constant 0 : i32
    %dma_wait3A_448 = tpu.memref_slice %arg5[%dma_wait3A_446, %dma_wait3A_447] : memref<9216x1024xf32, #tpu.memory_space<hbm>> -> memref<9216x1024xf32, #tpu.memory_space<hbm>>
    tpu.wait_indirect_dma semaphore(%arg10 : memref<!tpu.dma_semaphore, #tpu.memory_space<semaphore_mem>>) src(%dma_wait3A_442 : memref<32x1024xf32, #tpu.memory_space<vmem>>) dst(%dma_wait3A_448 : memref<9216x1024xf32, #tpu.memory_space<hbm>>)
    return
  }
}

module attributes {stable_mosaic.version = 14 : i64} {
  func.func @_map_dst_body(%arg0: i32, %arg1: memref<16x1xi32, #tpu.memory_space<vmem>>, %arg2: memref<512x1xi32, #tpu.memory_space<vmem>>, %arg3: memref<512x1xi32, #tpu.memory_space<vmem>>, %arg4: memref<512x1xi32, #tpu.memory_space<vmem>>, %arg5: memref<512x1xi32, #tpu.memory_space<vmem>>, %arg6: memref<1x72xi32, #tpu.memory_space<vmem>>, %arg7: memref<1x72xi32, #tpu.memory_space<vmem>>, %arg8: memref<1x72xi32, #tpu.memory_space<vmem>>, %arg9: memref<512x1xi32, #tpu.memory_space<vmem>>, %arg10: memref<512x1xi32, #tpu.memory_space<vmem>>, %arg11: memref<8x1xf32, #tpu.memory_space<vmem>>) attributes {dimension_semantics = [#tpu.dimension_semantics<arbitrary>], iteration_bounds = array<i64: 8>, scalar_prefetch = 0 : i64, scratch_operands = 1 : i64, tpu.core_type = #tpu.core_type<tc>, window_params = [{pipeline_mode = #tpu.pipeline_mode<synchronous>, transform_indices = @transform_0, window_bounds = array<i64: 16, 1>}, {transform_indices = @transform_1, window_bounds = array<i64: 512, 1>}, {transform_indices = @transform_2, window_bounds = array<i64: 512, 1>}, {transform_indices = @transform_3, window_bounds = array<i64: 512, 1>}, {transform_indices = @transform_4, window_bounds = array<i64: 512, 1>}, {pipeline_mode = #tpu.pipeline_mode<synchronous>, transform_indices = @transform_5, window_bounds = array<i64: 1, 72>}, {pipeline_mode = #tpu.pipeline_mode<synchronous>, transform_indices = @transform_6, window_bounds = array<i64: 1, 72>}, {pipeline_mode = #tpu.pipeline_mode<synchronous>, transform_indices = @transform_7, window_bounds = array<i64: 1, 72>}, {transform_indices = @transform_8, window_bounds = array<i64: 512, 1>}, {transform_indices = @transform_9, window_bounds = array<i64: 512, 1>}]} {
    %eq3A = arith.constant 0 : i32
    %eq3A_0 = arith.cmpi eq, %arg0, %eq3A : i32
    %convert_element_type3A = arith.extui %eq3A_0 : i1 to i32
    %cond3A = arith.constant 0 : i32
    %cond3A_1 = arith.cmpi ne, %convert_element_type3A, %cond3A : i32
    scf.if %cond3A_1 {
      %get3A_36 = arith.constant 0 : index
      %get3A_37 = arith.constant 0 : index
      %get3A_38 = vector.load %arg1[%get3A_36, %get3A_37] : memref<16x1xi32, #tpu.memory_space<vmem>>, vector<16x1xi32>
      %slice3A = vector.extract_strided_slice %get3A_38 {offsets = [0, 0], sizes = [8, 1], strides = [1, 1]} : vector<16x1xi32> to vector<8x1xi32>
      %add3A_39 = arith.constant 128 : i32
      %add3A_40 = vector.broadcast %add3A_39 : i32 to vector<8x1xi32>
      %add3A_41 = arith.addi %slice3A, %add3A_40 : vector<8x1xi32>
      %sub3A = arith.constant 1 : i32
      %sub3A_42 = vector.broadcast %sub3A : i32 to vector<8x1xi32>
      %sub3A_43 = arith.subi %add3A_41, %sub3A_42 : vector<8x1xi32>
      %jit3A = arith.constant 128 : i32
      %div3A = vector.broadcast %jit3A : i32 to vector<8x1xi32>
      %div3A_44 = arith.divsi %sub3A_43, %div3A : vector<8x1xi32>
      %sign3A = arith.constant 0 : i32
      %sign3A_45 = vector.broadcast %sign3A : i32 to vector<8x1xi32>
      %sign3A_46 = arith.cmpi sgt, %sub3A_43, %sign3A_45 : vector<8x1xi32>
      %sign3A_47 = arith.extui %sign3A_46 : vector<8x1xi1> to vector<8x1xi32>
      %sign3A_48 = arith.constant 0 : i32
      %sign3A_49 = vector.broadcast %sign3A_48 : i32 to vector<8x1xi32>
      %sign3A_50 = arith.cmpi slt, %sub3A_43, %sign3A_49 : vector<8x1xi32>
      %sign3A_51 = arith.extui %sign3A_50 : vector<8x1xi1> to vector<8x1xi32>
      %sign3A_52 = arith.subi %sign3A_47, %sign3A_51 : vector<8x1xi32>
      %sign3A_53 = arith.constant 0 : i32
      %sign3A_54 = arith.cmpi sgt, %jit3A, %sign3A_53 : i32
      %sign3A_55 = arith.extui %sign3A_54 : i1 to i32
      %sign3A_56 = arith.constant 0 : i32
      %sign3A_57 = arith.cmpi slt, %jit3A, %sign3A_56 : i32
      %sign3A_58 = arith.extui %sign3A_57 : i1 to i32
      %sign3A_59 = arith.subi %sign3A_55, %sign3A_58 : i32
      %ne3A = vector.broadcast %sign3A_59 : i32 to vector<8x1xi32>
      %ne3A_60 = arith.cmpi ne, %sign3A_52, %ne3A : vector<8x1xi32>
      %rem3A = vector.broadcast %jit3A : i32 to vector<8x1xi32>
      %rem3A_61 = arith.remsi %sub3A_43, %rem3A : vector<8x1xi32>
      %ne3A_62 = arith.constant 0 : i32
      %ne3A_63 = vector.broadcast %ne3A_62 : i32 to vector<8x1xi32>
      %ne3A_64 = arith.cmpi ne, %rem3A_61, %ne3A_63 : vector<8x1xi32>
      %and3A = arith.andi %ne3A_60, %ne3A_64 : vector<8x1xi1>
      %sub3A_65 = arith.constant 1 : i32
      %sub3A_66 = vector.broadcast %sub3A_65 : i32 to vector<8x1xi32>
      %sub3A_67 = arith.subi %div3A_44, %sub3A_66 : vector<8x1xi32>
      %select_n3A = arith.select %and3A, %sub3A_67, %div3A_44 : vector<8x1xi1>, vector<8x1xi32>
      %convert_element_type3A_68 = arith.sitofp %select_n3A : vector<8x1xi32> to vector<8x1xf32>
      %iota3A_69 = tpu.iota {dimensions = array<i32: 0>} : vector<8x8xi32>
      %iota3A_70 = tpu.iota {dimensions = array<i32: 1>} : vector<8x8xi32>
      %le3A = arith.cmpi sle, %iota3A_70, %iota3A_69 : vector<8x8xi32>
      %convert_element_type3A_71 = arith.extui %le3A : vector<8x8xi1> to vector<8x8xi32>
      %convert_element_type3A_72 = arith.sitofp %convert_element_type3A_71 : vector<8x8xi32> to vector<8x8xf32>
      %dot_general3A_73 = arith.constant dense<0.000000e+00> : vector<8x1xf32>
      %dot_general3A_74 = tpu.matmul %convert_element_type3A_72, %convert_element_type3A_68, %dot_general3A_73 {dimension_numbers = #tpu.dot_dimension_numbers<[1], [0], [0], [1], [0, 0, 1, 1], [], []>, transpose_lhs_hint = false} : vector<8x8xf32>, vector<8x1xf32>, vector<8x1xf32> -> vector<8x1xf32>
      %sub3A_75 = arith.subf %dot_general3A_74, %convert_element_type3A_68 : vector<8x1xf32>
      %mul3A = arith.constant 1.280000e+02 : f32
      %mul3A_76 = vector.broadcast %mul3A : f32 to vector<8x1xf32>
      %mul3A_77 = arith.mulf %mul3A_76, %sub3A_75 : vector<8x1xf32>
      %swap3A_78 = arith.constant 0 : index
      %swap3A_79 = arith.constant 0 : index
      %swap3A_80 = vector.load %arg11[%swap3A_78, %swap3A_79] : memref<8x1xf32, #tpu.memory_space<vmem>>, vector<8x1xf32>
      tpu.vector_store %arg11[%swap3A_78, %swap3A_79], %mul3A_77 {strides = array<i32>} : memref<8x1xf32, #tpu.memory_space<vmem>>, vector<8x1xf32>,
      %slice3A_81 = vector.extract_strided_slice %dot_general3A_74 {offsets = [7, 0], sizes = [1, 1], strides = [1, 1]} : vector<8x1xf32> to vector<1x1xf32>
      %iota3A_82 = tpu.iota {dimensions = array<i32: 1>} : vector<8x72xi32>
      %convert_element_type3A_83 = arith.sitofp %iota3A_82 : vector<8x72xi32> to vector<8x72xf32>
      %sub3A_84 = arith.constant 1.000000e+00 : f32
      %sub3A_85 = vector.broadcast %sub3A_84 : f32 to vector<1x1xf32>
      %sub3A_86 = arith.subf %slice3A_81, %sub3A_85 : vector<1x1xf32>
      %min3A = vector.broadcast %sub3A_86 : vector<1x1xf32> to vector<8x72xf32>
      %min3A_87 = arith.minimumf %convert_element_type3A_83, %min3A : vector<8x72xf32>
      %ge3A = vector.broadcast %dot_general3A_74 : vector<8x1xf32> to vector<8x72xf32>
      %ge3A_88 = arith.cmpf oge, %min3A_87, %ge3A : vector<8x72xf32>
      %convert_element_type3A_89 = arith.extui %ge3A_88 : vector<8x72xi1> to vector<8x72xi32>
      %convert_element_type3A_90 = arith.sitofp %convert_element_type3A_89 : vector<8x72xi32> to vector<8x72xf32>
      %reduce_sum3A = arith.constant dense<0.000000e+00> : vector<72xf32>
      %reduce_sum3A_91 = vector.multi_reduction <add>, %convert_element_type3A_90, %reduce_sum3A [0] : vector<8x72xf32> to vector<72xf32>
      %broadcast_in_dim3A = vector.shape_cast %reduce_sum3A_91 : vector<72xf32> to vector<1x72xf32>
      %convert_element_type3A_92 = arith.fptosi %broadcast_in_dim3A : vector<1x72xf32> to vector<1x72xi32>
      %swap3A_93 = arith.constant 0 : index
      %swap3A_94 = arith.constant 0 : index
      %swap3A_95 = vector.load %arg6[%swap3A_93, %swap3A_94] : memref<1x72xi32, #tpu.memory_space<vmem>>, vector<1x72xi32>
      tpu.vector_store %arg6[%swap3A_93, %swap3A_94], %convert_element_type3A_92 {strides = array<i32>} : memref<1x72xi32, #tpu.memory_space<vmem>>, vector<1x72xi32>,
      %slice3A_96 = vector.extract_strided_slice %min3A_87 {offsets = [0, 0], sizes = [1, 72], strides = [1, 1]} : vector<8x72xf32> to vector<1x72xf32>
      %convert_element_type3A_97 = arith.fptosi %slice3A_96 : vector<1x72xf32> to vector<1x72xi32>
      %swap3A_98 = arith.constant 0 : index
      %swap3A_99 = arith.constant 0 : index
      %swap3A_100 = vector.load %arg7[%swap3A_98, %swap3A_99] : memref<1x72xi32, #tpu.memory_space<vmem>>, vector<1x72xi32>
      tpu.vector_store %arg7[%swap3A_98, %swap3A_99], %convert_element_type3A_97 {strides = array<i32>} : memref<1x72xi32, #tpu.memory_space<vmem>>, vector<1x72xi32>,
      %slice3A_101 = vector.extract_strided_slice %convert_element_type3A_83 {offsets = [0, 0], sizes = [1, 72], strides = [1, 1]} : vector<8x72xf32> to vector<1x72xf32>
      %lt3A = vector.broadcast %slice3A_81 : vector<1x1xf32> to vector<1x72xf32>
      %lt3A_102 = arith.cmpf olt, %slice3A_101, %lt3A : vector<1x72xf32>
      %convert_element_type3A_103 = arith.extui %lt3A_102 : vector<1x72xi1> to vector<1x72xi32>
      %swap3A_104 = arith.constant 0 : index
      %swap3A_105 = arith.constant 0 : index
      %swap3A_106 = vector.load %arg8[%swap3A_104, %swap3A_105] : memref<1x72xi32, #tpu.memory_space<vmem>>, vector<1x72xi32>
      tpu.vector_store %arg8[%swap3A_104, %swap3A_105], %convert_element_type3A_103 {strides = array<i32>} : memref<1x72xi32, #tpu.memory_space<vmem>>, vector<1x72xi32>,
    } else {
    }
    %get3A = arith.constant 0 : index
    %get3A_2 = arith.constant 0 : index
    %get3A_3 = vector.load %arg11[%get3A, %get3A_2] : memref<8x1xf32, #tpu.memory_space<vmem>>, vector<8x1xf32>
    %iota3A = tpu.iota {dimensions = array<i32: 1>} : vector<512x8xi32>
    %get3A_4 = arith.constant 0 : index
    %get3A_5 = arith.constant 0 : index
    %get3A_6 = vector.load %arg2[%get3A_4, %get3A_5] : memref<512x1xi32, #tpu.memory_space<vmem>>, vector<512x1xi32>
    %eq3A_7 = vector.broadcast %get3A_6 : vector<512x1xi32> to vector<512x8xi32>
    %eq3A_8 = arith.cmpi eq, %iota3A, %eq3A_7 : vector<512x8xi32>
    %convert_element_type3A_9 = arith.extui %eq3A_8 : vector<512x8xi1> to vector<512x8xi32>
    %convert_element_type3A_10 = arith.sitofp %convert_element_type3A_9 : vector<512x8xi32> to vector<512x8xf32>
    %dot_general3A = arith.constant dense<0.000000e+00> : vector<512x1xf32>
    %dot_general3A_11 = tpu.matmul %convert_element_type3A_10, %get3A_3, %dot_general3A {dimension_numbers = #tpu.dot_dimension_numbers<[1], [0], [0], [1], [0, 0, 1, 1], [], []>, transpose_lhs_hint = false} : vector<512x8xf32>, vector<8x1xf32>, vector<512x1xf32> -> vector<512x1xf32>
    %convert_element_type3A_12 = arith.fptosi %dot_general3A_11 : vector<512x1xf32> to vector<512x1xi32>
    %get3A_13 = arith.constant 0 : index
    %get3A_14 = arith.constant 0 : index
    %get3A_15 = vector.load %arg4[%get3A_13, %get3A_14] : memref<512x1xi32, #tpu.memory_space<vmem>>, vector<512x1xi32>
    %add3A = arith.addi %convert_element_type3A_12, %get3A_15 : vector<512x1xi32>
    %swap3A = arith.constant 0 : index
    %swap3A_16 = arith.constant 0 : index
    %swap3A_17 = vector.load %arg9[%swap3A, %swap3A_16] : memref<512x1xi32, #tpu.memory_space<vmem>>, vector<512x1xi32>
    tpu.vector_store %arg9[%swap3A, %swap3A_16], %add3A {strides = array<i32>} : memref<512x1xi32, #tpu.memory_space<vmem>>, vector<512x1xi32>,
    %iota3A_18 = tpu.iota {dimensions = array<i32: 1>} : vector<512x8xi32>
    %get3A_19 = arith.constant 0 : index
    %get3A_20 = arith.constant 0 : index
    %get3A_21 = vector.load %arg3[%get3A_19, %get3A_20] : memref<512x1xi32, #tpu.memory_space<vmem>>, vector<512x1xi32>
    %eq3A_22 = vector.broadcast %get3A_21 : vector<512x1xi32> to vector<512x8xi32>
    %eq3A_23 = arith.cmpi eq, %iota3A_18, %eq3A_22 : vector<512x8xi32>
    %convert_element_type3A_24 = arith.extui %eq3A_23 : vector<512x8xi1> to vector<512x8xi32>
    %convert_element_type3A_25 = arith.sitofp %convert_element_type3A_24 : vector<512x8xi32> to vector<512x8xf32>
    %dot_general3A_26 = arith.constant dense<0.000000e+00> : vector<512x1xf32>
    %dot_general3A_27 = tpu.matmul %convert_element_type3A_25, %get3A_3, %dot_general3A_26 {dimension_numbers = #tpu.dot_dimension_numbers<[1], [0], [0], [1], [0, 0, 1, 1], [], []>, transpose_lhs_hint = false} : vector<512x8xf32>, vector<8x1xf32>, vector<512x1xf32> -> vector<512x1xf32>
    %convert_element_type3A_28 = arith.fptosi %dot_general3A_27 : vector<512x1xf32> to vector<512x1xi32>
    %get3A_29 = arith.constant 0 : index
    %get3A_30 = arith.constant 0 : index
    %get3A_31 = vector.load %arg5[%get3A_29, %get3A_30] : memref<512x1xi32, #tpu.memory_space<vmem>>, vector<512x1xi32>
    %add3A_32 = arith.addi %convert_element_type3A_28, %get3A_31 : vector<512x1xi32>
    %swap3A_33 = arith.constant 0 : index
    %swap3A_34 = arith.constant 0 : index
    %swap3A_35 = vector.load %arg10[%swap3A_33, %swap3A_34] : memref<512x1xi32, #tpu.memory_space<vmem>>, vector<512x1xi32>
    tpu.vector_store %arg10[%swap3A_33, %swap3A_34], %add3A_32 {strides = array<i32>} : memref<512x1xi32, #tpu.memory_space<vmem>>, vector<512x1xi32>,
    return
  }
  func.func @transform_0(%arg0: i32) -> (i32, i32) {
    %c0_i32 = arith.constant 0 : i32
    %c0_i32_0 = arith.constant 0 : i32
    %c0_i32_1 = arith.constant 0 : i32
    return %c0_i32, %c0_i32_0 : i32, i32
  }
  func.func @transform_1(%arg0: i32) -> (i32, i32) {
    %c0_i32 = arith.constant 0 : i32
    %c0_i32_0 = arith.constant 0 : i32
    return %arg0, %c0_i32 : i32, i32
  }
  func.func @transform_2(%arg0: i32) -> (i32, i32) {
    %c0_i32 = arith.constant 0 : i32
    %c0_i32_0 = arith.constant 0 : i32
    return %arg0, %c0_i32 : i32, i32
  }
  func.func @transform_3(%arg0: i32) -> (i32, i32) {
    %c0_i32 = arith.constant 0 : i32
    %c0_i32_0 = arith.constant 0 : i32
    return %arg0, %c0_i32 : i32, i32
  }
  func.func @transform_4(%arg0: i32) -> (i32, i32) {
    %c0_i32 = arith.constant 0 : i32
    %c0_i32_0 = arith.constant 0 : i32
    return %arg0, %c0_i32 : i32, i32
  }
  func.func @transform_5(%arg0: i32) -> (i32, i32) {
    %c0_i32 = arith.constant 0 : i32
    %c0_i32_0 = arith.constant 0 : i32
    %c0_i32_1 = arith.constant 0 : i32
    return %c0_i32, %c0_i32_0 : i32, i32
  }
  func.func @transform_6(%arg0: i32) -> (i32, i32) {
    %c0_i32 = arith.constant 0 : i32
    %c0_i32_0 = arith.constant 0 : i32
    %c0_i32_1 = arith.constant 0 : i32
    return %c0_i32, %c0_i32_0 : i32, i32
  }
  func.func @transform_7(%arg0: i32) -> (i32, i32) {
    %c0_i32 = arith.constant 0 : i32
    %c0_i32_0 = arith.constant 0 : i32
    %c0_i32_1 = arith.constant 0 : i32
    return %c0_i32, %c0_i32_0 : i32, i32
  }
  func.func @transform_8(%arg0: i32) -> (i32, i32) {
    %c0_i32 = arith.constant 0 : i32
    %c0_i32_0 = arith.constant 0 : i32
    return %arg0, %c0_i32 : i32, i32
  }
  func.func @transform_9(%arg0: i32) -> (i32, i32) {
    %c0_i32 = arith.constant 0 : i32
    %c0_i32_0 = arith.constant 0 : i32
    return %arg0, %c0_i32 : i32, i32
  }
}

module attributes {stable_mosaic.version = 14 : i64} {
  func.func @_router_body(%arg0: i32, %arg1: memref<512x1024xf32, #tpu.memory_space<vmem>>, %arg2: memref<1024x8xf32, #tpu.memory_space<vmem>>, %arg3: memref<1024x1024xf32, #tpu.memory_space<vmem>>, %arg4: memref<512x1xi32, #tpu.memory_space<vmem>>, %arg5: memref<512x1xi32, #tpu.memory_space<vmem>>, %arg6: memref<512x1xi32, #tpu.memory_space<vmem>>, %arg7: memref<512x1xi32, #tpu.memory_space<vmem>>, %arg8: memref<512x2xf32, #tpu.memory_space<vmem>>, %arg9: memref<1x16xi32, #tpu.memory_space<vmem>>, %arg10: memref<1x8xf32, #tpu.memory_space<vmem>>) attributes {dimension_semantics = [#tpu.dimension_semantics<arbitrary>], iteration_bounds = array<i64: 8>, scalar_prefetch = 0 : i64, scratch_operands = 1 : i64, tpu.core_type = #tpu.core_type<tc>, window_params = [{transform_indices = @transform_0, window_bounds = array<i64: 512, 1024>}, {pipeline_mode = #tpu.pipeline_mode<synchronous>, transform_indices = @transform_1, window_bounds = array<i64: 1024, 8>}, {pipeline_mode = #tpu.pipeline_mode<synchronous>, transform_indices = @transform_2, window_bounds = array<i64: 1024, 1024>}, {transform_indices = @transform_3, window_bounds = array<i64: 512, 1>}, {transform_indices = @transform_4, window_bounds = array<i64: 512, 1>}, {transform_indices = @transform_5, window_bounds = array<i64: 512, 1>}, {transform_indices = @transform_6, window_bounds = array<i64: 512, 1>}, {transform_indices = @transform_7, window_bounds = array<i64: 512, 2>}, {pipeline_mode = #tpu.pipeline_mode<synchronous>, transform_indices = @transform_8, window_bounds = array<i64: 1, 16>}]} {
    %eq3A = arith.constant 0 : i32
    %eq3A_0 = arith.cmpi eq, %arg0, %eq3A : i32
    %convert_element_type3A = arith.extui %eq3A_0 : i1 to i32
    %cond3A = arith.constant 0 : i32
    %cond3A_1 = arith.cmpi ne, %convert_element_type3A, %cond3A : i32
    scf.if %cond3A_1 {
      %broadcast_in_dim3A_112 = arith.constant 0.000000e+00 : f32
      %broadcast_in_dim3A_113 = vector.broadcast %broadcast_in_dim3A_112 : f32 to vector<1x8xf32>
      %swap3A_114 = arith.constant 0 : index
      %swap3A_115 = arith.constant 0 : index
      %swap3A_116 = vector.load %arg10[%swap3A_114, %swap3A_115] : memref<1x8xf32, #tpu.memory_space<vmem>>, vector<1x8xf32>
      tpu.vector_store %arg10[%swap3A_114, %swap3A_115], %broadcast_in_dim3A_113 {strides = array<i32>} : memref<1x8xf32, #tpu.memory_space<vmem>>, vector<1x8xf32>,
    } else {
    }
    %get3A = arith.constant 0 : index
    %get3A_2 = arith.constant 0 : index
    %get3A_3 = vector.load %arg1[%get3A, %get3A_2] : memref<512x1024xf32, #tpu.memory_space<vmem>>, vector<512x1024xf32>
    %get3A_4 = arith.constant 0 : index
    %get3A_5 = arith.constant 0 : index
    %get3A_6 = vector.load %arg2[%get3A_4, %get3A_5] : memref<1024x8xf32, #tpu.memory_space<vmem>>, vector<1024x8xf32>
    %dot_general3A = arith.constant dense<0.000000e+00> : vector<512x8xf32>
    %dot_general3A_7 = tpu.matmul %get3A_3, %get3A_6, %dot_general3A {dimension_numbers = #tpu.dot_dimension_numbers<[1], [0], [0], [1], [0, 0, 1, 1], [], []>, transpose_lhs_hint = false} : vector<512x1024xf32>, vector<1024x8xf32>, vector<512x8xf32> -> vector<512x8xf32>
    %reduce_max3A = arith.constant dense<0xFF800000> : vector<512xf32>
    %reduce_max3A_8 = vector.multi_reduction <maximumf>, %dot_general3A_7, %reduce_max3A [1] : vector<512x8xf32> to vector<512xf32>
    %broadcast_in_dim3A = vector.shape_cast %reduce_max3A_8 : vector<512xf32> to vector<512x1xf32>
    %sub3A = vector.broadcast %broadcast_in_dim3A : vector<512x1xf32> to vector<512x8xf32>
    %sub3A_9 = arith.subf %dot_general3A_7, %sub3A : vector<512x8xf32>
    %exp3A = math.exp %sub3A_9 : vector<512x8xf32>
    %reduce_sum3A = arith.constant dense<0.000000e+00> : vector<512xf32>
    %reduce_sum3A_10 = vector.multi_reduction <add>, %exp3A, %reduce_sum3A [1] : vector<512x8xf32> to vector<512xf32>
    %broadcast_in_dim3A_11 = vector.shape_cast %reduce_sum3A_10 : vector<512xf32> to vector<512x1xf32>
    %div3A = vector.broadcast %broadcast_in_dim3A_11 : vector<512x1xf32> to vector<512x8xf32>
    %div3A_12 = arith.divf %exp3A, %div3A : vector<512x8xf32>
    %iota3A = tpu.iota {dimensions = array<i32: 1>} : vector<512x8xi32>
    %reduce_max3A_13 = arith.constant dense<0xFF800000> : vector<512xf32>
    %reduce_max3A_14 = vector.multi_reduction <maximumf>, %div3A_12, %reduce_max3A_13 [1] : vector<512x8xf32> to vector<512xf32>
    %broadcast_in_dim3A_15 = vector.shape_cast %reduce_max3A_14 : vector<512xf32> to vector<512x1xf32>
    %eq3A_16 = vector.broadcast %broadcast_in_dim3A_15 : vector<512x1xf32> to vector<512x8xf32>
    %eq3A_17 = arith.cmpf oeq, %div3A_12, %eq3A_16 : vector<512x8xf32>
    %jit3A = arith.constant 8 : i32
    %broadcast_in_dim3A_18 = vector.broadcast %jit3A : i32 to vector<512x8xi32>
    %select_n3A = arith.select %eq3A_17, %iota3A, %broadcast_in_dim3A_18 : vector<512x8xi1>, vector<512x8xi32>
    %reduce_min3A = arith.constant dense<2147483647> : vector<512xi32>
    %reduce_min3A_19 = vector.multi_reduction <minsi>, %select_n3A, %reduce_min3A [1] : vector<512x8xi32> to vector<512xi32>
    %broadcast_in_dim3A_20 = vector.shape_cast %reduce_min3A_19 : vector<512xi32> to vector<512x1xi32>
    %eq3A_21 = vector.broadcast %broadcast_in_dim3A_20 : vector<512x1xi32> to vector<512x8xi32>
    %eq3A_22 = arith.cmpi eq, %iota3A, %eq3A_21 : vector<512x8xi32>
    %jit3A_23 = arith.constant -1.000000e+00 : f32
    %broadcast_in_dim3A_24 = vector.broadcast %jit3A_23 : f32 to vector<512x8xf32>
    %select_n3A_25 = arith.select %eq3A_22, %broadcast_in_dim3A_24, %div3A_12 : vector<512x8xi1>, vector<512x8xf32>
    %reduce_max3A_26 = arith.constant dense<0xFF800000> : vector<512xf32>
    %reduce_max3A_27 = vector.multi_reduction <maximumf>, %select_n3A_25, %reduce_max3A_26 [1] : vector<512x8xf32> to vector<512xf32>
    %broadcast_in_dim3A_28 = vector.shape_cast %reduce_max3A_27 : vector<512xf32> to vector<512x1xf32>
    %eq3A_29 = vector.broadcast %broadcast_in_dim3A_28 : vector<512x1xf32> to vector<512x8xf32>
    %eq3A_30 = arith.cmpf oeq, %select_n3A_25, %eq3A_29 : vector<512x8xf32>
    %jit3A_31 = arith.constant 8 : i32
    %broadcast_in_dim3A_32 = vector.broadcast %jit3A_31 : i32 to vector<512x8xi32>
    %select_n3A_33 = arith.select %eq3A_30, %iota3A, %broadcast_in_dim3A_32 : vector<512x8xi1>, vector<512x8xi32>
    %reduce_min3A_34 = arith.constant dense<2147483647> : vector<512xi32>
    %reduce_min3A_35 = vector.multi_reduction <minsi>, %select_n3A_33, %reduce_min3A_34 [1] : vector<512x8xi32> to vector<512xi32>
    %broadcast_in_dim3A_36 = vector.shape_cast %reduce_min3A_35 : vector<512xi32> to vector<512x1xi32>
    %eq3A_37 = vector.broadcast %broadcast_in_dim3A_36 : vector<512x1xi32> to vector<512x8xi32>
    %eq3A_38 = arith.cmpi eq, %iota3A, %eq3A_37 : vector<512x8xi32>
    %jit3A_39 = arith.constant 0.000000e+00 : f32
    %broadcast_in_dim3A_40 = vector.broadcast %jit3A_39 : f32 to vector<512x8xf32>
    %select_n3A_41 = arith.select %eq3A_22, %div3A_12, %broadcast_in_dim3A_40 : vector<512x8xi1>, vector<512x8xf32>
    %reduce_sum3A_42 = arith.constant dense<0.000000e+00> : vector<512xf32>
    %reduce_sum3A_43 = vector.multi_reduction <add>, %select_n3A_41, %reduce_sum3A_42 [1] : vector<512x8xf32> to vector<512xf32>
    %broadcast_in_dim3A_44 = vector.shape_cast %reduce_sum3A_43 : vector<512xf32> to vector<512x1xf32>
    %jit3A_45 = arith.constant 0.000000e+00 : f32
    %broadcast_in_dim3A_46 = vector.broadcast %jit3A_45 : f32 to vector<512x8xf32>
    %select_n3A_47 = arith.select %eq3A_38, %div3A_12, %broadcast_in_dim3A_46 : vector<512x8xi1>, vector<512x8xf32>
    %reduce_sum3A_48 = arith.constant dense<0.000000e+00> : vector<512xf32>
    %reduce_sum3A_49 = vector.multi_reduction <add>, %select_n3A_47, %reduce_sum3A_48 [1] : vector<512x8xf32> to vector<512xf32>
    %broadcast_in_dim3A_50 = vector.shape_cast %reduce_sum3A_49 : vector<512xf32> to vector<512x1xf32>
    %add3A = arith.addf %broadcast_in_dim3A_44, %broadcast_in_dim3A_50 : vector<512x1xf32>
    %swap3A = arith.constant 0 : index
    %swap3A_51 = arith.constant 0 : index
    %swap3A_52 = vector.load %arg4[%swap3A, %swap3A_51] : memref<512x1xi32, #tpu.memory_space<vmem>>, vector<512x1xi32>
    tpu.vector_store %arg4[%swap3A, %swap3A_51], %broadcast_in_dim3A_20 {strides = array<i32>} : memref<512x1xi32, #tpu.memory_space<vmem>>, vector<512x1xi32>,
    %swap3A_53 = arith.constant 0 : index
    %swap3A_54 = arith.constant 0 : index
    %swap3A_55 = vector.load %arg5[%swap3A_53, %swap3A_54] : memref<512x1xi32, #tpu.memory_space<vmem>>, vector<512x1xi32>
    tpu.vector_store %arg5[%swap3A_53, %swap3A_54], %broadcast_in_dim3A_36 {strides = array<i32>} : memref<512x1xi32, #tpu.memory_space<vmem>>, vector<512x1xi32>,
    %div3A_56 = arith.divf %broadcast_in_dim3A_44, %add3A : vector<512x1xf32>
    %div3A_57 = arith.divf %broadcast_in_dim3A_50, %add3A : vector<512x1xf32>
    %concatenate3A = tpu.concatenate %div3A_56, %div3A_57 in 1 : vector<512x1xf32>, vector<512x1xf32> -> vector<512x2xf32>
    %swap3A_58 = arith.constant 0 : index
    %swap3A_59 = arith.constant 0 : index
    %swap3A_60 = vector.load %arg8[%swap3A_58, %swap3A_59] : memref<512x2xf32, #tpu.memory_space<vmem>>, vector<512x2xf32>
    tpu.vector_store %arg8[%swap3A_58, %swap3A_59], %concatenate3A {strides = array<i32>} : memref<512x2xf32, #tpu.memory_space<vmem>>, vector<512x2xf32>,
    %convert_element_type3A_61 = arith.extui %eq3A_22 : vector<512x8xi1> to vector<512x8xi32>
    %convert_element_type3A_62 = arith.sitofp %convert_element_type3A_61 : vector<512x8xi32> to vector<512x8xf32>
    %convert_element_type3A_63 = arith.extui %eq3A_38 : vector<512x8xi1> to vector<512x8xi32>
    %convert_element_type3A_64 = arith.sitofp %convert_element_type3A_63 : vector<512x8xi32> to vector<512x8xf32>
    %concatenate3A_65 = tpu.concatenate %convert_element_type3A_62, %convert_element_type3A_64 in 0 : vector<512x8xf32>, vector<512x8xf32> -> vector<1024x8xf32>
    %get3A_66 = arith.constant 0 : index
    %get3A_67 = arith.constant 0 : index
    %get3A_68 = vector.load %arg3[%get3A_66, %get3A_67] : memref<1024x1024xf32, #tpu.memory_space<vmem>>, vector<1024x1024xf32>
    %dot_general3A_69 = arith.constant dense<0.000000e+00> : vector<1024x8xf32>
    %dot_general3A_70 = tpu.matmul %get3A_68, %concatenate3A_65, %dot_general3A_69 {dimension_numbers = #tpu.dot_dimension_numbers<[1], [0], [0], [1], [0, 0, 1, 1], [], []>, transpose_lhs_hint = false} : vector<1024x1024xf32>, vector<1024x8xf32>, vector<1024x8xf32> -> vector<1024x8xf32>
    %get3A_71 = arith.constant 0 : index
    %get3A_72 = arith.constant 0 : index
    %get3A_73 = vector.load %arg10[%get3A_71, %get3A_72] : memref<1x8xf32, #tpu.memory_space<vmem>>, vector<1x8xf32>
    %add3A_74 = vector.broadcast %get3A_73 : vector<1x8xf32> to vector<1024x8xf32>
    %add3A_75 = arith.addf %dot_general3A_70, %add3A_74 : vector<1024x8xf32>
    %slice3A = vector.extract_strided_slice %add3A_75 {offsets = [0, 0], sizes = [512, 8], strides = [1, 1]} : vector<1024x8xf32> to vector<512x8xf32>
    %mul3A = arith.mulf %slice3A, %convert_element_type3A_62 : vector<512x8xf32>
    %reduce_sum3A_76 = arith.constant dense<0.000000e+00> : vector<512xf32>
    %reduce_sum3A_77 = vector.multi_reduction <add>, %mul3A, %reduce_sum3A_76 [1] : vector<512x8xf32> to vector<512xf32>
    %broadcast_in_dim3A_78 = vector.shape_cast %reduce_sum3A_77 : vector<512xf32> to vector<512x1xf32>
    %convert_element_type3A_79 = arith.fptosi %broadcast_in_dim3A_78 : vector<512x1xf32> to vector<512x1xi32>
    %swap3A_80 = arith.constant 0 : index
    %swap3A_81 = arith.constant 0 : index
    %swap3A_82 = vector.load %arg6[%swap3A_80, %swap3A_81] : memref<512x1xi32, #tpu.memory_space<vmem>>, vector<512x1xi32>
    tpu.vector_store %arg6[%swap3A_80, %swap3A_81], %convert_element_type3A_79 {strides = array<i32>} : memref<512x1xi32, #tpu.memory_space<vmem>>, vector<512x1xi32>,
    %slice3A_83 = vector.extract_strided_slice %add3A_75 {offsets = [512, 0], sizes = [512, 8], strides = [1, 1]} : vector<1024x8xf32> to vector<512x8xf32>
    %mul3A_84 = arith.mulf %slice3A_83, %convert_element_type3A_64 : vector<512x8xf32>
    %reduce_sum3A_85 = arith.constant dense<0.000000e+00> : vector<512xf32>
    %reduce_sum3A_86 = vector.multi_reduction <add>, %mul3A_84, %reduce_sum3A_85 [1] : vector<512x8xf32> to vector<512xf32>
    %broadcast_in_dim3A_87 = vector.shape_cast %reduce_sum3A_86 : vector<512xf32> to vector<512x1xf32>
    %convert_element_type3A_88 = arith.fptosi %broadcast_in_dim3A_87 : vector<512x1xf32> to vector<512x1xi32>
    %swap3A_89 = arith.constant 0 : index
    %swap3A_90 = arith.constant 0 : index
    %swap3A_91 = vector.load %arg7[%swap3A_89, %swap3A_90] : memref<512x1xi32, #tpu.memory_space<vmem>>, vector<512x1xi32>
    tpu.vector_store %arg7[%swap3A_89, %swap3A_90], %convert_element_type3A_88 {strides = array<i32>} : memref<512x1xi32, #tpu.memory_space<vmem>>, vector<512x1xi32>,
    %get3A_92 = arith.constant 0 : index
    %get3A_93 = arith.constant 0 : index
    %get3A_94 = vector.load %arg10[%get3A_92, %get3A_93] : memref<1x8xf32, #tpu.memory_space<vmem>>, vector<1x8xf32>
    %reduce_sum3A_95 = arith.constant dense<0.000000e+00> : vector<8xf32>
    %reduce_sum3A_96 = vector.multi_reduction <add>, %concatenate3A_65, %reduce_sum3A_95 [0] : vector<1024x8xf32> to vector<8xf32>
    %broadcast_in_dim3A_97 = vector.shape_cast %reduce_sum3A_96 : vector<8xf32> to vector<1x8xf32>
    %add3A_98 = arith.addf %get3A_94, %broadcast_in_dim3A_97 : vector<1x8xf32>
    %swap3A_99 = arith.constant 0 : index
    %swap3A_100 = arith.constant 0 : index
    %swap3A_101 = vector.load %arg10[%swap3A_99, %swap3A_100] : memref<1x8xf32, #tpu.memory_space<vmem>>, vector<1x8xf32>
    tpu.vector_store %arg10[%swap3A_99, %swap3A_100], %add3A_98 {strides = array<i32>} : memref<1x8xf32, #tpu.memory_space<vmem>>, vector<1x8xf32>,
    %get3A_102 = arith.constant 0 : index
    %get3A_103 = arith.constant 0 : index
    %get3A_104 = vector.load %arg10[%get3A_102, %get3A_103] : memref<1x8xf32, #tpu.memory_space<vmem>>, vector<1x8xf32>
    %broadcast_in_dim3A_105 = arith.constant 0.000000e+00 : f32
    %broadcast_in_dim3A_106 = vector.broadcast %broadcast_in_dim3A_105 : f32 to vector<1x8xf32>
    %concatenate3A_107 = tpu.concatenate %get3A_104, %broadcast_in_dim3A_106 in 1 : vector<1x8xf32>, vector<1x8xf32> -> vector<1x16xf32>
    %convert_element_type3A_108 = arith.fptosi %concatenate3A_107 : vector<1x16xf32> to vector<1x16xi32>
    %swap3A_109 = arith.constant 0 : index
    %swap3A_110 = arith.constant 0 : index
    %swap3A_111 = vector.load %arg9[%swap3A_109, %swap3A_110] : memref<1x16xi32, #tpu.memory_space<vmem>>, vector<1x16xi32>
    tpu.vector_store %arg9[%swap3A_109, %swap3A_110], %convert_element_type3A_108 {strides = array<i32>} : memref<1x16xi32, #tpu.memory_space<vmem>>, vector<1x16xi32>,
    return
  }
  func.func @transform_0(%arg0: i32) -> (i32, i32) {
    %c0_i32 = arith.constant 0 : i32
    %c0_i32_0 = arith.constant 0 : i32
    return %arg0, %c0_i32 : i32, i32
  }
  func.func @transform_1(%arg0: i32) -> (i32, i32) {
    %c0_i32 = arith.constant 0 : i32
    %c0_i32_0 = arith.constant 0 : i32
    %c0_i32_1 = arith.constant 0 : i32
    return %c0_i32, %c0_i32_0 : i32, i32
  }
  func.func @transform_2(%arg0: i32) -> (i32, i32) {
    %c0_i32 = arith.constant 0 : i32
    %c0_i32_0 = arith.constant 0 : i32
    %c0_i32_1 = arith.constant 0 : i32
    return %c0_i32, %c0_i32_0 : i32, i32
  }
  func.func @transform_3(%arg0: i32) -> (i32, i32) {
    %c0_i32 = arith.constant 0 : i32
    %c0_i32_0 = arith.constant 0 : i32
    return %arg0, %c0_i32 : i32, i32
  }
  func.func @transform_4(%arg0: i32) -> (i32, i32) {
    %c0_i32 = arith.constant 0 : i32
    %c0_i32_0 = arith.constant 0 : i32
    return %arg0, %c0_i32 : i32, i32
  }
  func.func @transform_5(%arg0: i32) -> (i32, i32) {
    %c0_i32 = arith.constant 0 : i32
    %c0_i32_0 = arith.constant 0 : i32
    return %arg0, %c0_i32 : i32, i32
  }
  func.func @transform_6(%arg0: i32) -> (i32, i32) {
    %c0_i32 = arith.constant 0 : i32
    %c0_i32_0 = arith.constant 0 : i32
    return %arg0, %c0_i32 : i32, i32
  }
  func.func @transform_7(%arg0: i32) -> (i32, i32) {
    %c0_i32 = arith.constant 0 : i32
    %c0_i32_0 = arith.constant 0 : i32
    return %arg0, %c0_i32 : i32, i32
  }
  func.func @transform_8(%arg0: i32) -> (i32, i32) {
    %c0_i32 = arith.constant 0 : i32
    %c0_i32_0 = arith.constant 0 : i32
    %c0_i32_1 = arith.constant 0 : i32
    return %c0_i32, %c0_i32_0 : i32, i32
  }
}

module attributes {stable_mosaic.version = 14 : i64} {
  func.func @_grouped_body(%arg0: i32, %arg1: memref<72xi32, #tpu.memory_space<smem>>, %arg2: memref<72xi32, #tpu.memory_space<smem>>, %arg3: memref<72xi32, #tpu.memory_space<smem>>, %arg4: memref<128x1024xf32, #tpu.memory_space<vmem>>, %arg5: memref<1x1024x768xf32, #tpu.memory_space<vmem>>, %arg6: memref<1x1024x768xf32, #tpu.memory_space<vmem>>, %arg7: memref<1x768x1024xf32, #tpu.memory_space<vmem>>, %arg8: memref<128x1024xf32, #tpu.memory_space<vmem>>) attributes {dimension_semantics = [#tpu.dimension_semantics<arbitrary>], iteration_bounds = array<i64: 72>, scalar_prefetch = 3 : i64, scratch_operands = 0 : i64, tpu.core_type = #tpu.core_type<tc>, window_params = [{transform_indices = @transform_0, window_bounds = array<i64: 128, 1024>}, {transform_indices = @transform_1, window_bounds = array<i64: 1, 1024, 768>}, {transform_indices = @transform_2, window_bounds = array<i64: 1, 1024, 768>}, {transform_indices = @transform_3, window_bounds = array<i64: 1, 768, 1024>}, {transform_indices = @transform_4, window_bounds = array<i64: 128, 1024>}]} {
    %get3A = arith.index_cast %arg0 : i32 to index
    %get3A_0 = memref.load %arg3[%get3A] : memref<72xi32, #tpu.memory_space<smem>>
    %eq3A = arith.constant 1 : i32
    %eq3A_1 = arith.cmpi eq, %get3A_0, %eq3A : i32
    %convert_element_type3A = arith.extui %eq3A_1 : i1 to i32
    %cond3A = arith.constant 0 : i32
    %cond3A_2 = arith.cmpi ne, %convert_element_type3A, %cond3A : i32
    scf.if %cond3A_2 {
      %get3A_3 = arith.constant 0 : index
      %get3A_4 = arith.constant 0 : index
      %get3A_5 = vector.load %arg4[%get3A_3, %get3A_4] : memref<128x1024xf32, #tpu.memory_space<vmem>>, vector<128x1024xf32>
      %convert_element_type3A_6 = arith.truncf %get3A_5 : vector<128x1024xf32> to vector<128x1024xbf16>
      %get3A_7 = arith.constant 0 : index
      %get3A_8 = arith.constant 0 : index
      %get3A_9 = arith.constant 0 : index
      %get3A_10 = vector.load %arg5[%get3A_7, %get3A_8, %get3A_9] : memref<1x1024x768xf32, #tpu.memory_space<vmem>>, vector<1x1024x768xf32>
      %get3A_11 = vector.shape_cast %get3A_10 : vector<1x1024x768xf32> to vector<1024x768xf32>
      %convert_element_type3A_12 = arith.truncf %get3A_11 : vector<1024x768xf32> to vector<1024x768xbf16>
      %dot_general3A = arith.constant dense<0.000000e+00> : vector<128x768xf32>
      %dot_general3A_13 = tpu.matmul %convert_element_type3A_6, %convert_element_type3A_12, %dot_general3A {dimension_numbers = #tpu.dot_dimension_numbers<[1], [0], [0], [1], [0, 0, 1, 1], [], []>, transpose_lhs_hint = false} : vector<128x1024xbf16>, vector<1024x768xbf16>, vector<128x768xf32> -> vector<128x768xf32>
      %get3A_14 = arith.constant 0 : index
      %get3A_15 = arith.constant 0 : index
      %get3A_16 = arith.constant 0 : index
      %get3A_17 = vector.load %arg6[%get3A_14, %get3A_15, %get3A_16] : memref<1x1024x768xf32, #tpu.memory_space<vmem>>, vector<1x1024x768xf32>
      %get3A_18 = vector.shape_cast %get3A_17 : vector<1x1024x768xf32> to vector<1024x768xf32>
      %convert_element_type3A_19 = arith.truncf %get3A_18 : vector<1024x768xf32> to vector<1024x768xbf16>
      %dot_general3A_20 = arith.constant dense<0.000000e+00> : vector<128x768xf32>
      %dot_general3A_21 = tpu.matmul %convert_element_type3A_6, %convert_element_type3A_19, %dot_general3A_20 {dimension_numbers = #tpu.dot_dimension_numbers<[1], [0], [0], [1], [0, 0, 1, 1], [], []>, transpose_lhs_hint = false} : vector<128x1024xbf16>, vector<1024x768xbf16>, vector<128x768xf32> -> vector<128x768xf32>
      %neg3A = arith.constant 0.000000e+00 : f32
      %neg3A_22 = vector.broadcast %neg3A : f32 to vector<128x768xf32>
      %neg3A_23 = arith.subf %neg3A_22, %dot_general3A_13 : vector<128x768xf32>
      %exp3A = math.exp %neg3A_23 : vector<128x768xf32>
      %add3A = arith.constant 1.000000e+00 : f32
      %add3A_24 = vector.broadcast %add3A : f32 to vector<128x768xf32>
      %add3A_25 = arith.addf %add3A_24, %exp3A : vector<128x768xf32>
      %div3A = arith.constant 1.000000e+00 : f32
      %div3A_26 = vector.broadcast %div3A : f32 to vector<128x768xf32>
      %div3A_27 = arith.divf %div3A_26, %add3A_25 : vector<128x768xf32>
      %mul3A = arith.mulf %dot_general3A_13, %div3A_27 : vector<128x768xf32>
      %mul3A_28 = arith.mulf %mul3A, %dot_general3A_21 : vector<128x768xf32>
      %convert_element_type3A_29 = arith.truncf %mul3A_28 : vector<128x768xf32> to vector<128x768xbf16>
      %get3A_30 = arith.constant 0 : index
      %get3A_31 = arith.constant 0 : index
      %get3A_32 = arith.constant 0 : index
      %get3A_33 = vector.load %arg7[%get3A_30, %get3A_31, %get3A_32] : memref<1x768x1024xf32, #tpu.memory_space<vmem>>, vector<1x768x1024xf32>
      %get3A_34 = vector.shape_cast %get3A_33 : vector<1x768x1024xf32> to vector<768x1024xf32>
      %convert_element_type3A_35 = arith.truncf %get3A_34 : vector<768x1024xf32> to vector<768x1024xbf16>
      %dot_general3A_36 = arith.constant dense<0.000000e+00> : vector<128x1024xf32>
      %dot_general3A_37 = tpu.matmul %convert_element_type3A_29, %convert_element_type3A_35, %dot_general3A_36 {dimension_numbers = #tpu.dot_dimension_numbers<[1], [0], [0], [1], [0, 0, 1, 1], [], []>, transpose_lhs_hint = false} : vector<128x768xbf16>, vector<768x1024xbf16>, vector<128x1024xf32> -> vector<128x1024xf32>
      %swap3A = arith.constant 0 : index
      %swap3A_38 = arith.constant 0 : index
      %swap3A_39 = vector.load %arg8[%swap3A, %swap3A_38] : memref<128x1024xf32, #tpu.memory_space<vmem>>, vector<128x1024xf32>
      tpu.vector_store %arg8[%swap3A, %swap3A_38], %dot_general3A_37 {strides = array<i32>} : memref<128x1024xf32, #tpu.memory_space<vmem>>, vector<128x1024xf32>,
    } else {
    }
    return
  }
  func.func @transform_0(%arg0: i32, %arg1: memref<72xi32, #tpu.memory_space<smem>>, %arg2: memref<72xi32, #tpu.memory_space<smem>>, %arg3: memref<72xi32, #tpu.memory_space<smem>>) -> (i32, i32) {
    %get3A = arith.index_cast %arg0 : i32 to index
    %get3A_0 = memref.load %arg2[%get3A] : memref<72xi32, #tpu.memory_space<smem>>
    %c0_i32 = arith.constant 0 : i32
    %c0_i32_1 = arith.constant 0 : i32
    return %get3A_0, %c0_i32 : i32, i32
  }
  func.func @transform_1(%arg0: i32, %arg1: memref<72xi32, #tpu.memory_space<smem>>, %arg2: memref<72xi32, #tpu.memory_space<smem>>, %arg3: memref<72xi32, #tpu.memory_space<smem>>) -> (i32, i32, i32) {
    %get3A = arith.index_cast %arg0 : i32 to index
    %get3A_0 = memref.load %arg1[%get3A] : memref<72xi32, #tpu.memory_space<smem>>
    %c0_i32 = arith.constant 0 : i32
    %c0_i32_1 = arith.constant 0 : i32
    %c0_i32_2 = arith.constant 0 : i32
    return %get3A_0, %c0_i32, %c0_i32_1 : i32, i32, i32
  }
  func.func @transform_2(%arg0: i32, %arg1: memref<72xi32, #tpu.memory_space<smem>>, %arg2: memref<72xi32, #tpu.memory_space<smem>>, %arg3: memref<72xi32, #tpu.memory_space<smem>>) -> (i32, i32, i32) {
    %get3A = arith.index_cast %arg0 : i32 to index
    %get3A_0 = memref.load %arg1[%get3A] : memref<72xi32, #tpu.memory_space<smem>>
    %c0_i32 = arith.constant 0 : i32
    %c0_i32_1 = arith.constant 0 : i32
    %c0_i32_2 = arith.constant 0 : i32
    return %get3A_0, %c0_i32, %c0_i32_1 : i32, i32, i32
  }
  func.func @transform_3(%arg0: i32, %arg1: memref<72xi32, #tpu.memory_space<smem>>, %arg2: memref<72xi32, #tpu.memory_space<smem>>, %arg3: memref<72xi32, #tpu.memory_space<smem>>) -> (i32, i32, i32) {
    %get3A = arith.index_cast %arg0 : i32 to index
    %get3A_0 = memref.load %arg1[%get3A] : memref<72xi32, #tpu.memory_space<smem>>
    %c0_i32 = arith.constant 0 : i32
    %c0_i32_1 = arith.constant 0 : i32
    %c0_i32_2 = arith.constant 0 : i32
    return %get3A_0, %c0_i32, %c0_i32_1 : i32, i32, i32
  }
  func.func @transform_4(%arg0: i32, %arg1: memref<72xi32, #tpu.memory_space<smem>>, %arg2: memref<72xi32, #tpu.memory_space<smem>>, %arg3: memref<72xi32, #tpu.memory_space<smem>>) -> (i32, i32) {
    %get3A = arith.index_cast %arg0 : i32 to index
    %get3A_0 = memref.load %arg2[%get3A] : memref<72xi32, #tpu.memory_space<smem>>
    %c0_i32 = arith.constant 0 : i32
    %c0_i32_1 = arith.constant 0 : i32
    return %get3A_0, %c0_i32 : i32, i32
  }
}

module attributes {stable_mosaic.version = 14 : i64} {
  func.func @_shared_body(%arg0: i32, %arg1: memref<512x1024xf32, #tpu.memory_space<vmem>>, %arg2: memref<512x1024xf32, #tpu.memory_space<vmem>>, %arg3: memref<512x1024xf32, #tpu.memory_space<vmem>>, %arg4: memref<512x2xf32, #tpu.memory_space<vmem>>, %arg5: memref<1024x1xf32, #tpu.memory_space<vmem>>, %arg6: memref<1024x2816xf32, #tpu.memory_space<vmem>>, %arg7: memref<1024x2816xf32, #tpu.memory_space<vmem>>, %arg8: memref<2816x1024xf32, #tpu.memory_space<vmem>>, %arg9: memref<512x1024xf32, #tpu.memory_space<vmem>>) attributes {dimension_semantics = [#tpu.dimension_semantics<parallel>], iteration_bounds = array<i64: 8>, scalar_prefetch = 0 : i64, scratch_operands = 0 : i64, tpu.core_type = #tpu.core_type<tc>, window_params = [{transform_indices = @transform_0, window_bounds = array<i64: 512, 1024>}, {transform_indices = @transform_1, window_bounds = array<i64: 512, 1024>}, {transform_indices = @transform_2, window_bounds = array<i64: 512, 1024>}, {transform_indices = @transform_3, window_bounds = array<i64: 512, 2>}, {pipeline_mode = #tpu.pipeline_mode<synchronous>, transform_indices = @transform_4, window_bounds = array<i64: 1024, 1>}, {pipeline_mode = #tpu.pipeline_mode<synchronous>, transform_indices = @transform_5, window_bounds = array<i64: 1024, 2816>}, {pipeline_mode = #tpu.pipeline_mode<synchronous>, transform_indices = @transform_6, window_bounds = array<i64: 1024, 2816>}, {pipeline_mode = #tpu.pipeline_mode<synchronous>, transform_indices = @transform_7, window_bounds = array<i64: 2816, 1024>}, {transform_indices = @transform_8, window_bounds = array<i64: 512, 1024>}]} {
    %get3A = arith.constant 0 : index
    %get3A_0 = arith.constant 0 : index
    %get3A_1 = vector.load %arg1[%get3A, %get3A_0] : memref<512x1024xf32, #tpu.memory_space<vmem>>, vector<512x1024xf32>
    %convert_element_type3A = arith.truncf %get3A_1 : vector<512x1024xf32> to vector<512x1024xbf16>
    %get3A_2 = arith.constant 0 : index
    %get3A_3 = arith.constant 0 : index
    %get3A_4 = vector.load %arg6[%get3A_2, %get3A_3] : memref<1024x2816xf32, #tpu.memory_space<vmem>>, vector<1024x2816xf32>
    %convert_element_type3A_5 = arith.truncf %get3A_4 : vector<1024x2816xf32> to vector<1024x2816xbf16>
    %dot_general3A = arith.constant dense<0.000000e+00> : vector<512x2816xf32>
    %dot_general3A_6 = tpu.matmul %convert_element_type3A, %convert_element_type3A_5, %dot_general3A {dimension_numbers = #tpu.dot_dimension_numbers<[1], [0], [0], [1], [0, 0, 1, 1], [], []>, transpose_lhs_hint = false} : vector<512x1024xbf16>, vector<1024x2816xbf16>, vector<512x2816xf32> -> vector<512x2816xf32>
    %get3A_7 = arith.constant 0 : index
    %get3A_8 = arith.constant 0 : index
    %get3A_9 = vector.load %arg7[%get3A_7, %get3A_8] : memref<1024x2816xf32, #tpu.memory_space<vmem>>, vector<1024x2816xf32>
    %convert_element_type3A_10 = arith.truncf %get3A_9 : vector<1024x2816xf32> to vector<1024x2816xbf16>
    %dot_general3A_11 = arith.constant dense<0.000000e+00> : vector<512x2816xf32>
    %dot_general3A_12 = tpu.matmul %convert_element_type3A, %convert_element_type3A_10, %dot_general3A_11 {dimension_numbers = #tpu.dot_dimension_numbers<[1], [0], [0], [1], [0, 0, 1, 1], [], []>, transpose_lhs_hint = false} : vector<512x1024xbf16>, vector<1024x2816xbf16>, vector<512x2816xf32> -> vector<512x2816xf32>
    %neg3A = arith.constant 0.000000e+00 : f32
    %neg3A_13 = vector.broadcast %neg3A : f32 to vector<512x2816xf32>
    %neg3A_14 = arith.subf %neg3A_13, %dot_general3A_6 : vector<512x2816xf32>
    %exp3A = math.exp %neg3A_14 : vector<512x2816xf32>
    %add3A = arith.constant 1.000000e+00 : f32
    %add3A_15 = vector.broadcast %add3A : f32 to vector<512x2816xf32>
    %add3A_16 = arith.addf %add3A_15, %exp3A : vector<512x2816xf32>
    %div3A = arith.constant 1.000000e+00 : f32
    %div3A_17 = vector.broadcast %div3A : f32 to vector<512x2816xf32>
    %div3A_18 = arith.divf %div3A_17, %add3A_16 : vector<512x2816xf32>
    %mul3A = arith.mulf %dot_general3A_6, %div3A_18 : vector<512x2816xf32>
    %mul3A_19 = arith.mulf %mul3A, %dot_general3A_12 : vector<512x2816xf32>
    %convert_element_type3A_20 = arith.truncf %mul3A_19 : vector<512x2816xf32> to vector<512x2816xbf16>
    %get3A_21 = arith.constant 0 : index
    %get3A_22 = arith.constant 0 : index
    %get3A_23 = vector.load %arg8[%get3A_21, %get3A_22] : memref<2816x1024xf32, #tpu.memory_space<vmem>>, vector<2816x1024xf32>
    %convert_element_type3A_24 = arith.truncf %get3A_23 : vector<2816x1024xf32> to vector<2816x1024xbf16>
    %dot_general3A_25 = arith.constant dense<0.000000e+00> : vector<512x1024xf32>
    %dot_general3A_26 = tpu.matmul %convert_element_type3A_20, %convert_element_type3A_24, %dot_general3A_25 {dimension_numbers = #tpu.dot_dimension_numbers<[1], [0], [0], [1], [0, 0, 1, 1], [], []>, transpose_lhs_hint = false} : vector<512x2816xbf16>, vector<2816x1024xbf16>, vector<512x1024xf32> -> vector<512x1024xf32>
    %get3A_27 = arith.constant 0 : index
    %get3A_28 = arith.constant 0 : index
    %get3A_29 = vector.load %arg5[%get3A_27, %get3A_28] : memref<1024x1xf32, #tpu.memory_space<vmem>>, vector<1024x1xf32>
    %convert_element_type3A_30 = arith.truncf %get3A_29 : vector<1024x1xf32> to vector<1024x1xbf16>
    %dot_general3A_31 = arith.constant dense<0.000000e+00> : vector<512x1xf32>
    %dot_general3A_32 = tpu.matmul %convert_element_type3A, %convert_element_type3A_30, %dot_general3A_31 {dimension_numbers = #tpu.dot_dimension_numbers<[1], [0], [0], [1], [0, 0, 1, 1], [], []>, transpose_lhs_hint = false} : vector<512x1024xbf16>, vector<1024x1xbf16>, vector<512x1xf32> -> vector<512x1xf32>
    %neg3A_33 = arith.constant 0.000000e+00 : f32
    %neg3A_34 = vector.broadcast %neg3A_33 : f32 to vector<512x1xf32>
    %neg3A_35 = arith.subf %neg3A_34, %dot_general3A_32 : vector<512x1xf32>
    %exp3A_36 = math.exp %neg3A_35 : vector<512x1xf32>
    %add3A_37 = arith.constant 1.000000e+00 : f32
    %add3A_38 = vector.broadcast %add3A_37 : f32 to vector<512x1xf32>
    %add3A_39 = arith.addf %add3A_38, %exp3A_36 : vector<512x1xf32>
    %div3A_40 = arith.constant 1.000000e+00 : f32
    %div3A_41 = vector.broadcast %div3A_40 : f32 to vector<512x1xf32>
    %div3A_42 = arith.divf %div3A_41, %add3A_39 : vector<512x1xf32>
    %get3A_43 = arith.constant 0 : index
    %get3A_44 = arith.constant 0 : index
    %get3A_45 = vector.load %arg4[%get3A_43, %get3A_44] : memref<512x2xf32, #tpu.memory_space<vmem>>, vector<512x2xf32>
    %slice3A = vector.extract_strided_slice %get3A_45 {offsets = [0, 0], sizes = [512, 1], strides = [1, 1]} : vector<512x2xf32> to vector<512x1xf32>
    %get3A_46 = arith.constant 0 : index
    %get3A_47 = arith.constant 0 : index
    %get3A_48 = vector.load %arg2[%get3A_46, %get3A_47] : memref<512x1024xf32, #tpu.memory_space<vmem>>, vector<512x1024xf32>
    %mul3A_49 = vector.broadcast %slice3A : vector<512x1xf32> to vector<512x1024xf32>
    %mul3A_50 = arith.mulf %mul3A_49, %get3A_48 : vector<512x1024xf32>
    %slice3A_51 = vector.extract_strided_slice %get3A_45 {offsets = [0, 1], sizes = [512, 1], strides = [1, 1]} : vector<512x2xf32> to vector<512x1xf32>
    %get3A_52 = arith.constant 0 : index
    %get3A_53 = arith.constant 0 : index
    %get3A_54 = vector.load %arg3[%get3A_52, %get3A_53] : memref<512x1024xf32, #tpu.memory_space<vmem>>, vector<512x1024xf32>
    %mul3A_55 = vector.broadcast %slice3A_51 : vector<512x1xf32> to vector<512x1024xf32>
    %mul3A_56 = arith.mulf %mul3A_55, %get3A_54 : vector<512x1024xf32>
    %add3A_57 = arith.addf %mul3A_50, %mul3A_56 : vector<512x1024xf32>
    %mul3A_58 = vector.broadcast %div3A_42 : vector<512x1xf32> to vector<512x1024xf32>
    %mul3A_59 = arith.mulf %dot_general3A_26, %mul3A_58 : vector<512x1024xf32>
    %add3A_60 = arith.addf %add3A_57, %mul3A_59 : vector<512x1024xf32>
    %swap3A = arith.constant 0 : index
    %swap3A_61 = arith.constant 0 : index
    %swap3A_62 = vector.load %arg9[%swap3A, %swap3A_61] : memref<512x1024xf32, #tpu.memory_space<vmem>>, vector<512x1024xf32>
    tpu.vector_store %arg9[%swap3A, %swap3A_61], %add3A_60 {strides = array<i32>} : memref<512x1024xf32, #tpu.memory_space<vmem>>, vector<512x1024xf32>,
    return
  }
  func.func @transform_0(%arg0: i32) -> (i32, i32) {
    %c0_i32 = arith.constant 0 : i32
    %c0_i32_0 = arith.constant 0 : i32
    return %arg0, %c0_i32 : i32, i32
  }
  func.func @transform_1(%arg0: i32) -> (i32, i32) {
    %c0_i32 = arith.constant 0 : i32
    %c0_i32_0 = arith.constant 0 : i32
    return %arg0, %c0_i32 : i32, i32
  }
  func.func @transform_2(%arg0: i32) -> (i32, i32) {
    %c0_i32 = arith.constant 0 : i32
    %c0_i32_0 = arith.constant 0 : i32
    return %arg0, %c0_i32 : i32, i32
  }
  func.func @transform_3(%arg0: i32) -> (i32, i32) {
    %c0_i32 = arith.constant 0 : i32
    %c0_i32_0 = arith.constant 0 : i32
    return %arg0, %c0_i32 : i32, i32
  }
  func.func @transform_4(%arg0: i32) -> (i32, i32) {
    %c0_i32 = arith.constant 0 : i32
    %c0_i32_0 = arith.constant 0 : i32
    %c0_i32_1 = arith.constant 0 : i32
    return %c0_i32, %c0_i32_0 : i32, i32
  }
  func.func @transform_5(%arg0: i32) -> (i32, i32) {
    %c0_i32 = arith.constant 0 : i32
    %c0_i32_0 = arith.constant 0 : i32
    %c0_i32_1 = arith.constant 0 : i32
    return %c0_i32, %c0_i32_0 : i32, i32
  }
  func.func @transform_6(%arg0: i32) -> (i32, i32) {
    %c0_i32 = arith.constant 0 : i32
    %c0_i32_0 = arith.constant 0 : i32
    %c0_i32_1 = arith.constant 0 : i32
    return %c0_i32, %c0_i32_0 : i32, i32
  }
  func.func @transform_7(%arg0: i32) -> (i32, i32) {
    %c0_i32 = arith.constant 0 : i32
    %c0_i32_0 = arith.constant 0 : i32
    %c0_i32_1 = arith.constant 0 : i32
    return %c0_i32, %c0_i32_0 : i32, i32
  }
  func.func @transform_8(%arg0: i32) -> (i32, i32) {
    %c0_i32 = arith.constant 0 : i32
    %c0_i32_0 = arith.constant 0 : i32
    return %arg0, %c0_i32 : i32, i32
  }
}

</mosaic_0001>

<sc_bundles>
// kernel: kernel.11.cloned.1.call-start
scs
__scs_entry_jumppad:
0x0: {  	(pc) =	sbr.rel $0x88, $3  }
0x1: {  	(tag) =	ssettag $0x0;
	lr =	simm.s32 $0x1  }
0x2: {  	[smem:$0x3F98] =	sst lr;
	_ =	strace $0xD0000000  }
0x3: {  	_ = 	snop  }
0x4: {  	_ = 	snop  }
0x5: {  	_ = 	snop  }
0x6: {  	_ = 	snop  }
0x7: {  	_ = 	snop  }
__scs_overlays_trampoline_lowered:
0x8: {  	[smem:$0x3FA7] =	sst s0  }
0x9: {  	[smem:$0x3FA8] =	sst s1  }
0xa: {  	[smem:$0x3FA9] =	sst s2  }
0xb: {  	[smem:$0x3FAA] =	sst s3  }
0xc: {  	[smem:$0x3FAB] =	sst s4  }
0xd: {  	[smem:$0x3FAC] =	sst s5  }
0xe: {  	[smem:$0x3FAD] =	sst s6  }
0xf: {  	[smem:$0x3FAE] =	sst s7  }
0x10: {  	[smem:$0x3FAF] =	sst s8  }
0x11: {  	[smem:$0x3FB0] =	sst s9;
	s0 =	simm.s32 @!p0 $0x0  }
0x12: {  	s1 =	sld [smem:$0x3F96];
	s0 =	simm.s32 @p0 $0x1  }
0x13: {  	[smem:$0x3FB1] =	sst s0;
	s0 =	simm.s32 @!p1 $0x0  }
0x14: {  	s2 =	sld [smem:$0x3F95];
	s0 =	simm.s32 @p1 $0x1  }
0x15: {  	[smem:$0x3FB2] =	sst s0;
	s0 =	simm.s32 @!p2 $0x0  }
0x16: {  	s3 =	sld [smem:$0x3FDB];
	s0 =	simm.s32 @p2 $0x1  }
0x17: {  	s4 =	simm.s32 $0x1BF5;
	[smem:$0x3FB4] =	sst s0  }
0x18: {  	s0 =	sld [smem:$0x3F97];
	_ =	swait.ge [sflag:s4], $0x0  }
0x19: {  	s7 =	sld [smem:$0x3F98]  }
0x1a: {  	s8 =	sadd.s32 $0xFFFFE003, lr  }
0x1b: {  	s9 =	sadd.s32 $0xFFFFFEF7, lr;
	s5 =	simm.s32 $0xFFFFFFFF;
	p2 =	slt.u32 s8, $0xFFFFF086  }
0x1c: {  	p1 =	slt.u32 s9, $0xF7A;
	s5 =	simm.s32 @!p2 $0x0  }
0x1d: {  	s5 =	simm.s32 @p1 $0x1;
	p0 =	seq.s32 s7, s2  }
0x1e: {  	s7 =	smul.u32 @!p0 $0xF7A, s2;
	p2 =	seq.s32 @!p0 s5, $0x0  }
0x1f: {  	s9 =	smul.u32 $0xF7A, s1;
	s8 =	simm.s32 @!p0 $0x1BF5;
	p2 =	por !p2, p0  }
0x20: {  	[sflag:s8] =	ssyncset.s32 @!p0 $0xFFFFF086;
	s6 =	sadd.s32 @!p0 s3, s7;
	s7 =	simm.s32 @!p0 $0x108  }
0x21: {  	s3 =	sadd.s32 s3, s9;
	s6 =	sadd.s32 @!p0 $0x88, s6;
	s7 =	simm.s32 @p2 $0x1082  }
0x22: {  	[simem:s7], [sflag:s8] =	dma.local @!p0 [hbm:s6], $0xF7A  }
0x23: {  	s9 =	sor.u32 $0xD0000000, s2;
	s6 =	simm.s32 $0x108;
	_ =	swait.ge @!p0 [sflag:s8], $0x0  }
0x24: {  	s3 =	sadd.s32 $0x88, s3;
	s6 =	simm.s32 @!p1 $0x1082;
	[sflag:s4] =	ssyncset.s32 $0xFFFFF086  }
0x25: {  	[simem:s6], [sflag:s4] =	dma.local [hbm:s3], $0xF7A  }
0x26: {  	[smem:$0x3F98] =	sst s1;
	(tag) =	ssettag s2;
	_ =	strace s9  }
0x27: {  	s1 =	sld [smem:$0x3FA8]  }
0x28: {  	s2 =	sld [smem:$0x3FA9]  }
0x29: {  	s4 =	sld [smem:$0x3FAB]  }
0x2a: {  	p0 =	seq.s32 s5, $0x0;
	s5 =	sld [smem:$0x3FAC]  }
0x2b: {  	s6 =	sld [smem:$0x3FAD]  }
0x2c: {  	s7 =	sld [smem:$0x3FAE]  }
0x2d: {  	s3 =	simm.s32 $0x108;
	s8 =	sld [smem:$0x3FAF]  }
0x2e: {  	s3 =	simm.s32 @!p0 $0x1082;
	s9 =	sld [smem:$0x3FB0]  }
0x2f: {  	lr =	sadd.s32 s0, s3;
	s0 =	sld [smem:$0x3FA7]  }
0x30: {  	s3 =	sld [smem:$0x3FAA]  }
0x31: {  	[smem:$0x3FB3] =	sst s10  }
0x32: {  	s10 =	sld [smem:$0x3FB1];
	_ =	sdelay $0x3  }
0x33: {  	p0 =	seq.s32 s10, $0x1;
	s10 =	sld [smem:$0x3FB3];
	_ =	sdelay $0x3  }
0x34: {  	[smem:$0x3FB3] =	sst s10  }
0x35: {  	s10 =	sld [smem:$0x3FB2];
	_ =	sdelay $0x3  }
0x36: {  	p1 =	seq.s32 s10, $0x1;
	s10 =	sld [smem:$0x3FB3];
	_ =	sdelay $0x3  }
0x37: {  	[smem:$0x3FB3] =	sst s10  }
0x38: {  	s10 =	sld [smem:$0x3FB4]  }
0x39: {  	_ = 	snop;
	(pc) =	sbr.ind lr, $3  }
0x3a: {  	_ = 	snop  }
0x3b: {  	_ = 	snop  }
0x3c: {  	p2 =	seq.s32 s10, $0x1;
	s10 =	sld [smem:$0x3FB3]  }
0x3d: {  	_ =	shalt  }
0x3e: {  	_ =	shalt  }
0x3f: {  	_ =	shalt  }
0x40: {  	_ =	shalt  }
0x41: {  	_ =	shalt  }
0x42: {  	_ =	shalt  }
0x43: {  	_ =	shalt  }
0x44: {  	_ =	shalt  }
0x45: {  	_ =	shalt  }
0x46: {  	_ =	shalt  }
0x47: {  	_ =	shalt  }
0x48: {  	_ =	shalt  }
0x49: {  	_ =	shalt  }
0x4a: {  	_ =	shalt  }
0x4b: {  	_ =	shalt  }
0x4c: {  	_ =	shalt  }
0x4d: {  	_ =	shalt  }
0x4e: {  	_ =	shalt  }
0x4f: {  	_ =	shalt  }
0x50: {  	_ =	shalt  }
0x51: {  	_ =	shalt  }
0x52: {  	_ =	shalt  }
0x53: {  	_ =	shalt  }
0x54: {  	_ =	shalt  }
0x55: {  	_ =	shalt  }
0x56: {  	_ =	shalt  }
0x57: {  	_ =	shalt  }
0x58: {  	_ =	shalt  }
0x59: {  	_ =	shalt  }
0x5a: {  	_ =	shalt  }
0x5b: {  	_ =	shalt  }
0x5c: {  	_ =	shalt  }
0x5d: {  	_ =	shalt  }
0x5e: {  	_ =	shalt  }
0x5f: {  	_ =	shalt  }
0x60: {  	_ =	shalt  }
0x61: {  	_ =	shalt  }
0x62: {  	_ =	shalt  }
0x63: {  	_ =	shalt  }
0x64: {  	_ =	shalt  }
0x65: {  	_ =	shalt  }
0x66: {  	_ =	shalt  }
0x67: {  	_ =	shalt  }
0x68: {  	_ =	shalt  }
0x69: {  	_ =	shalt  }
0x6a: {  	_ =	shalt  }
0x6b: {  	_ =	shalt  }
0x6c: {  	_ =	shalt  }
0x6d: {  	_ =	shalt  }
0x6e: {  	_ =	shalt  }
0x6f: {  	_ =	shalt  }
0x70: {  	_ =	shalt  }
0x71: {  	_ =	shalt  }
0x72: {  	_ =	shalt  }
0x73: {  	_ =	shalt  }
0x74: {  	_ =	shalt  }
0x75: {  	_ =	shalt  }
0x76: {  	_ =	shalt  }
0x77: {  	_ =	shalt  }
0x78: {  	_ =	shalt  }
0x79: {  	_ =	shalt  }
0x7a: {  	_ =	shalt  }
0x7b: {  	_ =	shalt  }
0x7c: {  	_ =	shalt  }
0x7d: {  	_ =	shalt  }
0x7e: {  	_ =	shalt  }
0x7f: {  	_ =	shalt  }
0x80: {  	_ =	shalt  }
0x81: {  	_ =	shalt  }
0x82: {  	_ =	shalt  }
0x83: {  	_ =	shalt  }
0x84: {  	_ =	shalt  }
0x85: {  	_ =	shalt  }
0x86: {  	_ =	shalt  }
0x87: {  	_ =	shalt  }
.Lfunc_end0:
.L_simem_size_0:
called_computation.1_lowered:
.L_overlay_start_0:
0x88: {  	s2 =	sld [smem:$0x3FD9]  }
0x89: {  	s3 =	sld [smem:$0x3FFE];
	_ =	sdelay $0x1  }
0x8a: {  	s1 =	srdreg.scid  }
0x8b: {  	s0 =	sand.u32 $0x1, s1  }
0x8c: {  	s17 =	sshll.u32 s0, $0xA;
	s2 =	sadd.s32 s3, s2  }
0x8d: {  	s2 =	sadd.s32 s2, s17  }
0x8e: {  	[smem:$0x3FBF] =	sst s2  }
0x8f: {  	_ = 	snop  }
0x90: {  	s2 =	sld [smem:$0x3FD0];
	(tm) =	ssettm $0x1  }
0x91: {  	s18 =	sld [smem:$0x3FFB];
	_ =	sdelay $0x3  }
0x92: {  	_ =	strace s18  }
0x93: {  	s3 =	sld [smem:$0x3FFC];
	_ =	sdelay $0x3  }
0x94: {  	_ =	strace s3  }
0x95: {  	s3 =	sld [smem:$0x3FFD];
	_ =	sdelay $0x3  }
0x96: {  	_ =	strace s3  }
0x97: {  	_ =	strace $0x8FFFFFFF  }
0x98: {  	s19 =	sld [smem:$0x3FDB];
	_ =	sdelay $0x1  }
0x99: {  	s4 =	simm.s32 $_scs_section_size  }
0x9a: {  	s5 =	simm.s32 $_size__tile_overlayer_lowered;
	s6 =	simm.s32 $_tile_overlayer_lowered  }
0x9b: {  	s22 =	simm.s32 $0x1BFF;
	s21 =	sshll.u32 s6, $0x1;
	s3 =	sadd.s32 s4, s19  }
0x9c: {  	s7 =	simm.s32 $0x0;
	s20 =	sshll.u32 s5, $0x1;
	s5 =	sadd.s32 s21, s3  }
0x9d: {  	[timem:s7], [sflag:s22] =	dma.local [hbm:s5], s20  }
0x9e: {  	_ =	swait.ge [sflag:s22], s20  }
0x9f: {  	s4 =	ssub.s32 $0x0, s20;
	[sflag:s22] =	ssyncset.done $0x0  }
0xa0: {  	[sflag:s22] =	ssyncadd.s32 s4;
	_ =	sdelay $0x1  }
0xa1: {  	s23 =	simm.s32 $0x1B8B  }
0xa2: {  	_ =	swait.ge [sflag:s23], $0x1  }
0xa3: {  	[sflag:s23] =	ssyncset.done $0x0  }
0xa4: {  	s25 =	simm.s32 $0x1B8E;
	s24 =	sld [smem:$0x3FFE];
	[sflag:s23] =	ssyncadd.s32 $0xFFFFFFFF  }
0xa5: {  	s26 =	simm.s32 $execute0_lowered;
	[smem:$0x3FD2] =	sst s25  }
0xa6: {  	s5 =	sshll.u32 s26, $0x1;
	_ =	strace $0x80000049;
	[dreg:$0x1] =	wrdreg $0xFFFFFFFF  }
0xa7: {  	s28 =	simm.s32 $_size_execute0_lowered;
	s3 =	sadd.s32 s3, s5;
	[dreg:$0x0] =	wrdreg $0x0  }
0xa8: {  	s5 =	sshll.u32 s28, $0x1;
	[dreg:$0x2] =	wrdreg s3  }
0xa9: {  	[dreg:$0x3] =	wrdreg s5  }
0xaa: {  	[dreg:$0x4] =	wrdreg $0xC0  }
0xab: {  	_ =	task [dreg:s7], $0x5FFFF  }
0xac: {  	[dreg:$0x1] =	wrdreg $0xFFFFFFFF  }
0xad: {  	[dreg:$0x0] =	wrdreg $0x60  }
0xae: {  	[dreg:$0x2] =	wrdreg s24  }
0xaf: {  	[dreg:$0x3] =	wrdreg s2  }
0xb0: {  	[dreg:$0x4] =	wrdreg $0x9  }
0xb1: {  	_ =	task.clear_ibuf [dreg:s7], $0x5FFFF;
	_ =	strace $0x90000049  }
0xb2: {  	s29 =	simm.s32 $0x9;
	_ =	strace $0x8000004B  }
0xb3: {  	_ =	swait.ge [sflag:s29], $0x1  }
0xb4: {  	[sflag:s29] =	ssyncadd.s32 $0xFFFFFFFF  }
0xb5: {  	_ =	strace $0x9000004B  }
0xb6: {  	_ =	sfence  }
0xb7: {  	s30 =	sld [smem:$0x0];
	_ =	sdelay $0x2  }
0xb8: {  	s31 =	sshll.u32 s1, $0xD;
	s1 =	sshrl.u32 s1, $0x2  }
0xb9: {  	s3 =	sand.u32 $0x4000, s31;
	s1 =	sadd.s32 s1, s30  }
0xba: {  	s0 =	sor.u32 s3, s0;
	s1 =	sshll.u32 s1, $0x11  }
0xbb: {  	s0 =	sor.u32 s1, s0  }
0xbc: {  	s0 =	sadd.s32 $0x8F2B, s0  }
0xbd: {  	[sflag:s0] =	ssyncadd.remote.s32 $0x1  }
0xbe: {  	_ =	sfence.sel $0xFFFF  }
0xbf: {  	[dreg:$0x0] =	wrdreg $0xFFFFFFFF;
	(pc) =	sbr.abs _section_cstart, $3  }
0xc0: {  	[dreg:$0x1] =	wrdreg $0xFFFFFFFF  }
0xc1: {  	_ =	task.clear_ibuf [dreg:s7], $0x2FFFF;
	_ =	strace $0x9FFFFFFF  }
0xc2: {  	(tm) =	ssettm $0x7FFFFFFF  }
0xc3: {  	_ =	shalt  }
tec
execute0_lowered:
.L_overlay_start_1:
0x0: {  	(tag) =	ssettag $0x1  }
0x1: {  	s0 =	rddreg [dreg:$0x0];
	s2 =	srdreg.scid  }
0x2: {  	s1 =	rddreg [dreg:$0x1];
	s3 =	stileid.u32;
	s6 =	sand.u32 $0x1, s2  }
0x3: {  	s2 =	simm.s32 $0x0;
	s3 =	sshll.u32 s3, $0x8;
	s4 =	sshll.u32 s6, $0x7  }
0x4: {  	[smem:$0x7FF] =	sst s2;
	s8 =	sor.u32 s4, s3  }
0x5: {  	s7 =	sadd.s32 $0x10C00, s0;
	_ =	strace $0x8000004A;
	s3 =	sshrl.u32 s8, $0x3  }
0x6: {  	s4 =	sadd.s32 $0x10E00, s0;
	s9 =	sor.u32 $0x10, s8;
	s5 =	sadd.s32 s1, s3  }
0x7: {  	s24 =	sshll.u32 s8, $0x7;
	s3 =	sadd.s32 s7, s3;
	[dreg:$0x3] =	wrdreg s5  }
0x8: {  	s10 =	sshrl.u32 s9, $0x3;
	s25 =	sadd.s32 s4, s24;
	[dreg:$0x4] =	wrdreg s3  }
0x9: {  	s11 =	sor.u32 $0x20, s8;
	s22 =	sadd.s32 s1, s10;
	[dreg:$0x7] =	wrdreg s25  }
0xa: {  	s28 =	sshrl.u32 s11, $0x3;
	s23 =	sadd.s32 s7, s10;
	[dreg:$0x5] =	wrdreg s22  }
0xb: {  	s12 =	sor.u32 $0x30, s8;
	s30 =	sadd.s32 s1, s28;
	[dreg:$0x6] =	wrdreg s23  }
0xc: {  	s9 =	sshll.u32 s9, $0x7;
	s31 =	sadd.s32 s7, s28;
	[dreg:$0x9] =	wrdreg s30  }
0xd: {  	s14 =	sshrl.u32 s12, $0x3;
	s10 =	sadd.s32 s4, s9;
	[dreg:$0xa] =	wrdreg s31  }
0xe: {  	s29 =	simm.s32 $0x8000;
	s15 =	sadd.s32 s1, s14;
	[dreg:$0xb] =	wrdreg s10  }
0xf: {  	s17 =	sshll.u32 s11, $0x7;
	s16 =	sadd.s32 s7, s14;
	[dreg:$0xd] =	wrdreg s15  }
0x10: {  	s5 =	sadd.s32 $0x90E00, s0;
	s18 =	sadd.s32 s4, s17;
	[dreg:$0xe] =	wrdreg s16  }
0x11: {  	s6 =	ssub.s32 $0x2, s6;
	s26 =	sadd.s32 s5, s24;
	[dreg:$0xf] =	wrdreg s18  }
0x12: {  	s19 =	sor.u32 $0x40, s8;
	s13 =	sadd.s32 s5, s9;
	[dreg:$0x8] =	wrdreg s26  }
0x13: {  	s21 =	sshrl.u32 s19, $0x3;
	s20 =	sadd.s32 s5, s17;
	[dreg:$0xc] =	wrdreg s13  }
0x14: {  	s3 =	sadd.s32 $0x130E00, s0;
	s22 =	sadd.s32 s1, s21;
	[dreg:$0x10] =	wrdreg s20  }
0x15: {  	s23 =	sadd.s32 s7, s21;
	s24 =	sshll.u32 s12, $0x7;
	[dreg:$0x11] =	wrdreg s22  }
0x16: {  	s15 =	sor.u32 $0x60, s8;
	[dreg:$0x12] =	wrdreg s23;
	s25 =	sadd.s32 s4, s24  }
0x17: {  	s26 =	sor.u32 $0x50, s8;
	s28 =	sadd.s32 s5, s24;
	s13 =	sshll.u32 s19, $0x7  }
0x18: {  	s8 =	sor.u32 $0x70, s8;
	s22 =	sshll.u32 s15, $0x7;
	[dreg:$0x13] =	wrdreg s25  }
0x19: {  	s23 =	sshrl.u32 s6, $0x1;
	[dreg:$0x14] =	wrdreg s28;
	s14 =	sadd.s32 s4, s13  }
0x1a: {  	s30 =	sshrl.u32 s26, $0x3;
	s9 =	sadd.s32 s5, s13;
	[dreg:$0x17] =	wrdreg s14  }
0x1b: {  	s10 =	sshll.u32 s26, $0x7;
	s24 =	sadd.s32 s4, s22;
	[dreg:$0x18] =	wrdreg s9  }
0x1c: {  	s20 =	sshrl.u32 s8, $0x3;
	s25 =	sadd.s32 s5, s22;
	[dreg:$0x1f] =	wrdreg s24  }
0x1d: {  	s26 =	sshll.u32 s8, $0x7;
	s31 =	sadd.s32 s1, s30;
	[smem:$0x7FB] =	sst s25  }
0x1e: {  	s28 =	ssub.s32 s6, s23;
	s12 =	sadd.s32 s7, s30;
	[dreg:$0x15] =	wrdreg s31  }
0x1f: {  	s6 =	sadd.s32 $0x131100, s0;
	s18 =	sadd.s32 s4, s10;
	[dreg:$0x16] =	wrdreg s12  }
0x20: {  	s22 =	simm.s32 $0x3;
	s19 =	sadd.s32 s5, s10;
	[dreg:$0x1b] =	wrdreg s18  }
0x21: {  	s21 =	sadd.s32 s7, s20;
	s30 =	sadd.s32 s4, s26;
	[dreg:$0x1c] =	wrdreg s19  }
0x22: {  	s4 =	sadd.s32 $0x130F00, s0;
	s10 =	simm.s32 $0x1;
	[dreg:$0x1e] =	wrdreg s21  }
0x23: {  	s12 =	sshrl.u32 s15, $0x3;
	[smem:$0x7FC] =	sst s30;
	s31 =	sadd.s32 s5, s26  }
0x24: {  	s5 =	sadd.s32 $0x131000, s0;
	s16 =	sadd.s32 s1, s12;
	[smem:$0x7FD] =	sst s31  }
0x25: {  	v2 =	vlaneseq.u32;
	s21 =	simm.s32 $0x2;
	s17 =	sadd.s32 s7, s12;
	[dreg:$0x19] =	wrdreg s16  }
0x26: {  	vm0 =	vmmov $0xffff;
	v1 =	vshrl.u32 v2, $0x3;
	s1 =	sadd.s32 s1, s20;
	s7 =	smax.u32 s28, $0x1;
	[dreg:$0x1a] =	wrdreg s17  }
0x27: {  	v0 =	vand.u32 $0x7, v2;
	v2 =	vor.u32 $0x8, v2;
	v1 =	vmul.u32 $0x8, v1;
	s12 =	simm.s32 $0x4000;
	[dreg:$0x1d] =	wrdreg s1;
	s1 =	simm.s32 $0xC000  }
.LBB2_1:
0x28: {  	s23 =	rddreg [dreg:$0x3];
	s0 =	simm.s32 $0x10000  }
0x29: {  	[tilespmem:s0], [sflag:$0x1] =	stream.linear.gather [hbm4b:s23+s2], $0x10, $0x38;
	[tilespmem:$0x10200] =	vst v63  }
0x2a: {  	s24 =	rddreg [dreg:$0x4];
	s16 =	simm.s32 $0x10100  }
0x2b: {  	[tilespmem:s16], [sflag:$0x1] =	stream.linear.gather [hbm4b:s24+s2], $0x10, $0x38;
	[tilespmem:$0x10200] =	vst v63  }
0x2c: {  	_ =	swait.ge [sflag:s10], $0x10  }
0x2d: {  	[sflag:s10] =	ssyncset.done $0x0  }
0x2e: {  	[sflag:s10] =	ssyncadd.s32 $0xFFFFFFF0  }
0x2f: {  	_ =	swait.ge [sflag:s10], $0x10  }
0x30: {  	[sflag:s10] =	ssyncset.done $0x0  }
0x31: {  	[sflag:s10] =	ssyncadd.s32 $0xFFFFFFF0  }
0x32: {  	v3 =	vld [tilespmem:$0x10000];
	_ =	sdelay $0x4  }
0x33: {  	v4 =	vshll.u32 v3, $0x3  }
0x34: {  	v3 =	vand.u32 $0x7, v3;
	v4 =	vand.u32 $0xFFFFFFC0, v4  }
0x35: {  	v3 =	vor.u32 v3, v4  }
0x36: {  	v4 =	vperm.xlane v3, v0;
	_ =	sdelay $0x1  }
0x37: {  	v4 =	vadd.s32 v1, v4;
	_ =	sdelay $0x4  }
0x38: {  	[tilespmem:s2], [sflag:$0x2] =	stream.indirect_vreg.gather [hbm4b:s3+s2], $0x80, v4, vm0, $0xb8;
	[tilespmem:$0x10200] =	vst v63  }
0x39: {  	s17 =	simm.s32 $0x800;
	v3 =	vperm.xlane v3, v2  }
0x3a: {  	[tilespmem:s17], [sflag:$0x2] =	stream.indirect_vreg.gather [hbm4b:s4+s2], $0x80, v4, vm0, $0xb8;
	[tilespmem:$0x10200] =	vst v63  }
0x3b: {  	s18 =	simm.s32 $0x1000;
	v3 =	vadd.s32 v1, v3  }
0x3c: {  	[tilespmem:s18], [sflag:$0x2] =	stream.indirect_vreg.gather [hbm4b:s5+s2], $0x80, v4, vm0, $0xb8;
	[tilespmem:$0x10200] =	vst v63  }
0x3d: {  	s19 =	simm.s32 $0x1800  }
0x3e: {  	[tilespmem:s19], [sflag:$0x2] =	stream.indirect_vreg.gather [hbm4b:s6+s2], $0x80, v4, vm0, $0xb8;
	[tilespmem:$0x10200] =	vst v63  }
0x3f: {  	s20 =	simm.s32 $0x2000  }
0x40: {  	[tilespmem:s20], [sflag:$0x2] =	stream.indirect_vreg.gather [hbm4b:s3+s2], $0x80, v3, vm0, $0xb8;
	[tilespmem:$0x10200] =	vst v63  }
0x41: {  	s23 =	simm.s32 $0x2800  }
0x42: {  	[tilespmem:s23], [sflag:$0x2] =	stream.indirect_vreg.gather [hbm4b:s4+s2], $0x80, v3, vm0, $0xb8;
	[tilespmem:$0x10200] =	vst v63  }
0x43: {  	s24 =	simm.s32 $0x3000  }
0x44: {  	[tilespmem:s24], [sflag:$0x2] =	stream.indirect_vreg.gather [hbm4b:s5+s2], $0x80, v3, vm0, $0xb8;
	[tilespmem:$0x10200] =	vst v63  }
0x45: {  	s25 =	simm.s32 $0x3800  }
0x46: {  	[tilespmem:s25], [sflag:$0x2] =	stream.indirect_vreg.gather [hbm4b:s6+s2], $0x80, v3, vm0, $0xb8;
	[tilespmem:$0x10200] =	vst v63  }
0x47: {  	v3 =	vld [tilespmem:$0x10100];
	_ =	sdelay $0x4  }
0x48: {  	v49 =	vshll.u32 v3, $0x3  }
0x49: {  	v3 =	vand.u32 $0x7, v3;
	v4 =	vand.u32 $0xFFFFFFC0, v49  }
0x4a: {  	v3 =	vor.u32 v3, v4  }
0x4b: {  	v4 =	vperm.xlane v3, v0;
	_ =	sdelay $0x1  }
0x4c: {  	v4 =	vadd.s32 v1, v4;
	_ =	sdelay $0x4  }
0x4d: {  	[tilespmem:s29], [sflag:$0x2] =	stream.indirect_vreg.gather [hbm4b:s3+s2], $0x80, v4, vm0, $0xb8;
	[tilespmem:$0x10200] =	vst v63  }
0x4e: {  	s26 =	simm.s32 $0x8800;
	v3 =	vperm.xlane v3, v2  }
0x4f: {  	[tilespmem:s26], [sflag:$0x2] =	stream.indirect_vreg.gather [hbm4b:s4+s2], $0x80, v4, vm0, $0xb8;
	[tilespmem:$0x10200] =	vst v63  }
0x50: {  	s28 =	simm.s32 $0x9000;
	v3 =	vadd.s32 v1, v3  }
0x51: {  	[tilespmem:s28], [sflag:$0x2] =	stream.indirect_vreg.gather [hbm4b:s5+s2], $0x80, v4, vm0, $0xb8;
	[tilespmem:$0x10200] =	vst v63  }
0x52: {  	s30 =	simm.s32 $0x9800  }
0x53: {  	[tilespmem:s30], [sflag:$0x2] =	stream.indirect_vreg.gather [hbm4b:s6+s2], $0x80, v4, vm0, $0xb8;
	[tilespmem:$0x10200] =	vst v63  }
0x54: {  	s31 =	simm.s32 $0xA000  }
0x55: {  	[tilespmem:s31], [sflag:$0x2] =	stream.indirect_vreg.gather [hbm4b:s3+s2], $0x80, v3, vm0, $0xb8;
	[tilespmem:$0x10200] =	vst v63  }
0x56: {  	s13 =	simm.s32 $0xA800  }
0x57: {  	[tilespmem:s13], [sflag:$0x2] =	stream.indirect_vreg.gather [hbm4b:s4+s2], $0x80, v3, vm0, $0xb8;
	[tilespmem:$0x10200] =	vst v63  }
0x58: {  	s14 =	simm.s32 $0xB000  }
0x59: {  	[tilespmem:s14], [sflag:$0x2] =	stream.indirect_vreg.gather [hbm4b:s5+s2], $0x80, v3, vm0, $0xb8;
	[tilespmem:$0x10200] =	vst v63  }
0x5a: {  	s16 =	simm.s32 $0xB800  }
0x5b: {  	[tilespmem:s16], [sflag:$0x2] =	stream.indirect_vreg.gather [hbm4b:s6+s2], $0x80, v3, vm0, $0xb8;
	[tilespmem:$0x10200] =	vst v63  }
0x5c: {  	s15 =	rddreg [dreg:$0x5];
	s18 =	simm.s32 $0x10080  }
0x5d: {  	[tilespmem:s18], [sflag:$0x1] =	stream.linear.gather [hbm4b:s15+s2], $0x10, $0x38;
	[tilespmem:$0x10200] =	vst v63  }
0x5e: {  	s17 =	rddreg [dreg:$0x6];
	s23 =	simm.s32 $0x10180  }
0x5f: {  	[tilespmem:s23], [sflag:$0x1] =	stream.linear.gather [hbm4b:s17+s2], $0x10, $0x38;
	[tilespmem:$0x10200] =	vst v63  }
0x60: {  	_ =	swait.ge [sflag:s10], $0x10  }
0x61: {  	[sflag:s10] =	ssyncset.done $0x0  }
0x62: {  	[sflag:s10] =	ssyncadd.s32 $0xFFFFFFF0  }
0x63: {  	_ =	swait.ge [sflag:s10], $0x10  }
0x64: {  	[sflag:s10] =	ssyncset.done $0x0  }
0x65: {  	[sflag:s10] =	ssyncadd.s32 $0xFFFFFFF0  }
0x66: {  	v3 =	vld [tilespmem:$0x10080];
	_ =	sdelay $0x4  }
0x67: {  	v50 =	vshll.u32 v3, $0x3  }
0x68: {  	v3 =	vand.u32 $0x7, v3;
	v4 =	vand.u32 $0xFFFFFFC0, v50  }
0x69: {  	v3 =	vor.u32 v3, v4  }
0x6a: {  	v4 =	vperm.xlane v3, v0;
	_ =	sdelay $0x1  }
0x6b: {  	v4 =	vadd.s32 v1, v4;
	_ =	sdelay $0x4  }
0x6c: {  	[tilespmem:s12], [sflag:$0x2] =	stream.indirect_vreg.gather [hbm4b:s3+s2], $0x80, v4, vm0, $0xb8;
	[tilespmem:$0x10200] =	vst v63  }
0x6d: {  	s24 =	simm.s32 $0x4800;
	v3 =	vperm.xlane v3, v2  }
0x6e: {  	[tilespmem:s24], [sflag:$0x2] =	stream.indirect_vreg.gather [hbm4b:s4+s2], $0x80, v4, vm0, $0xb8;
	[tilespmem:$0x10200] =	vst v63  }
0x6f: {  	s25 =	simm.s32 $0x5000;
	v3 =	vadd.s32 v1, v3  }
0x70: {  	[tilespmem:s25], [sflag:$0x2] =	stream.indirect_vreg.gather [hbm4b:s5+s2], $0x80, v4, vm0, $0xb8;
	[tilespmem:$0x10200] =	vst v63  }
0x71: {  	s26 =	simm.s32 $0x5800  }
0x72: {  	[tilespmem:s26], [sflag:$0x2] =	stream.indirect_vreg.gather [hbm4b:s6+s2], $0x80, v4, vm0, $0xb8;
	[tilespmem:$0x10200] =	vst v63  }
0x73: {  	s28 =	simm.s32 $0x6000  }
0x74: {  	[tilespmem:s28], [sflag:$0x2] =	stream.indirect_vreg.gather [hbm4b:s3+s2], $0x80, v3, vm0, $0xb8;
	[tilespmem:$0x10200] =	vst v63  }
0x75: {  	s30 =	simm.s32 $0x6800  }
0x76: {  	[tilespmem:s30], [sflag:$0x2] =	stream.indirect_vreg.gather [hbm4b:s4+s2], $0x80, v3, vm0, $0xb8;
	[tilespmem:$0x10200] =	vst v63  }
0x77: {  	s31 =	simm.s32 $0x7000  }
0x78: {  	[tilespmem:s31], [sflag:$0x2] =	stream.indirect_vreg.gather [hbm4b:s5+s2], $0x80, v3, vm0, $0xb8;
	[tilespmem:$0x10200] =	vst v63  }
0x79: {  	s0 =	simm.s32 $0x7800  }
0x7a: {  	[tilespmem:s0], [sflag:$0x2] =	stream.indirect_vreg.gather [hbm4b:s6+s2], $0x80, v3, vm0, $0xb8;
	[tilespmem:$0x10200] =	vst v63  }
0x7b: {  	v3 =	vld [tilespmem:$0x10180];
	_ =	sdelay $0x4  }
0x7c: {  	v51 =	vshll.u32 v3, $0x3  }
0x7d: {  	v3 =	vand.u32 $0x7, v3;
	v4 =	vand.u32 $0xFFFFFFC0, v51  }
0x7e: {  	v3 =	vor.u32 v3, v4  }
0x7f: {  	v4 =	vperm.xlane v3, v0;
	_ =	sdelay $0x1  }
0x80: {  	v4 =	vadd.s32 v1, v4;
	_ =	sdelay $0x4  }
0x81: {  	[tilespmem:s1], [sflag:$0x2] =	stream.indirect_vreg.gather [hbm4b:s3+s2], $0x80, v4, vm0, $0xb8;
	[tilespmem:$0x10200] =	vst v63  }
0x82: {  	s13 =	simm.s32 $0xC800;
	v3 =	vperm.xlane v3, v2  }
0x83: {  	[tilespmem:s13], [sflag:$0x2] =	stream.indirect_vreg.gather [hbm4b:s4+s2], $0x80, v4, vm0, $0xb8;
	[tilespmem:$0x10200] =	vst v63  }
0x84: {  	s15 =	simm.s32 $0xD000;
	v3 =	vadd.s32 v1, v3  }
0x85: {  	[tilespmem:s15], [sflag:$0x2] =	stream.indirect_vreg.gather [hbm4b:s5+s2], $0x80, v4, vm0, $0xb8;
	[tilespmem:$0x10200] =	vst v63  }
0x86: {  	s18 =	simm.s32 $0xD800  }
0x87: {  	[tilespmem:s18], [sflag:$0x2] =	stream.indirect_vreg.gather [hbm4b:s6+s2], $0x80, v4, vm0, $0xb8;
	[tilespmem:$0x10200] =	vst v63  }
0x88: {  	s24 =	simm.s32 $0xE000  }
0x89: {  	[tilespmem:s24], [sflag:$0x2] =	stream.indirect_vreg.gather [hbm4b:s3+s2], $0x80, v3, vm0, $0xb8;
	[tilespmem:$0x10200] =	vst v63  }
0x8a: {  	s25 =	simm.s32 $0xE800  }
0x8b: {  	[tilespmem:s25], [sflag:$0x2] =	stream.indirect_vreg.gather [hbm4b:s4+s2], $0x80, v3, vm0, $0xb8;
	[tilespmem:$0x10200] =	vst v63  }
0x8c: {  	s26 =	simm.s32 $0xF000  }
0x8d: {  	[tilespmem:s26], [sflag:$0x2] =	stream.indirect_vreg.gather [hbm4b:s5+s2], $0x80, v3, vm0, $0xb8;
	[tilespmem:$0x10200] =	vst v63  }
0x8e: {  	s28 =	simm.s32 $0xF800  }
0x8f: {  	[tilespmem:s28], [sflag:$0x2] =	stream.indirect_vreg.gather [hbm4b:s6+s2], $0x80, v3, vm0, $0xb8;
	[tilespmem:$0x10200] =	vst v63  }
0x90: {  	_ =	swait.ge [sflag:s21], $0x4000  }
0x91: {  	[sflag:s21] =	ssyncset.done $0x0  }
0x92: {  	[sflag:s21] =	ssyncadd.s32 $0xFFFFC000  }
0x93: {  	_ =	swait.ge [sflag:s21], $0x4000  }
0x94: {  	[sflag:s21] =	ssyncset.done $0x0  }
0x95: {  	s30 =	rddreg [dreg:$0x7];
	[sflag:s21] =	ssyncadd.s32 $0xFFFFC000  }
0x96: {  	[hbm4b:s30+s2] =	stream.linear.scatter [tilespmem:s2], [sflag:$0x3], $0x4000, $0x38;
	[tilespmem:$0x10200] =	vst v63  }
0x97: {  	s0 =	rddreg [dreg:$0x8]  }
0x98: {  	[hbm4b:s0+s2] =	stream.linear.scatter [tilespmem:s29], [sflag:$0x3], $0x4000, $0x38;
	[tilespmem:$0x10200] =	vst v63  }
0x99: {  	s8 =	simm.s32 $0x10000;
	s13 =	rddreg [dreg:$0x9]  }
0x9a: {  	[tilespmem:s8], [sflag:$0x1] =	stream.linear.gather [hbm4b:s13+s2], $0x10, $0x38;
	[tilespmem:$0x10200] =	vst v63  }
0x9b: {  	s9 =	simm.s32 $0x10100;
	s18 =	rddreg [dreg:$0xa]  }
0x9c: {  	[tilespmem:s9], [sflag:$0x1] =	stream.linear.gather [hbm4b:s18+s2], $0x10, $0x38;
	[tilespmem:$0x10200] =	vst v63  }
0x9d: {  	_ =	swait.ge [sflag:s10], $0x10  }
0x9e: {  	[sflag:s10] =	ssyncset.done $0x0  }
0x9f: {  	[sflag:s10] =	ssyncadd.s32 $0xFFFFFFF0  }
0xa0: {  	_ =	swait.ge [sflag:s10], $0x10  }
0xa1: {  	[sflag:s10] =	ssyncset.done $0x0  }
0xa2: {  	[sflag:s10] =	ssyncadd.s32 $0xFFFFFFF0  }
0xa3: {  	_ =	swait.ge [sflag:s22], $0x4000  }
0xa4: {  	[sflag:s22] =	ssyncset.done $0x0  }
0xa5: {  	[sflag:s22] =	ssyncadd.s32 $0xFFFFC000  }
0xa6: {  	_ =	swait.ge [sflag:s22], $0x4000  }
0xa7: {  	[sflag:s22] =	ssyncset.done $0x0  }
0xa8: {  	[sflag:s22] =	ssyncadd.s32 $0xFFFFC000  }
0xa9: {  	v3 =	vld [tilespmem:$0x10000];
	_ =	sdelay $0x4  }
0xaa: {  	v52 =	vshll.u32 v3, $0x3  }
0xab: {  	v3 =	vand.u32 $0x7, v3;
	v4 =	vand.u32 $0xFFFFFFC0, v52  }
0xac: {  	v3 =	vor.u32 v3, v4  }
0xad: {  	v4 =	vperm.xlane v3, v0;
	_ =	sdelay $0x1  }
0xae: {  	v4 =	vadd.s32 v1, v4;
	_ =	sdelay $0x4  }
0xaf: {  	[tilespmem:s2], [sflag:$0x2] =	stream.indirect_vreg.gather [hbm4b:s3+s2], $0x80, v4, vm0, $0xb8;
	[tilespmem:$0x10200] =	vst v63  }
0xb0: {  	s11 =	simm.s32 $0x800;
	v3 =	vperm.xlane v3, v2  }
0xb1: {  	[tilespmem:s11], [sflag:$0x2] =	stream.indirect_vreg.gather [hbm4b:s4+s2], $0x80, v4, vm0, $0xb8;
	[tilespmem:$0x10200] =	vst v63  }
0xb2: {  	s13 =	simm.s32 $0x1000;
	v3 =	vadd.s32 v1, v3  }
0xb3: {  	[tilespmem:s13], [sflag:$0x2] =	stream.indirect_vreg.gather [hbm4b:s5+s2], $0x80, v4, vm0, $0xb8;
	[tilespmem:$0x10200] =	vst v63  }
0xb4: {  	s8 =	simm.s32 $0x1800  }
0xb5: {  	[tilespmem:s8], [sflag:$0x2] =	stream.indirect_vreg.gather [hbm4b:s6+s2], $0x80, v4, vm0, $0xb8;
	[tilespmem:$0x10200] =	vst v63  }
0xb6: {  	s9 =	simm.s32 $0x2000  }
0xb7: {  	[tilespmem:s9], [sflag:$0x2] =	stream.indirect_vreg.gather [hbm4b:s3+s2], $0x80, v3, vm0, $0xb8;
	[tilespmem:$0x10200] =	vst v63  }
0xb8: {  	s11 =	simm.s32 $0x2800  }
0xb9: {  	[tilespmem:s11], [sflag:$0x2] =	stream.indirect_vreg.gather [hbm4b:s4+s2], $0x80, v3, vm0, $0xb8;
	[tilespmem:$0x10200] =	vst v63  }
0xba: {  	s18 =	simm.s32 $0x3000  }
0xbb: {  	[tilespmem:s18], [sflag:$0x2] =	stream.indirect_vreg.gather [hbm4b:s5+s2], $0x80, v3, vm0, $0xb8;
	[tilespmem:$0x10200] =	vst v63  }
0xbc: {  	s19 =	simm.s32 $0x3800  }
0xbd: {  	[tilespmem:s19], [sflag:$0x2] =	stream.indirect_vreg.gather [hbm4b:s6+s2], $0x80, v3, vm0, $0xb8;
	[tilespmem:$0x10200] =	vst v63  }
0xbe: {  	v3 =	vld [tilespmem:$0x10100];
	_ =	sdelay $0x4  }
0xbf: {  	v53 =	vshll.u32 v3, $0x3  }
0xc0: {  	v3 =	vand.u32 $0x7, v3;
	v4 =	vand.u32 $0xFFFFFFC0, v53  }
0xc1: {  	v3 =	vor.u32 v3, v4  }
0xc2: {  	v4 =	vperm.xlane v3, v0;
	_ =	sdelay $0x1  }
0xc3: {  	v4 =	vadd.s32 v1, v4;
	_ =	sdelay $0x4  }
0xc4: {  	[tilespmem:s29], [sflag:$0x2] =	stream.indirect_vreg.gather [hbm4b:s3+s2], $0x80, v4, vm0, $0xb8;
	[tilespmem:$0x10200] =	vst v63  }
0xc5: {  	s20 =	simm.s32 $0x8800;
	v3 =	vperm.xlane v3, v2  }
0xc6: {  	[tilespmem:s20], [sflag:$0x2] =	stream.indirect_vreg.gather [hbm4b:s4+s2], $0x80, v4, vm0, $0xb8;
	[tilespmem:$0x10200] =	vst v63  }
0xc7: {  	s19 =	simm.s32 $0x9000;
	v3 =	vadd.s32 v1, v3  }
0xc8: {  	[tilespmem:s19], [sflag:$0x2] =	stream.indirect_vreg.gather [hbm4b:s5+s2], $0x80, v4, vm0, $0xb8;
	[tilespmem:$0x10200] =	vst v63  }
0xc9: {  	s20 =	simm.s32 $0x9800  }
0xca: {  	[tilespmem:s20], [sflag:$0x2] =	stream.indirect_vreg.gather [hbm4b:s6+s2], $0x80, v4, vm0, $0xb8;
	[tilespmem:$0x10200] =	vst v63  }
0xcb: {  	s25 =	simm.s32 $0xA000  }
0xcc: {  	[tilespmem:s25], [sflag:$0x2] =	stream.indirect_vreg.gather [hbm4b:s3+s2], $0x80, v3, vm0, $0xb8;
	[tilespmem:$0x10200] =	vst v63  }
0xcd: {  	s26 =	simm.s32 $0xA800  }
0xce: {  	[tilespmem:s26], [sflag:$0x2] =	stream.indirect_vreg.gather [hbm4b:s4+s2], $0x80, v3, vm0, $0xb8;
	[tilespmem:$0x10200] =	vst v63  }
0xcf: {  	s28 =	simm.s32 $0xB000  }
0xd0: {  	[tilespmem:s28], [sflag:$0x2] =	stream.indirect_vreg.gather [hbm4b:s5+s2], $0x80, v3, vm0, $0xb8;
	[tilespmem:$0x10200] =	vst v63  }
0xd1: {  	s30 =	simm.s32 $0xB800  }
0xd2: {  	[tilespmem:s30], [sflag:$0x2] =	stream.indirect_vreg.gather [hbm4b:s6+s2], $0x80, v3, vm0, $0xb8;
	[tilespmem:$0x10200] =	vst v63  }
0xd3: {  	_ =	swait.ge [sflag:s21], $0x4000  }
0xd4: {  	[sflag:s21] =	ssyncset.done $0x0  }
0xd5: {  	[sflag:s21] =	ssyncadd.s32 $0xFFFFC000  }
0xd6: {  	_ =	swait.ge [sflag:s21], $0x4000  }
0xd7: {  	[sflag:s21] =	ssyncset.done $0x0  }
0xd8: {  	s24 =	rddreg [dreg:$0xb];
	[sflag:s21] =	ssyncadd.s32 $0xFFFFC000  }
0xd9: {  	[hbm4b:s24+s2] =	stream.linear.scatter [tilespmem:s12], [sflag:$0x3], $0x4000, $0x38;
	[tilespmem:$0x10200] =	vst v63  }
0xda: {  	s0 =	rddreg [dreg:$0xc]  }
0xdb: {  	[hbm4b:s0+s2] =	stream.linear.scatter [tilespmem:s1], [sflag:$0x3], $0x4000, $0x38;
	[tilespmem:$0x10200] =	vst v63  }
0xdc: {  	s23 =	rddreg [dreg:$0xd];
	s0 =	simm.s32 $0x10080  }
0xdd: {  	[tilespmem:s0], [sflag:$0x1] =	stream.linear.gather [hbm4b:s23+s2], $0x10, $0x38;
	[tilespmem:$0x10200] =	vst v63  }
0xde: {  	s14 =	simm.s32 $0x10180;
	s24 =	rddreg [dreg:$0xe]  }
0xdf: {  	[tilespmem:s14], [sflag:$0x1] =	stream.linear.gather [hbm4b:s24+s2], $0x10, $0x38;
	[tilespmem:$0x10200] =	vst v63  }
0xe0: {  	_ =	swait.ge [sflag:s10], $0x10  }
0xe1: {  	[sflag:s10] =	ssyncset.done $0x0  }
0xe2: {  	[sflag:s10] =	ssyncadd.s32 $0xFFFFFFF0  }
0xe3: {  	_ =	swait.ge [sflag:s10], $0x10  }
0xe4: {  	[sflag:s10] =	ssyncset.done $0x0  }
0xe5: {  	[sflag:s10] =	ssyncadd.s32 $0xFFFFFFF0  }
0xe6: {  	_ =	swait.ge [sflag:s22], $0x4000  }
0xe7: {  	[sflag:s22] =	ssyncset.done $0x0  }
0xe8: {  	[sflag:s22] =	ssyncadd.s32 $0xFFFFC000  }
0xe9: {  	_ =	swait.ge [sflag:s22], $0x4000  }
0xea: {  	[sflag:s22] =	ssyncset.done $0x0  }
0xeb: {  	[sflag:s22] =	ssyncadd.s32 $0xFFFFC000  }
0xec: {  	v3 =	vld [tilespmem:$0x10080];
	_ =	sdelay $0x4  }
0xed: {  	v54 =	vshll.u32 v3, $0x3  }
0xee: {  	v3 =	vand.u32 $0x7, v3;
	v4 =	vand.u32 $0xFFFFFFC0, v54  }
0xef: {  	v3 =	vor.u32 v3, v4  }
0xf0: {  	v4 =	vperm.xlane v3, v0;
	_ =	sdelay $0x1  }
0xf1: {  	v4 =	vadd.s32 v1, v4;
	_ =	sdelay $0x4  }
0xf2: {  	[tilespmem:s12], [sflag:$0x2] =	stream.indirect_vreg.gather [hbm4b:s3+s2], $0x80, v4, vm0, $0xb8;
	[tilespmem:$0x10200] =	vst v63  }
0xf3: {  	s16 =	simm.s32 $0x4800;
	v3 =	vperm.xlane v3, v2  }
0xf4: {  	[tilespmem:s16], [sflag:$0x2] =	stream.indirect_vreg.gather [hbm4b:s4+s2], $0x80, v4, vm0, $0xb8;
	[tilespmem:$0x10200] =	vst v63  }
0xf5: {  	v3 =	vadd.s32 v1, v3;
	s16 =	simm.s32 $0x5000  }
0xf6: {  	[tilespmem:s16], [sflag:$0x2] =	stream.indirect_vreg.gather [hbm4b:s5+s2], $0x80, v4, vm0, $0xb8;
	[tilespmem:$0x10200] =	vst v63  }
0xf7: {  	s23 =	simm.s32 $0x5800  }
0xf8: {  	[tilespmem:s23], [sflag:$0x2] =	stream.indirect_vreg.gather [hbm4b:s6+s2], $0x80, v4, vm0, $0xb8;
	[tilespmem:$0x10200] =	vst v63  }
0xf9: {  	s24 =	simm.s32 $0x6000  }
0xfa: {  	[tilespmem:s24], [sflag:$0x2] =	stream.indirect_vreg.gather [hbm4b:s3+s2], $0x80, v3, vm0, $0xb8;
	[tilespmem:$0x10200] =	vst v63  }
0xfb: {  	s24 =	simm.s32 $0x6800  }
0xfc: {  	[tilespmem:s24], [sflag:$0x2] =	stream.indirect_vreg.gather [hbm4b:s4+s2], $0x80, v3, vm0, $0xb8;
	[tilespmem:$0x10200] =	vst v63  }
0xfd: {  	s24 =	simm.s32 $0x7000  }
0xfe: {  	[tilespmem:s24], [sflag:$0x2] =	stream.indirect_vreg.gather [hbm4b:s5+s2], $0x80, v3, vm0, $0xb8;
	[tilespmem:$0x10200] =	vst v63  }
0xff: {  	s17 =	simm.s32 $0x7800  }
0x100: {  	[tilespmem:s17], [sflag:$0x2] =	stream.indirect_vreg.gather [hbm4b:s6+s2], $0x80, v3, vm0, $0xb8;
	[tilespmem:$0x10200] =	vst v63  }
0x101: {  	v3 =	vld [tilespmem:$0x10180];
	_ =	sdelay $0x4  }
0x102: {  	v55 =	vshll.u32 v3, $0x3  }
0x103: {  	v3 =	vand.u32 $0x7, v3;
	v4 =	vand.u32 $0xFFFFFFC0, v55  }
0x104: {  	v3 =	vor.u32 v3, v4  }
0x105: {  	v4 =	vperm.xlane v3, v0;
	_ =	sdelay $0x1  }
0x106: {  	v4 =	vadd.s32 v1, v4;
	_ =	sdelay $0x4  }
0x107: {  	[tilespmem:s1], [sflag:$0x2] =	stream.indirect_vreg.gather [hbm4b:s3+s2], $0x80, v4, vm0, $0xb8;
	[tilespmem:$0x10200] =	vst v63  }
0x108: {  	s31 =	simm.s32 $0xC800;
	v3 =	vperm.xlane v3, v2  }
0x109: {  	[tilespmem:s31], [sflag:$0x2] =	stream.indirect_vreg.gather [hbm4b:s4+s2], $0x80, v4, vm0, $0xb8;
	[tilespmem:$0x10200] =	vst v63  }
0x10a: {  	v3 =	vadd.s32 v1, v3;
	s31 =	simm.s32 $0xD000  }
0x10b: {  	[tilespmem:s31], [sflag:$0x2] =	stream.indirect_vreg.gather [hbm4b:s5+s2], $0x80, v4, vm0, $0xb8;
	[tilespmem:$0x10200] =	vst v63  }
0x10c: {  	s23 =	simm.s32 $0xD800  }
0x10d: {  	[tilespmem:s23], [sflag:$0x2] =	stream.indirect_vreg.gather [hbm4b:s6+s2], $0x80, v4, vm0, $0xb8;
	[tilespmem:$0x10200] =	vst v63  }
0x10e: {  	s24 =	simm.s32 $0xE000  }
0x10f: {  	[tilespmem:s24], [sflag:$0x2] =	stream.indirect_vreg.gather [hbm4b:s3+s2], $0x80, v3, vm0, $0xb8;
	[tilespmem:$0x10200] =	vst v63  }
0x110: {  	s31 =	simm.s32 $0xE800  }
0x111: {  	[tilespmem:s31], [sflag:$0x2] =	stream.indirect_vreg.gather [hbm4b:s4+s2], $0x80, v3, vm0, $0xb8;
	[tilespmem:$0x10200] =	vst v63  }
0x112: {  	s23 =	simm.s32 $0xF000  }
0x113: {  	[tilespmem:s23], [sflag:$0x2] =	stream.indirect_vreg.gather [hbm4b:s5+s2], $0x80, v3, vm0, $0xb8;
	[tilespmem:$0x10200] =	vst v63  }
0x114: {  	s15 =	simm.s32 $0xF800  }
0x115: {  	[tilespmem:s15], [sflag:$0x2] =	stream.indirect_vreg.gather [hbm4b:s6+s2], $0x80, v3, vm0, $0xb8;
	[tilespmem:$0x10200] =	vst v63  }
0x116: {  	_ =	swait.ge [sflag:s21], $0x4000  }
0x117: {  	[sflag:s21] =	ssyncset.done $0x0  }
0x118: {  	[sflag:s21] =	ssyncadd.s32 $0xFFFFC000  }
0x119: {  	_ =	swait.ge [sflag:s21], $0x4000  }
0x11a: {  	[sflag:s21] =	ssyncset.done $0x0  }
0x11b: {  	s24 =	rddreg [dreg:$0xf];
	[sflag:s21] =	ssyncadd.s32 $0xFFFFC000  }
0x11c: {  	[hbm4b:s24+s2] =	stream.linear.scatter [tilespmem:s2], [sflag:$0x3], $0x4000, $0x38;
	[tilespmem:$0x10200] =	vst v63  }
0x11d: {  	s31 =	rddreg [dreg:$0x10]  }
0x11e: {  	[hbm4b:s31+s2] =	stream.linear.scatter [tilespmem:s29], [sflag:$0x3], $0x4000, $0x38;
	[tilespmem:$0x10200] =	vst v63  }
0x11f: {  	s17 =	simm.s32 $0x10000;
	s15 =	rddreg [dreg:$0x11]  }
0x120: {  	[tilespmem:s17], [sflag:$0x1] =	stream.linear.gather [hbm4b:s15+s2], $0x10, $0x38;
	[tilespmem:$0x10200] =	vst v63  }
0x121: {  	s23 =	simm.s32 $0x10100;
	s31 =	rddreg [dreg:$0x12]  }
0x122: {  	[tilespmem:s23], [sflag:$0x1] =	stream.linear.gather [hbm4b:s31+s2], $0x10, $0x38;
	[tilespmem:$0x10200] =	vst v63  }
0x123: {  	_ =	swait.ge [sflag:s10], $0x10  }
0x124: {  	[sflag:s10] =	ssyncset.done $0x0  }
0x125: {  	[sflag:s10] =	ssyncadd.s32 $0xFFFFFFF0  }
0x126: {  	_ =	swait.ge [sflag:s10], $0x10  }
0x127: {  	[sflag:s10] =	ssyncset.done $0x0  }
0x128: {  	[sflag:s10] =	ssyncadd.s32 $0xFFFFFFF0  }
0x129: {  	_ =	swait.ge [sflag:s22], $0x4000  }
0x12a: {  	[sflag:s22] =	ssyncset.done $0x0  }
0x12b: {  	[sflag:s22] =	ssyncadd.s32 $0xFFFFC000  }
0x12c: {  	_ =	swait.ge [sflag:s22], $0x4000  }
0x12d: {  	[sflag:s22] =	ssyncset.done $0x0  }
0x12e: {  	[sflag:s22] =	ssyncadd.s32 $0xFFFFC000  }
0x12f: {  	v3 =	vld [tilespmem:$0x10000];
	_ =	sdelay $0x4  }
0x130: {  	v56 =	vshll.u32 v3, $0x3  }
0x131: {  	v3 =	vand.u32 $0x7, v3;
	v4 =	vand.u32 $0xFFFFFFC0, v56  }
0x132: {  	v3 =	vor.u32 v3, v4  }
0x133: {  	v4 =	vperm.xlane v3, v0;
	_ =	sdelay $0x1  }
0x134: {  	v4 =	vadd.s32 v1, v4;
	_ =	sdelay $0x4  }
0x135: {  	[tilespmem:s2], [sflag:$0x2] =	stream.indirect_vreg.gather [hbm4b:s3+s2], $0x80, v4, vm0, $0xb8;
	[tilespmem:$0x10200] =	vst v63  }
0x136: {  	s31 =	simm.s32 $0x800;
	v3 =	vperm.xlane v3, v2  }
0x137: {  	[tilespmem:s31], [sflag:$0x2] =	stream.indirect_vreg.gather [hbm4b:s4+s2], $0x80, v4, vm0, $0xb8;
	[tilespmem:$0x10200] =	vst v63  }
0x138: {  	v3 =	vadd.s32 v1, v3  }
0x139: {  	[tilespmem:s13], [sflag:$0x2] =	stream.indirect_vreg.gather [hbm4b:s5+s2], $0x80, v4, vm0, $0xb8;
	[tilespmem:$0x10200] =	vst v63  }
0x13a: {  	_ = 	snop  }
0x13b: {  	[tilespmem:s8], [sflag:$0x2] =	stream.indirect_vreg.gather [hbm4b:s6+s2], $0x80, v4, vm0, $0xb8;
	[tilespmem:$0x10200] =	vst v63  }
0x13c: {  	_ = 	snop  }
0x13d: {  	[tilespmem:s9], [sflag:$0x2] =	stream.indirect_vreg.gather [hbm4b:s3+s2], $0x80, v3, vm0, $0xb8;
	[tilespmem:$0x10200] =	vst v63  }
0x13e: {  	_ = 	snop  }
0x13f: {  	[tilespmem:s11], [sflag:$0x2] =	stream.indirect_vreg.gather [hbm4b:s4+s2], $0x80, v3, vm0, $0xb8;
	[tilespmem:$0x10200] =	vst v63  }
0x140: {  	_ = 	snop  }
0x141: {  	[tilespmem:s18], [sflag:$0x2] =	stream.indirect_vreg.gather [hbm4b:s5+s2], $0x80, v3, vm0, $0xb8;
	[tilespmem:$0x10200] =	vst v63  }
0x142: {  	s17 =	simm.s32 $0x3800  }
0x143: {  	[tilespmem:s17], [sflag:$0x2] =	stream.indirect_vreg.gather [hbm4b:s6+s2], $0x80, v3, vm0, $0xb8;
	[tilespmem:$0x10200] =	vst v63  }
0x144: {  	v3 =	vld [tilespmem:$0x10100];
	_ =	sdelay $0x4  }
0x145: {  	v57 =	vshll.u32 v3, $0x3  }
0x146: {  	v3 =	vand.u32 $0x7, v3;
	v4 =	vand.u32 $0xFFFFFFC0, v57  }
0x147: {  	v3 =	vor.u32 v3, v4  }
0x148: {  	v4 =	vperm.xlane v3, v0;
	_ =	sdelay $0x1  }
0x149: {  	v4 =	vadd.s32 v1, v4;
	_ =	sdelay $0x4  }
0x14a: {  	[tilespmem:s29], [sflag:$0x2] =	stream.indirect_vreg.gather [hbm4b:s3+s2], $0x80, v4, vm0, $0xb8;
	[tilespmem:$0x10200] =	vst v63  }
0x14b: {  	s23 =	simm.s32 $0x8800;
	v3 =	vperm.xlane v3, v2  }
0x14c: {  	[tilespmem:s23], [sflag:$0x2] =	stream.indirect_vreg.gather [hbm4b:s4+s2], $0x80, v4, vm0, $0xb8;
	[tilespmem:$0x10200] =	vst v63  }
0x14d: {  	v3 =	vadd.s32 v1, v3  }
0x14e: {  	[tilespmem:s19], [sflag:$0x2] =	stream.indirect_vreg.gather [hbm4b:s5+s2], $0x80, v4, vm0, $0xb8;
	[tilespmem:$0x10200] =	vst v63  }
0x14f: {  	_ = 	snop  }
0x150: {  	[tilespmem:s20], [sflag:$0x2] =	stream.indirect_vreg.gather [hbm4b:s6+s2], $0x80, v4, vm0, $0xb8;
	[tilespmem:$0x10200] =	vst v63  }
0x151: {  	_ = 	snop  }
0x152: {  	[tilespmem:s25], [sflag:$0x2] =	stream.indirect_vreg.gather [hbm4b:s3+s2], $0x80, v3, vm0, $0xb8;
	[tilespmem:$0x10200] =	vst v63  }
0x153: {  	_ = 	snop  }
0x154: {  	[tilespmem:s26], [sflag:$0x2] =	stream.indirect_vreg.gather [hbm4b:s4+s2], $0x80, v3, vm0, $0xb8;
	[tilespmem:$0x10200] =	vst v63  }
0x155: {  	_ = 	snop  }
0x156: {  	[tilespmem:s28], [sflag:$0x2] =	stream.indirect_vreg.gather [hbm4b:s5+s2], $0x80, v3, vm0, $0xb8;
	[tilespmem:$0x10200] =	vst v63  }
0x157: {  	_ = 	snop  }
0x158: {  	[tilespmem:s30], [sflag:$0x2] =	stream.indirect_vreg.gather [hbm4b:s6+s2], $0x80, v3, vm0, $0xb8;
	[tilespmem:$0x10200] =	vst v63  }
0x159: {  	_ =	swait.ge [sflag:s21], $0x4000  }
0x15a: {  	[sflag:s21] =	ssyncset.done $0x0  }
0x15b: {  	[sflag:s21] =	ssyncadd.s32 $0xFFFFC000  }
0x15c: {  	_ =	swait.ge [sflag:s21], $0x4000  }
0x15d: {  	[sflag:s21] =	ssyncset.done $0x0  }
0x15e: {  	s24 =	rddreg [dreg:$0x13];
	[sflag:s21] =	ssyncadd.s32 $0xFFFFC000  }
0x15f: {  	[hbm4b:s24+s2] =	stream.linear.scatter [tilespmem:s12], [sflag:$0x3], $0x4000, $0x38;
	[tilespmem:$0x10200] =	vst v63  }
0x160: {  	s31 =	rddreg [dreg:$0x14]  }
0x161: {  	[hbm4b:s31+s2] =	stream.linear.scatter [tilespmem:s1], [sflag:$0x3], $0x4000, $0x38;
	[tilespmem:$0x10200] =	vst v63  }
0x162: {  	s8 =	rddreg [dreg:$0x15]  }
0x163: {  	[tilespmem:s0], [sflag:$0x1] =	stream.linear.gather [hbm4b:s8+s2], $0x10, $0x38;
	[tilespmem:$0x10200] =	vst v63  }
0x164: {  	s11 =	simm.s32 $0x10180;
	s9 =	rddreg [dreg:$0x16]  }
0x165: {  	[tilespmem:s11], [sflag:$0x1] =	stream.linear.gather [hbm4b:s9+s2], $0x10, $0x38;
	[tilespmem:$0x10200] =	vst v63  }
0x166: {  	_ =	swait.ge [sflag:s10], $0x10  }
0x167: {  	[sflag:s10] =	ssyncset.done $0x0  }
0x168: {  	[sflag:s10] =	ssyncadd.s32 $0xFFFFFFF0  }
0x169: {  	_ =	swait.ge [sflag:s10], $0x10  }
0x16a: {  	[sflag:s10] =	ssyncset.done $0x0  }
0x16b: {  	[sflag:s10] =	ssyncadd.s32 $0xFFFFFFF0  }
0x16c: {  	_ =	swait.ge [sflag:s22], $0x4000  }
0x16d: {  	[sflag:s22] =	ssyncset.done $0x0  }
0x16e: {  	[sflag:s22] =	ssyncadd.s32 $0xFFFFC000  }
0x16f: {  	_ =	swait.ge [sflag:s22], $0x4000  }
0x170: {  	[sflag:s22] =	ssyncset.done $0x0  }
0x171: {  	[sflag:s22] =	ssyncadd.s32 $0xFFFFC000  }
0x172: {  	v3 =	vld [tilespmem:$0x10080];
	_ =	sdelay $0x4  }
0x173: {  	v58 =	vshll.u32 v3, $0x3  }
0x174: {  	v3 =	vand.u32 $0x7, v3;
	v4 =	vand.u32 $0xFFFFFFC0, v58  }
0x175: {  	v3 =	vor.u32 v3, v4  }
0x176: {  	v4 =	vperm.xlane v3, v0;
	_ =	sdelay $0x1  }
0x177: {  	v4 =	vadd.s32 v1, v4;
	_ =	sdelay $0x4  }
0x178: {  	[tilespmem:s12], [sflag:$0x2] =	stream.indirect_vreg.gather [hbm4b:s3+s2], $0x80, v4, vm0, $0xb8;
	[tilespmem:$0x10200] =	vst v63  }
0x179: {  	s13 =	simm.s32 $0x4800;
	v3 =	vperm.xlane v3, v2  }
0x17a: {  	[tilespmem:s13], [sflag:$0x2] =	stream.indirect_vreg.gather [hbm4b:s4+s2], $0x80, v4, vm0, $0xb8;
	[tilespmem:$0x10200] =	vst v63  }
0x17b: {  	s14 =	simm.s32 $0x5000;
	v3 =	vadd.s32 v1, v3  }
0x17c: {  	[tilespmem:s14], [sflag:$0x2] =	stream.indirect_vreg.gather [hbm4b:s5+s2], $0x80, v4, vm0, $0xb8;
	[tilespmem:$0x10200] =	vst v63  }
0x17d: {  	s16 =	simm.s32 $0x5800  }
0x17e: {  	[tilespmem:s16], [sflag:$0x2] =	stream.indirect_vreg.gather [hbm4b:s6+s2], $0x80, v4, vm0, $0xb8;
	[tilespmem:$0x10200] =	vst v63  }
0x17f: {  	s15 =	simm.s32 $0x6000  }
0x180: {  	[tilespmem:s15], [sflag:$0x2] =	stream.indirect_vreg.gather [hbm4b:s3+s2], $0x80, v3, vm0, $0xb8;
	[tilespmem:$0x10200] =	vst v63  }
0x181: {  	s17 =	simm.s32 $0x6800  }
0x182: {  	[tilespmem:s17], [sflag:$0x2] =	stream.indirect_vreg.gather [hbm4b:s4+s2], $0x80, v3, vm0, $0xb8;
	[tilespmem:$0x10200] =	vst v63  }
0x183: {  	s23 =	simm.s32 $0x7000  }
0x184: {  	[tilespmem:s23], [sflag:$0x2] =	stream.indirect_vreg.gather [hbm4b:s5+s2], $0x80, v3, vm0, $0xb8;
	[tilespmem:$0x10200] =	vst v63  }
0x185: {  	s31 =	simm.s32 $0x7800  }
0x186: {  	[tilespmem:s31], [sflag:$0x2] =	stream.indirect_vreg.gather [hbm4b:s6+s2], $0x80, v3, vm0, $0xb8;
	[tilespmem:$0x10200] =	vst v63  }
0x187: {  	v3 =	vld [tilespmem:$0x10180];
	_ =	sdelay $0x4  }
0x188: {  	v59 =	vshll.u32 v3, $0x3  }
0x189: {  	v3 =	vand.u32 $0x7, v3;
	v4 =	vand.u32 $0xFFFFFFC0, v59  }
0x18a: {  	v3 =	vor.u32 v3, v4  }
0x18b: {  	v4 =	vperm.xlane v3, v0;
	_ =	sdelay $0x1  }
0x18c: {  	v4 =	vadd.s32 v1, v4;
	_ =	sdelay $0x4  }
0x18d: {  	[tilespmem:s1], [sflag:$0x2] =	stream.indirect_vreg.gather [hbm4b:s3+s2], $0x80, v4, vm0, $0xb8;
	[tilespmem:$0x10200] =	vst v63  }
0x18e: {  	s14 =	simm.s32 $0xC800;
	v3 =	vperm.xlane v3, v2  }
0x18f: {  	[tilespmem:s14], [sflag:$0x2] =	stream.indirect_vreg.gather [hbm4b:s4+s2], $0x80, v4, vm0, $0xb8;
	[tilespmem:$0x10200] =	vst v63  }
0x190: {  	s0 =	simm.s32 $0xD000;
	v3 =	vadd.s32 v1, v3  }
0x191: {  	[tilespmem:s0], [sflag:$0x2] =	stream.indirect_vreg.gather [hbm4b:s5+s2], $0x80, v4, vm0, $0xb8;
	[tilespmem:$0x10200] =	vst v63  }
0x192: {  	s15 =	simm.s32 $0xD800  }
0x193: {  	[tilespmem:s15], [sflag:$0x2] =	stream.indirect_vreg.gather [hbm4b:s6+s2], $0x80, v4, vm0, $0xb8;
	[tilespmem:$0x10200] =	vst v63  }
0x194: {  	s8 =	simm.s32 $0xE000  }
0x195: {  	[tilespmem:s8], [sflag:$0x2] =	stream.indirect_vreg.gather [hbm4b:s3+s2], $0x80, v3, vm0, $0xb8;
	[tilespmem:$0x10200] =	vst v63  }
0x196: {  	s9 =	simm.s32 $0xE800  }
0x197: {  	[tilespmem:s9], [sflag:$0x2] =	stream.indirect_vreg.gather [hbm4b:s4+s2], $0x80, v3, vm0, $0xb8;
	[tilespmem:$0x10200] =	vst v63  }
0x198: {  	s11 =	simm.s32 $0xF000  }
0x199: {  	[tilespmem:s11], [sflag:$0x2] =	stream.indirect_vreg.gather [hbm4b:s5+s2], $0x80, v3, vm0, $0xb8;
	[tilespmem:$0x10200] =	vst v63  }
0x19a: {  	s13 =	simm.s32 $0xF800  }
0x19b: {  	[tilespmem:s13], [sflag:$0x2] =	stream.indirect_vreg.gather [hbm4b:s6+s2], $0x80, v3, vm0, $0xb8;
	[tilespmem:$0x10200] =	vst v63  }
0x19c: {  	_ =	swait.ge [sflag:s21], $0x4000  }
0x19d: {  	[sflag:s21] =	ssyncset.done $0x0  }
0x19e: {  	[sflag:s21] =	ssyncadd.s32 $0xFFFFC000  }
0x19f: {  	_ =	swait.ge [sflag:s21], $0x4000  }
0x1a0: {  	[sflag:s21] =	ssyncset.done $0x0  }
0x1a1: {  	s24 =	rddreg [dreg:$0x17];
	[sflag:s21] =	ssyncadd.s32 $0xFFFFC000  }
0x1a2: {  	[hbm4b:s24+s2] =	stream.linear.scatter [tilespmem:s2], [sflag:$0x3], $0x4000, $0x38;
	[tilespmem:$0x10200] =	vst v63  }
0x1a3: {  	s16 =	rddreg [dreg:$0x18]  }
0x1a4: {  	[hbm4b:s16+s2] =	stream.linear.scatter [tilespmem:s29], [sflag:$0x3], $0x4000, $0x38;
	[tilespmem:$0x10200] =	vst v63  }
0x1a5: {  	s23 =	rddreg [dreg:$0x19];
	s16 =	simm.s32 $0x10000  }
0x1a6: {  	[tilespmem:s16], [sflag:$0x1] =	stream.linear.gather [hbm4b:s23+s2], $0x10, $0x38;
	[tilespmem:$0x10200] =	vst v63  }
0x1a7: {  	s24 =	rddreg [dreg:$0x1a];
	s23 =	simm.s32 $0x10100  }
0x1a8: {  	[tilespmem:s23], [sflag:$0x1] =	stream.linear.gather [hbm4b:s24+s2], $0x10, $0x38;
	[tilespmem:$0x10200] =	vst v63  }
0x1a9: {  	_ =	swait.ge [sflag:s10], $0x10  }
0x1aa: {  	[sflag:s10] =	ssyncset.done $0x0  }
0x1ab: {  	[sflag:s10] =	ssyncadd.s32 $0xFFFFFFF0  }
0x1ac: {  	_ =	swait.ge [sflag:s10], $0x10  }
0x1ad: {  	[sflag:s10] =	ssyncset.done $0x0  }
0x1ae: {  	[sflag:s10] =	ssyncadd.s32 $0xFFFFFFF0  }
0x1af: {  	_ =	swait.ge [sflag:s22], $0x4000  }
0x1b0: {  	[sflag:s22] =	ssyncset.done $0x0  }
0x1b1: {  	[sflag:s22] =	ssyncadd.s32 $0xFFFFC000  }
0x1b2: {  	_ =	swait.ge [sflag:s22], $0x4000  }
0x1b3: {  	[sflag:s22] =	ssyncset.done $0x0  }
0x1b4: {  	[sflag:s22] =	ssyncadd.s32 $0xFFFFC000  }
0x1b5: {  	v3 =	vld [tilespmem:$0x10000];
	_ =	sdelay $0x4  }
0x1b6: {  	v60 =	vshll.u32 v3, $0x3  }
0x1b7: {  	v3 =	vand.u32 $0x7, v3;
	v4 =	vand.u32 $0xFFFFFFC0, v60  }
0x1b8: {  	v3 =	vor.u32 v3, v4  }
0x1b9: {  	v4 =	vperm.xlane v3, v0;
	_ =	sdelay $0x1  }
0x1ba: {  	v4 =	vadd.s32 v1, v4;
	_ =	sdelay $0x4  }
0x1bb: {  	[tilespmem:s2], [sflag:$0x2] =	stream.indirect_vreg.gather [hbm4b:s3+s2], $0x80, v4, vm0, $0xb8;
	[tilespmem:$0x10200] =	vst v63  }
0x1bc: {  	s24 =	simm.s32 $0x800;
	v3 =	vperm.xlane v3, v2  }
0x1bd: {  	[tilespmem:s24], [sflag:$0x2] =	stream.indirect_vreg.gather [hbm4b:s4+s2], $0x80, v4, vm0, $0xb8;
	[tilespmem:$0x10200] =	vst v63  }
0x1be: {  	s16 =	simm.s32 $0x1000;
	v3 =	vadd.s32 v1, v3  }
0x1bf: {  	[tilespmem:s16], [sflag:$0x2] =	stream.indirect_vreg.gather [hbm4b:s5+s2], $0x80, v4, vm0, $0xb8;
	[tilespmem:$0x10200] =	vst v63  }
0x1c0: {  	s24 =	simm.s32 $0x1800  }
0x1c1: {  	[tilespmem:s24], [sflag:$0x2] =	stream.indirect_vreg.gather [hbm4b:s6+s2], $0x80, v4, vm0, $0xb8;
	[tilespmem:$0x10200] =	vst v63  }
0x1c2: {  	s16 =	simm.s32 $0x2000  }
0x1c3: {  	[tilespmem:s16], [sflag:$0x2] =	stream.indirect_vreg.gather [hbm4b:s3+s2], $0x80, v3, vm0, $0xb8;
	[tilespmem:$0x10200] =	vst v63  }
0x1c4: {  	s24 =	simm.s32 $0x2800  }
0x1c5: {  	[tilespmem:s24], [sflag:$0x2] =	stream.indirect_vreg.gather [hbm4b:s4+s2], $0x80, v3, vm0, $0xb8;
	[tilespmem:$0x10200] =	vst v63  }
0x1c6: {  	s18 =	simm.s32 $0x3000  }
0x1c7: {  	[tilespmem:s18], [sflag:$0x2] =	stream.indirect_vreg.gather [hbm4b:s5+s2], $0x80, v3, vm0, $0xb8;
	[tilespmem:$0x10200] =	vst v63  }
0x1c8: {  	s16 =	simm.s32 $0x3800  }
0x1c9: {  	[tilespmem:s16], [sflag:$0x2] =	stream.indirect_vreg.gather [hbm4b:s6+s2], $0x80, v3, vm0, $0xb8;
	[tilespmem:$0x10200] =	vst v63  }
0x1ca: {  	v3 =	vld [tilespmem:$0x10100];
	_ =	sdelay $0x4  }
0x1cb: {  	v61 =	vshll.u32 v3, $0x3  }
0x1cc: {  	v3 =	vand.u32 $0x7, v3;
	v4 =	vand.u32 $0xFFFFFFC0, v61  }
0x1cd: {  	v3 =	vor.u32 v3, v4  }
0x1ce: {  	v4 =	vperm.xlane v3, v0;
	_ =	sdelay $0x1  }
0x1cf: {  	v4 =	vadd.s32 v1, v4;
	_ =	sdelay $0x4  }
0x1d0: {  	[tilespmem:s29], [sflag:$0x2] =	stream.indirect_vreg.gather [hbm4b:s3+s2], $0x80, v4, vm0, $0xb8;
	[tilespmem:$0x10200] =	vst v63  }
0x1d1: {  	s23 =	simm.s32 $0x8800;
	v3 =	vperm.xlane v3, v2  }
0x1d2: {  	[tilespmem:s23], [sflag:$0x2] =	stream.indirect_vreg.gather [hbm4b:s4+s2], $0x80, v4, vm0, $0xb8;
	[tilespmem:$0x10200] =	vst v63  }
0x1d3: {  	s19 =	simm.s32 $0x9000;
	v3 =	vadd.s32 v1, v3  }
0x1d4: {  	[tilespmem:s19], [sflag:$0x2] =	stream.indirect_vreg.gather [hbm4b:s5+s2], $0x80, v4, vm0, $0xb8;
	[tilespmem:$0x10200] =	vst v63  }
0x1d5: {  	s20 =	simm.s32 $0x9800  }
0x1d6: {  	[tilespmem:s20], [sflag:$0x2] =	stream.indirect_vreg.gather [hbm4b:s6+s2], $0x80, v4, vm0, $0xb8;
	[tilespmem:$0x10200] =	vst v63  }
0x1d7: {  	s25 =	simm.s32 $0xA000  }
0x1d8: {  	[tilespmem:s25], [sflag:$0x2] =	stream.indirect_vreg.gather [hbm4b:s3+s2], $0x80, v3, vm0, $0xb8;
	[tilespmem:$0x10200] =	vst v63  }
0x1d9: {  	s26 =	simm.s32 $0xA800  }
0x1da: {  	[tilespmem:s26], [sflag:$0x2] =	stream.indirect_vreg.gather [hbm4b:s4+s2], $0x80, v3, vm0, $0xb8;
	[tilespmem:$0x10200] =	vst v63  }
0x1db: {  	s28 =	simm.s32 $0xB000  }
0x1dc: {  	[tilespmem:s28], [sflag:$0x2] =	stream.indirect_vreg.gather [hbm4b:s5+s2], $0x80, v3, vm0, $0xb8;
	[tilespmem:$0x10200] =	vst v63  }
0x1dd: {  	s30 =	simm.s32 $0xB800  }
0x1de: {  	[tilespmem:s30], [sflag:$0x2] =	stream.indirect_vreg.gather [hbm4b:s6+s2], $0x80, v3, vm0, $0xb8;
	[tilespmem:$0x10200] =	vst v63  }
0x1df: {  	_ =	swait.ge [sflag:s21], $0x4000  }
0x1e0: {  	[sflag:s21] =	ssyncset.done $0x0  }
0x1e1: {  	[sflag:s21] =	ssyncadd.s32 $0xFFFFC000  }
0x1e2: {  	_ =	swait.ge [sflag:s21], $0x4000  }
0x1e3: {  	[sflag:s21] =	ssyncset.done $0x0  }
0x1e4: {  	s24 =	rddreg [dreg:$0x1b];
	[sflag:s21] =	ssyncadd.s32 $0xFFFFC000  }
0x1e5: {  	[hbm4b:s24+s2] =	stream.linear.scatter [tilespmem:s12], [sflag:$0x3], $0x4000, $0x38;
	[tilespmem:$0x10200] =	vst v63  }
0x1e6: {  	s25 =	rddreg [dreg:$0x1c]  }
0x1e7: {  	[hbm4b:s25+s2] =	stream.linear.scatter [tilespmem:s1], [sflag:$0x3], $0x4000, $0x38;
	[tilespmem:$0x10200] =	vst v63  }
0x1e8: {  	s30 =	simm.s32 $0x10080;
	s26 =	rddreg [dreg:$0x1d]  }
0x1e9: {  	[tilespmem:s30], [sflag:$0x1] =	stream.linear.gather [hbm4b:s26+s2], $0x10, $0x38;
	[tilespmem:$0x10200] =	vst v63  }
0x1ea: {  	s16 =	simm.s32 $0x10180;
	s28 =	rddreg [dreg:$0x1e]  }
0x1eb: {  	[tilespmem:s16], [sflag:$0x1] =	stream.linear.gather [hbm4b:s28+s2], $0x10, $0x38;
	[tilespmem:$0x10200] =	vst v63  }
0x1ec: {  	_ =	swait.ge [sflag:s10], $0x10  }
0x1ed: {  	[sflag:s10] =	ssyncset.done $0x0  }
0x1ee: {  	[sflag:s10] =	ssyncadd.s32 $0xFFFFFFF0  }
0x1ef: {  	_ =	swait.ge [sflag:s10], $0x10  }
0x1f0: {  	[sflag:s10] =	ssyncset.done $0x0  }
0x1f1: {  	[sflag:s10] =	ssyncadd.s32 $0xFFFFFFF0  }
0x1f2: {  	_ =	swait.ge [sflag:s22], $0x4000  }
0x1f3: {  	[sflag:s22] =	ssyncset.done $0x0  }
0x1f4: {  	[sflag:s22] =	ssyncadd.s32 $0xFFFFC000  }
0x1f5: {  	_ =	swait.ge [sflag:s22], $0x4000  }
0x1f6: {  	[sflag:s22] =	ssyncset.done $0x0  }
0x1f7: {  	[sflag:s22] =	ssyncadd.s32 $0xFFFFC000  }
0x1f8: {  	v3 =	vld [tilespmem:$0x10080];
	_ =	sdelay $0x4  }
0x1f9: {  	v62 =	vshll.u32 v3, $0x3  }
0x1fa: {  	v3 =	vand.u32 $0x7, v3;
	v4 =	vand.u32 $0xFFFFFFC0, v62  }
0x1fb: {  	v3 =	vor.u32 v3, v4  }
0x1fc: {  	v4 =	vperm.xlane v3, v0;
	_ =	sdelay $0x1  }
0x1fd: {  	v4 =	vadd.s32 v1, v4;
	_ =	sdelay $0x4  }
0x1fe: {  	[tilespmem:s12], [sflag:$0x2] =	stream.indirect_vreg.gather [hbm4b:s3+s2], $0x80, v4, vm0, $0xb8;
	[tilespmem:$0x10200] =	vst v63  }
0x1ff: {  	s19 =	simm.s32 $0x4800;
	v3 =	vperm.xlane v3, v2  }
0x200: {  	[tilespmem:s19], [sflag:$0x2] =	stream.indirect_vreg.gather [hbm4b:s4+s2], $0x80, v4, vm0, $0xb8;
	[tilespmem:$0x10200] =	vst v63  }
0x201: {  	s20 =	simm.s32 $0x5000;
	v3 =	vadd.s32 v1, v3  }
0x202: {  	[tilespmem:s20], [sflag:$0x2] =	stream.indirect_vreg.gather [hbm4b:s5+s2], $0x80, v4, vm0, $0xb8;
	[tilespmem:$0x10200] =	vst v63  }
0x203: {  	s23 =	simm.s32 $0x5800  }
0x204: {  	[tilespmem:s23], [sflag:$0x2] =	stream.indirect_vreg.gather [hbm4b:s6+s2], $0x80, v4, vm0, $0xb8;
	[tilespmem:$0x10200] =	vst v63  }
0x205: {  	s24 =	simm.s32 $0x6000  }
0x206: {  	[tilespmem:s24], [sflag:$0x2] =	stream.indirect_vreg.gather [hbm4b:s3+s2], $0x80, v3, vm0, $0xb8;
	[tilespmem:$0x10200] =	vst v63  }
0x207: {  	s25 =	simm.s32 $0x6800  }
0x208: {  	[tilespmem:s25], [sflag:$0x2] =	stream.indirect_vreg.gather [hbm4b:s4+s2], $0x80, v3, vm0, $0xb8;
	[tilespmem:$0x10200] =	vst v63  }
0x209: {  	s17 =	simm.s32 $0x7000  }
0x20a: {  	[tilespmem:s17], [sflag:$0x2] =	stream.indirect_vreg.gather [hbm4b:s5+s2], $0x80, v3, vm0, $0xb8;
	[tilespmem:$0x10200] =	vst v63  }
0x20b: {  	_ = 	snop  }
0x20c: {  	[tilespmem:s31], [sflag:$0x2] =	stream.indirect_vreg.gather [hbm4b:s6+s2], $0x80, v3, vm0, $0xb8;
	[tilespmem:$0x10200] =	vst v63  }
0x20d: {  	v3 =	vld [tilespmem:$0x10180];
	_ =	sdelay $0x4  }
0x20e: {  	v63 =	vshll.u32 v3, $0x3  }
0x20f: {  	v3 =	vand.u32 $0x7, v3;
	v4 =	vand.u32 $0xFFFFFFC0, v63  }
0x210: {  	v3 =	vor.u32 v3, v4  }
0x211: {  	v4 =	vperm.xlane v3, v0;
	_ =	sdelay $0x1  }
0x212: {  	v4 =	vadd.s32 v1, v4;
	_ =	sdelay $0x4  }
0x213: {  	[tilespmem:s1], [sflag:$0x2] =	stream.indirect_vreg.gather [hbm4b:s3+s2], $0x80, v4, vm0, $0xb8;
	[tilespmem:$0x10200] =	vst v63  }
0x214: {  	v3 =	vperm.xlane v3, v2  }
0x215: {  	[tilespmem:s14], [sflag:$0x2] =	stream.indirect_vreg.gather [hbm4b:s4+s2], $0x80, v4, vm0, $0xb8;
	[tilespmem:$0x10200] =	vst v63  }
0x216: {  	v3 =	vadd.s32 v1, v3  }
0x217: {  	[tilespmem:s0], [sflag:$0x2] =	stream.indirect_vreg.gather [hbm4b:s5+s2], $0x80, v4, vm0, $0xb8;
	[tilespmem:$0x10200] =	vst v63  }
0x218: {  	_ = 	snop  }
0x219: {  	[tilespmem:s15], [sflag:$0x2] =	stream.indirect_vreg.gather [hbm4b:s6+s2], $0x80, v4, vm0, $0xb8;
	[tilespmem:$0x10200] =	vst v63  }
0x21a: {  	_ = 	snop  }
0x21b: {  	[tilespmem:s8], [sflag:$0x2] =	stream.indirect_vreg.gather [hbm4b:s3+s2], $0x80, v3, vm0, $0xb8;
	[tilespmem:$0x10200] =	vst v63  }
0x21c: {  	_ = 	snop  }
0x21d: {  	[tilespmem:s9], [sflag:$0x2] =	stream.indirect_vreg.gather [hbm4b:s4+s2], $0x80, v3, vm0, $0xb8;
	[tilespmem:$0x10200] =	vst v63  }
0x21e: {  	_ = 	snop  }
0x21f: {  	[tilespmem:s11], [sflag:$0x2] =	stream.indirect_vreg.gather [hbm4b:s5+s2], $0x80, v3, vm0, $0xb8;
	[tilespmem:$0x10200] =	vst v63  }
0x220: {  	_ = 	snop  }
0x221: {  	[tilespmem:s13], [sflag:$0x2] =	stream.indirect_vreg.gather [hbm4b:s6+s2], $0x80, v3, vm0, $0xb8;
	[tilespmem:$0x10200] =	vst v63  }
0x222: {  	_ =	swait.ge [sflag:s21], $0x4000  }
0x223: {  	[sflag:s21] =	ssyncset.done $0x0  }
0x224: {  	[sflag:s21] =	ssyncadd.s32 $0xFFFFC000  }
0x225: {  	_ =	swait.ge [sflag:s21], $0x4000  }
0x226: {  	s26 =	rddreg [dreg:$0x1f];
	[sflag:s21] =	ssyncset.done $0x0  }
0x227: {  	s28 =	sld [smem:$0x7FB];
	[sflag:s21] =	ssyncadd.s32 $0xFFFFC000  }
0x228: {  	[hbm4b:s26+s2] =	stream.linear.scatter [tilespmem:s2], [sflag:$0x3], $0x4000, $0x38;
	[tilespmem:$0x10200] =	vst v63  }
0x229: {  	_ = 	snop  }
0x22a: {  	[hbm4b:s28+s2] =	stream.linear.scatter [tilespmem:s29], [sflag:$0x3], $0x4000, $0x38;
	[tilespmem:$0x10200] =	vst v63  }
0x22b: {  	_ =	swait.ge [sflag:s21], $0x4000  }
0x22c: {  	[sflag:s21] =	ssyncset.done $0x0  }
0x22d: {  	[sflag:s21] =	ssyncadd.s32 $0xFFFFC000  }
0x22e: {  	_ =	swait.ge [sflag:s21], $0x4000  }
0x22f: {  	s30 =	sld [smem:$0x7FC]  }
0x230: {  	[sflag:s21] =	ssyncset.done $0x0  }
0x231: {  	s31 =	sld [smem:$0x7FD];
	[sflag:s21] =	ssyncadd.s32 $0xFFFFC000  }
0x232: {  	[hbm4b:s30+s2] =	stream.linear.scatter [tilespmem:s12], [sflag:$0x3], $0x4000, $0x38;
	[tilespmem:$0x10200] =	vst v63  }
0x233: {  	_ = 	snop  }
0x234: {  	[hbm4b:s31+s2] =	stream.linear.scatter [tilespmem:s1], [sflag:$0x3], $0x4000, $0x38;
	[tilespmem:$0x10200] =	vst v63  }
0x235: {  	_ =	swait.ge [sflag:s22], $0x4000  }
0x236: {  	[sflag:s22] =	ssyncset.done $0x0  }
0x237: {  	[sflag:s22] =	ssyncadd.s32 $0xFFFFC000  }
0x238: {  	_ =	swait.ge [sflag:s22], $0x4000  }
0x239: {  	[sflag:s22] =	ssyncset.done $0x0  }
0x23a: {  	[sflag:s22] =	ssyncadd.s32 $0xFFFFC000  }
0x23b: {  	p0 =	sne.s32 s7, $0x1;
	_ =	swait.ge [sflag:s22], $0x4000  }
.Ltmp0:
0x23c: {  	[sflag:s22] =	ssyncset.done $0x0;
	(pc) =	sbr.rel @p0 .LBB2_1-.Ltmp0, $4  }
0x23d: {  	[sflag:s22] =	ssyncadd.s32 $0xFFFFC000  }
0x23e: {  	_ =	swait.ge [sflag:s22], $0x4000  }
0x23f: {  	[sflag:s22] =	ssyncset.done $0x0  }
0x240: {  	s7 =	sadd.s32 $0xFFFFFFFF, s7;
	[sflag:s22] =	ssyncadd.s32 $0xFFFFC000  }
0x241: {  	_ =	sfence.sel $0x180000  }
0x242: {  	[bflag:$0x0] =	sbarrier.arrive $0xFFFF  }
0x243: {  	_ =	strace $0x9000004A  }
0x244: {  	s0 =	stileid.u32;
	[bflag:$0x2] =	sbarrier.arrive $0xFFFF  }
0x245: {  	p0 =	sne.s32 s0, $0x0;
	s0 =	rddreg [dreg:$0x2]  }
0x246: {  	s0 =	sadd.s32 @!p0 $0x100000, s0  }
0x247: {  	[sflag:s0] =	ssyncadd.tile.s32 @!p0 $0x1;
	_ =	shalt  }
.Lfunc_end2:
_tile_overlayer_lowered:
.L_overlay_start_2:
0x248: {  	(tag) =	ssettag $0x2  }
0x249: {  	s0 =	rddreg [dreg:$0x0];
	s2 =	stileid.u32  }
0x24a: {  	s1 =	rddreg [dreg:$0x1];
	p0 =	sne.s32 s2, $0x0  }
0x24b: {  	s3 =	rddreg [dreg:$0x2];
	[bflag:$0x3] =	sbarrier.arrive $0xFFFF;
	s2 =	simm.s32 @!p0 $0x1C04  }
0x24c: {  	[timem:s3], [sflag:s2] =	dma.local @!p0 [hbm:s0], s1  }
0x24d: {  	s0 =	simm.s32 @!p0 $0x4  }
0x24e: {  	_ =	swait.ge @!p0 [sflag:s0], s1  }
0x24f: {  	s1 =	ssub.s32 @!p0 $0x0, s1;
	[sflag:s0] =	ssyncset.done @!p0 $0x0  }
0x250: {  	[sflag:s0] =	ssyncadd.s32 @!p0 s1  }
0x251: {  	[bflag:$0x3] =	sbarrier.arrive $0xFFFF  }
0x252: {  	_ =	shalt  }

// kernel: kernel.8.cloned.1.call-start
scs
__scs_entry_jumppad:
0x0: {  	(pc) =	sbr.rel $0x88, $3  }
0x1: {  	(tag) =	ssettag $0x0;
	lr =	simm.s32 $0x1  }
0x2: {  	[smem:$0x3F98] =	sst lr;
	_ =	strace $0xD0000000  }
0x3: {  	_ = 	snop  }
0x4: {  	_ = 	snop  }
0x5: {  	_ = 	snop  }
0x6: {  	_ = 	snop  }
0x7: {  	_ = 	snop  }
__scs_overlays_trampoline_lowered:
0x8: {  	[smem:$0x3FA7] =	sst s0  }
0x9: {  	[smem:$0x3FA8] =	sst s1  }
0xa: {  	[smem:$0x3FA9] =	sst s2  }
0xb: {  	[smem:$0x3FAA] =	sst s3  }
0xc: {  	[smem:$0x3FAB] =	sst s4  }
0xd: {  	[smem:$0x3FAC] =	sst s5  }
0xe: {  	[smem:$0x3FAD] =	sst s6  }
0xf: {  	[smem:$0x3FAE] =	sst s7  }
0x10: {  	[smem:$0x3FAF] =	sst s8  }
0x11: {  	[smem:$0x3FB0] =	sst s9;
	s0 =	simm.s32 @!p0 $0x0  }
0x12: {  	s1 =	sld [smem:$0x3F96];
	s0 =	simm.s32 @p0 $0x1  }
0x13: {  	[smem:$0x3FB1] =	sst s0;
	s0 =	simm.s32 @!p1 $0x0  }
0x14: {  	s2 =	sld [smem:$0x3F95];
	s0 =	simm.s32 @p1 $0x1  }
0x15: {  	[smem:$0x3FB2] =	sst s0;
	s0 =	simm.s32 @!p2 $0x0  }
0x16: {  	s3 =	sld [smem:$0x3FDB];
	s0 =	simm.s32 @p2 $0x1  }
0x17: {  	s4 =	simm.s32 $0x1BF5;
	[smem:$0x3FB4] =	sst s0  }
0x18: {  	s0 =	sld [smem:$0x3F97];
	_ =	swait.ge [sflag:s4], $0x0  }
0x19: {  	s7 =	sld [smem:$0x3F98]  }
0x1a: {  	s8 =	sadd.s32 $0xFFFFE003, lr  }
0x1b: {  	s9 =	sadd.s32 $0xFFFFFEF7, lr;
	s5 =	simm.s32 $0xFFFFFFFF;
	p2 =	slt.u32 s8, $0xFFFFF086  }
0x1c: {  	p1 =	slt.u32 s9, $0xF7A;
	s5 =	simm.s32 @!p2 $0x0  }
0x1d: {  	s5 =	simm.s32 @p1 $0x1;
	p0 =	seq.s32 s7, s2  }
0x1e: {  	s7 =	smul.u32 @!p0 $0xF7A, s2;
	p2 =	seq.s32 @!p0 s5, $0x0  }
0x1f: {  	s9 =	smul.u32 $0xF7A, s1;
	s8 =	simm.s32 @!p0 $0x1BF5;
	p2 =	por !p2, p0  }
0x20: {  	[sflag:s8] =	ssyncset.s32 @!p0 $0xFFFFF086;
	s6 =	sadd.s32 @!p0 s3, s7;
	s7 =	simm.s32 @!p0 $0x108  }
0x21: {  	s3 =	sadd.s32 s3, s9;
	s6 =	sadd.s32 @!p0 $0x88, s6;
	s7 =	simm.s32 @p2 $0x1082  }
0x22: {  	[simem:s7], [sflag:s8] =	dma.local @!p0 [hbm:s6], $0xF7A  }
0x23: {  	s9 =	sor.u32 $0xD0000000, s2;
	s6 =	simm.s32 $0x108;
	_ =	swait.ge @!p0 [sflag:s8], $0x0  }
0x24: {  	s3 =	sadd.s32 $0x88, s3;
	s6 =	simm.s32 @!p1 $0x1082;
	[sflag:s4] =	ssyncset.s32 $0xFFFFF086  }
0x25: {  	[simem:s6], [sflag:s4] =	dma.local [hbm:s3], $0xF7A  }
0x26: {  	[smem:$0x3F98] =	sst s1;
	(tag) =	ssettag s2;
	_ =	strace s9  }
0x27: {  	s1 =	sld [smem:$0x3FA8]  }
0x28: {  	s2 =	sld [smem:$0x3FA9]  }
0x29: {  	s4 =	sld [smem:$0x3FAB]  }
0x2a: {  	p0 =	seq.s32 s5, $0x0;
	s5 =	sld [smem:$0x3FAC]  }
0x2b: {  	s6 =	sld [smem:$0x3FAD]  }
0x2c: {  	s7 =	sld [smem:$0x3FAE]  }
0x2d: {  	s3 =	simm.s32 $0x108;
	s8 =	sld [smem:$0x3FAF]  }
0x2e: {  	s3 =	simm.s32 @!p0 $0x1082;
	s9 =	sld [smem:$0x3FB0]  }
0x2f: {  	lr =	sadd.s32 s0, s3;
	s0 =	sld [smem:$0x3FA7]  }
0x30: {  	s3 =	sld [smem:$0x3FAA]  }
0x31: {  	[smem:$0x3FB3] =	sst s10  }
0x32: {  	s10 =	sld [smem:$0x3FB1];
	_ =	sdelay $0x3  }
0x33: {  	p0 =	seq.s32 s10, $0x1;
	s10 =	sld [smem:$0x3FB3];
	_ =	sdelay $0x3  }
0x34: {  	[smem:$0x3FB3] =	sst s10  }
0x35: {  	s10 =	sld [smem:$0x3FB2];
	_ =	sdelay $0x3  }
0x36: {  	p1 =	seq.s32 s10, $0x1;
	s10 =	sld [smem:$0x3FB3];
	_ =	sdelay $0x3  }
0x37: {  	[smem:$0x3FB3] =	sst s10  }
0x38: {  	s10 =	sld [smem:$0x3FB4]  }
0x39: {  	_ = 	snop;
	(pc) =	sbr.ind lr, $3  }
0x3a: {  	_ = 	snop  }
0x3b: {  	_ = 	snop  }
0x3c: {  	p2 =	seq.s32 s10, $0x1;
	s10 =	sld [smem:$0x3FB3]  }
0x3d: {  	_ =	shalt  }
0x3e: {  	_ =	shalt  }
0x3f: {  	_ =	shalt  }
0x40: {  	_ =	shalt  }
0x41: {  	_ =	shalt  }
0x42: {  	_ =	shalt  }
0x43: {  	_ =	shalt  }
0x44: {  	_ =	shalt  }
0x45: {  	_ =	shalt  }
0x46: {  	_ =	shalt  }
0x47: {  	_ =	shalt  }
0x48: {  	_ =	shalt  }
0x49: {  	_ =	shalt  }
0x4a: {  	_ =	shalt  }
0x4b: {  	_ =	shalt  }
0x4c: {  	_ =	shalt  }
0x4d: {  	_ =	shalt  }
0x4e: {  	_ =	shalt  }
0x4f: {  	_ =	shalt  }
0x50: {  	_ =	shalt  }
0x51: {  	_ =	shalt  }
0x52: {  	_ =	shalt  }
0x53: {  	_ =	shalt  }
0x54: {  	_ =	shalt  }
0x55: {  	_ =	shalt  }
0x56: {  	_ =	shalt  }
0x57: {  	_ =	shalt  }
0x58: {  	_ =	shalt  }
0x59: {  	_ =	shalt  }
0x5a: {  	_ =	shalt  }
0x5b: {  	_ =	shalt  }
0x5c: {  	_ =	shalt  }
0x5d: {  	_ =	shalt  }
0x5e: {  	_ =	shalt  }
0x5f: {  	_ =	shalt  }
0x60: {  	_ =	shalt  }
0x61: {  	_ =	shalt  }
0x62: {  	_ =	shalt  }
0x63: {  	_ =	shalt  }
0x64: {  	_ =	shalt  }
0x65: {  	_ =	shalt  }
0x66: {  	_ =	shalt  }
0x67: {  	_ =	shalt  }
0x68: {  	_ =	shalt  }
0x69: {  	_ =	shalt  }
0x6a: {  	_ =	shalt  }
0x6b: {  	_ =	shalt  }
0x6c: {  	_ =	shalt  }
0x6d: {  	_ =	shalt  }
0x6e: {  	_ =	shalt  }
0x6f: {  	_ =	shalt  }
0x70: {  	_ =	shalt  }
0x71: {  	_ =	shalt  }
0x72: {  	_ =	shalt  }
0x73: {  	_ =	shalt  }
0x74: {  	_ =	shalt  }
0x75: {  	_ =	shalt  }
0x76: {  	_ =	shalt  }
0x77: {  	_ =	shalt  }
0x78: {  	_ =	shalt  }
0x79: {  	_ =	shalt  }
0x7a: {  	_ =	shalt  }
0x7b: {  	_ =	shalt  }
0x7c: {  	_ =	shalt  }
0x7d: {  	_ =	shalt  }
0x7e: {  	_ =	shalt  }
0x7f: {  	_ =	shalt  }
0x80: {  	_ =	shalt  }
0x81: {  	_ =	shalt  }
0x82: {  	_ =	shalt  }
0x83: {  	_ =	shalt  }
0x84: {  	_ =	shalt  }
0x85: {  	_ =	shalt  }
0x86: {  	_ =	shalt  }
0x87: {  	_ =	shalt  }
.Lfunc_end0:
.L_simem_size_0:
called_computation_lowered:
.L_overlay_start_0:
0x88: {  	s2 =	sld [smem:$0x3FD9]  }
0x89: {  	s3 =	sld [smem:$0x3FFE];
	_ =	sdelay $0x1  }
0x8a: {  	s1 =	srdreg.scid  }
0x8b: {  	s0 =	sand.u32 $0x1, s1  }
0x8c: {  	s17 =	sshll.u32 s0, $0xA;
	s2 =	sadd.s32 s3, s2  }
0x8d: {  	s2 =	sadd.s32 s2, s17  }
0x8e: {  	[smem:$0x3FBF] =	sst s2  }
0x8f: {  	_ = 	snop  }
0x90: {  	s2 =	sld [smem:$0x3FC9]  }
0x91: {  	s18 =	sld [smem:$0x3FD0];
	(tm) =	ssettm $0x1  }
0x92: {  	s4 =	sld [smem:$0x3FFB];
	_ =	sdelay $0x3  }
0x93: {  	_ =	strace s4  }
0x94: {  	s4 =	sld [smem:$0x3FFC];
	_ =	sdelay $0x3  }
0x95: {  	_ =	strace s4  }
0x96: {  	s4 =	sld [smem:$0x3FFD];
	_ =	sdelay $0x3  }
0x97: {  	_ =	strace s4  }
0x98: {  	_ =	strace $0x8FFFFFFF  }
0x99: {  	s19 =	sld [smem:$0x3FDB];
	_ =	sdelay $0x1  }
0x9a: {  	s5 =	simm.s32 $_scs_section_size  }
0x9b: {  	s6 =	simm.s32 $_size__tile_overlayer_lowered;
	s7 =	simm.s32 $_tile_overlayer_lowered  }
0x9c: {  	s22 =	simm.s32 $0x1BFF;
	s21 =	sshll.u32 s7, $0x1;
	s4 =	sadd.s32 s5, s19  }
0x9d: {  	s8 =	simm.s32 $0x0;
	s20 =	sshll.u32 s6, $0x1;
	s6 =	sadd.s32 s21, s4  }
0x9e: {  	[timem:s8], [sflag:s22] =	dma.local [hbm:s6], s20  }
0x9f: {  	_ =	swait.ge [sflag:s22], s20  }
0xa0: {  	s5 =	ssub.s32 $0x0, s20;
	[sflag:s22] =	ssyncset.done $0x0  }
0xa1: {  	[sflag:s22] =	ssyncadd.s32 s5;
	_ =	sdelay $0x1  }
0xa2: {  	s23 =	simm.s32 $0x1B8B  }
0xa3: {  	_ =	swait.ge [sflag:s23], $0x1  }
0xa4: {  	[sflag:s23] =	ssyncset.done $0x0  }
0xa5: {  	s25 =	simm.s32 $0x1B8E;
	s24 =	sld [smem:$0x3FFE];
	[sflag:s23] =	ssyncadd.s32 $0xFFFFFFFF  }
0xa6: {  	s26 =	simm.s32 $execute0_lowered;
	[smem:$0x3FD2] =	sst s25  }
0xa7: {  	s6 =	sshll.u32 s26, $0x1;
	_ =	strace $0x80000046;
	[dreg:$0x1] =	wrdreg $0xFFFFFFFF  }
0xa8: {  	s28 =	simm.s32 $_size_execute0_lowered;
	s4 =	sadd.s32 s4, s6;
	[dreg:$0x0] =	wrdreg $0x0  }
0xa9: {  	s6 =	sshll.u32 s28, $0x1;
	[dreg:$0x2] =	wrdreg s4  }
0xaa: {  	[dreg:$0x3] =	wrdreg s6  }
0xab: {  	[dreg:$0x4] =	wrdreg $0xC0  }
0xac: {  	_ =	task [dreg:s8], $0x5FFFF  }
0xad: {  	[dreg:$0x1] =	wrdreg $0xFFFFFFFF  }
0xae: {  	[dreg:$0x0] =	wrdreg $0x60  }
0xaf: {  	[dreg:$0x2] =	wrdreg s2  }
0xb0: {  	[dreg:$0x3] =	wrdreg s18  }
0xb1: {  	[dreg:$0x4] =	wrdreg s24  }
0xb2: {  	[dreg:$0x5] =	wrdreg $0x9  }
0xb3: {  	_ =	task.clear_ibuf [dreg:s8], $0x6FFFF;
	_ =	strace $0x90000046  }
0xb4: {  	s29 =	simm.s32 $0x9;
	_ =	strace $0x80000048  }
0xb5: {  	_ =	swait.ge [sflag:s29], $0x1  }
0xb6: {  	[sflag:s29] =	ssyncadd.s32 $0xFFFFFFFF  }
0xb7: {  	_ =	strace $0x90000048  }
0xb8: {  	_ =	sfence  }
0xb9: {  	s30 =	sld [smem:$0x0];
	_ =	sdelay $0x2  }
0xba: {  	s31 =	sshll.u32 s1, $0xD;
	s1 =	sshrl.u32 s1, $0x2  }
0xbb: {  	s3 =	sand.u32 $0x4000, s31;
	s1 =	sadd.s32 s1, s30  }
0xbc: {  	s0 =	sor.u32 s3, s0;
	s1 =	sshll.u32 s1, $0x11  }
0xbd: {  	s0 =	sor.u32 s1, s0  }
0xbe: {  	s0 =	sadd.s32 $0x8F2B, s0  }
0xbf: {  	[sflag:s0] =	ssyncadd.remote.s32 $0x1  }
0xc0: {  	_ =	sfence.sel $0xFFFF  }
0xc1: {  	[dreg:$0x0] =	wrdreg $0xFFFFFFFF;
	(pc) =	sbr.abs _section_cstart, $3  }
0xc2: {  	[dreg:$0x1] =	wrdreg $0xFFFFFFFF  }
0xc3: {  	_ =	task.clear_ibuf [dreg:s8], $0x2FFFF;
	_ =	strace $0x9FFFFFFF  }
0xc4: {  	(tm) =	ssettm $0x7FFFFFFF  }
0xc5: {  	_ =	shalt  }
tec
execute0_lowered:
.L_overlay_start_1:
0x0: {  	(tag) =	ssettag $0x1  }
0x1: {  	s0 =	rddreg [dreg:$0x0]  }
0x2: {  	s1 =	rddreg [dreg:$0x1]  }
0x3: {  	s6 =	rddreg [dreg:$0x2]  }
0x4: {  	s3 =	srdreg.scid;
	s2 =	simm.s32 $0x0;
	s5 =	stileid.u32  }
0x5: {  	s30 =	simm.s32 $0x2000;
	s31 =	simm.s32 $0x2800;
	s28 =	simm.s32 $0x5000  }
0x6: {  	s29 =	simm.s32 $0x5800;
	s4 =	sand.u32 $0x1, s3;
	[smem:$0x7FF] =	sst s2  }
0x7: {  	s10 =	sshll.u32 s5, $0x8;
	s7 =	sadd.s32 $0x10C00, s6;
	s11 =	sshll.u32 s4, $0x7  }
0x8: {  	s3 =	sadd.s32 $0x10E00, s6;
	s4 =	ssub.s32 $0x2, s4;
	s5 =	sor.u32 s11, s10  }
0x9: {  	_ =	strace $0x80000047;
	s10 =	sshrl.u32 s4, $0x1;
	s8 =	sshll.u32 s5, $0x7  }
0xa: {  	s9 =	sshrl.u32 s5, $0x3;
	s14 =	sor.u32 $0x20, s5;
	s10 =	ssub.s32 s4, s10  }
0xb: {  	s4 =	sadd.s32 $0x10F00, s6;
	s11 =	sor.u32 $0x40, s5;
	s8 =	sadd.s32 s0, s8  }
0xc: {  	s5 =	sor.u32 $0x60, s5;
	s12 =	sadd.s32 s1, s9;
	[dreg:$0x4] =	wrdreg s8  }
0xd: {  	s13 =	sadd.s32 s7, s9;
	s15 =	sshll.u32 s14, $0x7;
	[dreg:$0x5] =	wrdreg s12  }
0xe: {  	s9 =	sshrl.u32 s14, $0x3;
	[dreg:$0x6] =	wrdreg s13;
	s8 =	sadd.s32 s0, s15  }
0xf: {  	s18 =	sshll.u32 s11, $0x7;
	s16 =	sadd.s32 s1, s9;
	[dreg:$0x7] =	wrdreg s8  }
0x10: {  	s20 =	sshrl.u32 s11, $0x3;
	s17 =	sadd.s32 s7, s9;
	[dreg:$0x8] =	wrdreg s16  }
0x11: {  	s23 =	sshll.u32 s5, $0x7;
	s19 =	sadd.s32 s0, s18;
	[dreg:$0x9] =	wrdreg s17  }
0x12: {  	s24 =	sshrl.u32 s5, $0x3;
	s21 =	sadd.s32 s1, s20;
	[dreg:$0xa] =	wrdreg s19  }
0x13: {  	s5 =	sadd.s32 $0x11000, s6;
	s22 =	sadd.s32 s7, s20;
	[dreg:$0xb] =	wrdreg s21  }
0x14: {  	s6 =	sadd.s32 $0x11100, s6;
	s0 =	sadd.s32 s0, s23;
	[dreg:$0xc] =	wrdreg s22  }
0x15: {  	s25 =	sadd.s32 s1, s24;
	s26 =	sadd.s32 s7, s24;
	[dreg:$0xd] =	wrdreg s0  }
0x16: {  	v2 =	vlaneseq.u32;
	s24 =	smax.u32 s10, $0x1;
	s10 =	simm.s32 $0x1;
	[dreg:$0xe] =	wrdreg s25  }
0x17: {  	vm0 =	vmmov $0xffff;
	v1 =	vshrl.u32 v2, $0x3;
	s18 =	simm.s32 $0x2;
	s15 =	simm.s32 $0x8000;
	[dreg:$0xf] =	wrdreg s26  }
0x18: {  	v0 =	vand.u32 $0x7, v2;
	v2 =	vor.u32 $0x8, v2;
	v1 =	vmul.u32 $0x8, v1;
	s25 =	simm.s32 $0x1800;
	s26 =	simm.s32 $0x4800;
	s22 =	simm.s32 $0xC800  }
.LBB2_1:
0x19: {  	s19 =	rddreg [dreg:$0x4]  }
0x1a: {  	[tilespmem:s2], [sflag:$0x1] =	stream.linear.gather [hbm4b:s19+s2], $0x8000, $0x38;
	[tilespmem:$0x10200] =	vst v63  }
0x1b: {  	s20 =	rddreg [dreg:$0x5];
	s0 =	simm.s32 $0x10000  }
0x1c: {  	[tilespmem:s0], [sflag:$0x1] =	stream.linear.gather [hbm4b:s20+s2], $0x20, $0x38;
	[tilespmem:$0x10200] =	vst v63  }
0x1d: {  	s9 =	rddreg [dreg:$0x6];
	s11 =	simm.s32 $0x10100  }
0x1e: {  	[tilespmem:s11], [sflag:$0x1] =	stream.linear.gather [hbm4b:s9+s2], $0x20, $0x38;
	[tilespmem:$0x10200] =	vst v63  }
0x1f: {  	_ =	swait.ge [sflag:s10], $0x8000  }
0x20: {  	[sflag:s10] =	ssyncset.done $0x0  }
0x21: {  	[sflag:s10] =	ssyncadd.s32 $0xFFFF8000  }
0x22: {  	_ =	swait.ge [sflag:s10], $0x20  }
0x23: {  	[sflag:s10] =	ssyncset.done $0x0  }
0x24: {  	[sflag:s10] =	ssyncadd.s32 $0xFFFFFFE0  }
0x25: {  	_ =	swait.ge [sflag:s10], $0x20  }
0x26: {  	[sflag:s10] =	ssyncset.done $0x0  }
0x27: {  	[sflag:s10] =	ssyncadd.s32 $0xFFFFFFE0  }
0x28: {  	v3 =	vld [tilespmem:$0x10000];
	_ =	sdelay $0x4  }
0x29: {  	v4 =	vshll.u32 v3, $0x3  }
0x2a: {  	v3 =	vand.u32 $0x7, v3;
	v4 =	vand.u32 $0xFFFFFFC0, v4  }
0x2b: {  	v3 =	vor.u32 v3, v4  }
0x2c: {  	v4 =	vperm.xlane v3, v0;
	_ =	sdelay $0x1  }
0x2d: {  	v4 =	vadd.s32 v1, v4;
	_ =	sdelay $0x4  }
0x2e: {  	[hbm4b:s3+s2] =	stream.indirect_vreg.scatter [tilespmem:s2], [sflag:$0x2], $0x80, v4, vm0, $0xb8;
	[tilespmem:$0x10200] =	vst v63  }
0x2f: {  	s12 =	simm.s32 $0x800;
	v3 =	vperm.xlane v3, v2  }
0x30: {  	[hbm4b:s4+s2] =	stream.indirect_vreg.scatter [tilespmem:s12], [sflag:$0x2], $0x80, v4, vm0, $0xb8;
	[tilespmem:$0x10200] =	vst v63  }
0x31: {  	s13 =	simm.s32 $0x1000;
	v3 =	vadd.s32 v1, v3  }
0x32: {  	[hbm4b:s5+s2] =	stream.indirect_vreg.scatter [tilespmem:s13], [sflag:$0x2], $0x80, v4, vm0, $0xb8;
	[tilespmem:$0x10200] =	vst v63  }
0x33: {  	_ = 	snop  }
0x34: {  	[hbm4b:s6+s2] =	stream.indirect_vreg.scatter [tilespmem:s25], [sflag:$0x2], $0x80, v4, vm0, $0xb8;
	[tilespmem:$0x10200] =	vst v63  }
0x35: {  	_ = 	snop  }
0x36: {  	[hbm4b:s3+s2] =	stream.indirect_vreg.scatter [tilespmem:s30], [sflag:$0x2], $0x80, v3, vm0, $0xb8;
	[tilespmem:$0x10200] =	vst v63  }
0x37: {  	_ = 	snop  }
0x38: {  	[hbm4b:s4+s2] =	stream.indirect_vreg.scatter [tilespmem:s31], [sflag:$0x2], $0x80, v3, vm0, $0xb8;
	[tilespmem:$0x10200] =	vst v63  }
0x39: {  	s14 =	simm.s32 $0x3000  }
0x3a: {  	[hbm4b:s5+s2] =	stream.indirect_vreg.scatter [tilespmem:s14], [sflag:$0x2], $0x80, v3, vm0, $0xb8;
	[tilespmem:$0x10200] =	vst v63  }
0x3b: {  	s16 =	simm.s32 $0x3800  }
0x3c: {  	[hbm4b:s6+s2] =	stream.indirect_vreg.scatter [tilespmem:s16], [sflag:$0x2], $0x80, v3, vm0, $0xb8;
	[tilespmem:$0x10200] =	vst v63  }
0x3d: {  	v3 =	vld [tilespmem:$0x10010];
	_ =	sdelay $0x4  }
0x3e: {  	v49 =	vshll.u32 v3, $0x3  }
0x3f: {  	v3 =	vand.u32 $0x7, v3;
	v4 =	vand.u32 $0xFFFFFFC0, v49  }
0x40: {  	v3 =	vor.u32 v3, v4  }
0x41: {  	v4 =	vperm.xlane v3, v0;
	_ =	sdelay $0x1  }
0x42: {  	v4 =	vadd.s32 v1, v4;
	_ =	sdelay $0x3  }
0x43: {  	s16 =	simm.s32 $0x4000  }
0x44: {  	[hbm4b:s3+s2] =	stream.indirect_vreg.scatter [tilespmem:s16], [sflag:$0x2], $0x80, v4, vm0, $0xb8;
	[tilespmem:$0x10200] =	vst v63  }
0x45: {  	v3 =	vperm.xlane v3, v2  }
0x46: {  	[hbm4b:s4+s2] =	stream.indirect_vreg.scatter [tilespmem:s26], [sflag:$0x2], $0x80, v4, vm0, $0xb8;
	[tilespmem:$0x10200] =	vst v63  }
0x47: {  	v3 =	vadd.s32 v1, v3  }
0x48: {  	[hbm4b:s5+s2] =	stream.indirect_vreg.scatter [tilespmem:s28], [sflag:$0x2], $0x80, v4, vm0, $0xb8;
	[tilespmem:$0x10200] =	vst v63  }
0x49: {  	_ = 	snop  }
0x4a: {  	[hbm4b:s6+s2] =	stream.indirect_vreg.scatter [tilespmem:s29], [sflag:$0x2], $0x80, v4, vm0, $0xb8;
	[tilespmem:$0x10200] =	vst v63  }
0x4b: {  	s17 =	simm.s32 $0x6000  }
0x4c: {  	[hbm4b:s3+s2] =	stream.indirect_vreg.scatter [tilespmem:s17], [sflag:$0x2], $0x80, v3, vm0, $0xb8;
	[tilespmem:$0x10200] =	vst v63  }
0x4d: {  	s19 =	simm.s32 $0x6800  }
0x4e: {  	[hbm4b:s4+s2] =	stream.indirect_vreg.scatter [tilespmem:s19], [sflag:$0x2], $0x80, v3, vm0, $0xb8;
	[tilespmem:$0x10200] =	vst v63  }
0x4f: {  	s20 =	simm.s32 $0x7000  }
0x50: {  	[hbm4b:s5+s2] =	stream.indirect_vreg.scatter [tilespmem:s20], [sflag:$0x2], $0x80, v3, vm0, $0xb8;
	[tilespmem:$0x10200] =	vst v63  }
0x51: {  	s21 =	simm.s32 $0x7800  }
0x52: {  	[hbm4b:s6+s2] =	stream.indirect_vreg.scatter [tilespmem:s21], [sflag:$0x2], $0x80, v3, vm0, $0xb8;
	[tilespmem:$0x10200] =	vst v63  }
0x53: {  	v3 =	vld [tilespmem:$0x10100];
	_ =	sdelay $0x4  }
0x54: {  	v50 =	vshll.u32 v3, $0x3  }
0x55: {  	v3 =	vand.u32 $0x7, v3;
	v4 =	vand.u32 $0xFFFFFFC0, v50  }
0x56: {  	v3 =	vor.u32 v3, v4  }
0x57: {  	v4 =	vperm.xlane v3, v0;
	_ =	sdelay $0x1  }
0x58: {  	v4 =	vadd.s32 v1, v4;
	_ =	sdelay $0x4  }
0x59: {  	[hbm4b:s3+s2] =	stream.indirect_vreg.scatter [tilespmem:s2], [sflag:$0x2], $0x80, v4, vm0, $0xb8;
	[tilespmem:$0x10200] =	vst v63  }
0x5a: {  	s12 =	simm.s32 $0x800;
	v3 =	vperm.xlane v3, v2  }
0x5b: {  	[hbm4b:s4+s2] =	stream.indirect_vreg.scatter [tilespmem:s12], [sflag:$0x2], $0x80, v4, vm0, $0xb8;
	[tilespmem:$0x10200] =	vst v63  }
0x5c: {  	s1 =	simm.s32 $0x1000;
	v3 =	vadd.s32 v1, v3  }
0x5d: {  	[hbm4b:s5+s2] =	stream.indirect_vreg.scatter [tilespmem:s1], [sflag:$0x2], $0x80, v4, vm0, $0xb8;
	[tilespmem:$0x10200] =	vst v63  }
0x5e: {  	_ = 	snop  }
0x5f: {  	[hbm4b:s6+s2] =	stream.indirect_vreg.scatter [tilespmem:s25], [sflag:$0x2], $0x80, v4, vm0, $0xb8;
	[tilespmem:$0x10200] =	vst v63  }
0x60: {  	_ = 	snop  }
0x61: {  	[hbm4b:s3+s2] =	stream.indirect_vreg.scatter [tilespmem:s30], [sflag:$0x2], $0x80, v3, vm0, $0xb8;
	[tilespmem:$0x10200] =	vst v63  }
0x62: {  	_ = 	snop  }
0x63: {  	[hbm4b:s4+s2] =	stream.indirect_vreg.scatter [tilespmem:s31], [sflag:$0x2], $0x80, v3, vm0, $0xb8;
	[tilespmem:$0x10200] =	vst v63  }
0x64: {  	s7 =	simm.s32 $0x3000  }
0x65: {  	[hbm4b:s5+s2] =	stream.indirect_vreg.scatter [tilespmem:s7], [sflag:$0x2], $0x80, v3, vm0, $0xb8;
	[tilespmem:$0x10200] =	vst v63  }
0x66: {  	s13 =	simm.s32 $0x3800  }
0x67: {  	[hbm4b:s6+s2] =	stream.indirect_vreg.scatter [tilespmem:s13], [sflag:$0x2], $0x80, v3, vm0, $0xb8;
	[tilespmem:$0x10200] =	vst v63  }
0x68: {  	v3 =	vld [tilespmem:$0x10110];
	_ =	sdelay $0x4  }
0x69: {  	v51 =	vshll.u32 v3, $0x3  }
0x6a: {  	v3 =	vand.u32 $0x7, v3;
	v4 =	vand.u32 $0xFFFFFFC0, v51  }
0x6b: {  	v3 =	vor.u32 v3, v4  }
0x6c: {  	v4 =	vperm.xlane v3, v0;
	_ =	sdelay $0x1  }
0x6d: {  	v4 =	vadd.s32 v1, v4;
	_ =	sdelay $0x4  }
0x6e: {  	[hbm4b:s3+s2] =	stream.indirect_vreg.scatter [tilespmem:s16], [sflag:$0x2], $0x80, v4, vm0, $0xb8;
	[tilespmem:$0x10200] =	vst v63  }
0x6f: {  	v3 =	vperm.xlane v3, v2  }
0x70: {  	[hbm4b:s4+s2] =	stream.indirect_vreg.scatter [tilespmem:s26], [sflag:$0x2], $0x80, v4, vm0, $0xb8;
	[tilespmem:$0x10200] =	vst v63  }
0x71: {  	v3 =	vadd.s32 v1, v3  }
0x72: {  	[hbm4b:s5+s2] =	stream.indirect_vreg.scatter [tilespmem:s28], [sflag:$0x2], $0x80, v4, vm0, $0xb8;
	[tilespmem:$0x10200] =	vst v63  }
0x73: {  	_ = 	snop  }
0x74: {  	[hbm4b:s6+s2] =	stream.indirect_vreg.scatter [tilespmem:s29], [sflag:$0x2], $0x80, v4, vm0, $0xb8;
	[tilespmem:$0x10200] =	vst v63  }
0x75: {  	s8 =	simm.s32 $0x6000  }
0x76: {  	[hbm4b:s3+s2] =	stream.indirect_vreg.scatter [tilespmem:s8], [sflag:$0x2], $0x80, v3, vm0, $0xb8;
	[tilespmem:$0x10200] =	vst v63  }
0x77: {  	s9 =	simm.s32 $0x6800  }
0x78: {  	[hbm4b:s4+s2] =	stream.indirect_vreg.scatter [tilespmem:s9], [sflag:$0x2], $0x80, v3, vm0, $0xb8;
	[tilespmem:$0x10200] =	vst v63  }
0x79: {  	s11 =	simm.s32 $0x7000  }
0x7a: {  	[hbm4b:s5+s2] =	stream.indirect_vreg.scatter [tilespmem:s11], [sflag:$0x2], $0x80, v3, vm0, $0xb8;
	[tilespmem:$0x10200] =	vst v63  }
0x7b: {  	s23 =	simm.s32 $0x7800  }
0x7c: {  	[hbm4b:s6+s2] =	stream.indirect_vreg.scatter [tilespmem:s23], [sflag:$0x2], $0x80, v3, vm0, $0xb8;
	[tilespmem:$0x10200] =	vst v63  }
0x7d: {  	s8 =	rddreg [dreg:$0x7]  }
0x7e: {  	[tilespmem:s15], [sflag:$0x1] =	stream.linear.gather [hbm4b:s8+s2], $0x8000, $0x38;
	[tilespmem:$0x10200] =	vst v63  }
0x7f: {  	s12 =	simm.s32 $0x10080;
	s9 =	rddreg [dreg:$0x8]  }
0x80: {  	[tilespmem:s12], [sflag:$0x1] =	stream.linear.gather [hbm4b:s9+s2], $0x20, $0x38;
	[tilespmem:$0x10200] =	vst v63  }
0x81: {  	s13 =	simm.s32 $0x10180;
	s11 =	rddreg [dreg:$0x9]  }
0x82: {  	[tilespmem:s13], [sflag:$0x1] =	stream.linear.gather [hbm4b:s11+s2], $0x20, $0x38;
	[tilespmem:$0x10200] =	vst v63  }
0x83: {  	_ =	swait.ge [sflag:s10], $0x8000  }
0x84: {  	[sflag:s10] =	ssyncset.done $0x0  }
0x85: {  	[sflag:s10] =	ssyncadd.s32 $0xFFFF8000  }
0x86: {  	_ =	swait.ge [sflag:s10], $0x20  }
0x87: {  	[sflag:s10] =	ssyncset.done $0x0  }
0x88: {  	[sflag:s10] =	ssyncadd.s32 $0xFFFFFFE0  }
0x89: {  	_ =	swait.ge [sflag:s10], $0x20  }
0x8a: {  	[sflag:s10] =	ssyncset.done $0x0  }
0x8b: {  	[sflag:s10] =	ssyncadd.s32 $0xFFFFFFE0  }
0x8c: {  	v3 =	vld [tilespmem:$0x10080];
	_ =	sdelay $0x4  }
0x8d: {  	v52 =	vshll.u32 v3, $0x3  }
0x8e: {  	v3 =	vand.u32 $0x7, v3;
	v4 =	vand.u32 $0xFFFFFFC0, v52  }
0x8f: {  	v3 =	vor.u32 v3, v4  }
0x90: {  	v4 =	vperm.xlane v3, v0;
	_ =	sdelay $0x1  }
0x91: {  	v4 =	vadd.s32 v1, v4;
	_ =	sdelay $0x4  }
0x92: {  	[hbm4b:s3+s2] =	stream.indirect_vreg.scatter [tilespmem:s15], [sflag:$0x2], $0x80, v4, vm0, $0xb8;
	[tilespmem:$0x10200] =	vst v63  }
0x93: {  	s14 =	simm.s32 $0x8800;
	v3 =	vperm.xlane v3, v2  }
0x94: {  	[hbm4b:s4+s2] =	stream.indirect_vreg.scatter [tilespmem:s14], [sflag:$0x2], $0x80, v4, vm0, $0xb8;
	[tilespmem:$0x10200] =	vst v63  }
0x95: {  	s17 =	simm.s32 $0x9000;
	v3 =	vadd.s32 v1, v3  }
0x96: {  	[hbm4b:s5+s2] =	stream.indirect_vreg.scatter [tilespmem:s17], [sflag:$0x2], $0x80, v4, vm0, $0xb8;
	[tilespmem:$0x10200] =	vst v63  }
0x97: {  	s19 =	simm.s32 $0x9800  }
0x98: {  	[hbm4b:s6+s2] =	stream.indirect_vreg.scatter [tilespmem:s19], [sflag:$0x2], $0x80, v4, vm0, $0xb8;
	[tilespmem:$0x10200] =	vst v63  }
0x99: {  	s20 =	simm.s32 $0xA000  }
0x9a: {  	[hbm4b:s3+s2] =	stream.indirect_vreg.scatter [tilespmem:s20], [sflag:$0x2], $0x80, v3, vm0, $0xb8;
	[tilespmem:$0x10200] =	vst v63  }
0x9b: {  	s21 =	simm.s32 $0xA800  }
0x9c: {  	[hbm4b:s4+s2] =	stream.indirect_vreg.scatter [tilespmem:s21], [sflag:$0x2], $0x80, v3, vm0, $0xb8;
	[tilespmem:$0x10200] =	vst v63  }
0x9d: {  	s1 =	simm.s32 $0xB000  }
0x9e: {  	[hbm4b:s5+s2] =	stream.indirect_vreg.scatter [tilespmem:s1], [sflag:$0x2], $0x80, v3, vm0, $0xb8;
	[tilespmem:$0x10200] =	vst v63  }
0x9f: {  	s7 =	simm.s32 $0xB800  }
0xa0: {  	[hbm4b:s6+s2] =	stream.indirect_vreg.scatter [tilespmem:s7], [sflag:$0x2], $0x80, v3, vm0, $0xb8;
	[tilespmem:$0x10200] =	vst v63  }
0xa1: {  	v3 =	vld [tilespmem:$0x10090];
	_ =	sdelay $0x4  }
0xa2: {  	v53 =	vshll.u32 v3, $0x3  }
0xa3: {  	v3 =	vand.u32 $0x7, v3;
	v4 =	vand.u32 $0xFFFFFFC0, v53  }
0xa4: {  	v3 =	vor.u32 v3, v4  }
0xa5: {  	v4 =	vperm.xlane v3, v0;
	_ =	sdelay $0x1  }
0xa6: {  	v4 =	vadd.s32 v1, v4;
	_ =	sdelay $0x3  }
0xa7: {  	s8 =	simm.s32 $0xC000  }
0xa8: {  	[hbm4b:s3+s2] =	stream.indirect_vreg.scatter [tilespmem:s8], [sflag:$0x2], $0x80, v4, vm0, $0xb8;
	[tilespmem:$0x10200] =	vst v63  }
0xa9: {  	s9 =	simm.s32 $0xC800;
	v3 =	vperm.xlane v3, v2  }
0xaa: {  	[hbm4b:s4+s2] =	stream.indirect_vreg.scatter [tilespmem:s9], [sflag:$0x2], $0x80, v4, vm0, $0xb8;
	[tilespmem:$0x10200] =	vst v63  }
0xab: {  	s0 =	simm.s32 $0xD000;
	v3 =	vadd.s32 v1, v3  }
0xac: {  	[hbm4b:s5+s2] =	stream.indirect_vreg.scatter [tilespmem:s0], [sflag:$0x2], $0x80, v4, vm0, $0xb8;
	[tilespmem:$0x10200] =	vst v63  }
0xad: {  	s1 =	simm.s32 $0xD800  }
0xae: {  	[hbm4b:s6+s2] =	stream.indirect_vreg.scatter [tilespmem:s1], [sflag:$0x2], $0x80, v4, vm0, $0xb8;
	[tilespmem:$0x10200] =	vst v63  }
0xaf: {  	s7 =	simm.s32 $0xE000  }
0xb0: {  	[hbm4b:s3+s2] =	stream.indirect_vreg.scatter [tilespmem:s7], [sflag:$0x2], $0x80, v3, vm0, $0xb8;
	[tilespmem:$0x10200] =	vst v63  }
0xb1: {  	s8 =	simm.s32 $0xE800  }
0xb2: {  	[hbm4b:s4+s2] =	stream.indirect_vreg.scatter [tilespmem:s8], [sflag:$0x2], $0x80, v3, vm0, $0xb8;
	[tilespmem:$0x10200] =	vst v63  }
0xb3: {  	s9 =	simm.s32 $0xF000  }
0xb4: {  	[hbm4b:s5+s2] =	stream.indirect_vreg.scatter [tilespmem:s9], [sflag:$0x2], $0x80, v3, vm0, $0xb8;
	[tilespmem:$0x10200] =	vst v63  }
0xb5: {  	s19 =	simm.s32 $0xF800  }
0xb6: {  	[hbm4b:s6+s2] =	stream.indirect_vreg.scatter [tilespmem:s19], [sflag:$0x2], $0x80, v3, vm0, $0xb8;
	[tilespmem:$0x10200] =	vst v63  }
0xb7: {  	v3 =	vld [tilespmem:$0x10180];
	_ =	sdelay $0x4  }
0xb8: {  	v54 =	vshll.u32 v3, $0x3  }
0xb9: {  	v3 =	vand.u32 $0x7, v3;
	v4 =	vand.u32 $0xFFFFFFC0, v54  }
0xba: {  	v3 =	vor.u32 v3, v4  }
0xbb: {  	v4 =	vperm.xlane v3, v0;
	_ =	sdelay $0x1  }
0xbc: {  	v4 =	vadd.s32 v1, v4;
	_ =	sdelay $0x4  }
0xbd: {  	[hbm4b:s3+s2] =	stream.indirect_vreg.scatter [tilespmem:s15], [sflag:$0x2], $0x80, v4, vm0, $0xb8;
	[tilespmem:$0x10200] =	vst v63  }
0xbe: {  	s23 =	simm.s32 $0x8800;
	v3 =	vperm.xlane v3, v2  }
0xbf: {  	[hbm4b:s4+s2] =	stream.indirect_vreg.scatter [tilespmem:s23], [sflag:$0x2], $0x80, v4, vm0, $0xb8;
	[tilespmem:$0x10200] =	vst v63  }
0xc0: {  	s14 =	simm.s32 $0x9000;
	v3 =	vadd.s32 v1, v3  }
0xc1: {  	[hbm4b:s5+s2] =	stream.indirect_vreg.scatter [tilespmem:s14], [sflag:$0x2], $0x80, v4, vm0, $0xb8;
	[tilespmem:$0x10200] =	vst v63  }
0xc2: {  	s11 =	simm.s32 $0x9800  }
0xc3: {  	[hbm4b:s6+s2] =	stream.indirect_vreg.scatter [tilespmem:s11], [sflag:$0x2], $0x80, v4, vm0, $0xb8;
	[tilespmem:$0x10200] =	vst v63  }
0xc4: {  	s12 =	simm.s32 $0xA000  }
0xc5: {  	[hbm4b:s3+s2] =	stream.indirect_vreg.scatter [tilespmem:s12], [sflag:$0x2], $0x80, v3, vm0, $0xb8;
	[tilespmem:$0x10200] =	vst v63  }
0xc6: {  	s13 =	simm.s32 $0xA800  }
0xc7: {  	[hbm4b:s4+s2] =	stream.indirect_vreg.scatter [tilespmem:s13], [sflag:$0x2], $0x80, v3, vm0, $0xb8;
	[tilespmem:$0x10200] =	vst v63  }
0xc8: {  	s20 =	simm.s32 $0xB000  }
0xc9: {  	[hbm4b:s5+s2] =	stream.indirect_vreg.scatter [tilespmem:s20], [sflag:$0x2], $0x80, v3, vm0, $0xb8;
	[tilespmem:$0x10200] =	vst v63  }
0xca: {  	s21 =	simm.s32 $0xB800  }
0xcb: {  	[hbm4b:s6+s2] =	stream.indirect_vreg.scatter [tilespmem:s21], [sflag:$0x2], $0x80, v3, vm0, $0xb8;
	[tilespmem:$0x10200] =	vst v63  }
0xcc: {  	v3 =	vld [tilespmem:$0x10190];
	_ =	sdelay $0x4  }
0xcd: {  	v55 =	vshll.u32 v3, $0x3  }
0xce: {  	v3 =	vand.u32 $0x7, v3;
	v4 =	vand.u32 $0xFFFFFFC0, v55  }
0xcf: {  	v3 =	vor.u32 v3, v4  }
0xd0: {  	v4 =	vperm.xlane v3, v0;
	_ =	sdelay $0x1  }
0xd1: {  	v4 =	vadd.s32 v1, v4;
	_ =	sdelay $0x3  }
0xd2: {  	s17 =	simm.s32 $0xC000  }
0xd3: {  	[hbm4b:s3+s2] =	stream.indirect_vreg.scatter [tilespmem:s17], [sflag:$0x2], $0x80, v4, vm0, $0xb8;
	[tilespmem:$0x10200] =	vst v63  }
0xd4: {  	v3 =	vperm.xlane v3, v2  }
0xd5: {  	[hbm4b:s4+s2] =	stream.indirect_vreg.scatter [tilespmem:s22], [sflag:$0x2], $0x80, v4, vm0, $0xb8;
	[tilespmem:$0x10200] =	vst v63  }
0xd6: {  	s0 =	simm.s32 $0xD000;
	v3 =	vadd.s32 v1, v3  }
0xd7: {  	[hbm4b:s5+s2] =	stream.indirect_vreg.scatter [tilespmem:s0], [sflag:$0x2], $0x80, v4, vm0, $0xb8;
	[tilespmem:$0x10200] =	vst v63  }
0xd8: {  	s1 =	simm.s32 $0xD800  }
0xd9: {  	[hbm4b:s6+s2] =	stream.indirect_vreg.scatter [tilespmem:s1], [sflag:$0x2], $0x80, v4, vm0, $0xb8;
	[tilespmem:$0x10200] =	vst v63  }
0xda: {  	s7 =	simm.s32 $0xE000  }
0xdb: {  	[hbm4b:s3+s2] =	stream.indirect_vreg.scatter [tilespmem:s7], [sflag:$0x2], $0x80, v3, vm0, $0xb8;
	[tilespmem:$0x10200] =	vst v63  }
0xdc: {  	s8 =	simm.s32 $0xE800  }
0xdd: {  	[hbm4b:s4+s2] =	stream.indirect_vreg.scatter [tilespmem:s8], [sflag:$0x2], $0x80, v3, vm0, $0xb8;
	[tilespmem:$0x10200] =	vst v63  }
0xde: {  	s9 =	simm.s32 $0xF000  }
0xdf: {  	[hbm4b:s5+s2] =	stream.indirect_vreg.scatter [tilespmem:s9], [sflag:$0x2], $0x80, v3, vm0, $0xb8;
	[tilespmem:$0x10200] =	vst v63  }
0xe0: {  	s19 =	simm.s32 $0xF800  }
0xe1: {  	[hbm4b:s6+s2] =	stream.indirect_vreg.scatter [tilespmem:s19], [sflag:$0x2], $0x80, v3, vm0, $0xb8;
	[tilespmem:$0x10200] =	vst v63  }
0xe2: {  	_ =	swait.ge [sflag:s18], $0x8000  }
0xe3: {  	[sflag:s18] =	ssyncset.done $0x0  }
0xe4: {  	[sflag:s18] =	ssyncadd.s32 $0xFFFF8000  }
0xe5: {  	_ =	swait.ge [sflag:s18], $0x8000  }
0xe6: {  	[sflag:s18] =	ssyncset.done $0x0  }
0xe7: {  	s13 =	rddreg [dreg:$0xa];
	[sflag:s18] =	ssyncadd.s32 $0xFFFF8000  }
0xe8: {  	[tilespmem:s2], [sflag:$0x1] =	stream.linear.gather [hbm4b:s13+s2], $0x8000, $0x38;
	[tilespmem:$0x10200] =	vst v63  }
0xe9: {  	s1 =	simm.s32 $0x10000;
	s14 =	rddreg [dreg:$0xb]  }
0xea: {  	[tilespmem:s1], [sflag:$0x1] =	stream.linear.gather [hbm4b:s14+s2], $0x20, $0x38;
	[tilespmem:$0x10200] =	vst v63  }
0xeb: {  	s7 =	simm.s32 $0x10100;
	s17 =	rddreg [dreg:$0xc]  }
0xec: {  	[tilespmem:s7], [sflag:$0x1] =	stream.linear.gather [hbm4b:s17+s2], $0x20, $0x38;
	[tilespmem:$0x10200] =	vst v63  }
0xed: {  	_ =	swait.ge [sflag:s10], $0x8000  }
0xee: {  	[sflag:s10] =	ssyncset.done $0x0  }
0xef: {  	[sflag:s10] =	ssyncadd.s32 $0xFFFF8000  }
0xf0: {  	_ =	swait.ge [sflag:s10], $0x20  }
0xf1: {  	[sflag:s10] =	ssyncset.done $0x0  }
0xf2: {  	[sflag:s10] =	ssyncadd.s32 $0xFFFFFFE0  }
0xf3: {  	_ =	swait.ge [sflag:s10], $0x20  }
0xf4: {  	[sflag:s10] =	ssyncset.done $0x0  }
0xf5: {  	[sflag:s10] =	ssyncadd.s32 $0xFFFFFFE0  }
0xf6: {  	v3 =	vld [tilespmem:$0x10000];
	_ =	sdelay $0x4  }
0xf7: {  	v56 =	vshll.u32 v3, $0x3  }
0xf8: {  	v3 =	vand.u32 $0x7, v3;
	v4 =	vand.u32 $0xFFFFFFC0, v56  }
0xf9: {  	v3 =	vor.u32 v3, v4  }
0xfa: {  	v4 =	vperm.xlane v3, v0;
	_ =	sdelay $0x1  }
0xfb: {  	v4 =	vadd.s32 v1, v4;
	_ =	sdelay $0x4  }
0xfc: {  	[hbm4b:s3+s2] =	stream.indirect_vreg.scatter [tilespmem:s2], [sflag:$0x2], $0x80, v4, vm0, $0xb8;
	[tilespmem:$0x10200] =	vst v63  }
0xfd: {  	s8 =	simm.s32 $0x800;
	v3 =	vperm.xlane v3, v2  }
0xfe: {  	[hbm4b:s4+s2] =	stream.indirect_vreg.scatter [tilespmem:s8], [sflag:$0x2], $0x80, v4, vm0, $0xb8;
	[tilespmem:$0x10200] =	vst v63  }
0xff: {  	s9 =	simm.s32 $0x1000;
	v3 =	vadd.s32 v1, v3  }
0x100: {  	[hbm4b:s5+s2] =	stream.indirect_vreg.scatter [tilespmem:s9], [sflag:$0x2], $0x80, v4, vm0, $0xb8;
	[tilespmem:$0x10200] =	vst v63  }
0x101: {  	_ = 	snop  }
0x102: {  	[hbm4b:s6+s2] =	stream.indirect_vreg.scatter [tilespmem:s25], [sflag:$0x2], $0x80, v4, vm0, $0xb8;
	[tilespmem:$0x10200] =	vst v63  }
0x103: {  	_ = 	snop  }
0x104: {  	[hbm4b:s3+s2] =	stream.indirect_vreg.scatter [tilespmem:s30], [sflag:$0x2], $0x80, v3, vm0, $0xb8;
	[tilespmem:$0x10200] =	vst v63  }
0x105: {  	_ = 	snop  }
0x106: {  	[hbm4b:s4+s2] =	stream.indirect_vreg.scatter [tilespmem:s31], [sflag:$0x2], $0x80, v3, vm0, $0xb8;
	[tilespmem:$0x10200] =	vst v63  }
0x107: {  	s12 =	simm.s32 $0x3000  }
0x108: {  	[hbm4b:s5+s2] =	stream.indirect_vreg.scatter [tilespmem:s12], [sflag:$0x2], $0x80, v3, vm0, $0xb8;
	[tilespmem:$0x10200] =	vst v63  }
0x109: {  	s13 =	simm.s32 $0x3800  }
0x10a: {  	[hbm4b:s6+s2] =	stream.indirect_vreg.scatter [tilespmem:s13], [sflag:$0x2], $0x80, v3, vm0, $0xb8;
	[tilespmem:$0x10200] =	vst v63  }
0x10b: {  	v3 =	vld [tilespmem:$0x10010];
	_ =	sdelay $0x4  }
0x10c: {  	v57 =	vshll.u32 v3, $0x3  }
0x10d: {  	v3 =	vand.u32 $0x7, v3;
	v4 =	vand.u32 $0xFFFFFFC0, v57  }
0x10e: {  	v3 =	vor.u32 v3, v4  }
0x10f: {  	v4 =	vperm.xlane v3, v0;
	_ =	sdelay $0x1  }
0x110: {  	v4 =	vadd.s32 v1, v4;
	_ =	sdelay $0x4  }
0x111: {  	[hbm4b:s3+s2] =	stream.indirect_vreg.scatter [tilespmem:s16], [sflag:$0x2], $0x80, v4, vm0, $0xb8;
	[tilespmem:$0x10200] =	vst v63  }
0x112: {  	v3 =	vperm.xlane v3, v2  }
0x113: {  	[hbm4b:s4+s2] =	stream.indirect_vreg.scatter [tilespmem:s26], [sflag:$0x2], $0x80, v4, vm0, $0xb8;
	[tilespmem:$0x10200] =	vst v63  }
0x114: {  	v3 =	vadd.s32 v1, v3  }
0x115: {  	[hbm4b:s5+s2] =	stream.indirect_vreg.scatter [tilespmem:s28], [sflag:$0x2], $0x80, v4, vm0, $0xb8;
	[tilespmem:$0x10200] =	vst v63  }
0x116: {  	_ = 	snop  }
0x117: {  	[hbm4b:s6+s2] =	stream.indirect_vreg.scatter [tilespmem:s29], [sflag:$0x2], $0x80, v4, vm0, $0xb8;
	[tilespmem:$0x10200] =	vst v63  }
0x118: {  	s14 =	simm.s32 $0x6000  }
0x119: {  	[hbm4b:s3+s2] =	stream.indirect_vreg.scatter [tilespmem:s14], [sflag:$0x2], $0x80, v3, vm0, $0xb8;
	[tilespmem:$0x10200] =	vst v63  }
0x11a: {  	s17 =	simm.s32 $0x6800  }
0x11b: {  	[hbm4b:s4+s2] =	stream.indirect_vreg.scatter [tilespmem:s17], [sflag:$0x2], $0x80, v3, vm0, $0xb8;
	[tilespmem:$0x10200] =	vst v63  }
0x11c: {  	s19 =	simm.s32 $0x7000  }
0x11d: {  	[hbm4b:s5+s2] =	stream.indirect_vreg.scatter [tilespmem:s19], [sflag:$0x2], $0x80, v3, vm0, $0xb8;
	[tilespmem:$0x10200] =	vst v63  }
0x11e: {  	s20 =	simm.s32 $0x7800  }
0x11f: {  	[hbm4b:s6+s2] =	stream.indirect_vreg.scatter [tilespmem:s20], [sflag:$0x2], $0x80, v3, vm0, $0xb8;
	[tilespmem:$0x10200] =	vst v63  }
0x120: {  	v3 =	vld [tilespmem:$0x10100];
	_ =	sdelay $0x4  }
0x121: {  	v58 =	vshll.u32 v3, $0x3  }
0x122: {  	v3 =	vand.u32 $0x7, v3;
	v4 =	vand.u32 $0xFFFFFFC0, v58  }
0x123: {  	v3 =	vor.u32 v3, v4  }
0x124: {  	v4 =	vperm.xlane v3, v0;
	_ =	sdelay $0x1  }
0x125: {  	v4 =	vadd.s32 v1, v4;
	_ =	sdelay $0x4  }
0x126: {  	[hbm4b:s3+s2] =	stream.indirect_vreg.scatter [tilespmem:s2], [sflag:$0x2], $0x80, v4, vm0, $0xb8;
	[tilespmem:$0x10200] =	vst v63  }
0x127: {  	v3 =	vperm.xlane v3, v2  }
0x128: {  	[hbm4b:s4+s2] =	stream.indirect_vreg.scatter [tilespmem:s8], [sflag:$0x2], $0x80, v4, vm0, $0xb8;
	[tilespmem:$0x10200] =	vst v63  }
0x129: {  	v3 =	vadd.s32 v1, v3  }
0x12a: {  	[hbm4b:s5+s2] =	stream.indirect_vreg.scatter [tilespmem:s9], [sflag:$0x2], $0x80, v4, vm0, $0xb8;
	[tilespmem:$0x10200] =	vst v63  }
0x12b: {  	_ = 	snop  }
0x12c: {  	[hbm4b:s6+s2] =	stream.indirect_vreg.scatter [tilespmem:s25], [sflag:$0x2], $0x80, v4, vm0, $0xb8;
	[tilespmem:$0x10200] =	vst v63  }
0x12d: {  	_ = 	snop  }
0x12e: {  	[hbm4b:s3+s2] =	stream.indirect_vreg.scatter [tilespmem:s30], [sflag:$0x2], $0x80, v3, vm0, $0xb8;
	[tilespmem:$0x10200] =	vst v63  }
0x12f: {  	_ = 	snop  }
0x130: {  	[hbm4b:s4+s2] =	stream.indirect_vreg.scatter [tilespmem:s31], [sflag:$0x2], $0x80, v3, vm0, $0xb8;
	[tilespmem:$0x10200] =	vst v63  }
0x131: {  	_ = 	snop  }
0x132: {  	[hbm4b:s5+s2] =	stream.indirect_vreg.scatter [tilespmem:s12], [sflag:$0x2], $0x80, v3, vm0, $0xb8;
	[tilespmem:$0x10200] =	vst v63  }
0x133: {  	_ = 	snop  }
0x134: {  	[hbm4b:s6+s2] =	stream.indirect_vreg.scatter [tilespmem:s13], [sflag:$0x2], $0x80, v3, vm0, $0xb8;
	[tilespmem:$0x10200] =	vst v63  }
0x135: {  	v3 =	vld [tilespmem:$0x10110];
	_ =	sdelay $0x4  }
0x136: {  	v59 =	vshll.u32 v3, $0x3  }
0x137: {  	v3 =	vand.u32 $0x7, v3;
	v4 =	vand.u32 $0xFFFFFFC0, v59  }
0x138: {  	v3 =	vor.u32 v3, v4  }
0x139: {  	v4 =	vperm.xlane v3, v0;
	_ =	sdelay $0x1  }
0x13a: {  	v4 =	vadd.s32 v1, v4;
	_ =	sdelay $0x4  }
0x13b: {  	[hbm4b:s3+s2] =	stream.indirect_vreg.scatter [tilespmem:s16], [sflag:$0x2], $0x80, v4, vm0, $0xb8;
	[tilespmem:$0x10200] =	vst v63  }
0x13c: {  	v3 =	vperm.xlane v3, v2  }
0x13d: {  	[hbm4b:s4+s2] =	stream.indirect_vreg.scatter [tilespmem:s26], [sflag:$0x2], $0x80, v4, vm0, $0xb8;
	[tilespmem:$0x10200] =	vst v63  }
0x13e: {  	v3 =	vadd.s32 v1, v3  }
0x13f: {  	[hbm4b:s5+s2] =	stream.indirect_vreg.scatter [tilespmem:s28], [sflag:$0x2], $0x80, v4, vm0, $0xb8;
	[tilespmem:$0x10200] =	vst v63  }
0x140: {  	_ = 	snop  }
0x141: {  	[hbm4b:s6+s2] =	stream.indirect_vreg.scatter [tilespmem:s29], [sflag:$0x2], $0x80, v4, vm0, $0xb8;
	[tilespmem:$0x10200] =	vst v63  }
0x142: {  	_ = 	snop  }
0x143: {  	[hbm4b:s3+s2] =	stream.indirect_vreg.scatter [tilespmem:s14], [sflag:$0x2], $0x80, v3, vm0, $0xb8;
	[tilespmem:$0x10200] =	vst v63  }
0x144: {  	_ = 	snop  }
0x145: {  	[hbm4b:s4+s2] =	stream.indirect_vreg.scatter [tilespmem:s17], [sflag:$0x2], $0x80, v3, vm0, $0xb8;
	[tilespmem:$0x10200] =	vst v63  }
0x146: {  	_ = 	snop  }
0x147: {  	[hbm4b:s5+s2] =	stream.indirect_vreg.scatter [tilespmem:s19], [sflag:$0x2], $0x80, v3, vm0, $0xb8;
	[tilespmem:$0x10200] =	vst v63  }
0x148: {  	_ = 	snop  }
0x149: {  	[hbm4b:s6+s2] =	stream.indirect_vreg.scatter [tilespmem:s20], [sflag:$0x2], $0x80, v3, vm0, $0xb8;
	[tilespmem:$0x10200] =	vst v63  }
0x14a: {  	_ =	swait.ge [sflag:s18], $0x8000  }
0x14b: {  	[sflag:s18] =	ssyncset.done $0x0  }
0x14c: {  	[sflag:s18] =	ssyncadd.s32 $0xFFFF8000  }
0x14d: {  	_ =	swait.ge [sflag:s18], $0x8000  }
0x14e: {  	[sflag:s18] =	ssyncset.done $0x0  }
0x14f: {  	s13 =	rddreg [dreg:$0xd];
	[sflag:s18] =	ssyncadd.s32 $0xFFFF8000  }
0x150: {  	[tilespmem:s15], [sflag:$0x1] =	stream.linear.gather [hbm4b:s13+s2], $0x8000, $0x38;
	[tilespmem:$0x10200] =	vst v63  }
0x151: {  	s17 =	simm.s32 $0x10080;
	s14 =	rddreg [dreg:$0xe]  }
0x152: {  	[tilespmem:s17], [sflag:$0x1] =	stream.linear.gather [hbm4b:s14+s2], $0x20, $0x38;
	[tilespmem:$0x10200] =	vst v63  }
0x153: {  	s20 =	simm.s32 $0x10180;
	s16 =	rddreg [dreg:$0xf]  }
0x154: {  	[tilespmem:s20], [sflag:$0x1] =	stream.linear.gather [hbm4b:s16+s2], $0x20, $0x38;
	[tilespmem:$0x10200] =	vst v63  }
0x155: {  	_ =	swait.ge [sflag:s10], $0x8000  }
0x156: {  	[sflag:s10] =	ssyncset.done $0x0  }
0x157: {  	[sflag:s10] =	ssyncadd.s32 $0xFFFF8000  }
0x158: {  	_ =	swait.ge [sflag:s10], $0x20  }
0x159: {  	[sflag:s10] =	ssyncset.done $0x0  }
0x15a: {  	[sflag:s10] =	ssyncadd.s32 $0xFFFFFFE0  }
0x15b: {  	_ =	swait.ge [sflag:s10], $0x20  }
0x15c: {  	[sflag:s10] =	ssyncset.done $0x0  }
0x15d: {  	[sflag:s10] =	ssyncadd.s32 $0xFFFFFFE0  }
0x15e: {  	v3 =	vld [tilespmem:$0x10080];
	_ =	sdelay $0x4  }
0x15f: {  	v60 =	vshll.u32 v3, $0x3  }
0x160: {  	v3 =	vand.u32 $0x7, v3;
	v4 =	vand.u32 $0xFFFFFFC0, v60  }
0x161: {  	v3 =	vor.u32 v3, v4  }
0x162: {  	v4 =	vperm.xlane v3, v0;
	_ =	sdelay $0x1  }
0x163: {  	v4 =	vadd.s32 v1, v4;
	_ =	sdelay $0x4  }
0x164: {  	[hbm4b:s3+s2] =	stream.indirect_vreg.scatter [tilespmem:s15], [sflag:$0x2], $0x80, v4, vm0, $0xb8;
	[tilespmem:$0x10200] =	vst v63  }
0x165: {  	s23 =	simm.s32 $0x8800;
	v3 =	vperm.xlane v3, v2  }
0x166: {  	[hbm4b:s4+s2] =	stream.indirect_vreg.scatter [tilespmem:s23], [sflag:$0x2], $0x80, v4, vm0, $0xb8;
	[tilespmem:$0x10200] =	vst v63  }
0x167: {  	s16 =	simm.s32 $0x9000;
	v3 =	vadd.s32 v1, v3  }
0x168: {  	[hbm4b:s5+s2] =	stream.indirect_vreg.scatter [tilespmem:s16], [sflag:$0x2], $0x80, v4, vm0, $0xb8;
	[tilespmem:$0x10200] =	vst v63  }
0x169: {  	s11 =	simm.s32 $0x9800  }
0x16a: {  	[hbm4b:s6+s2] =	stream.indirect_vreg.scatter [tilespmem:s11], [sflag:$0x2], $0x80, v4, vm0, $0xb8;
	[tilespmem:$0x10200] =	vst v63  }
0x16b: {  	s14 =	simm.s32 $0xA000  }
0x16c: {  	[hbm4b:s3+s2] =	stream.indirect_vreg.scatter [tilespmem:s14], [sflag:$0x2], $0x80, v3, vm0, $0xb8;
	[tilespmem:$0x10200] =	vst v63  }
0x16d: {  	s13 =	simm.s32 $0xA800  }
0x16e: {  	[hbm4b:s4+s2] =	stream.indirect_vreg.scatter [tilespmem:s13], [sflag:$0x2], $0x80, v3, vm0, $0xb8;
	[tilespmem:$0x10200] =	vst v63  }
0x16f: {  	s1 =	simm.s32 $0xB000  }
0x170: {  	[hbm4b:s5+s2] =	stream.indirect_vreg.scatter [tilespmem:s1], [sflag:$0x2], $0x80, v3, vm0, $0xb8;
	[tilespmem:$0x10200] =	vst v63  }
0x171: {  	s19 =	simm.s32 $0xB800  }
0x172: {  	[hbm4b:s6+s2] =	stream.indirect_vreg.scatter [tilespmem:s19], [sflag:$0x2], $0x80, v3, vm0, $0xb8;
	[tilespmem:$0x10200] =	vst v63  }
0x173: {  	v3 =	vld [tilespmem:$0x10090];
	_ =	sdelay $0x4  }
0x174: {  	v61 =	vshll.u32 v3, $0x3  }
0x175: {  	v3 =	vand.u32 $0x7, v3;
	v4 =	vand.u32 $0xFFFFFFC0, v61  }
0x176: {  	v3 =	vor.u32 v3, v4  }
0x177: {  	v4 =	vperm.xlane v3, v0;
	_ =	sdelay $0x1  }
0x178: {  	v4 =	vadd.s32 v1, v4;
	_ =	sdelay $0x3  }
0x179: {  	s17 =	simm.s32 $0xC000  }
0x17a: {  	[hbm4b:s3+s2] =	stream.indirect_vreg.scatter [tilespmem:s17], [sflag:$0x2], $0x80, v4, vm0, $0xb8;
	[tilespmem:$0x10200] =	vst v63  }
0x17b: {  	s20 =	simm.s32 $0xC800;
	v3 =	vperm.xlane v3, v2  }
0x17c: {  	[hbm4b:s4+s2] =	stream.indirect_vreg.scatter [tilespmem:s20], [sflag:$0x2], $0x80, v4, vm0, $0xb8;
	[tilespmem:$0x10200] =	vst v63  }
0x17d: {  	s0 =	simm.s32 $0xD000;
	v3 =	vadd.s32 v1, v3  }
0x17e: {  	[hbm4b:s5+s2] =	stream.indirect_vreg.scatter [tilespmem:s0], [sflag:$0x2], $0x80, v4, vm0, $0xb8;
	[tilespmem:$0x10200] =	vst v63  }
0x17f: {  	s9 =	simm.s32 $0xD800  }
0x180: {  	[hbm4b:s6+s2] =	stream.indirect_vreg.scatter [tilespmem:s9], [sflag:$0x2], $0x80, v4, vm0, $0xb8;
	[tilespmem:$0x10200] =	vst v63  }
0x181: {  	s7 =	simm.s32 $0xE000  }
0x182: {  	[hbm4b:s3+s2] =	stream.indirect_vreg.scatter [tilespmem:s7], [sflag:$0x2], $0x80, v3, vm0, $0xb8;
	[tilespmem:$0x10200] =	vst v63  }
0x183: {  	s8 =	simm.s32 $0xE800  }
0x184: {  	[hbm4b:s4+s2] =	stream.indirect_vreg.scatter [tilespmem:s8], [sflag:$0x2], $0x80, v3, vm0, $0xb8;
	[tilespmem:$0x10200] =	vst v63  }
0x185: {  	s12 =	simm.s32 $0xF000  }
0x186: {  	[hbm4b:s5+s2] =	stream.indirect_vreg.scatter [tilespmem:s12], [sflag:$0x2], $0x80, v3, vm0, $0xb8;
	[tilespmem:$0x10200] =	vst v63  }
0x187: {  	s21 =	simm.s32 $0xF800  }
0x188: {  	[hbm4b:s6+s2] =	stream.indirect_vreg.scatter [tilespmem:s21], [sflag:$0x2], $0x80, v3, vm0, $0xb8;
	[tilespmem:$0x10200] =	vst v63  }
0x189: {  	v3 =	vld [tilespmem:$0x10180];
	_ =	sdelay $0x4  }
0x18a: {  	v62 =	vshll.u32 v3, $0x3  }
0x18b: {  	v3 =	vand.u32 $0x7, v3;
	v4 =	vand.u32 $0xFFFFFFC0, v62  }
0x18c: {  	v3 =	vor.u32 v3, v4  }
0x18d: {  	v4 =	vperm.xlane v3, v0;
	_ =	sdelay $0x1  }
0x18e: {  	v4 =	vadd.s32 v1, v4;
	_ =	sdelay $0x4  }
0x18f: {  	[hbm4b:s3+s2] =	stream.indirect_vreg.scatter [tilespmem:s15], [sflag:$0x2], $0x80, v4, vm0, $0xb8;
	[tilespmem:$0x10200] =	vst v63  }
0x190: {  	v3 =	vperm.xlane v3, v2  }
0x191: {  	[hbm4b:s4+s2] =	stream.indirect_vreg.scatter [tilespmem:s23], [sflag:$0x2], $0x80, v4, vm0, $0xb8;
	[tilespmem:$0x10200] =	vst v63  }
0x192: {  	v3 =	vadd.s32 v1, v3  }
0x193: {  	[hbm4b:s5+s2] =	stream.indirect_vreg.scatter [tilespmem:s16], [sflag:$0x2], $0x80, v4, vm0, $0xb8;
	[tilespmem:$0x10200] =	vst v63  }
0x194: {  	_ = 	snop  }
0x195: {  	[hbm4b:s6+s2] =	stream.indirect_vreg.scatter [tilespmem:s11], [sflag:$0x2], $0x80, v4, vm0, $0xb8;
	[tilespmem:$0x10200] =	vst v63  }
0x196: {  	_ = 	snop  }
0x197: {  	[hbm4b:s3+s2] =	stream.indirect_vreg.scatter [tilespmem:s14], [sflag:$0x2], $0x80, v3, vm0, $0xb8;
	[tilespmem:$0x10200] =	vst v63  }
0x198: {  	_ = 	snop  }
0x199: {  	[hbm4b:s4+s2] =	stream.indirect_vreg.scatter [tilespmem:s13], [sflag:$0x2], $0x80, v3, vm0, $0xb8;
	[tilespmem:$0x10200] =	vst v63  }
0x19a: {  	_ = 	snop  }
0x19b: {  	[hbm4b:s5+s2] =	stream.indirect_vreg.scatter [tilespmem:s1], [sflag:$0x2], $0x80, v3, vm0, $0xb8;
	[tilespmem:$0x10200] =	vst v63  }
0x19c: {  	_ = 	snop  }
0x19d: {  	[hbm4b:s6+s2] =	stream.indirect_vreg.scatter [tilespmem:s19], [sflag:$0x2], $0x80, v3, vm0, $0xb8;
	[tilespmem:$0x10200] =	vst v63  }
0x19e: {  	v3 =	vld [tilespmem:$0x10190];
	_ =	sdelay $0x4  }
0x19f: {  	v63 =	vshll.u32 v3, $0x3  }
0x1a0: {  	v3 =	vand.u32 $0x7, v3;
	v4 =	vand.u32 $0xFFFFFFC0, v63  }
0x1a1: {  	v3 =	vor.u32 v3, v4  }
0x1a2: {  	v4 =	vperm.xlane v3, v0;
	_ =	sdelay $0x1  }
0x1a3: {  	v4 =	vadd.s32 v1, v4;
	_ =	sdelay $0x4  }
0x1a4: {  	[hbm4b:s3+s2] =	stream.indirect_vreg.scatter [tilespmem:s17], [sflag:$0x2], $0x80, v4, vm0, $0xb8;
	[tilespmem:$0x10200] =	vst v63  }
0x1a5: {  	v3 =	vperm.xlane v3, v2  }
0x1a6: {  	[hbm4b:s4+s2] =	stream.indirect_vreg.scatter [tilespmem:s20], [sflag:$0x2], $0x80, v4, vm0, $0xb8;
	[tilespmem:$0x10200] =	vst v63  }
0x1a7: {  	v3 =	vadd.s32 v1, v3  }
0x1a8: {  	[hbm4b:s5+s2] =	stream.indirect_vreg.scatter [tilespmem:s0], [sflag:$0x2], $0x80, v4, vm0, $0xb8;
	[tilespmem:$0x10200] =	vst v63  }
0x1a9: {  	_ = 	snop  }
0x1aa: {  	[hbm4b:s6+s2] =	stream.indirect_vreg.scatter [tilespmem:s9], [sflag:$0x2], $0x80, v4, vm0, $0xb8;
	[tilespmem:$0x10200] =	vst v63  }
0x1ab: {  	_ = 	snop  }
0x1ac: {  	[hbm4b:s3+s2] =	stream.indirect_vreg.scatter [tilespmem:s7], [sflag:$0x2], $0x80, v3, vm0, $0xb8;
	[tilespmem:$0x10200] =	vst v63  }
0x1ad: {  	_ = 	snop  }
0x1ae: {  	[hbm4b:s4+s2] =	stream.indirect_vreg.scatter [tilespmem:s8], [sflag:$0x2], $0x80, v3, vm0, $0xb8;
	[tilespmem:$0x10200] =	vst v63  }
0x1af: {  	_ = 	snop  }
0x1b0: {  	[hbm4b:s5+s2] =	stream.indirect_vreg.scatter [tilespmem:s12], [sflag:$0x2], $0x80, v3, vm0, $0xb8;
	[tilespmem:$0x10200] =	vst v63  }
0x1b1: {  	_ = 	snop  }
0x1b2: {  	[hbm4b:s6+s2] =	stream.indirect_vreg.scatter [tilespmem:s21], [sflag:$0x2], $0x80, v3, vm0, $0xb8;
	[tilespmem:$0x10200] =	vst v63  }
0x1b3: {  	_ =	swait.ge [sflag:s18], $0x8000  }
0x1b4: {  	[sflag:s18] =	ssyncset.done $0x0  }
0x1b5: {  	[sflag:s18] =	ssyncadd.s32 $0xFFFF8000  }
0x1b6: {  	_ =	swait.ge [sflag:s18], $0x8000  }
0x1b7: {  	[sflag:s18] =	ssyncset.done $0x0  }
0x1b8: {  	[sflag:s18] =	ssyncadd.s32 $0xFFFF8000  }
0x1b9: {  	p0 =	sne.s32 s24, $0x1;
	_ =	swait.ge [sflag:s18], $0x8000  }
.Ltmp0:
0x1ba: {  	[sflag:s18] =	ssyncset.done $0x0;
	(pc) =	sbr.rel @p0 .LBB2_1-.Ltmp0, $4  }
0x1bb: {  	[sflag:s18] =	ssyncadd.s32 $0xFFFF8000  }
0x1bc: {  	_ =	swait.ge [sflag:s18], $0x8000  }
0x1bd: {  	[sflag:s18] =	ssyncset.done $0x0  }
0x1be: {  	s24 =	sadd.s32 $0xFFFFFFFF, s24;
	[sflag:s18] =	ssyncadd.s32 $0xFFFF8000  }
0x1bf: {  	_ =	sfence.sel $0x180000  }
0x1c0: {  	[bflag:$0x0] =	sbarrier.arrive $0xFFFF  }
0x1c1: {  	_ =	strace $0x90000047  }
0x1c2: {  	s0 =	stileid.u32;
	[bflag:$0x2] =	sbarrier.arrive $0xFFFF  }
0x1c3: {  	p0 =	sne.s32 s0, $0x0;
	s0 =	rddreg [dreg:$0x3]  }
0x1c4: {  	s0 =	sadd.s32 @!p0 $0x100000, s0  }
0x1c5: {  	[sflag:s0] =	ssyncadd.tile.s32 @!p0 $0x1;
	_ =	shalt  }
.Lfunc_end2:
_tile_overlayer_lowered:
.L_overlay_start_2:
0x1c6: {  	(tag) =	ssettag $0x2  }
0x1c7: {  	s0 =	rddreg [dreg:$0x0];
	s2 =	stileid.u32  }
0x1c8: {  	s1 =	rddreg [dreg:$0x1];
	p0 =	sne.s32 s2, $0x0  }
0x1c9: {  	s3 =	rddreg [dreg:$0x2];
	[bflag:$0x3] =	sbarrier.arrive $0xFFFF;
	s2 =	simm.s32 @!p0 $0x1C03  }
0x1ca: {  	[timem:s3], [sflag:s2] =	dma.local @!p0 [hbm:s0], s1  }
0x1cb: {  	s0 =	simm.s32 @!p0 $0x3  }
0x1cc: {  	_ =	swait.ge @!p0 [sflag:s0], s1  }
0x1cd: {  	s1 =	ssub.s32 @!p0 $0x0, s1;
	[sflag:s0] =	ssyncset.done @!p0 $0x0  }
0x1ce: {  	[sflag:s0] =	ssyncadd.s32 @!p0 s1  }
0x1cf: {  	[bflag:$0x3] =	sbarrier.arrive $0xFFFF  }
0x1d0: {  	_ =	shalt  }

</sc_bundles>
